<compile_context>
chip_gen: v7x
topology: tpu7x:2x2x1
jax: 0.10.2.dev20260603
libtpu: 0.0.44.dev20260713+nightly
codegen_flags: <defaults>
</compile_context>

<pallas_src>
import functools

import jax
import jax.numpy as jnp
from jax import lax
from jax.experimental import pallas as pl
from jax.experimental.pallas import tpu as pltpu
from jax.experimental.pallas import tpu_sc as plsc

N = 10000
NPAD = 10240
E = 320000
NC, NS, LANES = 2, 16, 16
NT = NC * NS
B = 128
K = 80
EPT = K * B
EPAD = NT * EPT
RPT = NPAD // NS

_mesh = plsc.VectorSubcoreMesh(
    core_axis_name="c", subcore_axis_name="s", num_cores=NC, num_subcores=NS)


@functools.partial(
    pl.kernel,
    out_type=jax.ShapeDtypeStruct((NC, NPAD), jnp.float32),
    mesh=_mesh,
    scratch_types=[
        pltpu.VMEM((K, B), jnp.int32),
        pltpu.VMEM((B,), jnp.float32),
        pltpu.VMEM((RPT,), jnp.float32),
        pltpu.VMEM_SHARED((NPAD,), jnp.float32),
        pltpu.SemaphoreType.DMA,
    ],
    compiler_params=pltpu.CompilerParams(use_tc_tiling_on_sc=False),
)
def _deg_kernel(ei_hbm, out_hbm, dstv, onesv, zbuf, acc, sem):
    c = lax.axis_index("c")
    s = lax.axis_index("s")
    wid = s * NC + c
    one = jnp.ones((LANES,), jnp.float32)
    zero = jnp.zeros((LANES,), jnp.float32)
    for i in range(0, B, LANES):
        onesv[pl.ds(i, LANES)] = one
    for i in range(0, RPT, LANES):
        zbuf[pl.ds(i, LANES)] = zero
    pltpu.sync_copy(zbuf, acc.at[pl.ds(s * RPT, RPT)])
    pltpu.sync_copy(ei_hbm.at[1, wid], dstv)
    plsc.subcore_barrier()

    def fire(j, carry):
        pltpu.async_copy(onesv, acc.at[dstv.at[j]], sem, add=True)
        return carry

    lax.fori_loop(0, K, fire, 0)

    def drain(j, carry):
        pltpu.make_async_copy(onesv, acc.at[dstv.at[j]], sem).wait()
        return carry

    lax.fori_loop(0, K, drain, 0)
    plsc.subcore_barrier()
    pltpu.sync_copy(acc.at[pl.ds(s * RPT, RPT)],
                    out_hbm.at[c, pl.ds(s * RPT, RPT)])




NB = 8
GL = 6


def _edge_loop(hs_hbm, srcv, dstv, bufs, acc, gsem, ssem):
    for p in range(GL):
        pltpu.async_copy(hs_hbm.at[srcv.at[p]], bufs[p], gsem[p])

    def roundn(jo, carry):
        for r in range(NB):
            idx = NB * jo + r
            rn = (r + GL) % NB
            pltpu.make_async_copy(
                hs_hbm.at[srcv.at[idx]], bufs[r], gsem[r]).wait()
            pltpu.async_copy(
                bufs[r], acc.at[dstv.at[idx]], ssem[r], add=True)

            @pl.when(idx >= NB - GL)
            def _():
                pltpu.make_async_copy(
                    bufs[rn], acc.at[dstv.at[idx - (NB - GL)]],
                    ssem[rn]).wait()

            @pl.when(idx + GL < K)
            def _():
                pltpu.async_copy(
                    hs_hbm.at[srcv.at[idx + GL]], bufs[rn], gsem[rn])
        return carry

    lax.fori_loop(0, K // NB, roundn, 0)
    for t in range(K - (NB - GL), K):
        pltpu.make_async_copy(bufs[t % NB],
                              acc.at[dstv.at[t]], ssem[t % NB]).wait()


@functools.partial(
    pl.kernel,
    out_type=[jax.ShapeDtypeStruct((NC, NPAD, 32), jnp.float32),
              jax.ShapeDtypeStruct((NPAD, 32), jnp.float32),
              jax.ShapeDtypeStruct((NPAD, 32), jnp.float32),
              jax.ShapeDtypeStruct((NPAD // 2, LANES), jnp.float32)],
    mesh=_mesh,
    scratch_types=[
        pltpu.VMEM((K, B), jnp.int32),
        pltpu.VMEM((K, B), jnp.int32),
        [pltpu.VMEM((B, 32), jnp.float32)] * NB,
        pltpu.VMEM((RPT, 32), jnp.float32),
        pltpu.VMEM((RPT,), jnp.float32),
        pltpu.VMEM((RPT,), jnp.float32),
        pltpu.VMEM((RPT,), jnp.float32),
        pltpu.VMEM((RPT, 32), jnp.float32),
        pltpu.VMEM((RPT // 2, LANES), jnp.float32),
        pltpu.VMEM_SHARED((NPAD, 32), jnp.float32),
        [pltpu.SemaphoreType.DMA] * NB,
        [pltpu.SemaphoreType.DMA] * NB,
    ],
    compiler_params=pltpu.CompilerParams(use_tc_tiling_on_sc=False,
                                        needs_layout_passes=False),
)
def _layer1_kernel(h1_hbm, ei_hbm, degp_hbm,
                   out_hbm, hs1_hbm, dinv_hbm, dinv8_hbm,
                   srcv, dstv, bufs, hv, degv, degv2, dinvv, dinvb, dinvb8,
                   acc, gsem, ssem):
    c = lax.axis_index("c")
    s = lax.axis_index("s")
    wid = s * NC + c
    r0 = s * RPT
    zero = jnp.zeros((LANES,), jnp.float32)
    def zrow(r, carry):
        hv[r, pl.ds(0, LANES)] = zero
        hv[r, pl.ds(LANES, LANES)] = zero
        return carry

    lax.fori_loop(0, RPT, zrow, 0)
    pltpu.sync_copy(hv, acc.at[pl.ds(r0, RPT)])
    pltpu.sync_copy(ei_hbm.at[0, wid], srcv)
    pltpu.sync_copy(ei_hbm.at[1, wid], dstv)

    pltpu.sync_copy(degp_hbm.at[0, pl.ds(r0, RPT)], degv)
    pltpu.sync_copy(degp_hbm.at[1, pl.ds(r0, RPT)], degv2)
    magic = jnp.full((LANES,), 0x5F3759DF, jnp.int32)
    for i in range(0, RPT, LANES):
        d = degv[pl.ds(i, LANES)] + degv2[pl.ds(i, LANES)] + 1.0
        y = plsc.bitcast(
            magic - lax.shift_right_logical(plsc.bitcast(d, jnp.int32), 1),
            jnp.float32)
        for _ in range(3):
            y = y * (1.5 - 0.5 * d * y * y)
        dinvv[pl.ds(i, LANES)] = y

    pltpu.sync_copy(h1_hbm.at[pl.ds(r0, RPT)], hv)

    def scale_group(g, carry):
        dv = dinvv[pl.ds(g * LANES, LANES)]
        for j in range(LANES):
            r = g * LANES + j
            sc = dv[j]
            hv[r, pl.ds(0, LANES)] = hv[r, pl.ds(0, LANES)] * sc
            hv[r, pl.ds(LANES, LANES)] = hv[r, pl.ds(LANES, LANES)] * sc
            scb = jnp.full((LANES,), sc, jnp.float32)
            dinvb[r, pl.ds(0, LANES)] = scb
            dinvb[r, pl.ds(LANES, LANES)] = scb
        return carry

    lax.fori_loop(0, RPT // LANES, scale_group, 0)

    ge8 = (lax.iota(jnp.int32, LANES) >= 8).astype(jnp.int32)

    def pair_group(g, carry):
        idx = 2 * g + ge8
        dinvb8[g, pl.ds(0, LANES)] = plsc.load_gather(dinvv, [idx])
        return carry

    lax.fori_loop(0, RPT // 2, pair_group, 0)
    pltpu.sync_copy(dinvb, dinv_hbm.at[pl.ds(r0, RPT)])
    pltpu.sync_copy(dinvb8, dinv8_hbm.at[pl.ds(s * (RPT // 2), RPT // 2)])
    pltpu.sync_copy(hv, hs1_hbm.at[pl.ds(r0, RPT)])
    plsc.subcore_barrier()

    _edge_loop(hs1_hbm, srcv, dstv, bufs, acc, gsem, ssem)
    plsc.subcore_barrier()
    pltpu.sync_copy(acc.at[pl.ds(r0, RPT)], out_hbm.at[c, pl.ds(r0, RPT)])


@functools.partial(
    pl.kernel,
    out_type=jax.ShapeDtypeStruct((NC, NPAD, 8), jnp.float32),
    mesh=_mesh,
    scratch_types=[
        pltpu.VMEM((K, B), jnp.int32),
        pltpu.VMEM((K, B), jnp.int32),
        [pltpu.VMEM((B, 8), jnp.float32)] * NB,
        pltpu.VMEM_SHARED((NPAD, 8), jnp.float32),
        [pltpu.SemaphoreType.DMA] * NB,
        [pltpu.SemaphoreType.DMA] * NB,
    ],
    compiler_params=pltpu.CompilerParams(use_tc_tiling_on_sc=False),
)
def _agg8(hs_hbm, ei_hbm, zer_hbm, out_hbm,
          srcv, dstv, bufs, acc, gsem, ssem):
    c = lax.axis_index("c")
    s = lax.axis_index("s")
    wid = s * NC + c
    r0 = s * RPT
    pltpu.sync_copy(zer_hbm.at[pl.ds(r0, RPT)], acc.at[pl.ds(r0, RPT)])
    pltpu.sync_copy(ei_hbm.at[0, wid], srcv)
    pltpu.sync_copy(ei_hbm.at[1, wid], dstv)
    plsc.subcore_barrier()
    _edge_loop(hs_hbm, srcv, dstv, bufs, acc, gsem, ssem)
    plsc.subcore_barrier()
    pltpu.sync_copy(acc.at[pl.ds(r0, RPT)], out_hbm.at[c, pl.ds(r0, RPT)])


_RB = 1024
_GRID = NPAD // _RB


def _k2a_body(x_ref, w1_ref, h1_ref):
    h1_ref[...] = jnp.dot(x_ref[...], w1_ref[...],
                          preferred_element_type=jnp.float32)


def _k4_body(p_ref, hs1_ref, dinv_ref, b1_ref, w2d_ref, hs2_ref):
    dinv = dinv_ref[...]
    out1 = (p_ref[0] + p_ref[1] + hs1_ref[...]) * dinv + b1_ref[...]
    h = jnp.maximum(out1, 0.0) * dinv
    hs2_ref[...] = jnp.dot(h, w2d_ref[...],
                           preferred_element_type=jnp.float32)


def _k6_body(p_ref, hs2_ref, dinv_ref, b2_ref, out_ref):
    logits = ((p_ref[0] + p_ref[1] + hs2_ref[...]) * dinv_ref[...]
              + b2_ref[...])
    for g in range(16):
        sl = logits[:, 8 * g:8 * g + 8]
        m = jnp.max(sl, axis=1, keepdims=True)
        e = jnp.exp(sl - m)
        out_ref[:, 8 * g:8 * g + 8] = e / jnp.sum(e, axis=1, keepdims=True)


@jax.jit
def kernel(x, edge_index, W1, b1, W2, b2):
    f32 = jnp.float32
    ei = edge_index.astype(jnp.int32)
    npad_e = EPAD - E
    pad_i = jnp.arange(npad_e, dtype=jnp.int32)
    pads = jnp.stack([pad_i % N, N + pad_i % (NPAD - N)])
    eiT = jnp.concatenate([ei, pads], axis=1).reshape(2, NT, K, B)

    xp = jnp.concatenate([x, jnp.zeros((NPAD - N, x.shape[1]), f32)])
    w2p = jnp.concatenate([W2, jnp.zeros((W2.shape[0], 1), f32)], axis=1)
    b1r = b1.reshape(1, -1)
    b2r = jnp.concatenate([b2, jnp.full((1,), -1e30, f32)]).reshape(1, 8)
    zer8 = jnp.zeros((NPAD, 8), f32)

    degp = _deg_kernel(eiT)
    h1 = pl.pallas_call(
        _k2a_body,
        grid=(_GRID,),
        in_specs=[pl.BlockSpec((_RB, 128), lambda i: (i, 0)),
                  pl.BlockSpec((128, 32), lambda i: (0, 0))],
        out_specs=pl.BlockSpec((_RB, 32), lambda i: (i, 0)),
        out_shape=jax.ShapeDtypeStruct((NPAD, 32), f32),
    )(xp, W1)
    p1, hs1, dinv32, dinv8 = _layer1_kernel(h1, eiT, degp)

    n4 = NPAD // 4
    rb4 = _RB // 4
    hs2p = pl.pallas_call(
        _k4_body,
        grid=(_GRID,),
        in_specs=[pl.BlockSpec((NC, rb4, 128), lambda i: (0, i, 0)),
                  pl.BlockSpec((rb4, 128), lambda i: (i, 0)),
                  pl.BlockSpec((rb4, 128), lambda i: (i, 0)),
                  pl.BlockSpec((1, 128), lambda i: (0, 0)),
                  pl.BlockSpec((128, 32), lambda i: (0, 0))],
        out_specs=pl.BlockSpec((rb4, 32), lambda i: (i, 0)),
        out_shape=jax.ShapeDtypeStruct((n4, 32), f32),
    )(p1.reshape(NC, n4, 128), hs1.reshape(n4, 128),
      dinv32.reshape(n4, 128), jnp.tile(b1r, (1, 4)),
      jnp.kron(jnp.eye(4, dtype=f32), w2p))
    hs2 = hs2p.reshape(NPAD, 8)

    p2 = _agg8(hs2, eiT, zer8)
    n16 = NPAD // 16
    rb16 = _RB // 16
    outp = pl.pallas_call(
        _k6_body,
        grid=(_GRID,),
        in_specs=[pl.BlockSpec((NC, rb16, 128), lambda i: (0, i, 0)),
                  pl.BlockSpec((rb16, 128), lambda i: (i, 0)),
                  pl.BlockSpec((rb16, 128), lambda i: (i, 0)),
                  pl.BlockSpec((1, 128), lambda i: (0, 0))],
        out_specs=pl.BlockSpec((rb16, 128), lambda i: (i, 0)),
        out_shape=jax.ShapeDtypeStruct((n16, 128), f32),
    )(p2.reshape(NC, n16, 128), hs2.reshape(n16, 128),
      dinv8.reshape(n16, 128), jnp.tile(b2r, (1, 16)))
    return outp.reshape(NPAD, 8)[:N, :7]

# --- scband reference (transcript-rebuilt; emitter-appended) ---
"""Pipeline reference for scband-gcnnet-40372692582400 (READ-ONLY COPY).

The authoritative reference and input builder live on the scoring server;
editing this copy changes nothing except your own understanding.
"""

import jax, jax.numpy as jnp
import numpy as np

N_NODES = 10000
N_EDGES = 320000
D_IN = 128
D_HID = 32
N_CLASS = 7


def setup_inputs(seed: int = 0) -> dict:
    key = jax.random.key(seed)
    k1, k2, k3, k4, k5, k6 = jax.random.split(key, 6)
    x = jax.random.normal(k1, (N_NODES, D_IN), dtype=jnp.float32)
    edge_index = jax.random.randint(k2, (2, N_EDGES), 0, N_NODES, dtype=jnp.int64)
    W1 = jax.random.normal(k3, (D_IN, D_HID), dtype=jnp.float32) * (1.0 / np.sqrt(D_IN))
    b1 = jnp.zeros((D_HID,), dtype=jnp.float32)
    W2 = jax.random.normal(k4, (D_HID, N_CLASS), dtype=jnp.float32) * (1.0 / np.sqrt(D_HID))
    b2 = jnp.zeros((N_CLASS,), dtype=jnp.float32)
    return {"x": x, "edge_index": edge_index, "W1": W1, "b1": b1, "W2": W2, "b2": b2}


def _gcn_conv(x, src, dst, W, b):
    # PyG GCNConv: x' = D^{-1/2} (A + I) D^{-1/2} X W + b
    n = x.shape[0]
    h = x @ W
    ones = jnp.ones(src.shape[0], dtype=h.dtype)
    deg = jnp.zeros((n,), dtype=h.dtype).at[dst].add(ones)
    deg_inv_sqrt = 1.0 / jnp.sqrt(jnp.maximum(deg, 1.0))
    norm = deg_inv_sqrt[src] * deg_inv_sqrt[dst]
    msg = h[src] * norm[:, None]
    out = jnp.zeros((n, h.shape[1]), dtype=h.dtype).at[dst].add(msg)
    return out + b


def reference(x, edge_index, W1, b1, W2, b2):
    n = x.shape[0]
    loop = jnp.arange(n, dtype=edge_index.dtype)
    src = jnp.concatenate([edge_index[0], loop])
    dst = jnp.concatenate([edge_index[1], loop])
    h = _gcn_conv(x, src, dst, W1, b1)
    h = jax.nn.relu(h)
    h = _gcn_conv(h, src, dst, W2, b2)
    return jax.nn.softmax(h, axis=1)

if __name__ == "__main__":
    import jax
    _d = setup_inputs()
    print(jax.jit(kernel)(*tuple(_d.values())))

</pallas_src>

<mosaic_0001>
#map = affine_map<(d0, d1) -> (0, 0, 0, 0)>
#map1 = affine_map<(d0, d1) -> (0, 0)>
module attributes {stable_mosaic.version = 14 : i64} {
  func.func @_deg_kernel(%arg0: i32, %arg1: i32, %arg2: memref<2x32x80x128xi32, #tpu.memory_space<hbm>>, %arg3: memref<2x10240xf32, #tpu.memory_space<hbm>>, %arg4: memref<80x128xi32, #tpu.memory_space<vmem>>, %arg5: memref<128xf32, #tpu.memory_space<vmem>>, %arg6: memref<640xf32, #tpu.memory_space<vmem>>, %arg7: memref<10240xf32, #tpu.memory_space<vmem_shared>>, %arg8: memref<!tpu.dma_semaphore, #tpu.memory_space<semaphore_mem>>) attributes {dimension_semantics = [#tpu.dimension_semantics<core_parallel>, #tpu.dimension_semantics<subcore_parallel>], iteration_bounds = array<i64: 2, 16>, scalar_prefetch = 0 : i64, scratch_operands = 5 : i64, tpu.core_type = #tpu.core_type<sc_vector_subcore>, window_params = [{transform_indices = #map}, {transform_indices = #map1}]} {
    %mul3A = arith.constant 2 : i32
    %mul3A_0 = arith.muli %arg1, %mul3A : i32
    %add3A = arith.addi %mul3A_0, %arg0 : i32
    %broadcast_in_dim3A = arith.constant 1.000000e+00 : f32
    %broadcast_in_dim3A_1 = vector.broadcast %broadcast_in_dim3A : f32 to vector<16xf32>
    %broadcast_in_dim3A_2 = arith.constant 0.000000e+00 : f32
    %broadcast_in_dim3A_3 = vector.broadcast %broadcast_in_dim3A_2 : f32 to vector<16xf32>
    %swap3A = arith.constant 0 : index
    %swap3A_4 = tpu.vector_load %arg5[%swap3A] {strides = array<i32>} : memref<128xf32, #tpu.memory_space<vmem>>, vector<16xf32>,
    %swap3A_5 = vector.shape_cast %swap3A_4 : vector<16xf32> to vector<16xf32>
    %swap3A_6 = vector.shape_cast %broadcast_in_dim3A_1 : vector<16xf32> to vector<16xf32>
    tpu.vector_store %arg5[%swap3A], %swap3A_6 {strides = array<i32>} : memref<128xf32, #tpu.memory_space<vmem>>, vector<16xf32>,
    %swap3A_7 = arith.constant 16 : index
    %swap3A_8 = tpu.vector_load %arg5[%swap3A_7] {strides = array<i32>} : memref<128xf32, #tpu.memory_space<vmem>>, vector<16xf32>,
    %swap3A_9 = vector.shape_cast %swap3A_8 : vector<16xf32> to vector<16xf32>
    %swap3A_10 = vector.shape_cast %broadcast_in_dim3A_1 : vector<16xf32> to vector<16xf32>
    tpu.vector_store %arg5[%swap3A_7], %swap3A_10 {strides = array<i32>} : memref<128xf32, #tpu.memory_space<vmem>>, vector<16xf32>,
    %swap3A_11 = arith.constant 32 : index
    %swap3A_12 = tpu.vector_load %arg5[%swap3A_11] {strides = array<i32>} : memref<128xf32, #tpu.memory_space<vmem>>, vector<16xf32>,
    %swap3A_13 = vector.shape_cast %swap3A_12 : vector<16xf32> to vector<16xf32>
    %swap3A_14 = vector.shape_cast %broadcast_in_dim3A_1 : vector<16xf32> to vector<16xf32>
    tpu.vector_store %arg5[%swap3A_11], %swap3A_14 {strides = array<i32>} : memref<128xf32, #tpu.memory_space<vmem>>, vector<16xf32>,
    %swap3A_15 = arith.constant 48 : index
    %swap3A_16 = tpu.vector_load %arg5[%swap3A_15] {strides = array<i32>} : memref<128xf32, #tpu.memory_space<vmem>>, vector<16xf32>,
    %swap3A_17 = vector.shape_cast %swap3A_16 : vector<16xf32> to vector<16xf32>
    %swap3A_18 = vector.shape_cast %broadcast_in_dim3A_1 : vector<16xf32> to vector<16xf32>
    tpu.vector_store %arg5[%swap3A_15], %swap3A_18 {strides = array<i32>} : memref<128xf32, #tpu.memory_space<vmem>>, vector<16xf32>,
    %swap3A_19 = arith.constant 64 : index
    %swap3A_20 = tpu.vector_load %arg5[%swap3A_19] {strides = array<i32>} : memref<128xf32, #tpu.memory_space<vmem>>, vector<16xf32>,
    %swap3A_21 = vector.shape_cast %swap3A_20 : vector<16xf32> to vector<16xf32>
    %swap3A_22 = vector.shape_cast %broadcast_in_dim3A_1 : vector<16xf32> to vector<16xf32>
    tpu.vector_store %arg5[%swap3A_19], %swap3A_22 {strides = array<i32>} : memref<128xf32, #tpu.memory_space<vmem>>, vector<16xf32>,
    %swap3A_23 = arith.constant 80 : index
    %swap3A_24 = tpu.vector_load %arg5[%swap3A_23] {strides = array<i32>} : memref<128xf32, #tpu.memory_space<vmem>>, vector<16xf32>,
    %swap3A_25 = vector.shape_cast %swap3A_24 : vector<16xf32> to vector<16xf32>
    %swap3A_26 = vector.shape_cast %broadcast_in_dim3A_1 : vector<16xf32> to vector<16xf32>
    tpu.vector_store %arg5[%swap3A_23], %swap3A_26 {strides = array<i32>} : memref<128xf32, #tpu.memory_space<vmem>>, vector<16xf32>,
    %swap3A_27 = arith.constant 96 : index
    %swap3A_28 = tpu.vector_load %arg5[%swap3A_27] {strides = array<i32>} : memref<128xf32, #tpu.memory_space<vmem>>, vector<16xf32>,
    %swap3A_29 = vector.shape_cast %swap3A_28 : vector<16xf32> to vector<16xf32>
    %swap3A_30 = vector.shape_cast %broadcast_in_dim3A_1 : vector<16xf32> to vector<16xf32>
    tpu.vector_store %arg5[%swap3A_27], %swap3A_30 {strides = array<i32>} : memref<128xf32, #tpu.memory_space<vmem>>, vector<16xf32>,
    %swap3A_31 = arith.constant 112 : index
    %swap3A_32 = tpu.vector_load %arg5[%swap3A_31] {strides = array<i32>} : memref<128xf32, #tpu.memory_space<vmem>>, vector<16xf32>,
    %swap3A_33 = vector.shape_cast %swap3A_32 : vector<16xf32> to vector<16xf32>
    %swap3A_34 = vector.shape_cast %broadcast_in_dim3A_1 : vector<16xf32> to vector<16xf32>
    tpu.vector_store %arg5[%swap3A_31], %swap3A_34 {strides = array<i32>} : memref<128xf32, #tpu.memory_space<vmem>>, vector<16xf32>,
    %swap3A_35 = arith.constant 0 : index
    %swap3A_36 = tpu.vector_load %arg6[%swap3A_35] {strides = array<i32>} : memref<640xf32, #tpu.memory_space<vmem>>, vector<16xf32>,
    %swap3A_37 = vector.shape_cast %swap3A_36 : vector<16xf32> to vector<16xf32>
    %swap3A_38 = vector.shape_cast %broadcast_in_dim3A_3 : vector<16xf32> to vector<16xf32>
    tpu.vector_store %arg6[%swap3A_35], %swap3A_38 {strides = array<i32>} : memref<640xf32, #tpu.memory_space<vmem>>, vector<16xf32>,
    %swap3A_39 = arith.constant 16 : index
    %swap3A_40 = tpu.vector_load %arg6[%swap3A_39] {strides = array<i32>} : memref<640xf32, #tpu.memory_space<vmem>>, vector<16xf32>,
    %swap3A_41 = vector.shape_cast %swap3A_40 : vector<16xf32> to vector<16xf32>
    %swap3A_42 = vector.shape_cast %broadcast_in_dim3A_3 : vector<16xf32> to vector<16xf32>
    tpu.vector_store %arg6[%swap3A_39], %swap3A_42 {strides = array<i32>} : memref<640xf32, #tpu.memory_space<vmem>>, vector<16xf32>,
    %swap3A_43 = arith.constant 32 : index
    %swap3A_44 = tpu.vector_load %arg6[%swap3A_43] {strides = array<i32>} : memref<640xf32, #tpu.memory_space<vmem>>, vector<16xf32>,
    %swap3A_45 = vector.shape_cast %swap3A_44 : vector<16xf32> to vector<16xf32>
    %swap3A_46 = vector.shape_cast %broadcast_in_dim3A_3 : vector<16xf32> to vector<16xf32>
    tpu.vector_store %arg6[%swap3A_43], %swap3A_46 {strides = array<i32>} : memref<640xf32, #tpu.memory_space<vmem>>, vector<16xf32>,
    %swap3A_47 = arith.constant 48 : index
    %swap3A_48 = tpu.vector_load %arg6[%swap3A_47] {strides = array<i32>} : memref<640xf32, #tpu.memory_space<vmem>>, vector<16xf32>,
    %swap3A_49 = vector.shape_cast %swap3A_48 : vector<16xf32> to vector<16xf32>
    %swap3A_50 = vector.shape_cast %broadcast_in_dim3A_3 : vector<16xf32> to vector<16xf32>
    tpu.vector_store %arg6[%swap3A_47], %swap3A_50 {strides = array<i32>} : memref<640xf32, #tpu.memory_space<vmem>>, vector<16xf32>,
    %swap3A_51 = arith.constant 64 : index
    %swap3A_52 = tpu.vector_load %arg6[%swap3A_51] {strides = array<i32>} : memref<640xf32, #tpu.memory_space<vmem>>, vector<16xf32>,
    %swap3A_53 = vector.shape_cast %swap3A_52 : vector<16xf32> to vector<16xf32>
    %swap3A_54 = vector.shape_cast %broadcast_in_dim3A_3 : vector<16xf32> to vector<16xf32>
    tpu.vector_store %arg6[%swap3A_51], %swap3A_54 {strides = array<i32>} : memref<640xf32, #tpu.memory_space<vmem>>, vector<16xf32>,
    %swap3A_55 = arith.constant 80 : index
    %swap3A_56 = tpu.vector_load %arg6[%swap3A_55] {strides = array<i32>} : memref<640xf32, #tpu.memory_space<vmem>>, vector<16xf32>,
    %swap3A_57 = vector.shape_cast %swap3A_56 : vector<16xf32> to vector<16xf32>
    %swap3A_58 = vector.shape_cast %broadcast_in_dim3A_3 : vector<16xf32> to vector<16xf32>
    tpu.vector_store %arg6[%swap3A_55], %swap3A_58 {strides = array<i32>} : memref<640xf32, #tpu.memory_space<vmem>>, vector<16xf32>,
    %swap3A_59 = arith.constant 96 : index
    %swap3A_60 = tpu.vector_load %arg6[%swap3A_59] {strides = array<i32>} : memref<640xf32, #tpu.memory_space<vmem>>, vector<16xf32>,
    %swap3A_61 = vector.shape_cast %swap3A_60 : vector<16xf32> to vector<16xf32>
    %swap3A_62 = vector.shape_cast %broadcast_in_dim3A_3 : vector<16xf32> to vector<16xf32>
    tpu.vector_store %arg6[%swap3A_59], %swap3A_62 {strides = array<i32>} : memref<640xf32, #tpu.memory_space<vmem>>, vector<16xf32>,
    %swap3A_63 = arith.constant 112 : index
    %swap3A_64 = tpu.vector_load %arg6[%swap3A_63] {strides = array<i32>} : memref<640xf32, #tpu.memory_space<vmem>>, vector<16xf32>,
    %swap3A_65 = vector.shape_cast %swap3A_64 : vector<16xf32> to vector<16xf32>
    %swap3A_66 = vector.shape_cast %broadcast_in_dim3A_3 : vector<16xf32> to vector<16xf32>
    tpu.vector_store %arg6[%swap3A_63], %swap3A_66 {strides = array<i32>} : memref<640xf32, #tpu.memory_space<vmem>>, vector<16xf32>,
    %swap3A_67 = arith.constant 128 : index
    %swap3A_68 = tpu.vector_load %arg6[%swap3A_67] {strides = array<i32>} : memref<640xf32, #tpu.memory_space<vmem>>, vector<16xf32>,
    %swap3A_69 = vector.shape_cast %swap3A_68 : vector<16xf32> to vector<16xf32>
    %swap3A_70 = vector.shape_cast %broadcast_in_dim3A_3 : vector<16xf32> to vector<16xf32>
    tpu.vector_store %arg6[%swap3A_67], %swap3A_70 {strides = array<i32>} : memref<640xf32, #tpu.memory_space<vmem>>, vector<16xf32>,
    %swap3A_71 = arith.constant 144 : index
    %swap3A_72 = tpu.vector_load %arg6[%swap3A_71] {strides = array<i32>} : memref<640xf32, #tpu.memory_space<vmem>>, vector<16xf32>,
    %swap3A_73 = vector.shape_cast %swap3A_72 : vector<16xf32> to vector<16xf32>
    %swap3A_74 = vector.shape_cast %broadcast_in_dim3A_3 : vector<16xf32> to vector<16xf32>
    tpu.vector_store %arg6[%swap3A_71], %swap3A_74 {strides = array<i32>} : memref<640xf32, #tpu.memory_space<vmem>>, vector<16xf32>,
    %swap3A_75 = arith.constant 160 : index
    %swap3A_76 = tpu.vector_load %arg6[%swap3A_75] {strides = array<i32>} : memref<640xf32, #tpu.memory_space<vmem>>, vector<16xf32>,
    %swap3A_77 = vector.shape_cast %swap3A_76 : vector<16xf32> to vector<16xf32>
    %swap3A_78 = vector.shape_cast %broadcast_in_dim3A_3 : vector<16xf32> to vector<16xf32>
    tpu.vector_store %arg6[%swap3A_75], %swap3A_78 {strides = array<i32>} : memref<640xf32, #tpu.memory_space<vmem>>, vector<16xf32>,
    %swap3A_79 = arith.constant 176 : index
    %swap3A_80 = tpu.vector_load %arg6[%swap3A_79] {strides = array<i32>} : memref<640xf32, #tpu.memory_space<vmem>>, vector<16xf32>,
    %swap3A_81 = vector.shape_cast %swap3A_80 : vector<16xf32> to vector<16xf32>
    %swap3A_82 = vector.shape_cast %broadcast_in_dim3A_3 : vector<16xf32> to vector<16xf32>
    tpu.vector_store %arg6[%swap3A_79], %swap3A_82 {strides = array<i32>} : memref<640xf32, #tpu.memory_space<vmem>>, vector<16xf32>,
    %swap3A_83 = arith.constant 192 : index
    %swap3A_84 = tpu.vector_load %arg6[%swap3A_83] {strides = array<i32>} : memref<640xf32, #tpu.memory_space<vmem>>, vector<16xf32>,
    %swap3A_85 = vector.shape_cast %swap3A_84 : vector<16xf32> to vector<16xf32>
    %swap3A_86 = vector.shape_cast %broadcast_in_dim3A_3 : vector<16xf32> to vector<16xf32>
    tpu.vector_store %arg6[%swap3A_83], %swap3A_86 {strides = array<i32>} : memref<640xf32, #tpu.memory_space<vmem>>, vector<16xf32>,
    %swap3A_87 = arith.constant 208 : index
    %swap3A_88 = tpu.vector_load %arg6[%swap3A_87] {strides = array<i32>} : memref<640xf32, #tpu.memory_space<vmem>>, vector<16xf32>,
    %swap3A_89 = vector.shape_cast %swap3A_88 : vector<16xf32> to vector<16xf32>
    %swap3A_90 = vector.shape_cast %broadcast_in_dim3A_3 : vector<16xf32> to vector<16xf32>
    tpu.vector_store %arg6[%swap3A_87], %swap3A_90 {strides = array<i32>} : memref<640xf32, #tpu.memory_space<vmem>>, vector<16xf32>,
    %swap3A_91 = arith.constant 224 : index
    %swap3A_92 = tpu.vector_load %arg6[%swap3A_91] {strides = array<i32>} : memref<640xf32, #tpu.memory_space<vmem>>, vector<16xf32>,
    %swap3A_93 = vector.shape_cast %swap3A_92 : vector<16xf32> to vector<16xf32>
    %swap3A_94 = vector.shape_cast %broadcast_in_dim3A_3 : vector<16xf32> to vector<16xf32>
    tpu.vector_store %arg6[%swap3A_91], %swap3A_94 {strides = array<i32>} : memref<640xf32, #tpu.memory_space<vmem>>, vector<16xf32>,
    %swap3A_95 = arith.constant 240 : index
    %swap3A_96 = tpu.vector_load %arg6[%swap3A_95] {strides = array<i32>} : memref<640xf32, #tpu.memory_space<vmem>>, vector<16xf32>,
    %swap3A_97 = vector.shape_cast %swap3A_96 : vector<16xf32> to vector<16xf32>
    %swap3A_98 = vector.shape_cast %broadcast_in_dim3A_3 : vector<16xf32> to vector<16xf32>
    tpu.vector_store %arg6[%swap3A_95], %swap3A_98 {strides = array<i32>} : memref<640xf32, #tpu.memory_space<vmem>>, vector<16xf32>,
    %swap3A_99 = arith.constant 256 : index
    %swap3A_100 = tpu.vector_load %arg6[%swap3A_99] {strides = array<i32>} : memref<640xf32, #tpu.memory_space<vmem>>, vector<16xf32>,
    %swap3A_101 = vector.shape_cast %swap3A_100 : vector<16xf32> to vector<16xf32>
    %swap3A_102 = vector.shape_cast %broadcast_in_dim3A_3 : vector<16xf32> to vector<16xf32>
    tpu.vector_store %arg6[%swap3A_99], %swap3A_102 {strides = array<i32>} : memref<640xf32, #tpu.memory_space<vmem>>, vector<16xf32>,
    %swap3A_103 = arith.constant 272 : index
    %swap3A_104 = tpu.vector_load %arg6[%swap3A_103] {strides = array<i32>} : memref<640xf32, #tpu.memory_space<vmem>>, vector<16xf32>,
    %swap3A_105 = vector.shape_cast %swap3A_104 : vector<16xf32> to vector<16xf32>
    %swap3A_106 = vector.shape_cast %broadcast_in_dim3A_3 : vector<16xf32> to vector<16xf32>
    tpu.vector_store %arg6[%swap3A_103], %swap3A_106 {strides = array<i32>} : memref<640xf32, #tpu.memory_space<vmem>>, vector<16xf32>,
    %swap3A_107 = arith.constant 288 : index
    %swap3A_108 = tpu.vector_load %arg6[%swap3A_107] {strides = array<i32>} : memref<640xf32, #tpu.memory_space<vmem>>, vector<16xf32>,
    %swap3A_109 = vector.shape_cast %swap3A_108 : vector<16xf32> to vector<16xf32>
    %swap3A_110 = vector.shape_cast %broadcast_in_dim3A_3 : vector<16xf32> to vector<16xf32>
    tpu.vector_store %arg6[%swap3A_107], %swap3A_110 {strides = array<i32>} : memref<640xf32, #tpu.memory_space<vmem>>, vector<16xf32>,
    %swap3A_111 = arith.constant 304 : index
    %swap3A_112 = tpu.vector_load %arg6[%swap3A_111] {strides = array<i32>} : memref<640xf32, #tpu.memory_space<vmem>>, vector<16xf32>,
    %swap3A_113 = vector.shape_cast %swap3A_112 : vector<16xf32> to vector<16xf32>
    %swap3A_114 = vector.shape_cast %broadcast_in_dim3A_3 : vector<16xf32> to vector<16xf32>
    tpu.vector_store %arg6[%swap3A_111], %swap3A_114 {strides = array<i32>} : memref<640xf32, #tpu.memory_space<vmem>>, vector<16xf32>,
    %swap3A_115 = arith.constant 320 : index
    %swap3A_116 = tpu.vector_load %arg6[%swap3A_115] {strides = array<i32>} : memref<640xf32, #tpu.memory_space<vmem>>, vector<16xf32>,
    %swap3A_117 = vector.shape_cast %swap3A_116 : vector<16xf32> to vector<16xf32>
    %swap3A_118 = vector.shape_cast %broadcast_in_dim3A_3 : vector<16xf32> to vector<16xf32>
    tpu.vector_store %arg6[%swap3A_115], %swap3A_118 {strides = array<i32>} : memref<640xf32, #tpu.memory_space<vmem>>, vector<16xf32>,
    %swap3A_119 = arith.constant 336 : index
    %swap3A_120 = tpu.vector_load %arg6[%swap3A_119] {strides = array<i32>} : memref<640xf32, #tpu.memory_space<vmem>>, vector<16xf32>,
    %swap3A_121 = vector.shape_cast %swap3A_120 : vector<16xf32> to vector<16xf32>
    %swap3A_122 = vector.shape_cast %broadcast_in_dim3A_3 : vector<16xf32> to vector<16xf32>
    tpu.vector_store %arg6[%swap3A_119], %swap3A_122 {strides = array<i32>} : memref<640xf32, #tpu.memory_space<vmem>>, vector<16xf32>,
    %swap3A_123 = arith.constant 352 : index
    %swap3A_124 = tpu.vector_load %arg6[%swap3A_123] {strides = array<i32>} : memref<640xf32, #tpu.memory_space<vmem>>, vector<16xf32>,
    %swap3A_125 = vector.shape_cast %swap3A_124 : vector<16xf32> to vector<16xf32>
    %swap3A_126 = vector.shape_cast %broadcast_in_dim3A_3 : vector<16xf32> to vector<16xf32>
    tpu.vector_store %arg6[%swap3A_123], %swap3A_126 {strides = array<i32>} : memref<640xf32, #tpu.memory_space<vmem>>, vector<16xf32>,
    %swap3A_127 = arith.constant 368 : index
    %swap3A_128 = tpu.vector_load %arg6[%swap3A_127] {strides = array<i32>} : memref<640xf32, #tpu.memory_space<vmem>>, vector<16xf32>,
    %swap3A_129 = vector.shape_cast %swap3A_128 : vector<16xf32> to vector<16xf32>
    %swap3A_130 = vector.shape_cast %broadcast_in_dim3A_3 : vector<16xf32> to vector<16xf32>
    tpu.vector_store %arg6[%swap3A_127], %swap3A_130 {strides = array<i32>} : memref<640xf32, #tpu.memory_space<vmem>>, vector<16xf32>,
    %swap3A_131 = arith.constant 384 : index
    %swap3A_132 = tpu.vector_load %arg6[%swap3A_131] {strides = array<i32>} : memref<640xf32, #tpu.memory_space<vmem>>, vector<16xf32>,
    %swap3A_133 = vector.shape_cast %swap3A_132 : vector<16xf32> to vector<16xf32>
    %swap3A_134 = vector.shape_cast %broadcast_in_dim3A_3 : vector<16xf32> to vector<16xf32>
    tpu.vector_store %arg6[%swap3A_131], %swap3A_134 {strides = array<i32>} : memref<640xf32, #tpu.memory_space<vmem>>, vector<16xf32>,
    %swap3A_135 = arith.constant 400 : index
    %swap3A_136 = tpu.vector_load %arg6[%swap3A_135] {strides = array<i32>} : memref<640xf32, #tpu.memory_space<vmem>>, vector<16xf32>,
    %swap3A_137 = vector.shape_cast %swap3A_136 : vector<16xf32> to vector<16xf32>
    %swap3A_138 = vector.shape_cast %broadcast_in_dim3A_3 : vector<16xf32> to vector<16xf32>
    tpu.vector_store %arg6[%swap3A_135], %swap3A_138 {strides = array<i32>} : memref<640xf32, #tpu.memory_space<vmem>>, vector<16xf32>,
    %swap3A_139 = arith.constant 416 : index
    %swap3A_140 = tpu.vector_load %arg6[%swap3A_139] {strides = array<i32>} : memref<640xf32, #tpu.memory_space<vmem>>, vector<16xf32>,
    %swap3A_141 = vector.shape_cast %swap3A_140 : vector<16xf32> to vector<16xf32>
    %swap3A_142 = vector.shape_cast %broadcast_in_dim3A_3 : vector<16xf32> to vector<16xf32>
    tpu.vector_store %arg6[%swap3A_139], %swap3A_142 {strides = array<i32>} : memref<640xf32, #tpu.memory_space<vmem>>, vector<16xf32>,
    %swap3A_143 = arith.constant 432 : index
    %swap3A_144 = tpu.vector_load %arg6[%swap3A_143] {strides = array<i32>} : memref<640xf32, #tpu.memory_space<vmem>>, vector<16xf32>,
    %swap3A_145 = vector.shape_cast %swap3A_144 : vector<16xf32> to vector<16xf32>
    %swap3A_146 = vector.shape_cast %broadcast_in_dim3A_3 : vector<16xf32> to vector<16xf32>
    tpu.vector_store %arg6[%swap3A_143], %swap3A_146 {strides = array<i32>} : memref<640xf32, #tpu.memory_space<vmem>>, vector<16xf32>,
    %swap3A_147 = arith.constant 448 : index
    %swap3A_148 = tpu.vector_load %arg6[%swap3A_147] {strides = array<i32>} : memref<640xf32, #tpu.memory_space<vmem>>, vector<16xf32>,
    %swap3A_149 = vector.shape_cast %swap3A_148 : vector<16xf32> to vector<16xf32>
    %swap3A_150 = vector.shape_cast %broadcast_in_dim3A_3 : vector<16xf32> to vector<16xf32>
    tpu.vector_store %arg6[%swap3A_147], %swap3A_150 {strides = array<i32>} : memref<640xf32, #tpu.memory_space<vmem>>, vector<16xf32>,
    %swap3A_151 = arith.constant 464 : index
    %swap3A_152 = tpu.vector_load %arg6[%swap3A_151] {strides = array<i32>} : memref<640xf32, #tpu.memory_space<vmem>>, vector<16xf32>,
    %swap3A_153 = vector.shape_cast %swap3A_152 : vector<16xf32> to vector<16xf32>
    %swap3A_154 = vector.shape_cast %broadcast_in_dim3A_3 : vector<16xf32> to vector<16xf32>
    tpu.vector_store %arg6[%swap3A_151], %swap3A_154 {strides = array<i32>} : memref<640xf32, #tpu.memory_space<vmem>>, vector<16xf32>,
    %swap3A_155 = arith.constant 480 : index
    %swap3A_156 = tpu.vector_load %arg6[%swap3A_155] {strides = array<i32>} : memref<640xf32, #tpu.memory_space<vmem>>, vector<16xf32>,
    %swap3A_157 = vector.shape_cast %swap3A_156 : vector<16xf32> to vector<16xf32>
    %swap3A_158 = vector.shape_cast %broadcast_in_dim3A_3 : vector<16xf32> to vector<16xf32>
    tpu.vector_store %arg6[%swap3A_155], %swap3A_158 {strides = array<i32>} : memref<640xf32, #tpu.memory_space<vmem>>, vector<16xf32>,
    %swap3A_159 = arith.constant 496 : index
    %swap3A_160 = tpu.vector_load %arg6[%swap3A_159] {strides = array<i32>} : memref<640xf32, #tpu.memory_space<vmem>>, vector<16xf32>,
    %swap3A_161 = vector.shape_cast %swap3A_160 : vector<16xf32> to vector<16xf32>
    %swap3A_162 = vector.shape_cast %broadcast_in_dim3A_3 : vector<16xf32> to vector<16xf32>
    tpu.vector_store %arg6[%swap3A_159], %swap3A_162 {strides = array<i32>} : memref<640xf32, #tpu.memory_space<vmem>>, vector<16xf32>,
    %swap3A_163 = arith.constant 512 : index
    %swap3A_164 = tpu.vector_load %arg6[%swap3A_163] {strides = array<i32>} : memref<640xf32, #tpu.memory_space<vmem>>, vector<16xf32>,
    %swap3A_165 = vector.shape_cast %swap3A_164 : vector<16xf32> to vector<16xf32>
    %swap3A_166 = vector.shape_cast %broadcast_in_dim3A_3 : vector<16xf32> to vector<16xf32>
    tpu.vector_store %arg6[%swap3A_163], %swap3A_166 {strides = array<i32>} : memref<640xf32, #tpu.memory_space<vmem>>, vector<16xf32>,
    %swap3A_167 = arith.constant 528 : index
    %swap3A_168 = tpu.vector_load %arg6[%swap3A_167] {strides = array<i32>} : memref<640xf32, #tpu.memory_space<vmem>>, vector<16xf32>,
    %swap3A_169 = vector.shape_cast %swap3A_168 : vector<16xf32> to vector<16xf32>
    %swap3A_170 = vector.shape_cast %broadcast_in_dim3A_3 : vector<16xf32> to vector<16xf32>
    tpu.vector_store %arg6[%swap3A_167], %swap3A_170 {strides = array<i32>} : memref<640xf32, #tpu.memory_space<vmem>>, vector<16xf32>,
    %swap3A_171 = arith.constant 544 : index
    %swap3A_172 = tpu.vector_load %arg6[%swap3A_171] {strides = array<i32>} : memref<640xf32, #tpu.memory_space<vmem>>, vector<16xf32>,
    %swap3A_173 = vector.shape_cast %swap3A_172 : vector<16xf32> to vector<16xf32>
    %swap3A_174 = vector.shape_cast %broadcast_in_dim3A_3 : vector<16xf32> to vector<16xf32>
    tpu.vector_store %arg6[%swap3A_171], %swap3A_174 {strides = array<i32>} : memref<640xf32, #tpu.memory_space<vmem>>, vector<16xf32>,
    %swap3A_175 = arith.constant 560 : index
    %swap3A_176 = tpu.vector_load %arg6[%swap3A_175] {strides = array<i32>} : memref<640xf32, #tpu.memory_space<vmem>>, vector<16xf32>,
    %swap3A_177 = vector.shape_cast %swap3A_176 : vector<16xf32> to vector<16xf32>
    %swap3A_178 = vector.shape_cast %broadcast_in_dim3A_3 : vector<16xf32> to vector<16xf32>
    tpu.vector_store %arg6[%swap3A_175], %swap3A_178 {strides = array<i32>} : memref<640xf32, #tpu.memory_space<vmem>>, vector<16xf32>,
    %swap3A_179 = arith.constant 576 : index
    %swap3A_180 = tpu.vector_load %arg6[%swap3A_179] {strides = array<i32>} : memref<640xf32, #tpu.memory_space<vmem>>, vector<16xf32>,
    %swap3A_181 = vector.shape_cast %swap3A_180 : vector<16xf32> to vector<16xf32>
    %swap3A_182 = vector.shape_cast %broadcast_in_dim3A_3 : vector<16xf32> to vector<16xf32>
    tpu.vector_store %arg6[%swap3A_179], %swap3A_182 {strides = array<i32>} : memref<640xf32, #tpu.memory_space<vmem>>, vector<16xf32>,
    %swap3A_183 = arith.constant 592 : index
    %swap3A_184 = tpu.vector_load %arg6[%swap3A_183] {strides = array<i32>} : memref<640xf32, #tpu.memory_space<vmem>>, vector<16xf32>,
    %swap3A_185 = vector.shape_cast %swap3A_184 : vector<16xf32> to vector<16xf32>
    %swap3A_186 = vector.shape_cast %broadcast_in_dim3A_3 : vector<16xf32> to vector<16xf32>
    tpu.vector_store %arg6[%swap3A_183], %swap3A_186 {strides = array<i32>} : memref<640xf32, #tpu.memory_space<vmem>>, vector<16xf32>,
    %swap3A_187 = arith.constant 608 : index
    %swap3A_188 = tpu.vector_load %arg6[%swap3A_187] {strides = array<i32>} : memref<640xf32, #tpu.memory_space<vmem>>, vector<16xf32>,
    %swap3A_189 = vector.shape_cast %swap3A_188 : vector<16xf32> to vector<16xf32>
    %swap3A_190 = vector.shape_cast %broadcast_in_dim3A_3 : vector<16xf32> to vector<16xf32>
    tpu.vector_store %arg6[%swap3A_187], %swap3A_190 {strides = array<i32>} : memref<640xf32, #tpu.memory_space<vmem>>, vector<16xf32>,
    %swap3A_191 = arith.constant 624 : index
    %swap3A_192 = tpu.vector_load %arg6[%swap3A_191] {strides = array<i32>} : memref<640xf32, #tpu.memory_space<vmem>>, vector<16xf32>,
    %swap3A_193 = vector.shape_cast %swap3A_192 : vector<16xf32> to vector<16xf32>
    %swap3A_194 = vector.shape_cast %broadcast_in_dim3A_3 : vector<16xf32> to vector<16xf32>
    tpu.vector_store %arg6[%swap3A_191], %swap3A_194 {strides = array<i32>} : memref<640xf32, #tpu.memory_space<vmem>>, vector<16xf32>,
    %mul3A_195 = arith.constant 640 : i32
    %mul3A_196 = arith.muli %arg1, %mul3A_195 : i32
    "tpu.region"() ({
      %run_scoped3A_213 = tpu.sem_alloc : memref<!tpu.dma_semaphore, #tpu.memory_space<semaphore_mem>>
      %dma_start3A = tpu.memref_slice %arg7[%mul3A_196] : memref<10240xf32, #tpu.memory_space<vmem_shared>> -> memref<640xf32, #tpu.memory_space<vmem_shared>>
      %dma_start3A_214 = tpu.memref_slice %arg7[%mul3A_196] : memref<10240xf32, #tpu.memory_space<vmem_shared>> -> memref<640xf32, #tpu.memory_space<vmem_shared>>
      tpu.enqueue_dma source(%arg6 : memref<640xf32, #tpu.memory_space<vmem>>) target(%dma_start3A_214 : memref<640xf32, #tpu.memory_space<vmem_shared>>) target_semaphore(%run_scoped3A_213 : memref<!tpu.dma_semaphore, #tpu.memory_space<semaphore_mem>>)
      %dma_wait3A = tpu.memref_slice %arg7[%mul3A_196] : memref<10240xf32, #tpu.memory_space<vmem_shared>> -> memref<640xf32, #tpu.memory_space<vmem_shared>>
      %dma_wait3A_215 = tpu.memref_slice %arg7[%mul3A_196] : memref<10240xf32, #tpu.memory_space<vmem_shared>> -> memref<640xf32, #tpu.memory_space<vmem_shared>>
      tpu.wait_dma2 semaphore(%run_scoped3A_213 : memref<!tpu.dma_semaphore, #tpu.memory_space<semaphore_mem>>) src(%arg6 : memref<640xf32, #tpu.memory_space<vmem>>) dst(%dma_wait3A_215 : memref<640xf32, #tpu.memory_space<vmem_shared>>)
      tpu.yield
    }) : () -> ()
    %run_scoped3A = arith.constant 1 : i32
    "tpu.region"() ({
      %run_scoped3A_213 = tpu.sem_alloc : memref<!tpu.dma_semaphore, #tpu.memory_space<semaphore_mem>>
      %dma_start3A = arith.constant 0 : i32
      %dma_start3A_214 = arith.constant 0 : i32
      %dma_start3A_215 = tpu.memref_slice %arg2[%run_scoped3A, %add3A, %dma_start3A, %dma_start3A_214] : memref<2x32x80x128xi32, #tpu.memory_space<hbm>> -> memref<1x1x80x128xi32, #tpu.memory_space<hbm>>
      %dma_start3A_216 = tpu.memref_squeeze %dma_start3A_215 : memref<1x1x80x128xi32, #tpu.memory_space<hbm>> -> memref<80x128xi32, #tpu.memory_space<hbm>>
      %dma_start3A_217 = arith.constant 0 : i32
      %dma_start3A_218 = arith.constant 0 : i32
      %dma_start3A_219 = tpu.memref_slice %arg2[%run_scoped3A, %add3A, %dma_start3A_217, %dma_start3A_218] : memref<2x32x80x128xi32, #tpu.memory_space<hbm>> -> memref<1x1x80x128xi32, #tpu.memory_space<hbm>>
      %dma_start3A_220 = tpu.memref_squeeze %dma_start3A_219 : memref<1x1x80x128xi32, #tpu.memory_space<hbm>> -> memref<80x128xi32, #tpu.memory_space<hbm>>
      tpu.enqueue_dma source(%dma_start3A_220 : memref<80x128xi32, #tpu.memory_space<hbm>>) target(%arg4 : memref<80x128xi32, #tpu.memory_space<vmem>>) target_semaphore(%run_scoped3A_213 : memref<!tpu.dma_semaphore, #tpu.memory_space<semaphore_mem>>)
      %dma_wait3A = arith.constant 0 : i32
      %dma_wait3A_221 = arith.constant 0 : i32
      %dma_wait3A_222 = tpu.memref_slice %arg2[%run_scoped3A, %add3A, %dma_wait3A, %dma_wait3A_221] : memref<2x32x80x128xi32, #tpu.memory_space<hbm>> -> memref<1x1x80x128xi32, #tpu.memory_space<hbm>>
      %dma_wait3A_223 = tpu.memref_squeeze %dma_wait3A_222 : memref<1x1x80x128xi32, #tpu.memory_space<hbm>> -> memref<80x128xi32, #tpu.memory_space<hbm>>
      %dma_wait3A_224 = arith.constant 0 : i32
      %dma_wait3A_225 = arith.constant 0 : i32
      %dma_wait3A_226 = tpu.memref_slice %arg2[%run_scoped3A, %add3A, %dma_wait3A_224, %dma_wait3A_225] : memref<2x32x80x128xi32, #tpu.memory_space<hbm>> -> memref<1x1x80x128xi32, #tpu.memory_space<hbm>>
      %dma_wait3A_227 = tpu.memref_squeeze %dma_wait3A_226 : memref<1x1x80x128xi32, #tpu.memory_space<hbm>> -> memref<80x128xi32, #tpu.memory_space<hbm>>
      tpu.wait_dma2 semaphore(%run_scoped3A_213 : memref<!tpu.dma_semaphore, #tpu.memory_space<semaphore_mem>>) src(%dma_wait3A_227 : memref<80x128xi32, #tpu.memory_space<hbm>>) dst(%arg4 : memref<80x128xi32, #tpu.memory_space<vmem>>)
      tpu.yield
    }) : () -> ()
    %barrier3A = arith.constant 0 : index
    tpu.barrier barrier_id(%barrier3A)
    %scan3A = arith.constant 0 : i32
    %scan3A_197 = arith.constant 0 : i32
    %scan3A_198 = arith.constant 80 : i32
    %scan3A_199 = arith.addi %scan3A_197, %scan3A_198 : i32
    %scan3A_200 = arith.constant 1 : i32
    scf.for %scan3A_213 = %scan3A_197 to %scan3A_199 step %scan3A_200  : i32 {
      %dma_start3A = arith.constant 0 : i32
      %dma_start3A_214 = tpu.memref_slice %arg4[%scan3A_213, %dma_start3A] : memref<80x128xi32, #tpu.memory_space<vmem>> -> memref<1x128xi32, #tpu.memory_space<vmem>>
      %dma_start3A_215 = tpu.memref_squeeze %dma_start3A_214 : memref<1x128xi32, #tpu.memory_space<vmem>> -> memref<128xi32, #tpu.memory_space<vmem>>
      %dma_start3A_216 = arith.constant 0 : i32
      %dma_start3A_217 = tpu.memref_slice %arg7[%dma_start3A_216] : memref<10240xf32, #tpu.memory_space<vmem_shared>> -> memref<10240xf32, #tpu.memory_space<vmem_shared>>
      tpu.enqueue_indirect_dma source(%arg5 : memref<128xf32, #tpu.memory_space<vmem>>) target(%dma_start3A_217 : memref<10240xf32, #tpu.memory_space<vmem_shared>>) offsets(%dma_start3A_215 : memref<128xi32, #tpu.memory_space<vmem>>) semaphore(%arg8 : memref<!tpu.dma_semaphore, #tpu.memory_space<semaphore_mem>>) {add = true}
    }
    %scan3A_201 = arith.constant 80 : i32
    %scan3A_202 = arith.constant 0 : i32
    %scan3A_203 = arith.constant 0 : i32
    %scan3A_204 = arith.constant 80 : i32
    %scan3A_205 = arith.addi %scan3A_203, %scan3A_204 : i32
    %scan3A_206 = arith.constant 1 : i32
    scf.for %scan3A_213 = %scan3A_203 to %scan3A_205 step %scan3A_206  : i32 {
      %dma_wait3A = arith.constant 0 : i32
      %dma_wait3A_214 = tpu.memref_slice %arg4[%scan3A_213, %dma_wait3A] : memref<80x128xi32, #tpu.memory_space<vmem>> -> memref<1x128xi32, #tpu.memory_space<vmem>>
      %dma_wait3A_215 = tpu.memref_squeeze %dma_wait3A_214 : memref<1x128xi32, #tpu.memory_space<vmem>> -> memref<128xi32, #tpu.memory_space<vmem>>
      %dma_wait3A_216 = arith.constant 0 : i32
      %dma_wait3A_217 = tpu.memref_slice %arg7[%dma_wait3A_216] : memref<10240xf32, #tpu.memory_space<vmem_shared>> -> memref<10240xf32, #tpu.memory_space<vmem_shared>>
      tpu.wait_indirect_dma semaphore(%arg8 : memref<!tpu.dma_semaphore, #tpu.memory_space<semaphore_mem>>) src(%arg5 : memref<128xf32, #tpu.memory_space<vmem>>) dst(%dma_wait3A_217 : memref<10240xf32, #tpu.memory_space<vmem_shared>>)
    }
    %scan3A_207 = arith.constant 80 : i32
    %barrier3A_208 = arith.constant 0 : index
    tpu.barrier barrier_id(%barrier3A_208)
    %mul3A_209 = arith.constant 640 : i32
    %mul3A_210 = arith.muli %arg1, %mul3A_209 : i32
    %mul3A_211 = arith.constant 640 : i32
    %mul3A_212 = arith.muli %arg1, %mul3A_211 : i32
    "tpu.region"() ({
      %run_scoped3A_213 = tpu.sem_alloc : memref<!tpu.dma_semaphore, #tpu.memory_space<semaphore_mem>>
      %dma_start3A = tpu.memref_slice %arg3[%arg0, %mul3A_212] : memref<2x10240xf32, #tpu.memory_space<hbm>> -> memref<1x640xf32, #tpu.memory_space<hbm>>
      %dma_start3A_214 = tpu.memref_squeeze %dma_start3A : memref<1x640xf32, #tpu.memory_space<hbm>> -> memref<640xf32, #tpu.memory_space<hbm>>
      %dma_start3A_215 = tpu.memref_slice %arg7[%mul3A_210] : memref<10240xf32, #tpu.memory_space<vmem_shared>> -> memref<640xf32, #tpu.memory_space<vmem_shared>>
      tpu.enqueue_dma source(%dma_start3A_215 : memref<640xf32, #tpu.memory_space<vmem_shared>>) target(%dma_start3A_214 : memref<640xf32, #tpu.memory_space<hbm>>) target_semaphore(%run_scoped3A_213 : memref<!tpu.dma_semaphore, #tpu.memory_space<semaphore_mem>>)
      %dma_wait3A = tpu.memref_slice %arg3[%arg0, %mul3A_212] : memref<2x10240xf32, #tpu.memory_space<hbm>> -> memref<1x640xf32, #tpu.memory_space<hbm>>
      %dma_wait3A_216 = tpu.memref_squeeze %dma_wait3A : memref<1x640xf32, #tpu.memory_space<hbm>> -> memref<640xf32, #tpu.memory_space<hbm>>
      %dma_wait3A_217 = tpu.memref_slice %arg7[%mul3A_210] : memref<10240xf32, #tpu.memory_space<vmem_shared>> -> memref<640xf32, #tpu.memory_space<vmem_shared>>
      tpu.wait_dma2 semaphore(%run_scoped3A_213 : memref<!tpu.dma_semaphore, #tpu.memory_space<semaphore_mem>>) src(%dma_wait3A_217 : memref<640xf32, #tpu.memory_space<vmem_shared>>) dst(%dma_wait3A_216 : memref<640xf32, #tpu.memory_space<hbm>>)
      tpu.yield
    }) : () -> ()
    return
  }
}

#map = affine_map<(d0, d1) -> (0, 0)>
#map1 = affine_map<(d0, d1) -> (0, 0, 0, 0)>
#map2 = affine_map<(d0, d1) -> (0, 0, 0)>
module attributes {stable_mosaic.version = 14 : i64} {
  func.func @_agg8(%arg0: i32, %arg1: i32, %arg2: memref<10240x8xf32, #tpu.memory_space<hbm>>, %arg3: memref<2x32x80x128xi32, #tpu.memory_space<hbm>>, %arg4: memref<10240x8xf32, #tpu.memory_space<hbm>>, %arg5: memref<2x10240x8xf32, #tpu.memory_space<hbm>>, %arg6: memref<80x128xi32, #tpu.memory_space<vmem>>, %arg7: memref<80x128xi32, #tpu.memory_space<vmem>>, %arg8: memref<128x8xf32, #tpu.memory_space<vmem>>, %arg9: memref<128x8xf32, #tpu.memory_space<vmem>>, %arg10: memref<128x8xf32, #tpu.memory_space<vmem>>, %arg11: memref<128x8xf32, #tpu.memory_space<vmem>>, %arg12: memref<128x8xf32, #tpu.memory_space<vmem>>, %arg13: memref<128x8xf32, #tpu.memory_space<vmem>>, %arg14: memref<128x8xf32, #tpu.memory_space<vmem>>, %arg15: memref<128x8xf32, #tpu.memory_space<vmem>>, %arg16: memref<10240x8xf32, #tpu.memory_space<vmem_shared>>, %arg17: memref<!tpu.dma_semaphore, #tpu.memory_space<semaphore_mem>>, %arg18: memref<!tpu.dma_semaphore, #tpu.memory_space<semaphore_mem>>, %arg19: memref<!tpu.dma_semaphore, #tpu.memory_space<semaphore_mem>>, %arg20: memref<!tpu.dma_semaphore, #tpu.memory_space<semaphore_mem>>, %arg21: memref<!tpu.dma_semaphore, #tpu.memory_space<semaphore_mem>>, %arg22: memref<!tpu.dma_semaphore, #tpu.memory_space<semaphore_mem>>, %arg23: memref<!tpu.dma_semaphore, #tpu.memory_space<semaphore_mem>>, %arg24: memref<!tpu.dma_semaphore, #tpu.memory_space<semaphore_mem>>, %arg25: memref<!tpu.dma_semaphore, #tpu.memory_space<semaphore_mem>>, %arg26: memref<!tpu.dma_semaphore, #tpu.memory_space<semaphore_mem>>, %arg27: memref<!tpu.dma_semaphore, #tpu.memory_space<semaphore_mem>>, %arg28: memref<!tpu.dma_semaphore, #tpu.memory_space<semaphore_mem>>, %arg29: memref<!tpu.dma_semaphore, #tpu.memory_space<semaphore_mem>>, %arg30: memref<!tpu.dma_semaphore, #tpu.memory_space<semaphore_mem>>, %arg31: memref<!tpu.dma_semaphore, #tpu.memory_space<semaphore_mem>>, %arg32: memref<!tpu.dma_semaphore, #tpu.memory_space<semaphore_mem>>) attributes {dimension_semantics = [#tpu.dimension_semantics<core_parallel>, #tpu.dimension_semantics<subcore_parallel>], iteration_bounds = array<i64: 2, 16>, scalar_prefetch = 0 : i64, scratch_operands = 27 : i64, tpu.core_type = #tpu.core_type<sc_vector_subcore>, window_params = [{transform_indices = #map}, {transform_indices = #map1}, {transform_indices = #map}, {transform_indices = #map2}]} {
    %mul3A = arith.constant 2 : i32
    %mul3A_0 = arith.muli %arg1, %mul3A : i32
    %add3A = arith.addi %mul3A_0, %arg0 : i32
    %mul3A_1 = arith.constant 640 : i32
    %mul3A_2 = arith.muli %arg1, %mul3A_1 : i32
    "tpu.region"() ({
      %run_scoped3A_64 = tpu.sem_alloc : memref<!tpu.dma_semaphore, #tpu.memory_space<semaphore_mem>>
      %dma_start3A_65 = arith.constant 0 : i32
      %dma_start3A_66 = tpu.memref_slice %arg16[%mul3A_2, %dma_start3A_65] : memref<10240x8xf32, #tpu.memory_space<vmem_shared>> -> memref<640x8xf32, #tpu.memory_space<vmem_shared>>
      %dma_start3A_67 = arith.constant 0 : i32
      %dma_start3A_68 = tpu.memref_slice %arg4[%mul3A_2, %dma_start3A_67] : memref<10240x8xf32, #tpu.memory_space<hbm>> -> memref<640x8xf32, #tpu.memory_space<hbm>>
      tpu.enqueue_dma source(%dma_start3A_68 : memref<640x8xf32, #tpu.memory_space<hbm>>) target(%dma_start3A_66 : memref<640x8xf32, #tpu.memory_space<vmem_shared>>) target_semaphore(%run_scoped3A_64 : memref<!tpu.dma_semaphore, #tpu.memory_space<semaphore_mem>>)
      %dma_wait3A_69 = arith.constant 0 : i32
      %dma_wait3A_70 = tpu.memref_slice %arg16[%mul3A_2, %dma_wait3A_69] : memref<10240x8xf32, #tpu.memory_space<vmem_shared>> -> memref<640x8xf32, #tpu.memory_space<vmem_shared>>
      %dma_wait3A_71 = arith.constant 0 : i32
      %dma_wait3A_72 = tpu.memref_slice %arg4[%mul3A_2, %dma_wait3A_71] : memref<10240x8xf32, #tpu.memory_space<hbm>> -> memref<640x8xf32, #tpu.memory_space<hbm>>
      tpu.wait_dma2 semaphore(%run_scoped3A_64 : memref<!tpu.dma_semaphore, #tpu.memory_space<semaphore_mem>>) src(%dma_wait3A_72 : memref<640x8xf32, #tpu.memory_space<hbm>>) dst(%dma_wait3A_70 : memref<640x8xf32, #tpu.memory_space<vmem_shared>>)
      tpu.yield
    }) : () -> ()
    %run_scoped3A = arith.constant 0 : i32
    "tpu.region"() ({
      %run_scoped3A_64 = tpu.sem_alloc : memref<!tpu.dma_semaphore, #tpu.memory_space<semaphore_mem>>
      %dma_start3A_65 = arith.constant 0 : i32
      %dma_start3A_66 = arith.constant 0 : i32
      %dma_start3A_67 = tpu.memref_slice %arg3[%run_scoped3A, %add3A, %dma_start3A_65, %dma_start3A_66] : memref<2x32x80x128xi32, #tpu.memory_space<hbm>> -> memref<1x1x80x128xi32, #tpu.memory_space<hbm>>
      %dma_start3A_68 = tpu.memref_squeeze %dma_start3A_67 : memref<1x1x80x128xi32, #tpu.memory_space<hbm>> -> memref<80x128xi32, #tpu.memory_space<hbm>>
      %dma_start3A_69 = arith.constant 0 : i32
      %dma_start3A_70 = arith.constant 0 : i32
      %dma_start3A_71 = tpu.memref_slice %arg3[%run_scoped3A, %add3A, %dma_start3A_69, %dma_start3A_70] : memref<2x32x80x128xi32, #tpu.memory_space<hbm>> -> memref<1x1x80x128xi32, #tpu.memory_space<hbm>>
      %dma_start3A_72 = tpu.memref_squeeze %dma_start3A_71 : memref<1x1x80x128xi32, #tpu.memory_space<hbm>> -> memref<80x128xi32, #tpu.memory_space<hbm>>
      tpu.enqueue_dma source(%dma_start3A_72 : memref<80x128xi32, #tpu.memory_space<hbm>>) target(%arg6 : memref<80x128xi32, #tpu.memory_space<vmem>>) target_semaphore(%run_scoped3A_64 : memref<!tpu.dma_semaphore, #tpu.memory_space<semaphore_mem>>)
      %dma_wait3A_73 = arith.constant 0 : i32
      %dma_wait3A_74 = arith.constant 0 : i32
      %dma_wait3A_75 = tpu.memref_slice %arg3[%run_scoped3A, %add3A, %dma_wait3A_73, %dma_wait3A_74] : memref<2x32x80x128xi32, #tpu.memory_space<hbm>> -> memref<1x1x80x128xi32, #tpu.memory_space<hbm>>
      %dma_wait3A_76 = tpu.memref_squeeze %dma_wait3A_75 : memref<1x1x80x128xi32, #tpu.memory_space<hbm>> -> memref<80x128xi32, #tpu.memory_space<hbm>>
      %dma_wait3A_77 = arith.constant 0 : i32
      %dma_wait3A_78 = arith.constant 0 : i32
      %dma_wait3A_79 = tpu.memref_slice %arg3[%run_scoped3A, %add3A, %dma_wait3A_77, %dma_wait3A_78] : memref<2x32x80x128xi32, #tpu.memory_space<hbm>> -> memref<1x1x80x128xi32, #tpu.memory_space<hbm>>
      %dma_wait3A_80 = tpu.memref_squeeze %dma_wait3A_79 : memref<1x1x80x128xi32, #tpu.memory_space<hbm>> -> memref<80x128xi32, #tpu.memory_space<hbm>>
      tpu.wait_dma2 semaphore(%run_scoped3A_64 : memref<!tpu.dma_semaphore, #tpu.memory_space<semaphore_mem>>) src(%dma_wait3A_80 : memref<80x128xi32, #tpu.memory_space<hbm>>) dst(%arg6 : memref<80x128xi32, #tpu.memory_space<vmem>>)
      tpu.yield
    }) : () -> ()
    %run_scoped3A_3 = arith.constant 1 : i32
    "tpu.region"() ({
      %run_scoped3A_64 = tpu.sem_alloc : memref<!tpu.dma_semaphore, #tpu.memory_space<semaphore_mem>>
      %dma_start3A_65 = arith.constant 0 : i32
      %dma_start3A_66 = arith.constant 0 : i32
      %dma_start3A_67 = tpu.memref_slice %arg3[%run_scoped3A_3, %add3A, %dma_start3A_65, %dma_start3A_66] : memref<2x32x80x128xi32, #tpu.memory_space<hbm>> -> memref<1x1x80x128xi32, #tpu.memory_space<hbm>>
      %dma_start3A_68 = tpu.memref_squeeze %dma_start3A_67 : memref<1x1x80x128xi32, #tpu.memory_space<hbm>> -> memref<80x128xi32, #tpu.memory_space<hbm>>
      %dma_start3A_69 = arith.constant 0 : i32
      %dma_start3A_70 = arith.constant 0 : i32
      %dma_start3A_71 = tpu.memref_slice %arg3[%run_scoped3A_3, %add3A, %dma_start3A_69, %dma_start3A_70] : memref<2x32x80x128xi32, #tpu.memory_space<hbm>> -> memref<1x1x80x128xi32, #tpu.memory_space<hbm>>
      %dma_start3A_72 = tpu.memref_squeeze %dma_start3A_71 : memref<1x1x80x128xi32, #tpu.memory_space<hbm>> -> memref<80x128xi32, #tpu.memory_space<hbm>>
      tpu.enqueue_dma source(%dma_start3A_72 : memref<80x128xi32, #tpu.memory_space<hbm>>) target(%arg7 : memref<80x128xi32, #tpu.memory_space<vmem>>) target_semaphore(%run_scoped3A_64 : memref<!tpu.dma_semaphore, #tpu.memory_space<semaphore_mem>>)
      %dma_wait3A_73 = arith.constant 0 : i32
      %dma_wait3A_74 = arith.constant 0 : i32
      %dma_wait3A_75 = tpu.memref_slice %arg3[%run_scoped3A_3, %add3A, %dma_wait3A_73, %dma_wait3A_74] : memref<2x32x80x128xi32, #tpu.memory_space<hbm>> -> memref<1x1x80x128xi32, #tpu.memory_space<hbm>>
      %dma_wait3A_76 = tpu.memref_squeeze %dma_wait3A_75 : memref<1x1x80x128xi32, #tpu.memory_space<hbm>> -> memref<80x128xi32, #tpu.memory_space<hbm>>
      %dma_wait3A_77 = arith.constant 0 : i32
      %dma_wait3A_78 = arith.constant 0 : i32
      %dma_wait3A_79 = tpu.memref_slice %arg3[%run_scoped3A_3, %add3A, %dma_wait3A_77, %dma_wait3A_78] : memref<2x32x80x128xi32, #tpu.memory_space<hbm>> -> memref<1x1x80x128xi32, #tpu.memory_space<hbm>>
      %dma_wait3A_80 = tpu.memref_squeeze %dma_wait3A_79 : memref<1x1x80x128xi32, #tpu.memory_space<hbm>> -> memref<80x128xi32, #tpu.memory_space<hbm>>
      tpu.wait_dma2 semaphore(%run_scoped3A_64 : memref<!tpu.dma_semaphore, #tpu.memory_space<semaphore_mem>>) src(%dma_wait3A_80 : memref<80x128xi32, #tpu.memory_space<hbm>>) dst(%arg7 : memref<80x128xi32, #tpu.memory_space<vmem>>)
      tpu.yield
    }) : () -> ()
    %barrier3A = arith.constant 0 : index
    tpu.barrier barrier_id(%barrier3A)
    %dma_start3A = arith.constant 0 : i32
    %dma_start3A_4 = arith.constant 0 : i32
    %dma_start3A_5 = tpu.memref_slice %arg6[%dma_start3A, %dma_start3A_4] : memref<80x128xi32, #tpu.memory_space<vmem>> -> memref<1x128xi32, #tpu.memory_space<vmem>>
    %dma_start3A_6 = tpu.memref_squeeze %dma_start3A_5 : memref<1x128xi32, #tpu.memory_space<vmem>> -> memref<128xi32, #tpu.memory_space<vmem>>
    %dma_start3A_7 = arith.constant 0 : i32
    %dma_start3A_8 = arith.constant 0 : i32
    %dma_start3A_9 = tpu.memref_slice %arg2[%dma_start3A_7, %dma_start3A_8] : memref<10240x8xf32, #tpu.memory_space<hbm>> -> memref<10240x8xf32, #tpu.memory_space<hbm>>
    tpu.enqueue_indirect_dma source(%dma_start3A_9 : memref<10240x8xf32, #tpu.memory_space<hbm>>) target(%arg8 : memref<128x8xf32, #tpu.memory_space<vmem>>) offsets(%dma_start3A_6 : memref<128xi32, #tpu.memory_space<vmem>>) semaphore(%arg17 : memref<!tpu.dma_semaphore, #tpu.memory_space<semaphore_mem>>)
    %dma_start3A_10 = arith.constant 1 : i32
    %dma_start3A_11 = arith.constant 0 : i32
    %dma_start3A_12 = tpu.memref_slice %arg6[%dma_start3A_10, %dma_start3A_11] : memref<80x128xi32, #tpu.memory_space<vmem>> -> memref<1x128xi32, #tpu.memory_space<vmem>>
    %dma_start3A_13 = tpu.memref_squeeze %dma_start3A_12 : memref<1x128xi32, #tpu.memory_space<vmem>> -> memref<128xi32, #tpu.memory_space<vmem>>
    %dma_start3A_14 = arith.constant 0 : i32
    %dma_start3A_15 = arith.constant 0 : i32
    %dma_start3A_16 = tpu.memref_slice %arg2[%dma_start3A_14, %dma_start3A_15] : memref<10240x8xf32, #tpu.memory_space<hbm>> -> memref<10240x8xf32, #tpu.memory_space<hbm>>
    tpu.enqueue_indirect_dma source(%dma_start3A_16 : memref<10240x8xf32, #tpu.memory_space<hbm>>) target(%arg9 : memref<128x8xf32, #tpu.memory_space<vmem>>) offsets(%dma_start3A_13 : memref<128xi32, #tpu.memory_space<vmem>>) semaphore(%arg18 : memref<!tpu.dma_semaphore, #tpu.memory_space<semaphore_mem>>)
    %dma_start3A_17 = arith.constant 2 : i32
    %dma_start3A_18 = arith.constant 0 : i32
    %dma_start3A_19 = tpu.memref_slice %arg6[%dma_start3A_17, %dma_start3A_18] : memref<80x128xi32, #tpu.memory_space<vmem>> -> memref<1x128xi32, #tpu.memory_space<vmem>>
    %dma_start3A_20 = tpu.memref_squeeze %dma_start3A_19 : memref<1x128xi32, #tpu.memory_space<vmem>> -> memref<128xi32, #tpu.memory_space<vmem>>
    %dma_start3A_21 = arith.constant 0 : i32
    %dma_start3A_22 = arith.constant 0 : i32
    %dma_start3A_23 = tpu.memref_slice %arg2[%dma_start3A_21, %dma_start3A_22] : memref<10240x8xf32, #tpu.memory_space<hbm>> -> memref<10240x8xf32, #tpu.memory_space<hbm>>
    tpu.enqueue_indirect_dma source(%dma_start3A_23 : memref<10240x8xf32, #tpu.memory_space<hbm>>) target(%arg10 : memref<128x8xf32, #tpu.memory_space<vmem>>) offsets(%dma_start3A_20 : memref<128xi32, #tpu.memory_space<vmem>>) semaphore(%arg19 : memref<!tpu.dma_semaphore, #tpu.memory_space<semaphore_mem>>)
    %dma_start3A_24 = arith.constant 3 : i32
    %dma_start3A_25 = arith.constant 0 : i32
    %dma_start3A_26 = tpu.memref_slice %arg6[%dma_start3A_24, %dma_start3A_25] : memref<80x128xi32, #tpu.memory_space<vmem>> -> memref<1x128xi32, #tpu.memory_space<vmem>>
    %dma_start3A_27 = tpu.memref_squeeze %dma_start3A_26 : memref<1x128xi32, #tpu.memory_space<vmem>> -> memref<128xi32, #tpu.memory_space<vmem>>
    %dma_start3A_28 = arith.constant 0 : i32
    %dma_start3A_29 = arith.constant 0 : i32
    %dma_start3A_30 = tpu.memref_slice %arg2[%dma_start3A_28, %dma_start3A_29] : memref<10240x8xf32, #tpu.memory_space<hbm>> -> memref<10240x8xf32, #tpu.memory_space<hbm>>
    tpu.enqueue_indirect_dma source(%dma_start3A_30 : memref<10240x8xf32, #tpu.memory_space<hbm>>) target(%arg11 : memref<128x8xf32, #tpu.memory_space<vmem>>) offsets(%dma_start3A_27 : memref<128xi32, #tpu.memory_space<vmem>>) semaphore(%arg20 : memref<!tpu.dma_semaphore, #tpu.memory_space<semaphore_mem>>)
    %dma_start3A_31 = arith.constant 4 : i32
    %dma_start3A_32 = arith.constant 0 : i32
    %dma_start3A_33 = tpu.memref_slice %arg6[%dma_start3A_31, %dma_start3A_32] : memref<80x128xi32, #tpu.memory_space<vmem>> -> memref<1x128xi32, #tpu.memory_space<vmem>>
    %dma_start3A_34 = tpu.memref_squeeze %dma_start3A_33 : memref<1x128xi32, #tpu.memory_space<vmem>> -> memref<128xi32, #tpu.memory_space<vmem>>
    %dma_start3A_35 = arith.constant 0 : i32
    %dma_start3A_36 = arith.constant 0 : i32
    %dma_start3A_37 = tpu.memref_slice %arg2[%dma_start3A_35, %dma_start3A_36] : memref<10240x8xf32, #tpu.memory_space<hbm>> -> memref<10240x8xf32, #tpu.memory_space<hbm>>
    tpu.enqueue_indirect_dma source(%dma_start3A_37 : memref<10240x8xf32, #tpu.memory_space<hbm>>) target(%arg12 : memref<128x8xf32, #tpu.memory_space<vmem>>) offsets(%dma_start3A_34 : memref<128xi32, #tpu.memory_space<vmem>>) semaphore(%arg21 : memref<!tpu.dma_semaphore, #tpu.memory_space<semaphore_mem>>)
    %dma_start3A_38 = arith.constant 5 : i32
    %dma_start3A_39 = arith.constant 0 : i32
    %dma_start3A_40 = tpu.memref_slice %arg6[%dma_start3A_38, %dma_start3A_39] : memref<80x128xi32, #tpu.memory_space<vmem>> -> memref<1x128xi32, #tpu.memory_space<vmem>>
    %dma_start3A_41 = tpu.memref_squeeze %dma_start3A_40 : memref<1x128xi32, #tpu.memory_space<vmem>> -> memref<128xi32, #tpu.memory_space<vmem>>
    %dma_start3A_42 = arith.constant 0 : i32
    %dma_start3A_43 = arith.constant 0 : i32
    %dma_start3A_44 = tpu.memref_slice %arg2[%dma_start3A_42, %dma_start3A_43] : memref<10240x8xf32, #tpu.memory_space<hbm>> -> memref<10240x8xf32, #tpu.memory_space<hbm>>
    tpu.enqueue_indirect_dma source(%dma_start3A_44 : memref<10240x8xf32, #tpu.memory_space<hbm>>) target(%arg13 : memref<128x8xf32, #tpu.memory_space<vmem>>) offsets(%dma_start3A_41 : memref<128xi32, #tpu.memory_space<vmem>>) semaphore(%arg22 : memref<!tpu.dma_semaphore, #tpu.memory_space<semaphore_mem>>)
    %scan3A = arith.constant 0 : i32
    %scan3A_45 = arith.constant 0 : i32
    %scan3A_46 = arith.constant 10 : i32
    %scan3A_47 = arith.addi %scan3A_45, %scan3A_46 : i32
    %scan3A_48 = arith.constant 1 : i32
    scf.for %scan3A_64 = %scan3A_45 to %scan3A_47 step %scan3A_48  : i32 {
      %mul3A_65 = arith.constant 8 : i32
      %mul3A_66 = arith.muli %mul3A_65, %scan3A_64 : i32
      %add3A_67 = arith.constant 0 : i32
      %add3A_68 = arith.addi %mul3A_66, %add3A_67 : i32
      %dma_wait3A_69 = arith.constant 0 : i32
      %dma_wait3A_70 = tpu.memref_slice %arg6[%add3A_68, %dma_wait3A_69] : memref<80x128xi32, #tpu.memory_space<vmem>> -> memref<1x128xi32, #tpu.memory_space<vmem>>
      %dma_wait3A_71 = tpu.memref_squeeze %dma_wait3A_70 : memref<1x128xi32, #tpu.memory_space<vmem>> -> memref<128xi32, #tpu.memory_space<vmem>>
      %dma_wait3A_72 = arith.constant 0 : i32
      %dma_wait3A_73 = arith.constant 0 : i32
      %dma_wait3A_74 = tpu.memref_slice %arg2[%dma_wait3A_72, %dma_wait3A_73] : memref<10240x8xf32, #tpu.memory_space<hbm>> -> memref<10240x8xf32, #tpu.memory_space<hbm>>
      tpu.wait_indirect_dma semaphore(%arg17 : memref<!tpu.dma_semaphore, #tpu.memory_space<semaphore_mem>>) src(%dma_wait3A_74 : memref<10240x8xf32, #tpu.memory_space<hbm>>) dst(%arg8 : memref<128x8xf32, #tpu.memory_space<vmem>>)
      %dma_start3A_75 = arith.constant 0 : i32
      %dma_start3A_76 = tpu.memref_slice %arg7[%add3A_68, %dma_start3A_75] : memref<80x128xi32, #tpu.memory_space<vmem>> -> memref<1x128xi32, #tpu.memory_space<vmem>>
      %dma_start3A_77 = tpu.memref_squeeze %dma_start3A_76 : memref<1x128xi32, #tpu.memory_space<vmem>> -> memref<128xi32, #tpu.memory_space<vmem>>
      %dma_start3A_78 = arith.constant 0 : i32
      %dma_start3A_79 = arith.constant 0 : i32
      %dma_start3A_80 = tpu.memref_slice %arg16[%dma_start3A_78, %dma_start3A_79] : memref<10240x8xf32, #tpu.memory_space<vmem_shared>> -> memref<10240x8xf32, #tpu.memory_space<vmem_shared>>
      tpu.enqueue_indirect_dma source(%arg8 : memref<128x8xf32, #tpu.memory_space<vmem>>) target(%dma_start3A_80 : memref<10240x8xf32, #tpu.memory_space<vmem_shared>>) offsets(%dma_start3A_77 : memref<128xi32, #tpu.memory_space<vmem>>) semaphore(%arg25 : memref<!tpu.dma_semaphore, #tpu.memory_space<semaphore_mem>>) {add = true}
      %ge3A = arith.constant 2 : i32
      %ge3A_81 = arith.cmpi sge, %add3A_68, %ge3A : i32
      %convert_element_type3A = arith.extui %ge3A_81 : i1 to i32
      %cond3A = arith.constant 0 : i32
      %cond3A_82 = arith.cmpi ne, %convert_element_type3A, %cond3A : i32
      scf.if %cond3A_82 {
        %sub3A = arith.constant 2 : i32
        %sub3A_285 = arith.subi %add3A_68, %sub3A : i32
        %dma_wait3A_286 = arith.constant 0 : i32
        %dma_wait3A_287 = tpu.memref_slice %arg7[%sub3A_285, %dma_wait3A_286] : memref<80x128xi32, #tpu.memory_space<vmem>> -> memref<1x128xi32, #tpu.memory_space<vmem>>
        %dma_wait3A_288 = tpu.memref_squeeze %dma_wait3A_287 : memref<1x128xi32, #tpu.memory_space<vmem>> -> memref<128xi32, #tpu.memory_space<vmem>>
        %dma_wait3A_289 = arith.constant 0 : i32
        %dma_wait3A_290 = arith.constant 0 : i32
        %dma_wait3A_291 = tpu.memref_slice %arg16[%dma_wait3A_289, %dma_wait3A_290] : memref<10240x8xf32, #tpu.memory_space<vmem_shared>> -> memref<10240x8xf32, #tpu.memory_space<vmem_shared>>
        tpu.wait_indirect_dma semaphore(%arg31 : memref<!tpu.dma_semaphore, #tpu.memory_space<semaphore_mem>>) src(%arg14 : memref<128x8xf32, #tpu.memory_space<vmem>>) dst(%dma_wait3A_291 : memref<10240x8xf32, #tpu.memory_space<vmem_shared>>)
      } else {
      }
      %add3A_83 = arith.constant 6 : i32
      %add3A_84 = arith.addi %add3A_68, %add3A_83 : i32
      %lt3A = arith.constant 80 : i32
      %lt3A_85 = arith.cmpi slt, %add3A_84, %lt3A : i32
      %convert_element_type3A_86 = arith.extui %lt3A_85 : i1 to i32
      %cond3A_87 = arith.constant 0 : i32
      %cond3A_88 = arith.cmpi ne, %convert_element_type3A_86, %cond3A_87 : i32
      scf.if %cond3A_88 {
        %add3A_285 = arith.constant 6 : i32
        %add3A_286 = arith.addi %add3A_68, %add3A_285 : i32
        %dma_start3A_287 = arith.constant 0 : i32
        %dma_start3A_288 = tpu.memref_slice %arg6[%add3A_286, %dma_start3A_287] : memref<80x128xi32, #tpu.memory_space<vmem>> -> memref<1x128xi32, #tpu.memory_space<vmem>>
        %dma_start3A_289 = tpu.memref_squeeze %dma_start3A_288 : memref<1x128xi32, #tpu.memory_space<vmem>> -> memref<128xi32, #tpu.memory_space<vmem>>
        %dma_start3A_290 = arith.constant 0 : i32
        %dma_start3A_291 = arith.constant 0 : i32
        %dma_start3A_292 = tpu.memref_slice %arg2[%dma_start3A_290, %dma_start3A_291] : memref<10240x8xf32, #tpu.memory_space<hbm>> -> memref<10240x8xf32, #tpu.memory_space<hbm>>
        tpu.enqueue_indirect_dma source(%dma_start3A_292 : memref<10240x8xf32, #tpu.memory_space<hbm>>) target(%arg14 : memref<128x8xf32, #tpu.memory_space<vmem>>) offsets(%dma_start3A_289 : memref<128xi32, #tpu.memory_space<vmem>>) semaphore(%arg23 : memref<!tpu.dma_semaphore, #tpu.memory_space<semaphore_mem>>)
      } else {
      }
      %mul3A_89 = arith.constant 8 : i32
      %mul3A_90 = arith.muli %mul3A_89, %scan3A_64 : i32
      %add3A_91 = arith.constant 1 : i32
      %add3A_92 = arith.addi %mul3A_90, %add3A_91 : i32
      %dma_wait3A_93 = arith.constant 0 : i32
      %dma_wait3A_94 = tpu.memref_slice %arg6[%add3A_92, %dma_wait3A_93] : memref<80x128xi32, #tpu.memory_space<vmem>> -> memref<1x128xi32, #tpu.memory_space<vmem>>
      %dma_wait3A_95 = tpu.memref_squeeze %dma_wait3A_94 : memref<1x128xi32, #tpu.memory_space<vmem>> -> memref<128xi32, #tpu.memory_space<vmem>>
      %dma_wait3A_96 = arith.constant 0 : i32
      %dma_wait3A_97 = arith.constant 0 : i32
      %dma_wait3A_98 = tpu.memref_slice %arg2[%dma_wait3A_96, %dma_wait3A_97] : memref<10240x8xf32, #tpu.memory_space<hbm>> -> memref<10240x8xf32, #tpu.memory_space<hbm>>
      tpu.wait_indirect_dma semaphore(%arg18 : memref<!tpu.dma_semaphore, #tpu.memory_space<semaphore_mem>>) src(%dma_wait3A_98 : memref<10240x8xf32, #tpu.memory_space<hbm>>) dst(%arg9 : memref<128x8xf32, #tpu.memory_space<vmem>>)
      %dma_start3A_99 = arith.constant 0 : i32
      %dma_start3A_100 = tpu.memref_slice %arg7[%add3A_92, %dma_start3A_99] : memref<80x128xi32, #tpu.memory_space<vmem>> -> memref<1x128xi32, #tpu.memory_space<vmem>>
      %dma_start3A_101 = tpu.memref_squeeze %dma_start3A_100 : memref<1x128xi32, #tpu.memory_space<vmem>> -> memref<128xi32, #tpu.memory_space<vmem>>
      %dma_start3A_102 = arith.constant 0 : i32
      %dma_start3A_103 = arith.constant 0 : i32
      %dma_start3A_104 = tpu.memref_slice %arg16[%dma_start3A_102, %dma_start3A_103] : memref<10240x8xf32, #tpu.memory_space<vmem_shared>> -> memref<10240x8xf32, #tpu.memory_space<vmem_shared>>
      tpu.enqueue_indirect_dma source(%arg9 : memref<128x8xf32, #tpu.memory_space<vmem>>) target(%dma_start3A_104 : memref<10240x8xf32, #tpu.memory_space<vmem_shared>>) offsets(%dma_start3A_101 : memref<128xi32, #tpu.memory_space<vmem>>) semaphore(%arg26 : memref<!tpu.dma_semaphore, #tpu.memory_space<semaphore_mem>>) {add = true}
      %ge3A_105 = arith.constant 2 : i32
      %ge3A_106 = arith.cmpi sge, %add3A_92, %ge3A_105 : i32
      %convert_element_type3A_107 = arith.extui %ge3A_106 : i1 to i32
      %cond3A_108 = arith.constant 0 : i32
      %cond3A_109 = arith.cmpi ne, %convert_element_type3A_107, %cond3A_108 : i32
      scf.if %cond3A_109 {
        %sub3A = arith.constant 2 : i32
        %sub3A_285 = arith.subi %add3A_92, %sub3A : i32
        %dma_wait3A_286 = arith.constant 0 : i32
        %dma_wait3A_287 = tpu.memref_slice %arg7[%sub3A_285, %dma_wait3A_286] : memref<80x128xi32, #tpu.memory_space<vmem>> -> memref<1x128xi32, #tpu.memory_space<vmem>>
        %dma_wait3A_288 = tpu.memref_squeeze %dma_wait3A_287 : memref<1x128xi32, #tpu.memory_space<vmem>> -> memref<128xi32, #tpu.memory_space<vmem>>
        %dma_wait3A_289 = arith.constant 0 : i32
        %dma_wait3A_290 = arith.constant 0 : i32
        %dma_wait3A_291 = tpu.memref_slice %arg16[%dma_wait3A_289, %dma_wait3A_290] : memref<10240x8xf32, #tpu.memory_space<vmem_shared>> -> memref<10240x8xf32, #tpu.memory_space<vmem_shared>>
        tpu.wait_indirect_dma semaphore(%arg32 : memref<!tpu.dma_semaphore, #tpu.memory_space<semaphore_mem>>) src(%arg15 : memref<128x8xf32, #tpu.memory_space<vmem>>) dst(%dma_wait3A_291 : memref<10240x8xf32, #tpu.memory_space<vmem_shared>>)
      } else {
      }
      %add3A_110 = arith.constant 6 : i32
      %add3A_111 = arith.addi %add3A_92, %add3A_110 : i32
      %lt3A_112 = arith.constant 80 : i32
      %lt3A_113 = arith.cmpi slt, %add3A_111, %lt3A_112 : i32
      %convert_element_type3A_114 = arith.extui %lt3A_113 : i1 to i32
      %cond3A_115 = arith.constant 0 : i32
      %cond3A_116 = arith.cmpi ne, %convert_element_type3A_114, %cond3A_115 : i32
      scf.if %cond3A_116 {
        %add3A_285 = arith.constant 6 : i32
        %add3A_286 = arith.addi %add3A_92, %add3A_285 : i32
        %dma_start3A_287 = arith.constant 0 : i32
        %dma_start3A_288 = tpu.memref_slice %arg6[%add3A_286, %dma_start3A_287] : memref<80x128xi32, #tpu.memory_space<vmem>> -> memref<1x128xi32, #tpu.memory_space<vmem>>
        %dma_start3A_289 = tpu.memref_squeeze %dma_start3A_288 : memref<1x128xi32, #tpu.memory_space<vmem>> -> memref<128xi32, #tpu.memory_space<vmem>>
        %dma_start3A_290 = arith.constant 0 : i32
        %dma_start3A_291 = arith.constant 0 : i32
        %dma_start3A_292 = tpu.memref_slice %arg2[%dma_start3A_290, %dma_start3A_291] : memref<10240x8xf32, #tpu.memory_space<hbm>> -> memref<10240x8xf32, #tpu.memory_space<hbm>>
        tpu.enqueue_indirect_dma source(%dma_start3A_292 : memref<10240x8xf32, #tpu.memory_space<hbm>>) target(%arg15 : memref<128x8xf32, #tpu.memory_space<vmem>>) offsets(%dma_start3A_289 : memref<128xi32, #tpu.memory_space<vmem>>) semaphore(%arg24 : memref<!tpu.dma_semaphore, #tpu.memory_space<semaphore_mem>>)
      } else {
      }
      %mul3A_117 = arith.constant 8 : i32
      %mul3A_118 = arith.muli %mul3A_117, %scan3A_64 : i32
      %add3A_119 = arith.constant 2 : i32
      %add3A_120 = arith.addi %mul3A_118, %add3A_119 : i32
      %dma_wait3A_121 = arith.constant 0 : i32
      %dma_wait3A_122 = tpu.memref_slice %arg6[%add3A_120, %dma_wait3A_121] : memref<80x128xi32, #tpu.memory_space<vmem>> -> memref<1x128xi32, #tpu.memory_space<vmem>>
      %dma_wait3A_123 = tpu.memref_squeeze %dma_wait3A_122 : memref<1x128xi32, #tpu.memory_space<vmem>> -> memref<128xi32, #tpu.memory_space<vmem>>
      %dma_wait3A_124 = arith.constant 0 : i32
      %dma_wait3A_125 = arith.constant 0 : i32
      %dma_wait3A_126 = tpu.memref_slice %arg2[%dma_wait3A_124, %dma_wait3A_125] : memref<10240x8xf32, #tpu.memory_space<hbm>> -> memref<10240x8xf32, #tpu.memory_space<hbm>>
      tpu.wait_indirect_dma semaphore(%arg19 : memref<!tpu.dma_semaphore, #tpu.memory_space<semaphore_mem>>) src(%dma_wait3A_126 : memref<10240x8xf32, #tpu.memory_space<hbm>>) dst(%arg10 : memref<128x8xf32, #tpu.memory_space<vmem>>)
      %dma_start3A_127 = arith.constant 0 : i32
      %dma_start3A_128 = tpu.memref_slice %arg7[%add3A_120, %dma_start3A_127] : memref<80x128xi32, #tpu.memory_space<vmem>> -> memref<1x128xi32, #tpu.memory_space<vmem>>
      %dma_start3A_129 = tpu.memref_squeeze %dma_start3A_128 : memref<1x128xi32, #tpu.memory_space<vmem>> -> memref<128xi32, #tpu.memory_space<vmem>>
      %dma_start3A_130 = arith.constant 0 : i32
      %dma_start3A_131 = arith.constant 0 : i32
      %dma_start3A_132 = tpu.memref_slice %arg16[%dma_start3A_130, %dma_start3A_131] : memref<10240x8xf32, #tpu.memory_space<vmem_shared>> -> memref<10240x8xf32, #tpu.memory_space<vmem_shared>>
      tpu.enqueue_indirect_dma source(%arg10 : memref<128x8xf32, #tpu.memory_space<vmem>>) target(%dma_start3A_132 : memref<10240x8xf32, #tpu.memory_space<vmem_shared>>) offsets(%dma_start3A_129 : memref<128xi32, #tpu.memory_space<vmem>>) semaphore(%arg27 : memref<!tpu.dma_semaphore, #tpu.memory_space<semaphore_mem>>) {add = true}
      %ge3A_133 = arith.constant 2 : i32
      %ge3A_134 = arith.cmpi sge, %add3A_120, %ge3A_133 : i32
      %convert_element_type3A_135 = arith.extui %ge3A_134 : i1 to i32
      %cond3A_136 = arith.constant 0 : i32
      %cond3A_137 = arith.cmpi ne, %convert_element_type3A_135, %cond3A_136 : i32
      scf.if %cond3A_137 {
        %sub3A = arith.constant 2 : i32
        %sub3A_285 = arith.subi %add3A_120, %sub3A : i32
        %dma_wait3A_286 = arith.constant 0 : i32
        %dma_wait3A_287 = tpu.memref_slice %arg7[%sub3A_285, %dma_wait3A_286] : memref<80x128xi32, #tpu.memory_space<vmem>> -> memref<1x128xi32, #tpu.memory_space<vmem>>
        %dma_wait3A_288 = tpu.memref_squeeze %dma_wait3A_287 : memref<1x128xi32, #tpu.memory_space<vmem>> -> memref<128xi32, #tpu.memory_space<vmem>>
        %dma_wait3A_289 = arith.constant 0 : i32
        %dma_wait3A_290 = arith.constant 0 : i32
        %dma_wait3A_291 = tpu.memref_slice %arg16[%dma_wait3A_289, %dma_wait3A_290] : memref<10240x8xf32, #tpu.memory_space<vmem_shared>> -> memref<10240x8xf32, #tpu.memory_space<vmem_shared>>
        tpu.wait_indirect_dma semaphore(%arg25 : memref<!tpu.dma_semaphore, #tpu.memory_space<semaphore_mem>>) src(%arg8 : memref<128x8xf32, #tpu.memory_space<vmem>>) dst(%dma_wait3A_291 : memref<10240x8xf32, #tpu.memory_space<vmem_shared>>)
      } else {
      }
      %add3A_138 = arith.constant 6 : i32
      %add3A_139 = arith.addi %add3A_120, %add3A_138 : i32
      %lt3A_140 = arith.constant 80 : i32
      %lt3A_141 = arith.cmpi slt, %add3A_139, %lt3A_140 : i32
      %convert_element_type3A_142 = arith.extui %lt3A_141 : i1 to i32
      %cond3A_143 = arith.constant 0 : i32
      %cond3A_144 = arith.cmpi ne, %convert_element_type3A_142, %cond3A_143 : i32
      scf.if %cond3A_144 {
        %add3A_285 = arith.constant 6 : i32
        %add3A_286 = arith.addi %add3A_120, %add3A_285 : i32
        %dma_start3A_287 = arith.constant 0 : i32
        %dma_start3A_288 = tpu.memref_slice %arg6[%add3A_286, %dma_start3A_287] : memref<80x128xi32, #tpu.memory_space<vmem>> -> memref<1x128xi32, #tpu.memory_space<vmem>>
        %dma_start3A_289 = tpu.memref_squeeze %dma_start3A_288 : memref<1x128xi32, #tpu.memory_space<vmem>> -> memref<128xi32, #tpu.memory_space<vmem>>
        %dma_start3A_290 = arith.constant 0 : i32
        %dma_start3A_291 = arith.constant 0 : i32
        %dma_start3A_292 = tpu.memref_slice %arg2[%dma_start3A_290, %dma_start3A_291] : memref<10240x8xf32, #tpu.memory_space<hbm>> -> memref<10240x8xf32, #tpu.memory_space<hbm>>
        tpu.enqueue_indirect_dma source(%dma_start3A_292 : memref<10240x8xf32, #tpu.memory_space<hbm>>) target(%arg8 : memref<128x8xf32, #tpu.memory_space<vmem>>) offsets(%dma_start3A_289 : memref<128xi32, #tpu.memory_space<vmem>>) semaphore(%arg17 : memref<!tpu.dma_semaphore, #tpu.memory_space<semaphore_mem>>)
      } else {
      }
      %mul3A_145 = arith.constant 8 : i32
      %mul3A_146 = arith.muli %mul3A_145, %scan3A_64 : i32
      %add3A_147 = arith.constant 3 : i32
      %add3A_148 = arith.addi %mul3A_146, %add3A_147 : i32
      %dma_wait3A_149 = arith.constant 0 : i32
      %dma_wait3A_150 = tpu.memref_slice %arg6[%add3A_148, %dma_wait3A_149] : memref<80x128xi32, #tpu.memory_space<vmem>> -> memref<1x128xi32, #tpu.memory_space<vmem>>
      %dma_wait3A_151 = tpu.memref_squeeze %dma_wait3A_150 : memref<1x128xi32, #tpu.memory_space<vmem>> -> memref<128xi32, #tpu.memory_space<vmem>>
      %dma_wait3A_152 = arith.constant 0 : i32
      %dma_wait3A_153 = arith.constant 0 : i32
      %dma_wait3A_154 = tpu.memref_slice %arg2[%dma_wait3A_152, %dma_wait3A_153] : memref<10240x8xf32, #tpu.memory_space<hbm>> -> memref<10240x8xf32, #tpu.memory_space<hbm>>
      tpu.wait_indirect_dma semaphore(%arg20 : memref<!tpu.dma_semaphore, #tpu.memory_space<semaphore_mem>>) src(%dma_wait3A_154 : memref<10240x8xf32, #tpu.memory_space<hbm>>) dst(%arg11 : memref<128x8xf32, #tpu.memory_space<vmem>>)
      %dma_start3A_155 = arith.constant 0 : i32
      %dma_start3A_156 = tpu.memref_slice %arg7[%add3A_148, %dma_start3A_155] : memref<80x128xi32, #tpu.memory_space<vmem>> -> memref<1x128xi32, #tpu.memory_space<vmem>>
      %dma_start3A_157 = tpu.memref_squeeze %dma_start3A_156 : memref<1x128xi32, #tpu.memory_space<vmem>> -> memref<128xi32, #tpu.memory_space<vmem>>
      %dma_start3A_158 = arith.constant 0 : i32
      %dma_start3A_159 = arith.constant 0 : i32
      %dma_start3A_160 = tpu.memref_slice %arg16[%dma_start3A_158, %dma_start3A_159] : memref<10240x8xf32, #tpu.memory_space<vmem_shared>> -> memref<10240x8xf32, #tpu.memory_space<vmem_shared>>
      tpu.enqueue_indirect_dma source(%arg11 : memref<128x8xf32, #tpu.memory_space<vmem>>) target(%dma_start3A_160 : memref<10240x8xf32, #tpu.memory_space<vmem_shared>>) offsets(%dma_start3A_157 : memref<128xi32, #tpu.memory_space<vmem>>) semaphore(%arg28 : memref<!tpu.dma_semaphore, #tpu.memory_space<semaphore_mem>>) {add = true}
      %ge3A_161 = arith.constant 2 : i32
      %ge3A_162 = arith.cmpi sge, %add3A_148, %ge3A_161 : i32
      %convert_element_type3A_163 = arith.extui %ge3A_162 : i1 to i32
      %cond3A_164 = arith.constant 0 : i32
      %cond3A_165 = arith.cmpi ne, %convert_element_type3A_163, %cond3A_164 : i32
      scf.if %cond3A_165 {
        %sub3A = arith.constant 2 : i32
        %sub3A_285 = arith.subi %add3A_148, %sub3A : i32
        %dma_wait3A_286 = arith.constant 0 : i32
        %dma_wait3A_287 = tpu.memref_slice %arg7[%sub3A_285, %dma_wait3A_286] : memref<80x128xi32, #tpu.memory_space<vmem>> -> memref<1x128xi32, #tpu.memory_space<vmem>>
        %dma_wait3A_288 = tpu.memref_squeeze %dma_wait3A_287 : memref<1x128xi32, #tpu.memory_space<vmem>> -> memref<128xi32, #tpu.memory_space<vmem>>
        %dma_wait3A_289 = arith.constant 0 : i32
        %dma_wait3A_290 = arith.constant 0 : i32
        %dma_wait3A_291 = tpu.memref_slice %arg16[%dma_wait3A_289, %dma_wait3A_290] : memref<10240x8xf32, #tpu.memory_space<vmem_shared>> -> memref<10240x8xf32, #tpu.memory_space<vmem_shared>>
        tpu.wait_indirect_dma semaphore(%arg26 : memref<!tpu.dma_semaphore, #tpu.memory_space<semaphore_mem>>) src(%arg9 : memref<128x8xf32, #tpu.memory_space<vmem>>) dst(%dma_wait3A_291 : memref<10240x8xf32, #tpu.memory_space<vmem_shared>>)
      } else {
      }
      %add3A_166 = arith.constant 6 : i32
      %add3A_167 = arith.addi %add3A_148, %add3A_166 : i32
      %lt3A_168 = arith.constant 80 : i32
      %lt3A_169 = arith.cmpi slt, %add3A_167, %lt3A_168 : i32
      %convert_element_type3A_170 = arith.extui %lt3A_169 : i1 to i32
      %cond3A_171 = arith.constant 0 : i32
      %cond3A_172 = arith.cmpi ne, %convert_element_type3A_170, %cond3A_171 : i32
      scf.if %cond3A_172 {
        %add3A_285 = arith.constant 6 : i32
        %add3A_286 = arith.addi %add3A_148, %add3A_285 : i32
        %dma_start3A_287 = arith.constant 0 : i32
        %dma_start3A_288 = tpu.memref_slice %arg6[%add3A_286, %dma_start3A_287] : memref<80x128xi32, #tpu.memory_space<vmem>> -> memref<1x128xi32, #tpu.memory_space<vmem>>
        %dma_start3A_289 = tpu.memref_squeeze %dma_start3A_288 : memref<1x128xi32, #tpu.memory_space<vmem>> -> memref<128xi32, #tpu.memory_space<vmem>>
        %dma_start3A_290 = arith.constant 0 : i32
        %dma_start3A_291 = arith.constant 0 : i32
        %dma_start3A_292 = tpu.memref_slice %arg2[%dma_start3A_290, %dma_start3A_291] : memref<10240x8xf32, #tpu.memory_space<hbm>> -> memref<10240x8xf32, #tpu.memory_space<hbm>>
        tpu.enqueue_indirect_dma source(%dma_start3A_292 : memref<10240x8xf32, #tpu.memory_space<hbm>>) target(%arg9 : memref<128x8xf32, #tpu.memory_space<vmem>>) offsets(%dma_start3A_289 : memref<128xi32, #tpu.memory_space<vmem>>) semaphore(%arg18 : memref<!tpu.dma_semaphore, #tpu.memory_space<semaphore_mem>>)
      } else {
      }
      %mul3A_173 = arith.constant 8 : i32
      %mul3A_174 = arith.muli %mul3A_173, %scan3A_64 : i32
      %add3A_175 = arith.constant 4 : i32
      %add3A_176 = arith.addi %mul3A_174, %add3A_175 : i32
      %dma_wait3A_177 = arith.constant 0 : i32
      %dma_wait3A_178 = tpu.memref_slice %arg6[%add3A_176, %dma_wait3A_177] : memref<80x128xi32, #tpu.memory_space<vmem>> -> memref<1x128xi32, #tpu.memory_space<vmem>>
      %dma_wait3A_179 = tpu.memref_squeeze %dma_wait3A_178 : memref<1x128xi32, #tpu.memory_space<vmem>> -> memref<128xi32, #tpu.memory_space<vmem>>
      %dma_wait3A_180 = arith.constant 0 : i32
      %dma_wait3A_181 = arith.constant 0 : i32
      %dma_wait3A_182 = tpu.memref_slice %arg2[%dma_wait3A_180, %dma_wait3A_181] : memref<10240x8xf32, #tpu.memory_space<hbm>> -> memref<10240x8xf32, #tpu.memory_space<hbm>>
      tpu.wait_indirect_dma semaphore(%arg21 : memref<!tpu.dma_semaphore, #tpu.memory_space<semaphore_mem>>) src(%dma_wait3A_182 : memref<10240x8xf32, #tpu.memory_space<hbm>>) dst(%arg12 : memref<128x8xf32, #tpu.memory_space<vmem>>)
      %dma_start3A_183 = arith.constant 0 : i32
      %dma_start3A_184 = tpu.memref_slice %arg7[%add3A_176, %dma_start3A_183] : memref<80x128xi32, #tpu.memory_space<vmem>> -> memref<1x128xi32, #tpu.memory_space<vmem>>
      %dma_start3A_185 = tpu.memref_squeeze %dma_start3A_184 : memref<1x128xi32, #tpu.memory_space<vmem>> -> memref<128xi32, #tpu.memory_space<vmem>>
      %dma_start3A_186 = arith.constant 0 : i32
      %dma_start3A_187 = arith.constant 0 : i32
      %dma_start3A_188 = tpu.memref_slice %arg16[%dma_start3A_186, %dma_start3A_187] : memref<10240x8xf32, #tpu.memory_space<vmem_shared>> -> memref<10240x8xf32, #tpu.memory_space<vmem_shared>>
      tpu.enqueue_indirect_dma source(%arg12 : memref<128x8xf32, #tpu.memory_space<vmem>>) target(%dma_start3A_188 : memref<10240x8xf32, #tpu.memory_space<vmem_shared>>) offsets(%dma_start3A_185 : memref<128xi32, #tpu.memory_space<vmem>>) semaphore(%arg29 : memref<!tpu.dma_semaphore, #tpu.memory_space<semaphore_mem>>) {add = true}
      %ge3A_189 = arith.constant 2 : i32
      %ge3A_190 = arith.cmpi sge, %add3A_176, %ge3A_189 : i32
      %convert_element_type3A_191 = arith.extui %ge3A_190 : i1 to i32
      %cond3A_192 = arith.constant 0 : i32
      %cond3A_193 = arith.cmpi ne, %convert_element_type3A_191, %cond3A_192 : i32
      scf.if %cond3A_193 {
        %sub3A = arith.constant 2 : i32
        %sub3A_285 = arith.subi %add3A_176, %sub3A : i32
        %dma_wait3A_286 = arith.constant 0 : i32
        %dma_wait3A_287 = tpu.memref_slice %arg7[%sub3A_285, %dma_wait3A_286] : memref<80x128xi32, #tpu.memory_space<vmem>> -> memref<1x128xi32, #tpu.memory_space<vmem>>
        %dma_wait3A_288 = tpu.memref_squeeze %dma_wait3A_287 : memref<1x128xi32, #tpu.memory_space<vmem>> -> memref<128xi32, #tpu.memory_space<vmem>>
        %dma_wait3A_289 = arith.constant 0 : i32
        %dma_wait3A_290 = arith.constant 0 : i32
        %dma_wait3A_291 = tpu.memref_slice %arg16[%dma_wait3A_289, %dma_wait3A_290] : memref<10240x8xf32, #tpu.memory_space<vmem_shared>> -> memref<10240x8xf32, #tpu.memory_space<vmem_shared>>
        tpu.wait_indirect_dma semaphore(%arg27 : memref<!tpu.dma_semaphore, #tpu.memory_space<semaphore_mem>>) src(%arg10 : memref<128x8xf32, #tpu.memory_space<vmem>>) dst(%dma_wait3A_291 : memref<10240x8xf32, #tpu.memory_space<vmem_shared>>)
      } else {
      }
      %add3A_194 = arith.constant 6 : i32
      %add3A_195 = arith.addi %add3A_176, %add3A_194 : i32
      %lt3A_196 = arith.constant 80 : i32
      %lt3A_197 = arith.cmpi slt, %add3A_195, %lt3A_196 : i32
      %convert_element_type3A_198 = arith.extui %lt3A_197 : i1 to i32
      %cond3A_199 = arith.constant 0 : i32
      %cond3A_200 = arith.cmpi ne, %convert_element_type3A_198, %cond3A_199 : i32
      scf.if %cond3A_200 {
        %add3A_285 = arith.constant 6 : i32
        %add3A_286 = arith.addi %add3A_176, %add3A_285 : i32
        %dma_start3A_287 = arith.constant 0 : i32
        %dma_start3A_288 = tpu.memref_slice %arg6[%add3A_286, %dma_start3A_287] : memref<80x128xi32, #tpu.memory_space<vmem>> -> memref<1x128xi32, #tpu.memory_space<vmem>>
        %dma_start3A_289 = tpu.memref_squeeze %dma_start3A_288 : memref<1x128xi32, #tpu.memory_space<vmem>> -> memref<128xi32, #tpu.memory_space<vmem>>
        %dma_start3A_290 = arith.constant 0 : i32
        %dma_start3A_291 = arith.constant 0 : i32
        %dma_start3A_292 = tpu.memref_slice %arg2[%dma_start3A_290, %dma_start3A_291] : memref<10240x8xf32, #tpu.memory_space<hbm>> -> memref<10240x8xf32, #tpu.memory_space<hbm>>
        tpu.enqueue_indirect_dma source(%dma_start3A_292 : memref<10240x8xf32, #tpu.memory_space<hbm>>) target(%arg10 : memref<128x8xf32, #tpu.memory_space<vmem>>) offsets(%dma_start3A_289 : memref<128xi32, #tpu.memory_space<vmem>>) semaphore(%arg19 : memref<!tpu.dma_semaphore, #tpu.memory_space<semaphore_mem>>)
      } else {
      }
      %mul3A_201 = arith.constant 8 : i32
      %mul3A_202 = arith.muli %mul3A_201, %scan3A_64 : i32
      %add3A_203 = arith.constant 5 : i32
      %add3A_204 = arith.addi %mul3A_202, %add3A_203 : i32
      %dma_wait3A_205 = arith.constant 0 : i32
      %dma_wait3A_206 = tpu.memref_slice %arg6[%add3A_204, %dma_wait3A_205] : memref<80x128xi32, #tpu.memory_space<vmem>> -> memref<1x128xi32, #tpu.memory_space<vmem>>
      %dma_wait3A_207 = tpu.memref_squeeze %dma_wait3A_206 : memref<1x128xi32, #tpu.memory_space<vmem>> -> memref<128xi32, #tpu.memory_space<vmem>>
      %dma_wait3A_208 = arith.constant 0 : i32
      %dma_wait3A_209 = arith.constant 0 : i32
      %dma_wait3A_210 = tpu.memref_slice %arg2[%dma_wait3A_208, %dma_wait3A_209] : memref<10240x8xf32, #tpu.memory_space<hbm>> -> memref<10240x8xf32, #tpu.memory_space<hbm>>
      tpu.wait_indirect_dma semaphore(%arg22 : memref<!tpu.dma_semaphore, #tpu.memory_space<semaphore_mem>>) src(%dma_wait3A_210 : memref<10240x8xf32, #tpu.memory_space<hbm>>) dst(%arg13 : memref<128x8xf32, #tpu.memory_space<vmem>>)
      %dma_start3A_211 = arith.constant 0 : i32
      %dma_start3A_212 = tpu.memref_slice %arg7[%add3A_204, %dma_start3A_211] : memref<80x128xi32, #tpu.memory_space<vmem>> -> memref<1x128xi32, #tpu.memory_space<vmem>>
      %dma_start3A_213 = tpu.memref_squeeze %dma_start3A_212 : memref<1x128xi32, #tpu.memory_space<vmem>> -> memref<128xi32, #tpu.memory_space<vmem>>
      %dma_start3A_214 = arith.constant 0 : i32
      %dma_start3A_215 = arith.constant 0 : i32
      %dma_start3A_216 = tpu.memref_slice %arg16[%dma_start3A_214, %dma_start3A_215] : memref<10240x8xf32, #tpu.memory_space<vmem_shared>> -> memref<10240x8xf32, #tpu.memory_space<vmem_shared>>
      tpu.enqueue_indirect_dma source(%arg13 : memref<128x8xf32, #tpu.memory_space<vmem>>) target(%dma_start3A_216 : memref<10240x8xf32, #tpu.memory_space<vmem_shared>>) offsets(%dma_start3A_213 : memref<128xi32, #tpu.memory_space<vmem>>) semaphore(%arg30 : memref<!tpu.dma_semaphore, #tpu.memory_space<semaphore_mem>>) {add = true}
      %ge3A_217 = arith.constant 2 : i32
      %ge3A_218 = arith.cmpi sge, %add3A_204, %ge3A_217 : i32
      %convert_element_type3A_219 = arith.extui %ge3A_218 : i1 to i32
      %cond3A_220 = arith.constant 0 : i32
      %cond3A_221 = arith.cmpi ne, %convert_element_type3A_219, %cond3A_220 : i32
      scf.if %cond3A_221 {
        %sub3A = arith.constant 2 : i32
        %sub3A_285 = arith.subi %add3A_204, %sub3A : i32
        %dma_wait3A_286 = arith.constant 0 : i32
        %dma_wait3A_287 = tpu.memref_slice %arg7[%sub3A_285, %dma_wait3A_286] : memref<80x128xi32, #tpu.memory_space<vmem>> -> memref<1x128xi32, #tpu.memory_space<vmem>>
        %dma_wait3A_288 = tpu.memref_squeeze %dma_wait3A_287 : memref<1x128xi32, #tpu.memory_space<vmem>> -> memref<128xi32, #tpu.memory_space<vmem>>
        %dma_wait3A_289 = arith.constant 0 : i32
        %dma_wait3A_290 = arith.constant 0 : i32
        %dma_wait3A_291 = tpu.memref_slice %arg16[%dma_wait3A_289, %dma_wait3A_290] : memref<10240x8xf32, #tpu.memory_space<vmem_shared>> -> memref<10240x8xf32, #tpu.memory_space<vmem_shared>>
        tpu.wait_indirect_dma semaphore(%arg28 : memref<!tpu.dma_semaphore, #tpu.memory_space<semaphore_mem>>) src(%arg11 : memref<128x8xf32, #tpu.memory_space<vmem>>) dst(%dma_wait3A_291 : memref<10240x8xf32, #tpu.memory_space<vmem_shared>>)
      } else {
      }
      %add3A_222 = arith.constant 6 : i32
      %add3A_223 = arith.addi %add3A_204, %add3A_222 : i32
      %lt3A_224 = arith.constant 80 : i32
      %lt3A_225 = arith.cmpi slt, %add3A_223, %lt3A_224 : i32
      %convert_element_type3A_226 = arith.extui %lt3A_225 : i1 to i32
      %cond3A_227 = arith.constant 0 : i32
      %cond3A_228 = arith.cmpi ne, %convert_element_type3A_226, %cond3A_227 : i32
      scf.if %cond3A_228 {
        %add3A_285 = arith.constant 6 : i32
        %add3A_286 = arith.addi %add3A_204, %add3A_285 : i32
        %dma_start3A_287 = arith.constant 0 : i32
        %dma_start3A_288 = tpu.memref_slice %arg6[%add3A_286, %dma_start3A_287] : memref<80x128xi32, #tpu.memory_space<vmem>> -> memref<1x128xi32, #tpu.memory_space<vmem>>
        %dma_start3A_289 = tpu.memref_squeeze %dma_start3A_288 : memref<1x128xi32, #tpu.memory_space<vmem>> -> memref<128xi32, #tpu.memory_space<vmem>>
        %dma_start3A_290 = arith.constant 0 : i32
        %dma_start3A_291 = arith.constant 0 : i32
        %dma_start3A_292 = tpu.memref_slice %arg2[%dma_start3A_290, %dma_start3A_291] : memref<10240x8xf32, #tpu.memory_space<hbm>> -> memref<10240x8xf32, #tpu.memory_space<hbm>>
        tpu.enqueue_indirect_dma source(%dma_start3A_292 : memref<10240x8xf32, #tpu.memory_space<hbm>>) target(%arg11 : memref<128x8xf32, #tpu.memory_space<vmem>>) offsets(%dma_start3A_289 : memref<128xi32, #tpu.memory_space<vmem>>) semaphore(%arg20 : memref<!tpu.dma_semaphore, #tpu.memory_space<semaphore_mem>>)
      } else {
      }
      %mul3A_229 = arith.constant 8 : i32
      %mul3A_230 = arith.muli %mul3A_229, %scan3A_64 : i32
      %add3A_231 = arith.constant 6 : i32
      %add3A_232 = arith.addi %mul3A_230, %add3A_231 : i32
      %dma_wait3A_233 = arith.constant 0 : i32
      %dma_wait3A_234 = tpu.memref_slice %arg6[%add3A_232, %dma_wait3A_233] : memref<80x128xi32, #tpu.memory_space<vmem>> -> memref<1x128xi32, #tpu.memory_space<vmem>>
      %dma_wait3A_235 = tpu.memref_squeeze %dma_wait3A_234 : memref<1x128xi32, #tpu.memory_space<vmem>> -> memref<128xi32, #tpu.memory_space<vmem>>
      %dma_wait3A_236 = arith.constant 0 : i32
      %dma_wait3A_237 = arith.constant 0 : i32
      %dma_wait3A_238 = tpu.memref_slice %arg2[%dma_wait3A_236, %dma_wait3A_237] : memref<10240x8xf32, #tpu.memory_space<hbm>> -> memref<10240x8xf32, #tpu.memory_space<hbm>>
      tpu.wait_indirect_dma semaphore(%arg23 : memref<!tpu.dma_semaphore, #tpu.memory_space<semaphore_mem>>) src(%dma_wait3A_238 : memref<10240x8xf32, #tpu.memory_space<hbm>>) dst(%arg14 : memref<128x8xf32, #tpu.memory_space<vmem>>)
      %dma_start3A_239 = arith.constant 0 : i32
      %dma_start3A_240 = tpu.memref_slice %arg7[%add3A_232, %dma_start3A_239] : memref<80x128xi32, #tpu.memory_space<vmem>> -> memref<1x128xi32, #tpu.memory_space<vmem>>
      %dma_start3A_241 = tpu.memref_squeeze %dma_start3A_240 : memref<1x128xi32, #tpu.memory_space<vmem>> -> memref<128xi32, #tpu.memory_space<vmem>>
      %dma_start3A_242 = arith.constant 0 : i32
      %dma_start3A_243 = arith.constant 0 : i32
      %dma_start3A_244 = tpu.memref_slice %arg16[%dma_start3A_242, %dma_start3A_243] : memref<10240x8xf32, #tpu.memory_space<vmem_shared>> -> memref<10240x8xf32, #tpu.memory_space<vmem_shared>>
      tpu.enqueue_indirect_dma source(%arg14 : memref<128x8xf32, #tpu.memory_space<vmem>>) target(%dma_start3A_244 : memref<10240x8xf32, #tpu.memory_space<vmem_shared>>) offsets(%dma_start3A_241 : memref<128xi32, #tpu.memory_space<vmem>>) semaphore(%arg31 : memref<!tpu.dma_semaphore, #tpu.memory_space<semaphore_mem>>) {add = true}
      %ge3A_245 = arith.constant 2 : i32
      %ge3A_246 = arith.cmpi sge, %add3A_232, %ge3A_245 : i32
      %convert_element_type3A_247 = arith.extui %ge3A_246 : i1 to i32
      %cond3A_248 = arith.constant 0 : i32
      %cond3A_249 = arith.cmpi ne, %convert_element_type3A_247, %cond3A_248 : i32
      scf.if %cond3A_249 {
        %sub3A = arith.constant 2 : i32
        %sub3A_285 = arith.subi %add3A_232, %sub3A : i32
        %dma_wait3A_286 = arith.constant 0 : i32
        %dma_wait3A_287 = tpu.memref_slice %arg7[%sub3A_285, %dma_wait3A_286] : memref<80x128xi32, #tpu.memory_space<vmem>> -> memref<1x128xi32, #tpu.memory_space<vmem>>
        %dma_wait3A_288 = tpu.memref_squeeze %dma_wait3A_287 : memref<1x128xi32, #tpu.memory_space<vmem>> -> memref<128xi32, #tpu.memory_space<vmem>>
        %dma_wait3A_289 = arith.constant 0 : i32
        %dma_wait3A_290 = arith.constant 0 : i32
        %dma_wait3A_291 = tpu.memref_slice %arg16[%dma_wait3A_289, %dma_wait3A_290] : memref<10240x8xf32, #tpu.memory_space<vmem_shared>> -> memref<10240x8xf32, #tpu.memory_space<vmem_shared>>
        tpu.wait_indirect_dma semaphore(%arg29 : memref<!tpu.dma_semaphore, #tpu.memory_space<semaphore_mem>>) src(%arg12 : memref<128x8xf32, #tpu.memory_space<vmem>>) dst(%dma_wait3A_291 : memref<10240x8xf32, #tpu.memory_space<vmem_shared>>)
      } else {
      }
      %add3A_250 = arith.constant 6 : i32
      %add3A_251 = arith.addi %add3A_232, %add3A_250 : i32
      %lt3A_252 = arith.constant 80 : i32
      %lt3A_253 = arith.cmpi slt, %add3A_251, %lt3A_252 : i32
      %convert_element_type3A_254 = arith.extui %lt3A_253 : i1 to i32
      %cond3A_255 = arith.constant 0 : i32
      %cond3A_256 = arith.cmpi ne, %convert_element_type3A_254, %cond3A_255 : i32
      scf.if %cond3A_256 {
        %add3A_285 = arith.constant 6 : i32
        %add3A_286 = arith.addi %add3A_232, %add3A_285 : i32
        %dma_start3A_287 = arith.constant 0 : i32
        %dma_start3A_288 = tpu.memref_slice %arg6[%add3A_286, %dma_start3A_287] : memref<80x128xi32, #tpu.memory_space<vmem>> -> memref<1x128xi32, #tpu.memory_space<vmem>>
        %dma_start3A_289 = tpu.memref_squeeze %dma_start3A_288 : memref<1x128xi32, #tpu.memory_space<vmem>> -> memref<128xi32, #tpu.memory_space<vmem>>
        %dma_start3A_290 = arith.constant 0 : i32
        %dma_start3A_291 = arith.constant 0 : i32
        %dma_start3A_292 = tpu.memref_slice %arg2[%dma_start3A_290, %dma_start3A_291] : memref<10240x8xf32, #tpu.memory_space<hbm>> -> memref<10240x8xf32, #tpu.memory_space<hbm>>
        tpu.enqueue_indirect_dma source(%dma_start3A_292 : memref<10240x8xf32, #tpu.memory_space<hbm>>) target(%arg12 : memref<128x8xf32, #tpu.memory_space<vmem>>) offsets(%dma_start3A_289 : memref<128xi32, #tpu.memory_space<vmem>>) semaphore(%arg21 : memref<!tpu.dma_semaphore, #tpu.memory_space<semaphore_mem>>)
      } else {
      }
      %mul3A_257 = arith.constant 8 : i32
      %mul3A_258 = arith.muli %mul3A_257, %scan3A_64 : i32
      %add3A_259 = arith.constant 7 : i32
      %add3A_260 = arith.addi %mul3A_258, %add3A_259 : i32
      %dma_wait3A_261 = arith.constant 0 : i32
      %dma_wait3A_262 = tpu.memref_slice %arg6[%add3A_260, %dma_wait3A_261] : memref<80x128xi32, #tpu.memory_space<vmem>> -> memref<1x128xi32, #tpu.memory_space<vmem>>
      %dma_wait3A_263 = tpu.memref_squeeze %dma_wait3A_262 : memref<1x128xi32, #tpu.memory_space<vmem>> -> memref<128xi32, #tpu.memory_space<vmem>>
      %dma_wait3A_264 = arith.constant 0 : i32
      %dma_wait3A_265 = arith.constant 0 : i32
      %dma_wait3A_266 = tpu.memref_slice %arg2[%dma_wait3A_264, %dma_wait3A_265] : memref<10240x8xf32, #tpu.memory_space<hbm>> -> memref<10240x8xf32, #tpu.memory_space<hbm>>
      tpu.wait_indirect_dma semaphore(%arg24 : memref<!tpu.dma_semaphore, #tpu.memory_space<semaphore_mem>>) src(%dma_wait3A_266 : memref<10240x8xf32, #tpu.memory_space<hbm>>) dst(%arg15 : memref<128x8xf32, #tpu.memory_space<vmem>>)
      %dma_start3A_267 = arith.constant 0 : i32
      %dma_start3A_268 = tpu.memref_slice %arg7[%add3A_260, %dma_start3A_267] : memref<80x128xi32, #tpu.memory_space<vmem>> -> memref<1x128xi32, #tpu.memory_space<vmem>>
      %dma_start3A_269 = tpu.memref_squeeze %dma_start3A_268 : memref<1x128xi32, #tpu.memory_space<vmem>> -> memref<128xi32, #tpu.memory_space<vmem>>
      %dma_start3A_270 = arith.constant 0 : i32
      %dma_start3A_271 = arith.constant 0 : i32
      %dma_start3A_272 = tpu.memref_slice %arg16[%dma_start3A_270, %dma_start3A_271] : memref<10240x8xf32, #tpu.memory_space<vmem_shared>> -> memref<10240x8xf32, #tpu.memory_space<vmem_shared>>
      tpu.enqueue_indirect_dma source(%arg15 : memref<128x8xf32, #tpu.memory_space<vmem>>) target(%dma_start3A_272 : memref<10240x8xf32, #tpu.memory_space<vmem_shared>>) offsets(%dma_start3A_269 : memref<128xi32, #tpu.memory_space<vmem>>) semaphore(%arg32 : memref<!tpu.dma_semaphore, #tpu.memory_space<semaphore_mem>>) {add = true}
      %ge3A_273 = arith.constant 2 : i32
      %ge3A_274 = arith.cmpi sge, %add3A_260, %ge3A_273 : i32
      %convert_element_type3A_275 = arith.extui %ge3A_274 : i1 to i32
      %cond3A_276 = arith.constant 0 : i32
      %cond3A_277 = arith.cmpi ne, %convert_element_type3A_275, %cond3A_276 : i32
      scf.if %cond3A_277 {
        %sub3A = arith.constant 2 : i32
        %sub3A_285 = arith.subi %add3A_260, %sub3A : i32
        %dma_wait3A_286 = arith.constant 0 : i32
        %dma_wait3A_287 = tpu.memref_slice %arg7[%sub3A_285, %dma_wait3A_286] : memref<80x128xi32, #tpu.memory_space<vmem>> -> memref<1x128xi32, #tpu.memory_space<vmem>>
        %dma_wait3A_288 = tpu.memref_squeeze %dma_wait3A_287 : memref<1x128xi32, #tpu.memory_space<vmem>> -> memref<128xi32, #tpu.memory_space<vmem>>
        %dma_wait3A_289 = arith.constant 0 : i32
        %dma_wait3A_290 = arith.constant 0 : i32
        %dma_wait3A_291 = tpu.memref_slice %arg16[%dma_wait3A_289, %dma_wait3A_290] : memref<10240x8xf32, #tpu.memory_space<vmem_shared>> -> memref<10240x8xf32, #tpu.memory_space<vmem_shared>>
        tpu.wait_indirect_dma semaphore(%arg30 : memref<!tpu.dma_semaphore, #tpu.memory_space<semaphore_mem>>) src(%arg13 : memref<128x8xf32, #tpu.memory_space<vmem>>) dst(%dma_wait3A_291 : memref<10240x8xf32, #tpu.memory_space<vmem_shared>>)
      } else {
      }
      %add3A_278 = arith.constant 6 : i32
      %add3A_279 = arith.addi %add3A_260, %add3A_278 : i32
      %lt3A_280 = arith.constant 80 : i32
      %lt3A_281 = arith.cmpi slt, %add3A_279, %lt3A_280 : i32
      %convert_element_type3A_282 = arith.extui %lt3A_281 : i1 to i32
      %cond3A_283 = arith.constant 0 : i32
      %cond3A_284 = arith.cmpi ne, %convert_element_type3A_282, %cond3A_283 : i32
      scf.if %cond3A_284 {
        %add3A_285 = arith.constant 6 : i32
        %add3A_286 = arith.addi %add3A_260, %add3A_285 : i32
        %dma_start3A_287 = arith.constant 0 : i32
        %dma_start3A_288 = tpu.memref_slice %arg6[%add3A_286, %dma_start3A_287] : memref<80x128xi32, #tpu.memory_space<vmem>> -> memref<1x128xi32, #tpu.memory_space<vmem>>
        %dma_start3A_289 = tpu.memref_squeeze %dma_start3A_288 : memref<1x128xi32, #tpu.memory_space<vmem>> -> memref<128xi32, #tpu.memory_space<vmem>>
        %dma_start3A_290 = arith.constant 0 : i32
        %dma_start3A_291 = arith.constant 0 : i32
        %dma_start3A_292 = tpu.memref_slice %arg2[%dma_start3A_290, %dma_start3A_291] : memref<10240x8xf32, #tpu.memory_space<hbm>> -> memref<10240x8xf32, #tpu.memory_space<hbm>>
        tpu.enqueue_indirect_dma source(%dma_start3A_292 : memref<10240x8xf32, #tpu.memory_space<hbm>>) target(%arg13 : memref<128x8xf32, #tpu.memory_space<vmem>>) offsets(%dma_start3A_289 : memref<128xi32, #tpu.memory_space<vmem>>) semaphore(%arg22 : memref<!tpu.dma_semaphore, #tpu.memory_space<semaphore_mem>>)
      } else {
      }
    }
    %scan3A_49 = arith.constant 10 : i32
    %dma_wait3A = arith.constant 78 : i32
    %dma_wait3A_50 = arith.constant 0 : i32
    %dma_wait3A_51 = tpu.memref_slice %arg7[%dma_wait3A, %dma_wait3A_50] : memref<80x128xi32, #tpu.memory_space<vmem>> -> memref<1x128xi32, #tpu.memory_space<vmem>>
    %dma_wait3A_52 = tpu.memref_squeeze %dma_wait3A_51 : memref<1x128xi32, #tpu.memory_space<vmem>> -> memref<128xi32, #tpu.memory_space<vmem>>
    %dma_wait3A_53 = arith.constant 0 : i32
    %dma_wait3A_54 = arith.constant 0 : i32
    %dma_wait3A_55 = tpu.memref_slice %arg16[%dma_wait3A_53, %dma_wait3A_54] : memref<10240x8xf32, #tpu.memory_space<vmem_shared>> -> memref<10240x8xf32, #tpu.memory_space<vmem_shared>>
    tpu.wait_indirect_dma semaphore(%arg31 : memref<!tpu.dma_semaphore, #tpu.memory_space<semaphore_mem>>) src(%arg14 : memref<128x8xf32, #tpu.memory_space<vmem>>) dst(%dma_wait3A_55 : memref<10240x8xf32, #tpu.memory_space<vmem_shared>>)
    %dma_wait3A_56 = arith.constant 79 : i32
    %dma_wait3A_57 = arith.constant 0 : i32
    %dma_wait3A_58 = tpu.memref_slice %arg7[%dma_wait3A_56, %dma_wait3A_57] : memref<80x128xi32, #tpu.memory_space<vmem>> -> memref<1x128xi32, #tpu.memory_space<vmem>>
    %dma_wait3A_59 = tpu.memref_squeeze %dma_wait3A_58 : memref<1x128xi32, #tpu.memory_space<vmem>> -> memref<128xi32, #tpu.memory_space<vmem>>
    %dma_wait3A_60 = arith.constant 0 : i32
    %dma_wait3A_61 = arith.constant 0 : i32
    %dma_wait3A_62 = tpu.memref_slice %arg16[%dma_wait3A_60, %dma_wait3A_61] : memref<10240x8xf32, #tpu.memory_space<vmem_shared>> -> memref<10240x8xf32, #tpu.memory_space<vmem_shared>>
    tpu.wait_indirect_dma semaphore(%arg32 : memref<!tpu.dma_semaphore, #tpu.memory_space<semaphore_mem>>) src(%arg15 : memref<128x8xf32, #tpu.memory_space<vmem>>) dst(%dma_wait3A_62 : memref<10240x8xf32, #tpu.memory_space<vmem_shared>>)
    %barrier3A_63 = arith.constant 0 : index
    tpu.barrier barrier_id(%barrier3A_63)
    "tpu.region"() ({
      %run_scoped3A_64 = tpu.sem_alloc : memref<!tpu.dma_semaphore, #tpu.memory_space<semaphore_mem>>
      %dma_start3A_65 = arith.constant 0 : i32
      %dma_start3A_66 = tpu.memref_slice %arg5[%arg0, %mul3A_2, %dma_start3A_65] : memref<2x10240x8xf32, #tpu.memory_space<hbm>> -> memref<1x640x8xf32, #tpu.memory_space<hbm>>
      %dma_start3A_67 = tpu.memref_squeeze %dma_start3A_66 : memref<1x640x8xf32, #tpu.memory_space<hbm>> -> memref<640x8xf32, #tpu.memory_space<hbm>>
      %dma_start3A_68 = arith.constant 0 : i32
      %dma_start3A_69 = tpu.memref_slice %arg16[%mul3A_2, %dma_start3A_68] : memref<10240x8xf32, #tpu.memory_space<vmem_shared>> -> memref<640x8xf32, #tpu.memory_space<vmem_shared>>
      tpu.enqueue_dma source(%dma_start3A_69 : memref<640x8xf32, #tpu.memory_space<vmem_shared>>) target(%dma_start3A_67 : memref<640x8xf32, #tpu.memory_space<hbm>>) target_semaphore(%run_scoped3A_64 : memref<!tpu.dma_semaphore, #tpu.memory_space<semaphore_mem>>)
      %dma_wait3A_70 = arith.constant 0 : i32
      %dma_wait3A_71 = tpu.memref_slice %arg5[%arg0, %mul3A_2, %dma_wait3A_70] : memref<2x10240x8xf32, #tpu.memory_space<hbm>> -> memref<1x640x8xf32, #tpu.memory_space<hbm>>
      %dma_wait3A_72 = tpu.memref_squeeze %dma_wait3A_71 : memref<1x640x8xf32, #tpu.memory_space<hbm>> -> memref<640x8xf32, #tpu.memory_space<hbm>>
      %dma_wait3A_73 = arith.constant 0 : i32
      %dma_wait3A_74 = tpu.memref_slice %arg16[%mul3A_2, %dma_wait3A_73] : memref<10240x8xf32, #tpu.memory_space<vmem_shared>> -> memref<640x8xf32, #tpu.memory_space<vmem_shared>>
      tpu.wait_dma2 semaphore(%run_scoped3A_64 : memref<!tpu.dma_semaphore, #tpu.memory_space<semaphore_mem>>) src(%dma_wait3A_74 : memref<640x8xf32, #tpu.memory_space<vmem_shared>>) dst(%dma_wait3A_72 : memref<640x8xf32, #tpu.memory_space<hbm>>)
      tpu.yield
    }) : () -> ()
    return
  }
}

#map = affine_map<(d0, d1) -> (0, 0)>
#map1 = affine_map<(d0, d1) -> (0, 0, 0, 0)>
#map2 = affine_map<(d0, d1) -> (0, 0, 0)>
module attributes {stable_mosaic.version = 14 : i64} {
  func.func @_layer1_kernel(%arg0: i32, %arg1: i32, %arg2: memref<10240x32xf32, #tpu.memory_space<hbm>>, %arg3: memref<2x32x80x128xi32, #tpu.memory_space<hbm>>, %arg4: memref<2x10240xf32, #tpu.memory_space<hbm>>, %arg5: memref<2x10240x32xf32, #tpu.memory_space<hbm>>, %arg6: memref<10240x32xf32, #tpu.memory_space<hbm>>, %arg7: memref<10240x32xf32, #tpu.memory_space<hbm>>, %arg8: memref<5120x16xf32, #tpu.memory_space<hbm>>, %arg9: memref<80x128xi32, #tpu.memory_space<vmem>>, %arg10: memref<80x128xi32, #tpu.memory_space<vmem>>, %arg11: memref<128x32xf32, #tpu.memory_space<vmem>>, %arg12: memref<128x32xf32, #tpu.memory_space<vmem>>, %arg13: memref<128x32xf32, #tpu.memory_space<vmem>>, %arg14: memref<128x32xf32, #tpu.memory_space<vmem>>, %arg15: memref<128x32xf32, #tpu.memory_space<vmem>>, %arg16: memref<128x32xf32, #tpu.memory_space<vmem>>, %arg17: memref<128x32xf32, #tpu.memory_space<vmem>>, %arg18: memref<128x32xf32, #tpu.memory_space<vmem>>, %arg19: memref<640x32xf32, #tpu.memory_space<vmem>>, %arg20: memref<640xf32, #tpu.memory_space<vmem>>, %arg21: memref<640xf32, #tpu.memory_space<vmem>>, %arg22: memref<640xf32, #tpu.memory_space<vmem>>, %arg23: memref<640x32xf32, #tpu.memory_space<vmem>>, %arg24: memref<320x16xf32, #tpu.memory_space<vmem>>, %arg25: memref<10240x32xf32, #tpu.memory_space<vmem_shared>>, %arg26: memref<!tpu.dma_semaphore, #tpu.memory_space<semaphore_mem>>, %arg27: memref<!tpu.dma_semaphore, #tpu.memory_space<semaphore_mem>>, %arg28: memref<!tpu.dma_semaphore, #tpu.memory_space<semaphore_mem>>, %arg29: memref<!tpu.dma_semaphore, #tpu.memory_space<semaphore_mem>>, %arg30: memref<!tpu.dma_semaphore, #tpu.memory_space<semaphore_mem>>, %arg31: memref<!tpu.dma_semaphore, #tpu.memory_space<semaphore_mem>>, %arg32: memref<!tpu.dma_semaphore, #tpu.memory_space<semaphore_mem>>, %arg33: memref<!tpu.dma_semaphore, #tpu.memory_space<semaphore_mem>>, %arg34: memref<!tpu.dma_semaphore, #tpu.memory_space<semaphore_mem>>, %arg35: memref<!tpu.dma_semaphore, #tpu.memory_space<semaphore_mem>>, %arg36: memref<!tpu.dma_semaphore, #tpu.memory_space<semaphore_mem>>, %arg37: memref<!tpu.dma_semaphore, #tpu.memory_space<semaphore_mem>>, %arg38: memref<!tpu.dma_semaphore, #tpu.memory_space<semaphore_mem>>, %arg39: memref<!tpu.dma_semaphore, #tpu.memory_space<semaphore_mem>>, %arg40: memref<!tpu.dma_semaphore, #tpu.memory_space<semaphore_mem>>, %arg41: memref<!tpu.dma_semaphore, #tpu.memory_space<semaphore_mem>>) attributes {dimension_semantics = [#tpu.dimension_semantics<core_parallel>, #tpu.dimension_semantics<subcore_parallel>], iteration_bounds = array<i64: 2, 16>, scalar_prefetch = 0 : i64, scratch_operands = 33 : i64, tpu.core_type = #tpu.core_type<sc_vector_subcore>, window_params = [{transform_indices = #map}, {transform_indices = #map1}, {transform_indices = #map}, {transform_indices = #map2}, {transform_indices = #map}, {transform_indices = #map}, {transform_indices = #map}]} {
    %mul3A = arith.constant 2 : i32
    %mul3A_0 = arith.muli %arg1, %mul3A : i32
    %add3A = arith.addi %mul3A_0, %arg0 : i32
    %mul3A_1 = arith.constant 640 : i32
    %mul3A_2 = arith.muli %arg1, %mul3A_1 : i32
    %broadcast_in_dim3A = arith.constant 0.000000e+00 : f32
    %broadcast_in_dim3A_3 = vector.broadcast %broadcast_in_dim3A : f32 to vector<16xf32>
    %scan3A = arith.constant 0 : i32
    %scan3A_4 = arith.constant 0 : i32
    %scan3A_5 = arith.constant 640 : i32
    %scan3A_6 = arith.addi %scan3A_4, %scan3A_5 : i32
    %scan3A_7 = arith.constant 1 : i32
    scf.for %scan3A_1886 = %scan3A_4 to %scan3A_6 step %scan3A_7  : i32 {
      %swap3A_1887 = arith.index_cast %scan3A_1886 : i32 to index
      %swap3A_1888 = arith.constant 0 : index
      %swap3A_1889 = tpu.vector_load %arg19[%swap3A_1887, %swap3A_1888] {strides = array<i32>} : memref<640x32xf32, #tpu.memory_space<vmem>>, vector<16xf32>,
      tpu.vector_store %arg19[%swap3A_1887, %swap3A_1888], %broadcast_in_dim3A_3 {strides = array<i32>} : memref<640x32xf32, #tpu.memory_space<vmem>>, vector<16xf32>,
      %swap3A_1890 = arith.index_cast %scan3A_1886 : i32 to index
      %swap3A_1891 = arith.constant 16 : index
      %swap3A_1892 = tpu.vector_load %arg19[%swap3A_1890, %swap3A_1891] {strides = array<i32>} : memref<640x32xf32, #tpu.memory_space<vmem>>, vector<16xf32>,
      tpu.vector_store %arg19[%swap3A_1890, %swap3A_1891], %broadcast_in_dim3A_3 {strides = array<i32>} : memref<640x32xf32, #tpu.memory_space<vmem>>, vector<16xf32>,
    }
    %scan3A_8 = arith.constant 640 : i32
    "tpu.region"() ({
      %run_scoped3A_1886 = tpu.sem_alloc : memref<!tpu.dma_semaphore, #tpu.memory_space<semaphore_mem>>
      %dma_start3A_1887 = arith.constant 0 : i32
      %dma_start3A_1888 = tpu.memref_slice %arg25[%mul3A_2, %dma_start3A_1887] : memref<10240x32xf32, #tpu.memory_space<vmem_shared>> -> memref<640x32xf32, #tpu.memory_space<vmem_shared>>
      %dma_start3A_1889 = arith.constant 0 : i32
      %dma_start3A_1890 = tpu.memref_slice %arg25[%mul3A_2, %dma_start3A_1889] : memref<10240x32xf32, #tpu.memory_space<vmem_shared>> -> memref<640x32xf32, #tpu.memory_space<vmem_shared>>
      tpu.enqueue_dma source(%arg19 : memref<640x32xf32, #tpu.memory_space<vmem>>) target(%dma_start3A_1890 : memref<640x32xf32, #tpu.memory_space<vmem_shared>>) target_semaphore(%run_scoped3A_1886 : memref<!tpu.dma_semaphore, #tpu.memory_space<semaphore_mem>>)
      %dma_wait3A_1891 = arith.constant 0 : i32
      %dma_wait3A_1892 = tpu.memref_slice %arg25[%mul3A_2, %dma_wait3A_1891] : memref<10240x32xf32, #tpu.memory_space<vmem_shared>> -> memref<640x32xf32, #tpu.memory_space<vmem_shared>>
      %dma_wait3A_1893 = arith.constant 0 : i32
      %dma_wait3A_1894 = tpu.memref_slice %arg25[%mul3A_2, %dma_wait3A_1893] : memref<10240x32xf32, #tpu.memory_space<vmem_shared>> -> memref<640x32xf32, #tpu.memory_space<vmem_shared>>
      tpu.wait_dma2 semaphore(%run_scoped3A_1886 : memref<!tpu.dma_semaphore, #tpu.memory_space<semaphore_mem>>) src(%arg19 : memref<640x32xf32, #tpu.memory_space<vmem>>) dst(%dma_wait3A_1894 : memref<640x32xf32, #tpu.memory_space<vmem_shared>>)
      tpu.yield
    }) : () -> ()
    %run_scoped3A = arith.constant 0 : i32
    "tpu.region"() ({
      %run_scoped3A_1886 = tpu.sem_alloc : memref<!tpu.dma_semaphore, #tpu.memory_space<semaphore_mem>>
      %dma_start3A_1887 = arith.constant 0 : i32
      %dma_start3A_1888 = arith.constant 0 : i32
      %dma_start3A_1889 = tpu.memref_slice %arg3[%run_scoped3A, %add3A, %dma_start3A_1887, %dma_start3A_1888] : memref<2x32x80x128xi32, #tpu.memory_space<hbm>> -> memref<1x1x80x128xi32, #tpu.memory_space<hbm>>
      %dma_start3A_1890 = tpu.memref_squeeze %dma_start3A_1889 : memref<1x1x80x128xi32, #tpu.memory_space<hbm>> -> memref<80x128xi32, #tpu.memory_space<hbm>>
      %dma_start3A_1891 = arith.constant 0 : i32
      %dma_start3A_1892 = arith.constant 0 : i32
      %dma_start3A_1893 = tpu.memref_slice %arg3[%run_scoped3A, %add3A, %dma_start3A_1891, %dma_start3A_1892] : memref<2x32x80x128xi32, #tpu.memory_space<hbm>> -> memref<1x1x80x128xi32, #tpu.memory_space<hbm>>
      %dma_start3A_1894 = tpu.memref_squeeze %dma_start3A_1893 : memref<1x1x80x128xi32, #tpu.memory_space<hbm>> -> memref<80x128xi32, #tpu.memory_space<hbm>>
      tpu.enqueue_dma source(%dma_start3A_1894 : memref<80x128xi32, #tpu.memory_space<hbm>>) target(%arg9 : memref<80x128xi32, #tpu.memory_space<vmem>>) target_semaphore(%run_scoped3A_1886 : memref<!tpu.dma_semaphore, #tpu.memory_space<semaphore_mem>>)
      %dma_wait3A_1895 = arith.constant 0 : i32
      %dma_wait3A_1896 = arith.constant 0 : i32
      %dma_wait3A_1897 = tpu.memref_slice %arg3[%run_scoped3A, %add3A, %dma_wait3A_1895, %dma_wait3A_1896] : memref<2x32x80x128xi32, #tpu.memory_space<hbm>> -> memref<1x1x80x128xi32, #tpu.memory_space<hbm>>
      %dma_wait3A_1898 = tpu.memref_squeeze %dma_wait3A_1897 : memref<1x1x80x128xi32, #tpu.memory_space<hbm>> -> memref<80x128xi32, #tpu.memory_space<hbm>>
      %dma_wait3A_1899 = arith.constant 0 : i32
      %dma_wait3A_1900 = arith.constant 0 : i32
      %dma_wait3A_1901 = tpu.memref_slice %arg3[%run_scoped3A, %add3A, %dma_wait3A_1899, %dma_wait3A_1900] : memref<2x32x80x128xi32, #tpu.memory_space<hbm>> -> memref<1x1x80x128xi32, #tpu.memory_space<hbm>>
      %dma_wait3A_1902 = tpu.memref_squeeze %dma_wait3A_1901 : memref<1x1x80x128xi32, #tpu.memory_space<hbm>> -> memref<80x128xi32, #tpu.memory_space<hbm>>
      tpu.wait_dma2 semaphore(%run_scoped3A_1886 : memref<!tpu.dma_semaphore, #tpu.memory_space<semaphore_mem>>) src(%dma_wait3A_1902 : memref<80x128xi32, #tpu.memory_space<hbm>>) dst(%arg9 : memref<80x128xi32, #tpu.memory_space<vmem>>)
      tpu.yield
    }) : () -> ()
    %run_scoped3A_9 = arith.constant 1 : i32
    "tpu.region"() ({
      %run_scoped3A_1886 = tpu.sem_alloc : memref<!tpu.dma_semaphore, #tpu.memory_space<semaphore_mem>>
      %dma_start3A_1887 = arith.constant 0 : i32
      %dma_start3A_1888 = arith.constant 0 : i32
      %dma_start3A_1889 = tpu.memref_slice %arg3[%run_scoped3A_9, %add3A, %dma_start3A_1887, %dma_start3A_1888] : memref<2x32x80x128xi32, #tpu.memory_space<hbm>> -> memref<1x1x80x128xi32, #tpu.memory_space<hbm>>
      %dma_start3A_1890 = tpu.memref_squeeze %dma_start3A_1889 : memref<1x1x80x128xi32, #tpu.memory_space<hbm>> -> memref<80x128xi32, #tpu.memory_space<hbm>>
      %dma_start3A_1891 = arith.constant 0 : i32
      %dma_start3A_1892 = arith.constant 0 : i32
      %dma_start3A_1893 = tpu.memref_slice %arg3[%run_scoped3A_9, %add3A, %dma_start3A_1891, %dma_start3A_1892] : memref<2x32x80x128xi32, #tpu.memory_space<hbm>> -> memref<1x1x80x128xi32, #tpu.memory_space<hbm>>
      %dma_start3A_1894 = tpu.memref_squeeze %dma_start3A_1893 : memref<1x1x80x128xi32, #tpu.memory_space<hbm>> -> memref<80x128xi32, #tpu.memory_space<hbm>>
      tpu.enqueue_dma source(%dma_start3A_1894 : memref<80x128xi32, #tpu.memory_space<hbm>>) target(%arg10 : memref<80x128xi32, #tpu.memory_space<vmem>>) target_semaphore(%run_scoped3A_1886 : memref<!tpu.dma_semaphore, #tpu.memory_space<semaphore_mem>>)
      %dma_wait3A_1895 = arith.constant 0 : i32
      %dma_wait3A_1896 = arith.constant 0 : i32
      %dma_wait3A_1897 = tpu.memref_slice %arg3[%run_scoped3A_9, %add3A, %dma_wait3A_1895, %dma_wait3A_1896] : memref<2x32x80x128xi32, #tpu.memory_space<hbm>> -> memref<1x1x80x128xi32, #tpu.memory_space<hbm>>
      %dma_wait3A_1898 = tpu.memref_squeeze %dma_wait3A_1897 : memref<1x1x80x128xi32, #tpu.memory_space<hbm>> -> memref<80x128xi32, #tpu.memory_space<hbm>>
      %dma_wait3A_1899 = arith.constant 0 : i32
      %dma_wait3A_1900 = arith.constant 0 : i32
      %dma_wait3A_1901 = tpu.memref_slice %arg3[%run_scoped3A_9, %add3A, %dma_wait3A_1899, %dma_wait3A_1900] : memref<2x32x80x128xi32, #tpu.memory_space<hbm>> -> memref<1x1x80x128xi32, #tpu.memory_space<hbm>>
      %dma_wait3A_1902 = tpu.memref_squeeze %dma_wait3A_1901 : memref<1x1x80x128xi32, #tpu.memory_space<hbm>> -> memref<80x128xi32, #tpu.memory_space<hbm>>
      tpu.wait_dma2 semaphore(%run_scoped3A_1886 : memref<!tpu.dma_semaphore, #tpu.memory_space<semaphore_mem>>) src(%dma_wait3A_1902 : memref<80x128xi32, #tpu.memory_space<hbm>>) dst(%arg10 : memref<80x128xi32, #tpu.memory_space<vmem>>)
      tpu.yield
    }) : () -> ()
    %run_scoped3A_10 = arith.constant 0 : i32
    "tpu.region"() ({
      %run_scoped3A_1886 = tpu.sem_alloc : memref<!tpu.dma_semaphore, #tpu.memory_space<semaphore_mem>>
      %dma_start3A_1887 = tpu.memref_slice %arg4[%run_scoped3A_10, %mul3A_2] : memref<2x10240xf32, #tpu.memory_space<hbm>> -> memref<1x640xf32, #tpu.memory_space<hbm>>
      %dma_start3A_1888 = tpu.memref_squeeze %dma_start3A_1887 : memref<1x640xf32, #tpu.memory_space<hbm>> -> memref<640xf32, #tpu.memory_space<hbm>>
      %dma_start3A_1889 = tpu.memref_slice %arg4[%run_scoped3A_10, %mul3A_2] : memref<2x10240xf32, #tpu.memory_space<hbm>> -> memref<1x640xf32, #tpu.memory_space<hbm>>
      %dma_start3A_1890 = tpu.memref_squeeze %dma_start3A_1889 : memref<1x640xf32, #tpu.memory_space<hbm>> -> memref<640xf32, #tpu.memory_space<hbm>>
      tpu.enqueue_dma source(%dma_start3A_1890 : memref<640xf32, #tpu.memory_space<hbm>>) target(%arg20 : memref<640xf32, #tpu.memory_space<vmem>>) target_semaphore(%run_scoped3A_1886 : memref<!tpu.dma_semaphore, #tpu.memory_space<semaphore_mem>>)
      %dma_wait3A_1891 = tpu.memref_slice %arg4[%run_scoped3A_10, %mul3A_2] : memref<2x10240xf32, #tpu.memory_space<hbm>> -> memref<1x640xf32, #tpu.memory_space<hbm>>
      %dma_wait3A_1892 = tpu.memref_squeeze %dma_wait3A_1891 : memref<1x640xf32, #tpu.memory_space<hbm>> -> memref<640xf32, #tpu.memory_space<hbm>>
      %dma_wait3A_1893 = tpu.memref_slice %arg4[%run_scoped3A_10, %mul3A_2] : memref<2x10240xf32, #tpu.memory_space<hbm>> -> memref<1x640xf32, #tpu.memory_space<hbm>>
      %dma_wait3A_1894 = tpu.memref_squeeze %dma_wait3A_1893 : memref<1x640xf32, #tpu.memory_space<hbm>> -> memref<640xf32, #tpu.memory_space<hbm>>
      tpu.wait_dma2 semaphore(%run_scoped3A_1886 : memref<!tpu.dma_semaphore, #tpu.memory_space<semaphore_mem>>) src(%dma_wait3A_1894 : memref<640xf32, #tpu.memory_space<hbm>>) dst(%arg20 : memref<640xf32, #tpu.memory_space<vmem>>)
      tpu.yield
    }) : () -> ()
    %run_scoped3A_11 = arith.constant 1 : i32
    "tpu.region"() ({
      %run_scoped3A_1886 = tpu.sem_alloc : memref<!tpu.dma_semaphore, #tpu.memory_space<semaphore_mem>>
      %dma_start3A_1887 = tpu.memref_slice %arg4[%run_scoped3A_11, %mul3A_2] : memref<2x10240xf32, #tpu.memory_space<hbm>> -> memref<1x640xf32, #tpu.memory_space<hbm>>
      %dma_start3A_1888 = tpu.memref_squeeze %dma_start3A_1887 : memref<1x640xf32, #tpu.memory_space<hbm>> -> memref<640xf32, #tpu.memory_space<hbm>>
      %dma_start3A_1889 = tpu.memref_slice %arg4[%run_scoped3A_11, %mul3A_2] : memref<2x10240xf32, #tpu.memory_space<hbm>> -> memref<1x640xf32, #tpu.memory_space<hbm>>
      %dma_start3A_1890 = tpu.memref_squeeze %dma_start3A_1889 : memref<1x640xf32, #tpu.memory_space<hbm>> -> memref<640xf32, #tpu.memory_space<hbm>>
      tpu.enqueue_dma source(%dma_start3A_1890 : memref<640xf32, #tpu.memory_space<hbm>>) target(%arg21 : memref<640xf32, #tpu.memory_space<vmem>>) target_semaphore(%run_scoped3A_1886 : memref<!tpu.dma_semaphore, #tpu.memory_space<semaphore_mem>>)
      %dma_wait3A_1891 = tpu.memref_slice %arg4[%run_scoped3A_11, %mul3A_2] : memref<2x10240xf32, #tpu.memory_space<hbm>> -> memref<1x640xf32, #tpu.memory_space<hbm>>
      %dma_wait3A_1892 = tpu.memref_squeeze %dma_wait3A_1891 : memref<1x640xf32, #tpu.memory_space<hbm>> -> memref<640xf32, #tpu.memory_space<hbm>>
      %dma_wait3A_1893 = tpu.memref_slice %arg4[%run_scoped3A_11, %mul3A_2] : memref<2x10240xf32, #tpu.memory_space<hbm>> -> memref<1x640xf32, #tpu.memory_space<hbm>>
      %dma_wait3A_1894 = tpu.memref_squeeze %dma_wait3A_1893 : memref<1x640xf32, #tpu.memory_space<hbm>> -> memref<640xf32, #tpu.memory_space<hbm>>
      tpu.wait_dma2 semaphore(%run_scoped3A_1886 : memref<!tpu.dma_semaphore, #tpu.memory_space<semaphore_mem>>) src(%dma_wait3A_1894 : memref<640xf32, #tpu.memory_space<hbm>>) dst(%arg21 : memref<640xf32, #tpu.memory_space<vmem>>)
      tpu.yield
    }) : () -> ()
    %broadcast_in_dim3A_12 = arith.constant 1597463007 : i32
    %broadcast_in_dim3A_13 = vector.broadcast %broadcast_in_dim3A_12 : i32 to vector<16xi32>
    %get3A = arith.constant 0 : index
    %get3A_14 = tpu.vector_load %arg20[%get3A] {strides = array<i32>} : memref<640xf32, #tpu.memory_space<vmem>>, vector<16xf32>,
    %get3A_15 = arith.constant 0 : index
    %get3A_16 = tpu.vector_load %arg21[%get3A_15] {strides = array<i32>} : memref<640xf32, #tpu.memory_space<vmem>>, vector<16xf32>,
    %add3A_17 = arith.addf %get3A_14, %get3A_16 : vector<16xf32>
    %add3A_18 = arith.constant 1.000000e+00 : f32
    %add3A_19 = vector.broadcast %add3A_18 : f32 to vector<16xf32>
    %add3A_20 = arith.addf %add3A_17, %add3A_19 : vector<16xf32>
    %bitcast3A = vector.bitcast %add3A_20 : vector<16xf32> to vector<16xi32>
    %shift_right_logical3A = arith.constant 1 : i32
    %shift_right_logical3A_21 = vector.broadcast %shift_right_logical3A : i32 to vector<16xi32>
    %shift_right_logical3A_22 = arith.shrui %bitcast3A, %shift_right_logical3A_21 : vector<16xi32>
    %sub3A = arith.subi %broadcast_in_dim3A_13, %shift_right_logical3A_22 : vector<16xi32>
    %bitcast3A_23 = vector.bitcast %sub3A : vector<16xi32> to vector<16xf32>
    %mul3A_24 = arith.constant 5.000000e-01 : f32
    %mul3A_25 = vector.broadcast %mul3A_24 : f32 to vector<16xf32>
    %mul3A_26 = arith.mulf %mul3A_25, %add3A_20 : vector<16xf32>
    %mul3A_27 = arith.mulf %mul3A_26, %bitcast3A_23 : vector<16xf32>
    %mul3A_28 = arith.mulf %mul3A_27, %bitcast3A_23 : vector<16xf32>
    %sub3A_29 = arith.constant 1.500000e+00 : f32
    %sub3A_30 = vector.broadcast %sub3A_29 : f32 to vector<16xf32>
    %sub3A_31 = arith.subf %sub3A_30, %mul3A_28 : vector<16xf32>
    %mul3A_32 = arith.mulf %bitcast3A_23, %sub3A_31 : vector<16xf32>
    %mul3A_33 = arith.constant 5.000000e-01 : f32
    %mul3A_34 = vector.broadcast %mul3A_33 : f32 to vector<16xf32>
    %mul3A_35 = arith.mulf %mul3A_34, %add3A_20 : vector<16xf32>
    %mul3A_36 = arith.mulf %mul3A_35, %mul3A_32 : vector<16xf32>
    %mul3A_37 = arith.mulf %mul3A_36, %mul3A_32 : vector<16xf32>
    %sub3A_38 = arith.constant 1.500000e+00 : f32
    %sub3A_39 = vector.broadcast %sub3A_38 : f32 to vector<16xf32>
    %sub3A_40 = arith.subf %sub3A_39, %mul3A_37 : vector<16xf32>
    %mul3A_41 = arith.mulf %mul3A_32, %sub3A_40 : vector<16xf32>
    %mul3A_42 = arith.constant 5.000000e-01 : f32
    %mul3A_43 = vector.broadcast %mul3A_42 : f32 to vector<16xf32>
    %mul3A_44 = arith.mulf %mul3A_43, %add3A_20 : vector<16xf32>
    %mul3A_45 = arith.mulf %mul3A_44, %mul3A_41 : vector<16xf32>
    %mul3A_46 = arith.mulf %mul3A_45, %mul3A_41 : vector<16xf32>
    %sub3A_47 = arith.constant 1.500000e+00 : f32
    %sub3A_48 = vector.broadcast %sub3A_47 : f32 to vector<16xf32>
    %sub3A_49 = arith.subf %sub3A_48, %mul3A_46 : vector<16xf32>
    %mul3A_50 = arith.mulf %mul3A_41, %sub3A_49 : vector<16xf32>
    %swap3A = arith.constant 0 : index
    %swap3A_51 = tpu.vector_load %arg22[%swap3A] {strides = array<i32>} : memref<640xf32, #tpu.memory_space<vmem>>, vector<16xf32>,
    %swap3A_52 = vector.shape_cast %swap3A_51 : vector<16xf32> to vector<16xf32>
    %swap3A_53 = vector.shape_cast %mul3A_50 : vector<16xf32> to vector<16xf32>
    tpu.vector_store %arg22[%swap3A], %swap3A_53 {strides = array<i32>} : memref<640xf32, #tpu.memory_space<vmem>>, vector<16xf32>,
    %get3A_54 = arith.constant 16 : index
    %get3A_55 = tpu.vector_load %arg20[%get3A_54] {strides = array<i32>} : memref<640xf32, #tpu.memory_space<vmem>>, vector<16xf32>,
    %get3A_56 = arith.constant 16 : index
    %get3A_57 = tpu.vector_load %arg21[%get3A_56] {strides = array<i32>} : memref<640xf32, #tpu.memory_space<vmem>>, vector<16xf32>,
    %add3A_58 = arith.addf %get3A_55, %get3A_57 : vector<16xf32>
    %add3A_59 = arith.constant 1.000000e+00 : f32
    %add3A_60 = vector.broadcast %add3A_59 : f32 to vector<16xf32>
    %add3A_61 = arith.addf %add3A_58, %add3A_60 : vector<16xf32>
    %bitcast3A_62 = vector.bitcast %add3A_61 : vector<16xf32> to vector<16xi32>
    %shift_right_logical3A_63 = arith.constant 1 : i32
    %shift_right_logical3A_64 = vector.broadcast %shift_right_logical3A_63 : i32 to vector<16xi32>
    %shift_right_logical3A_65 = arith.shrui %bitcast3A_62, %shift_right_logical3A_64 : vector<16xi32>
    %sub3A_66 = arith.subi %broadcast_in_dim3A_13, %shift_right_logical3A_65 : vector<16xi32>
    %bitcast3A_67 = vector.bitcast %sub3A_66 : vector<16xi32> to vector<16xf32>
    %mul3A_68 = arith.constant 5.000000e-01 : f32
    %mul3A_69 = vector.broadcast %mul3A_68 : f32 to vector<16xf32>
    %mul3A_70 = arith.mulf %mul3A_69, %add3A_61 : vector<16xf32>
    %mul3A_71 = arith.mulf %mul3A_70, %bitcast3A_67 : vector<16xf32>
    %mul3A_72 = arith.mulf %mul3A_71, %bitcast3A_67 : vector<16xf32>
    %sub3A_73 = arith.constant 1.500000e+00 : f32
    %sub3A_74 = vector.broadcast %sub3A_73 : f32 to vector<16xf32>
    %sub3A_75 = arith.subf %sub3A_74, %mul3A_72 : vector<16xf32>
    %mul3A_76 = arith.mulf %bitcast3A_67, %sub3A_75 : vector<16xf32>
    %mul3A_77 = arith.constant 5.000000e-01 : f32
    %mul3A_78 = vector.broadcast %mul3A_77 : f32 to vector<16xf32>
    %mul3A_79 = arith.mulf %mul3A_78, %add3A_61 : vector<16xf32>
    %mul3A_80 = arith.mulf %mul3A_79, %mul3A_76 : vector<16xf32>
    %mul3A_81 = arith.mulf %mul3A_80, %mul3A_76 : vector<16xf32>
    %sub3A_82 = arith.constant 1.500000e+00 : f32
    %sub3A_83 = vector.broadcast %sub3A_82 : f32 to vector<16xf32>
    %sub3A_84 = arith.subf %sub3A_83, %mul3A_81 : vector<16xf32>
    %mul3A_85 = arith.mulf %mul3A_76, %sub3A_84 : vector<16xf32>
    %mul3A_86 = arith.constant 5.000000e-01 : f32
    %mul3A_87 = vector.broadcast %mul3A_86 : f32 to vector<16xf32>
    %mul3A_88 = arith.mulf %mul3A_87, %add3A_61 : vector<16xf32>
    %mul3A_89 = arith.mulf %mul3A_88, %mul3A_85 : vector<16xf32>
    %mul3A_90 = arith.mulf %mul3A_89, %mul3A_85 : vector<16xf32>
    %sub3A_91 = arith.constant 1.500000e+00 : f32
    %sub3A_92 = vector.broadcast %sub3A_91 : f32 to vector<16xf32>
    %sub3A_93 = arith.subf %sub3A_92, %mul3A_90 : vector<16xf32>
    %mul3A_94 = arith.mulf %mul3A_85, %sub3A_93 : vector<16xf32>
    %swap3A_95 = arith.constant 16 : index
    %swap3A_96 = tpu.vector_load %arg22[%swap3A_95] {strides = array<i32>} : memref<640xf32, #tpu.memory_space<vmem>>, vector<16xf32>,
    %swap3A_97 = vector.shape_cast %swap3A_96 : vector<16xf32> to vector<16xf32>
    %swap3A_98 = vector.shape_cast %mul3A_94 : vector<16xf32> to vector<16xf32>
    tpu.vector_store %arg22[%swap3A_95], %swap3A_98 {strides = array<i32>} : memref<640xf32, #tpu.memory_space<vmem>>, vector<16xf32>,
    %get3A_99 = arith.constant 32 : index
    %get3A_100 = tpu.vector_load %arg20[%get3A_99] {strides = array<i32>} : memref<640xf32, #tpu.memory_space<vmem>>, vector<16xf32>,
    %get3A_101 = arith.constant 32 : index
    %get3A_102 = tpu.vector_load %arg21[%get3A_101] {strides = array<i32>} : memref<640xf32, #tpu.memory_space<vmem>>, vector<16xf32>,
    %add3A_103 = arith.addf %get3A_100, %get3A_102 : vector<16xf32>
    %add3A_104 = arith.constant 1.000000e+00 : f32
    %add3A_105 = vector.broadcast %add3A_104 : f32 to vector<16xf32>
    %add3A_106 = arith.addf %add3A_103, %add3A_105 : vector<16xf32>
    %bitcast3A_107 = vector.bitcast %add3A_106 : vector<16xf32> to vector<16xi32>
    %shift_right_logical3A_108 = arith.constant 1 : i32
    %shift_right_logical3A_109 = vector.broadcast %shift_right_logical3A_108 : i32 to vector<16xi32>
    %shift_right_logical3A_110 = arith.shrui %bitcast3A_107, %shift_right_logical3A_109 : vector<16xi32>
    %sub3A_111 = arith.subi %broadcast_in_dim3A_13, %shift_right_logical3A_110 : vector<16xi32>
    %bitcast3A_112 = vector.bitcast %sub3A_111 : vector<16xi32> to vector<16xf32>
    %mul3A_113 = arith.constant 5.000000e-01 : f32
    %mul3A_114 = vector.broadcast %mul3A_113 : f32 to vector<16xf32>
    %mul3A_115 = arith.mulf %mul3A_114, %add3A_106 : vector<16xf32>
    %mul3A_116 = arith.mulf %mul3A_115, %bitcast3A_112 : vector<16xf32>
    %mul3A_117 = arith.mulf %mul3A_116, %bitcast3A_112 : vector<16xf32>
    %sub3A_118 = arith.constant 1.500000e+00 : f32
    %sub3A_119 = vector.broadcast %sub3A_118 : f32 to vector<16xf32>
    %sub3A_120 = arith.subf %sub3A_119, %mul3A_117 : vector<16xf32>
    %mul3A_121 = arith.mulf %bitcast3A_112, %sub3A_120 : vector<16xf32>
    %mul3A_122 = arith.constant 5.000000e-01 : f32
    %mul3A_123 = vector.broadcast %mul3A_122 : f32 to vector<16xf32>
    %mul3A_124 = arith.mulf %mul3A_123, %add3A_106 : vector<16xf32>
    %mul3A_125 = arith.mulf %mul3A_124, %mul3A_121 : vector<16xf32>
    %mul3A_126 = arith.mulf %mul3A_125, %mul3A_121 : vector<16xf32>
    %sub3A_127 = arith.constant 1.500000e+00 : f32
    %sub3A_128 = vector.broadcast %sub3A_127 : f32 to vector<16xf32>
    %sub3A_129 = arith.subf %sub3A_128, %mul3A_126 : vector<16xf32>
    %mul3A_130 = arith.mulf %mul3A_121, %sub3A_129 : vector<16xf32>
    %mul3A_131 = arith.constant 5.000000e-01 : f32
    %mul3A_132 = vector.broadcast %mul3A_131 : f32 to vector<16xf32>
    %mul3A_133 = arith.mulf %mul3A_132, %add3A_106 : vector<16xf32>
    %mul3A_134 = arith.mulf %mul3A_133, %mul3A_130 : vector<16xf32>
    %mul3A_135 = arith.mulf %mul3A_134, %mul3A_130 : vector<16xf32>
    %sub3A_136 = arith.constant 1.500000e+00 : f32
    %sub3A_137 = vector.broadcast %sub3A_136 : f32 to vector<16xf32>
    %sub3A_138 = arith.subf %sub3A_137, %mul3A_135 : vector<16xf32>
    %mul3A_139 = arith.mulf %mul3A_130, %sub3A_138 : vector<16xf32>
    %swap3A_140 = arith.constant 32 : index
    %swap3A_141 = tpu.vector_load %arg22[%swap3A_140] {strides = array<i32>} : memref<640xf32, #tpu.memory_space<vmem>>, vector<16xf32>,
    %swap3A_142 = vector.shape_cast %swap3A_141 : vector<16xf32> to vector<16xf32>
    %swap3A_143 = vector.shape_cast %mul3A_139 : vector<16xf32> to vector<16xf32>
    tpu.vector_store %arg22[%swap3A_140], %swap3A_143 {strides = array<i32>} : memref<640xf32, #tpu.memory_space<vmem>>, vector<16xf32>,
    %get3A_144 = arith.constant 48 : index
    %get3A_145 = tpu.vector_load %arg20[%get3A_144] {strides = array<i32>} : memref<640xf32, #tpu.memory_space<vmem>>, vector<16xf32>,
    %get3A_146 = arith.constant 48 : index
    %get3A_147 = tpu.vector_load %arg21[%get3A_146] {strides = array<i32>} : memref<640xf32, #tpu.memory_space<vmem>>, vector<16xf32>,
    %add3A_148 = arith.addf %get3A_145, %get3A_147 : vector<16xf32>
    %add3A_149 = arith.constant 1.000000e+00 : f32
    %add3A_150 = vector.broadcast %add3A_149 : f32 to vector<16xf32>
    %add3A_151 = arith.addf %add3A_148, %add3A_150 : vector<16xf32>
    %bitcast3A_152 = vector.bitcast %add3A_151 : vector<16xf32> to vector<16xi32>
    %shift_right_logical3A_153 = arith.constant 1 : i32
    %shift_right_logical3A_154 = vector.broadcast %shift_right_logical3A_153 : i32 to vector<16xi32>
    %shift_right_logical3A_155 = arith.shrui %bitcast3A_152, %shift_right_logical3A_154 : vector<16xi32>
    %sub3A_156 = arith.subi %broadcast_in_dim3A_13, %shift_right_logical3A_155 : vector<16xi32>
    %bitcast3A_157 = vector.bitcast %sub3A_156 : vector<16xi32> to vector<16xf32>
    %mul3A_158 = arith.constant 5.000000e-01 : f32
    %mul3A_159 = vector.broadcast %mul3A_158 : f32 to vector<16xf32>
    %mul3A_160 = arith.mulf %mul3A_159, %add3A_151 : vector<16xf32>
    %mul3A_161 = arith.mulf %mul3A_160, %bitcast3A_157 : vector<16xf32>
    %mul3A_162 = arith.mulf %mul3A_161, %bitcast3A_157 : vector<16xf32>
    %sub3A_163 = arith.constant 1.500000e+00 : f32
    %sub3A_164 = vector.broadcast %sub3A_163 : f32 to vector<16xf32>
    %sub3A_165 = arith.subf %sub3A_164, %mul3A_162 : vector<16xf32>
    %mul3A_166 = arith.mulf %bitcast3A_157, %sub3A_165 : vector<16xf32>
    %mul3A_167 = arith.constant 5.000000e-01 : f32
    %mul3A_168 = vector.broadcast %mul3A_167 : f32 to vector<16xf32>
    %mul3A_169 = arith.mulf %mul3A_168, %add3A_151 : vector<16xf32>
    %mul3A_170 = arith.mulf %mul3A_169, %mul3A_166 : vector<16xf32>
    %mul3A_171 = arith.mulf %mul3A_170, %mul3A_166 : vector<16xf32>
    %sub3A_172 = arith.constant 1.500000e+00 : f32
    %sub3A_173 = vector.broadcast %sub3A_172 : f32 to vector<16xf32>
    %sub3A_174 = arith.subf %sub3A_173, %mul3A_171 : vector<16xf32>
    %mul3A_175 = arith.mulf %mul3A_166, %sub3A_174 : vector<16xf32>
    %mul3A_176 = arith.constant 5.000000e-01 : f32
    %mul3A_177 = vector.broadcast %mul3A_176 : f32 to vector<16xf32>
    %mul3A_178 = arith.mulf %mul3A_177, %add3A_151 : vector<16xf32>
    %mul3A_179 = arith.mulf %mul3A_178, %mul3A_175 : vector<16xf32>
    %mul3A_180 = arith.mulf %mul3A_179, %mul3A_175 : vector<16xf32>
    %sub3A_181 = arith.constant 1.500000e+00 : f32
    %sub3A_182 = vector.broadcast %sub3A_181 : f32 to vector<16xf32>
    %sub3A_183 = arith.subf %sub3A_182, %mul3A_180 : vector<16xf32>
    %mul3A_184 = arith.mulf %mul3A_175, %sub3A_183 : vector<16xf32>
    %swap3A_185 = arith.constant 48 : index
    %swap3A_186 = tpu.vector_load %arg22[%swap3A_185] {strides = array<i32>} : memref<640xf32, #tpu.memory_space<vmem>>, vector<16xf32>,
    %swap3A_187 = vector.shape_cast %swap3A_186 : vector<16xf32> to vector<16xf32>
    %swap3A_188 = vector.shape_cast %mul3A_184 : vector<16xf32> to vector<16xf32>
    tpu.vector_store %arg22[%swap3A_185], %swap3A_188 {strides = array<i32>} : memref<640xf32, #tpu.memory_space<vmem>>, vector<16xf32>,
    %get3A_189 = arith.constant 64 : index
    %get3A_190 = tpu.vector_load %arg20[%get3A_189] {strides = array<i32>} : memref<640xf32, #tpu.memory_space<vmem>>, vector<16xf32>,
    %get3A_191 = arith.constant 64 : index
    %get3A_192 = tpu.vector_load %arg21[%get3A_191] {strides = array<i32>} : memref<640xf32, #tpu.memory_space<vmem>>, vector<16xf32>,
    %add3A_193 = arith.addf %get3A_190, %get3A_192 : vector<16xf32>
    %add3A_194 = arith.constant 1.000000e+00 : f32
    %add3A_195 = vector.broadcast %add3A_194 : f32 to vector<16xf32>
    %add3A_196 = arith.addf %add3A_193, %add3A_195 : vector<16xf32>
    %bitcast3A_197 = vector.bitcast %add3A_196 : vector<16xf32> to vector<16xi32>
    %shift_right_logical3A_198 = arith.constant 1 : i32
    %shift_right_logical3A_199 = vector.broadcast %shift_right_logical3A_198 : i32 to vector<16xi32>
    %shift_right_logical3A_200 = arith.shrui %bitcast3A_197, %shift_right_logical3A_199 : vector<16xi32>
    %sub3A_201 = arith.subi %broadcast_in_dim3A_13, %shift_right_logical3A_200 : vector<16xi32>
    %bitcast3A_202 = vector.bitcast %sub3A_201 : vector<16xi32> to vector<16xf32>
    %mul3A_203 = arith.constant 5.000000e-01 : f32
    %mul3A_204 = vector.broadcast %mul3A_203 : f32 to vector<16xf32>
    %mul3A_205 = arith.mulf %mul3A_204, %add3A_196 : vector<16xf32>
    %mul3A_206 = arith.mulf %mul3A_205, %bitcast3A_202 : vector<16xf32>
    %mul3A_207 = arith.mulf %mul3A_206, %bitcast3A_202 : vector<16xf32>
    %sub3A_208 = arith.constant 1.500000e+00 : f32
    %sub3A_209 = vector.broadcast %sub3A_208 : f32 to vector<16xf32>
    %sub3A_210 = arith.subf %sub3A_209, %mul3A_207 : vector<16xf32>
    %mul3A_211 = arith.mulf %bitcast3A_202, %sub3A_210 : vector<16xf32>
    %mul3A_212 = arith.constant 5.000000e-01 : f32
    %mul3A_213 = vector.broadcast %mul3A_212 : f32 to vector<16xf32>
    %mul3A_214 = arith.mulf %mul3A_213, %add3A_196 : vector<16xf32>
    %mul3A_215 = arith.mulf %mul3A_214, %mul3A_211 : vector<16xf32>
    %mul3A_216 = arith.mulf %mul3A_215, %mul3A_211 : vector<16xf32>
    %sub3A_217 = arith.constant 1.500000e+00 : f32
    %sub3A_218 = vector.broadcast %sub3A_217 : f32 to vector<16xf32>
    %sub3A_219 = arith.subf %sub3A_218, %mul3A_216 : vector<16xf32>
    %mul3A_220 = arith.mulf %mul3A_211, %sub3A_219 : vector<16xf32>
    %mul3A_221 = arith.constant 5.000000e-01 : f32
    %mul3A_222 = vector.broadcast %mul3A_221 : f32 to vector<16xf32>
    %mul3A_223 = arith.mulf %mul3A_222, %add3A_196 : vector<16xf32>
    %mul3A_224 = arith.mulf %mul3A_223, %mul3A_220 : vector<16xf32>
    %mul3A_225 = arith.mulf %mul3A_224, %mul3A_220 : vector<16xf32>
    %sub3A_226 = arith.constant 1.500000e+00 : f32
    %sub3A_227 = vector.broadcast %sub3A_226 : f32 to vector<16xf32>
    %sub3A_228 = arith.subf %sub3A_227, %mul3A_225 : vector<16xf32>
    %mul3A_229 = arith.mulf %mul3A_220, %sub3A_228 : vector<16xf32>
    %swap3A_230 = arith.constant 64 : index
    %swap3A_231 = tpu.vector_load %arg22[%swap3A_230] {strides = array<i32>} : memref<640xf32, #tpu.memory_space<vmem>>, vector<16xf32>,
    %swap3A_232 = vector.shape_cast %swap3A_231 : vector<16xf32> to vector<16xf32>
    %swap3A_233 = vector.shape_cast %mul3A_229 : vector<16xf32> to vector<16xf32>
    tpu.vector_store %arg22[%swap3A_230], %swap3A_233 {strides = array<i32>} : memref<640xf32, #tpu.memory_space<vmem>>, vector<16xf32>,
    %get3A_234 = arith.constant 80 : index
    %get3A_235 = tpu.vector_load %arg20[%get3A_234] {strides = array<i32>} : memref<640xf32, #tpu.memory_space<vmem>>, vector<16xf32>,
    %get3A_236 = arith.constant 80 : index
    %get3A_237 = tpu.vector_load %arg21[%get3A_236] {strides = array<i32>} : memref<640xf32, #tpu.memory_space<vmem>>, vector<16xf32>,
    %add3A_238 = arith.addf %get3A_235, %get3A_237 : vector<16xf32>
    %add3A_239 = arith.constant 1.000000e+00 : f32
    %add3A_240 = vector.broadcast %add3A_239 : f32 to vector<16xf32>
    %add3A_241 = arith.addf %add3A_238, %add3A_240 : vector<16xf32>
    %bitcast3A_242 = vector.bitcast %add3A_241 : vector<16xf32> to vector<16xi32>
    %shift_right_logical3A_243 = arith.constant 1 : i32
    %shift_right_logical3A_244 = vector.broadcast %shift_right_logical3A_243 : i32 to vector<16xi32>
    %shift_right_logical3A_245 = arith.shrui %bitcast3A_242, %shift_right_logical3A_244 : vector<16xi32>
    %sub3A_246 = arith.subi %broadcast_in_dim3A_13, %shift_right_logical3A_245 : vector<16xi32>
    %bitcast3A_247 = vector.bitcast %sub3A_246 : vector<16xi32> to vector<16xf32>
    %mul3A_248 = arith.constant 5.000000e-01 : f32
    %mul3A_249 = vector.broadcast %mul3A_248 : f32 to vector<16xf32>
    %mul3A_250 = arith.mulf %mul3A_249, %add3A_241 : vector<16xf32>
    %mul3A_251 = arith.mulf %mul3A_250, %bitcast3A_247 : vector<16xf32>
    %mul3A_252 = arith.mulf %mul3A_251, %bitcast3A_247 : vector<16xf32>
    %sub3A_253 = arith.constant 1.500000e+00 : f32
    %sub3A_254 = vector.broadcast %sub3A_253 : f32 to vector<16xf32>
    %sub3A_255 = arith.subf %sub3A_254, %mul3A_252 : vector<16xf32>
    %mul3A_256 = arith.mulf %bitcast3A_247, %sub3A_255 : vector<16xf32>
    %mul3A_257 = arith.constant 5.000000e-01 : f32
    %mul3A_258 = vector.broadcast %mul3A_257 : f32 to vector<16xf32>
    %mul3A_259 = arith.mulf %mul3A_258, %add3A_241 : vector<16xf32>
    %mul3A_260 = arith.mulf %mul3A_259, %mul3A_256 : vector<16xf32>
    %mul3A_261 = arith.mulf %mul3A_260, %mul3A_256 : vector<16xf32>
    %sub3A_262 = arith.constant 1.500000e+00 : f32
    %sub3A_263 = vector.broadcast %sub3A_262 : f32 to vector<16xf32>
    %sub3A_264 = arith.subf %sub3A_263, %mul3A_261 : vector<16xf32>
    %mul3A_265 = arith.mulf %mul3A_256, %sub3A_264 : vector<16xf32>
    %mul3A_266 = arith.constant 5.000000e-01 : f32
    %mul3A_267 = vector.broadcast %mul3A_266 : f32 to vector<16xf32>
    %mul3A_268 = arith.mulf %mul3A_267, %add3A_241 : vector<16xf32>
    %mul3A_269 = arith.mulf %mul3A_268, %mul3A_265 : vector<16xf32>
    %mul3A_270 = arith.mulf %mul3A_269, %mul3A_265 : vector<16xf32>
    %sub3A_271 = arith.constant 1.500000e+00 : f32
    %sub3A_272 = vector.broadcast %sub3A_271 : f32 to vector<16xf32>
    %sub3A_273 = arith.subf %sub3A_272, %mul3A_270 : vector<16xf32>
    %mul3A_274 = arith.mulf %mul3A_265, %sub3A_273 : vector<16xf32>
    %swap3A_275 = arith.constant 80 : index
    %swap3A_276 = tpu.vector_load %arg22[%swap3A_275] {strides = array<i32>} : memref<640xf32, #tpu.memory_space<vmem>>, vector<16xf32>,
    %swap3A_277 = vector.shape_cast %swap3A_276 : vector<16xf32> to vector<16xf32>
    %swap3A_278 = vector.shape_cast %mul3A_274 : vector<16xf32> to vector<16xf32>
    tpu.vector_store %arg22[%swap3A_275], %swap3A_278 {strides = array<i32>} : memref<640xf32, #tpu.memory_space<vmem>>, vector<16xf32>,
    %get3A_279 = arith.constant 96 : index
    %get3A_280 = tpu.vector_load %arg20[%get3A_279] {strides = array<i32>} : memref<640xf32, #tpu.memory_space<vmem>>, vector<16xf32>,
    %get3A_281 = arith.constant 96 : index
    %get3A_282 = tpu.vector_load %arg21[%get3A_281] {strides = array<i32>} : memref<640xf32, #tpu.memory_space<vmem>>, vector<16xf32>,
    %add3A_283 = arith.addf %get3A_280, %get3A_282 : vector<16xf32>
    %add3A_284 = arith.constant 1.000000e+00 : f32
    %add3A_285 = vector.broadcast %add3A_284 : f32 to vector<16xf32>
    %add3A_286 = arith.addf %add3A_283, %add3A_285 : vector<16xf32>
    %bitcast3A_287 = vector.bitcast %add3A_286 : vector<16xf32> to vector<16xi32>
    %shift_right_logical3A_288 = arith.constant 1 : i32
    %shift_right_logical3A_289 = vector.broadcast %shift_right_logical3A_288 : i32 to vector<16xi32>
    %shift_right_logical3A_290 = arith.shrui %bitcast3A_287, %shift_right_logical3A_289 : vector<16xi32>
    %sub3A_291 = arith.subi %broadcast_in_dim3A_13, %shift_right_logical3A_290 : vector<16xi32>
    %bitcast3A_292 = vector.bitcast %sub3A_291 : vector<16xi32> to vector<16xf32>
    %mul3A_293 = arith.constant 5.000000e-01 : f32
    %mul3A_294 = vector.broadcast %mul3A_293 : f32 to vector<16xf32>
    %mul3A_295 = arith.mulf %mul3A_294, %add3A_286 : vector<16xf32>
    %mul3A_296 = arith.mulf %mul3A_295, %bitcast3A_292 : vector<16xf32>
    %mul3A_297 = arith.mulf %mul3A_296, %bitcast3A_292 : vector<16xf32>
    %sub3A_298 = arith.constant 1.500000e+00 : f32
    %sub3A_299 = vector.broadcast %sub3A_298 : f32 to vector<16xf32>
    %sub3A_300 = arith.subf %sub3A_299, %mul3A_297 : vector<16xf32>
    %mul3A_301 = arith.mulf %bitcast3A_292, %sub3A_300 : vector<16xf32>
    %mul3A_302 = arith.constant 5.000000e-01 : f32
    %mul3A_303 = vector.broadcast %mul3A_302 : f32 to vector<16xf32>
    %mul3A_304 = arith.mulf %mul3A_303, %add3A_286 : vector<16xf32>
    %mul3A_305 = arith.mulf %mul3A_304, %mul3A_301 : vector<16xf32>
    %mul3A_306 = arith.mulf %mul3A_305, %mul3A_301 : vector<16xf32>
    %sub3A_307 = arith.constant 1.500000e+00 : f32
    %sub3A_308 = vector.broadcast %sub3A_307 : f32 to vector<16xf32>
    %sub3A_309 = arith.subf %sub3A_308, %mul3A_306 : vector<16xf32>
    %mul3A_310 = arith.mulf %mul3A_301, %sub3A_309 : vector<16xf32>
    %mul3A_311 = arith.constant 5.000000e-01 : f32
    %mul3A_312 = vector.broadcast %mul3A_311 : f32 to vector<16xf32>
    %mul3A_313 = arith.mulf %mul3A_312, %add3A_286 : vector<16xf32>
    %mul3A_314 = arith.mulf %mul3A_313, %mul3A_310 : vector<16xf32>
    %mul3A_315 = arith.mulf %mul3A_314, %mul3A_310 : vector<16xf32>
    %sub3A_316 = arith.constant 1.500000e+00 : f32
    %sub3A_317 = vector.broadcast %sub3A_316 : f32 to vector<16xf32>
    %sub3A_318 = arith.subf %sub3A_317, %mul3A_315 : vector<16xf32>
    %mul3A_319 = arith.mulf %mul3A_310, %sub3A_318 : vector<16xf32>
    %swap3A_320 = arith.constant 96 : index
    %swap3A_321 = tpu.vector_load %arg22[%swap3A_320] {strides = array<i32>} : memref<640xf32, #tpu.memory_space<vmem>>, vector<16xf32>,
    %swap3A_322 = vector.shape_cast %swap3A_321 : vector<16xf32> to vector<16xf32>
    %swap3A_323 = vector.shape_cast %mul3A_319 : vector<16xf32> to vector<16xf32>
    tpu.vector_store %arg22[%swap3A_320], %swap3A_323 {strides = array<i32>} : memref<640xf32, #tpu.memory_space<vmem>>, vector<16xf32>,
    %get3A_324 = arith.constant 112 : index
    %get3A_325 = tpu.vector_load %arg20[%get3A_324] {strides = array<i32>} : memref<640xf32, #tpu.memory_space<vmem>>, vector<16xf32>,
    %get3A_326 = arith.constant 112 : index
    %get3A_327 = tpu.vector_load %arg21[%get3A_326] {strides = array<i32>} : memref<640xf32, #tpu.memory_space<vmem>>, vector<16xf32>,
    %add3A_328 = arith.addf %get3A_325, %get3A_327 : vector<16xf32>
    %add3A_329 = arith.constant 1.000000e+00 : f32
    %add3A_330 = vector.broadcast %add3A_329 : f32 to vector<16xf32>
    %add3A_331 = arith.addf %add3A_328, %add3A_330 : vector<16xf32>
    %bitcast3A_332 = vector.bitcast %add3A_331 : vector<16xf32> to vector<16xi32>
    %shift_right_logical3A_333 = arith.constant 1 : i32
    %shift_right_logical3A_334 = vector.broadcast %shift_right_logical3A_333 : i32 to vector<16xi32>
    %shift_right_logical3A_335 = arith.shrui %bitcast3A_332, %shift_right_logical3A_334 : vector<16xi32>
    %sub3A_336 = arith.subi %broadcast_in_dim3A_13, %shift_right_logical3A_335 : vector<16xi32>
    %bitcast3A_337 = vector.bitcast %sub3A_336 : vector<16xi32> to vector<16xf32>
    %mul3A_338 = arith.constant 5.000000e-01 : f32
    %mul3A_339 = vector.broadcast %mul3A_338 : f32 to vector<16xf32>
    %mul3A_340 = arith.mulf %mul3A_339, %add3A_331 : vector<16xf32>
    %mul3A_341 = arith.mulf %mul3A_340, %bitcast3A_337 : vector<16xf32>
    %mul3A_342 = arith.mulf %mul3A_341, %bitcast3A_337 : vector<16xf32>
    %sub3A_343 = arith.constant 1.500000e+00 : f32
    %sub3A_344 = vector.broadcast %sub3A_343 : f32 to vector<16xf32>
    %sub3A_345 = arith.subf %sub3A_344, %mul3A_342 : vector<16xf32>
    %mul3A_346 = arith.mulf %bitcast3A_337, %sub3A_345 : vector<16xf32>
    %mul3A_347 = arith.constant 5.000000e-01 : f32
    %mul3A_348 = vector.broadcast %mul3A_347 : f32 to vector<16xf32>
    %mul3A_349 = arith.mulf %mul3A_348, %add3A_331 : vector<16xf32>
    %mul3A_350 = arith.mulf %mul3A_349, %mul3A_346 : vector<16xf32>
    %mul3A_351 = arith.mulf %mul3A_350, %mul3A_346 : vector<16xf32>
    %sub3A_352 = arith.constant 1.500000e+00 : f32
    %sub3A_353 = vector.broadcast %sub3A_352 : f32 to vector<16xf32>
    %sub3A_354 = arith.subf %sub3A_353, %mul3A_351 : vector<16xf32>
    %mul3A_355 = arith.mulf %mul3A_346, %sub3A_354 : vector<16xf32>
    %mul3A_356 = arith.constant 5.000000e-01 : f32
    %mul3A_357 = vector.broadcast %mul3A_356 : f32 to vector<16xf32>
    %mul3A_358 = arith.mulf %mul3A_357, %add3A_331 : vector<16xf32>
    %mul3A_359 = arith.mulf %mul3A_358, %mul3A_355 : vector<16xf32>
    %mul3A_360 = arith.mulf %mul3A_359, %mul3A_355 : vector<16xf32>
    %sub3A_361 = arith.constant 1.500000e+00 : f32
    %sub3A_362 = vector.broadcast %sub3A_361 : f32 to vector<16xf32>
    %sub3A_363 = arith.subf %sub3A_362, %mul3A_360 : vector<16xf32>
    %mul3A_364 = arith.mulf %mul3A_355, %sub3A_363 : vector<16xf32>
    %swap3A_365 = arith.constant 112 : index
    %swap3A_366 = tpu.vector_load %arg22[%swap3A_365] {strides = array<i32>} : memref<640xf32, #tpu.memory_space<vmem>>, vector<16xf32>,
    %swap3A_367 = vector.shape_cast %swap3A_366 : vector<16xf32> to vector<16xf32>
    %swap3A_368 = vector.shape_cast %mul3A_364 : vector<16xf32> to vector<16xf32>
    tpu.vector_store %arg22[%swap3A_365], %swap3A_368 {strides = array<i32>} : memref<640xf32, #tpu.memory_space<vmem>>, vector<16xf32>,
    %get3A_369 = arith.constant 128 : index
    %get3A_370 = tpu.vector_load %arg20[%get3A_369] {strides = array<i32>} : memref<640xf32, #tpu.memory_space<vmem>>, vector<16xf32>,
    %get3A_371 = arith.constant 128 : index
    %get3A_372 = tpu.vector_load %arg21[%get3A_371] {strides = array<i32>} : memref<640xf32, #tpu.memory_space<vmem>>, vector<16xf32>,
    %add3A_373 = arith.addf %get3A_370, %get3A_372 : vector<16xf32>
    %add3A_374 = arith.constant 1.000000e+00 : f32
    %add3A_375 = vector.broadcast %add3A_374 : f32 to vector<16xf32>
    %add3A_376 = arith.addf %add3A_373, %add3A_375 : vector<16xf32>
    %bitcast3A_377 = vector.bitcast %add3A_376 : vector<16xf32> to vector<16xi32>
    %shift_right_logical3A_378 = arith.constant 1 : i32
    %shift_right_logical3A_379 = vector.broadcast %shift_right_logical3A_378 : i32 to vector<16xi32>
    %shift_right_logical3A_380 = arith.shrui %bitcast3A_377, %shift_right_logical3A_379 : vector<16xi32>
    %sub3A_381 = arith.subi %broadcast_in_dim3A_13, %shift_right_logical3A_380 : vector<16xi32>
    %bitcast3A_382 = vector.bitcast %sub3A_381 : vector<16xi32> to vector<16xf32>
    %mul3A_383 = arith.constant 5.000000e-01 : f32
    %mul3A_384 = vector.broadcast %mul3A_383 : f32 to vector<16xf32>
    %mul3A_385 = arith.mulf %mul3A_384, %add3A_376 : vector<16xf32>
    %mul3A_386 = arith.mulf %mul3A_385, %bitcast3A_382 : vector<16xf32>
    %mul3A_387 = arith.mulf %mul3A_386, %bitcast3A_382 : vector<16xf32>
    %sub3A_388 = arith.constant 1.500000e+00 : f32
    %sub3A_389 = vector.broadcast %sub3A_388 : f32 to vector<16xf32>
    %sub3A_390 = arith.subf %sub3A_389, %mul3A_387 : vector<16xf32>
    %mul3A_391 = arith.mulf %bitcast3A_382, %sub3A_390 : vector<16xf32>
    %mul3A_392 = arith.constant 5.000000e-01 : f32
    %mul3A_393 = vector.broadcast %mul3A_392 : f32 to vector<16xf32>
    %mul3A_394 = arith.mulf %mul3A_393, %add3A_376 : vector<16xf32>
    %mul3A_395 = arith.mulf %mul3A_394, %mul3A_391 : vector<16xf32>
    %mul3A_396 = arith.mulf %mul3A_395, %mul3A_391 : vector<16xf32>
    %sub3A_397 = arith.constant 1.500000e+00 : f32
    %sub3A_398 = vector.broadcast %sub3A_397 : f32 to vector<16xf32>
    %sub3A_399 = arith.subf %sub3A_398, %mul3A_396 : vector<16xf32>
    %mul3A_400 = arith.mulf %mul3A_391, %sub3A_399 : vector<16xf32>
    %mul3A_401 = arith.constant 5.000000e-01 : f32
    %mul3A_402 = vector.broadcast %mul3A_401 : f32 to vector<16xf32>
    %mul3A_403 = arith.mulf %mul3A_402, %add3A_376 : vector<16xf32>
    %mul3A_404 = arith.mulf %mul3A_403, %mul3A_400 : vector<16xf32>
    %mul3A_405 = arith.mulf %mul3A_404, %mul3A_400 : vector<16xf32>
    %sub3A_406 = arith.constant 1.500000e+00 : f32
    %sub3A_407 = vector.broadcast %sub3A_406 : f32 to vector<16xf32>
    %sub3A_408 = arith.subf %sub3A_407, %mul3A_405 : vector<16xf32>
    %mul3A_409 = arith.mulf %mul3A_400, %sub3A_408 : vector<16xf32>
    %swap3A_410 = arith.constant 128 : index
    %swap3A_411 = tpu.vector_load %arg22[%swap3A_410] {strides = array<i32>} : memref<640xf32, #tpu.memory_space<vmem>>, vector<16xf32>,
    %swap3A_412 = vector.shape_cast %swap3A_411 : vector<16xf32> to vector<16xf32>
    %swap3A_413 = vector.shape_cast %mul3A_409 : vector<16xf32> to vector<16xf32>
    tpu.vector_store %arg22[%swap3A_410], %swap3A_413 {strides = array<i32>} : memref<640xf32, #tpu.memory_space<vmem>>, vector<16xf32>,
    %get3A_414 = arith.constant 144 : index
    %get3A_415 = tpu.vector_load %arg20[%get3A_414] {strides = array<i32>} : memref<640xf32, #tpu.memory_space<vmem>>, vector<16xf32>,
    %get3A_416 = arith.constant 144 : index
    %get3A_417 = tpu.vector_load %arg21[%get3A_416] {strides = array<i32>} : memref<640xf32, #tpu.memory_space<vmem>>, vector<16xf32>,
    %add3A_418 = arith.addf %get3A_415, %get3A_417 : vector<16xf32>
    %add3A_419 = arith.constant 1.000000e+00 : f32
    %add3A_420 = vector.broadcast %add3A_419 : f32 to vector<16xf32>
    %add3A_421 = arith.addf %add3A_418, %add3A_420 : vector<16xf32>
    %bitcast3A_422 = vector.bitcast %add3A_421 : vector<16xf32> to vector<16xi32>
    %shift_right_logical3A_423 = arith.constant 1 : i32
    %shift_right_logical3A_424 = vector.broadcast %shift_right_logical3A_423 : i32 to vector<16xi32>
    %shift_right_logical3A_425 = arith.shrui %bitcast3A_422, %shift_right_logical3A_424 : vector<16xi32>
    %sub3A_426 = arith.subi %broadcast_in_dim3A_13, %shift_right_logical3A_425 : vector<16xi32>
    %bitcast3A_427 = vector.bitcast %sub3A_426 : vector<16xi32> to vector<16xf32>
    %mul3A_428 = arith.constant 5.000000e-01 : f32
    %mul3A_429 = vector.broadcast %mul3A_428 : f32 to vector<16xf32>
    %mul3A_430 = arith.mulf %mul3A_429, %add3A_421 : vector<16xf32>
    %mul3A_431 = arith.mulf %mul3A_430, %bitcast3A_427 : vector<16xf32>
    %mul3A_432 = arith.mulf %mul3A_431, %bitcast3A_427 : vector<16xf32>
    %sub3A_433 = arith.constant 1.500000e+00 : f32
    %sub3A_434 = vector.broadcast %sub3A_433 : f32 to vector<16xf32>
    %sub3A_435 = arith.subf %sub3A_434, %mul3A_432 : vector<16xf32>
    %mul3A_436 = arith.mulf %bitcast3A_427, %sub3A_435 : vector<16xf32>
    %mul3A_437 = arith.constant 5.000000e-01 : f32
    %mul3A_438 = vector.broadcast %mul3A_437 : f32 to vector<16xf32>
    %mul3A_439 = arith.mulf %mul3A_438, %add3A_421 : vector<16xf32>
    %mul3A_440 = arith.mulf %mul3A_439, %mul3A_436 : vector<16xf32>
    %mul3A_441 = arith.mulf %mul3A_440, %mul3A_436 : vector<16xf32>
    %sub3A_442 = arith.constant 1.500000e+00 : f32
    %sub3A_443 = vector.broadcast %sub3A_442 : f32 to vector<16xf32>
    %sub3A_444 = arith.subf %sub3A_443, %mul3A_441 : vector<16xf32>
    %mul3A_445 = arith.mulf %mul3A_436, %sub3A_444 : vector<16xf32>
    %mul3A_446 = arith.constant 5.000000e-01 : f32
    %mul3A_447 = vector.broadcast %mul3A_446 : f32 to vector<16xf32>
    %mul3A_448 = arith.mulf %mul3A_447, %add3A_421 : vector<16xf32>
    %mul3A_449 = arith.mulf %mul3A_448, %mul3A_445 : vector<16xf32>
    %mul3A_450 = arith.mulf %mul3A_449, %mul3A_445 : vector<16xf32>
    %sub3A_451 = arith.constant 1.500000e+00 : f32
    %sub3A_452 = vector.broadcast %sub3A_451 : f32 to vector<16xf32>
    %sub3A_453 = arith.subf %sub3A_452, %mul3A_450 : vector<16xf32>
    %mul3A_454 = arith.mulf %mul3A_445, %sub3A_453 : vector<16xf32>
    %swap3A_455 = arith.constant 144 : index
    %swap3A_456 = tpu.vector_load %arg22[%swap3A_455] {strides = array<i32>} : memref<640xf32, #tpu.memory_space<vmem>>, vector<16xf32>,
    %swap3A_457 = vector.shape_cast %swap3A_456 : vector<16xf32> to vector<16xf32>
    %swap3A_458 = vector.shape_cast %mul3A_454 : vector<16xf32> to vector<16xf32>
    tpu.vector_store %arg22[%swap3A_455], %swap3A_458 {strides = array<i32>} : memref<640xf32, #tpu.memory_space<vmem>>, vector<16xf32>,
    %get3A_459 = arith.constant 160 : index
    %get3A_460 = tpu.vector_load %arg20[%get3A_459] {strides = array<i32>} : memref<640xf32, #tpu.memory_space<vmem>>, vector<16xf32>,
    %get3A_461 = arith.constant 160 : index
    %get3A_462 = tpu.vector_load %arg21[%get3A_461] {strides = array<i32>} : memref<640xf32, #tpu.memory_space<vmem>>, vector<16xf32>,
    %add3A_463 = arith.addf %get3A_460, %get3A_462 : vector<16xf32>
    %add3A_464 = arith.constant 1.000000e+00 : f32
    %add3A_465 = vector.broadcast %add3A_464 : f32 to vector<16xf32>
    %add3A_466 = arith.addf %add3A_463, %add3A_465 : vector<16xf32>
    %bitcast3A_467 = vector.bitcast %add3A_466 : vector<16xf32> to vector<16xi32>
    %shift_right_logical3A_468 = arith.constant 1 : i32
    %shift_right_logical3A_469 = vector.broadcast %shift_right_logical3A_468 : i32 to vector<16xi32>
    %shift_right_logical3A_470 = arith.shrui %bitcast3A_467, %shift_right_logical3A_469 : vector<16xi32>
    %sub3A_471 = arith.subi %broadcast_in_dim3A_13, %shift_right_logical3A_470 : vector<16xi32>
    %bitcast3A_472 = vector.bitcast %sub3A_471 : vector<16xi32> to vector<16xf32>
    %mul3A_473 = arith.constant 5.000000e-01 : f32
    %mul3A_474 = vector.broadcast %mul3A_473 : f32 to vector<16xf32>
    %mul3A_475 = arith.mulf %mul3A_474, %add3A_466 : vector<16xf32>
    %mul3A_476 = arith.mulf %mul3A_475, %bitcast3A_472 : vector<16xf32>
    %mul3A_477 = arith.mulf %mul3A_476, %bitcast3A_472 : vector<16xf32>
    %sub3A_478 = arith.constant 1.500000e+00 : f32
    %sub3A_479 = vector.broadcast %sub3A_478 : f32 to vector<16xf32>
    %sub3A_480 = arith.subf %sub3A_479, %mul3A_477 : vector<16xf32>
    %mul3A_481 = arith.mulf %bitcast3A_472, %sub3A_480 : vector<16xf32>
    %mul3A_482 = arith.constant 5.000000e-01 : f32
    %mul3A_483 = vector.broadcast %mul3A_482 : f32 to vector<16xf32>
    %mul3A_484 = arith.mulf %mul3A_483, %add3A_466 : vector<16xf32>
    %mul3A_485 = arith.mulf %mul3A_484, %mul3A_481 : vector<16xf32>
    %mul3A_486 = arith.mulf %mul3A_485, %mul3A_481 : vector<16xf32>
    %sub3A_487 = arith.constant 1.500000e+00 : f32
    %sub3A_488 = vector.broadcast %sub3A_487 : f32 to vector<16xf32>
    %sub3A_489 = arith.subf %sub3A_488, %mul3A_486 : vector<16xf32>
    %mul3A_490 = arith.mulf %mul3A_481, %sub3A_489 : vector<16xf32>
    %mul3A_491 = arith.constant 5.000000e-01 : f32
    %mul3A_492 = vector.broadcast %mul3A_491 : f32 to vector<16xf32>
    %mul3A_493 = arith.mulf %mul3A_492, %add3A_466 : vector<16xf32>
    %mul3A_494 = arith.mulf %mul3A_493, %mul3A_490 : vector<16xf32>
    %mul3A_495 = arith.mulf %mul3A_494, %mul3A_490 : vector<16xf32>
    %sub3A_496 = arith.constant 1.500000e+00 : f32
    %sub3A_497 = vector.broadcast %sub3A_496 : f32 to vector<16xf32>
    %sub3A_498 = arith.subf %sub3A_497, %mul3A_495 : vector<16xf32>
    %mul3A_499 = arith.mulf %mul3A_490, %sub3A_498 : vector<16xf32>
    %swap3A_500 = arith.constant 160 : index
    %swap3A_501 = tpu.vector_load %arg22[%swap3A_500] {strides = array<i32>} : memref<640xf32, #tpu.memory_space<vmem>>, vector<16xf32>,
    %swap3A_502 = vector.shape_cast %swap3A_501 : vector<16xf32> to vector<16xf32>
    %swap3A_503 = vector.shape_cast %mul3A_499 : vector<16xf32> to vector<16xf32>
    tpu.vector_store %arg22[%swap3A_500], %swap3A_503 {strides = array<i32>} : memref<640xf32, #tpu.memory_space<vmem>>, vector<16xf32>,
    %get3A_504 = arith.constant 176 : index
    %get3A_505 = tpu.vector_load %arg20[%get3A_504] {strides = array<i32>} : memref<640xf32, #tpu.memory_space<vmem>>, vector<16xf32>,
    %get3A_506 = arith.constant 176 : index
    %get3A_507 = tpu.vector_load %arg21[%get3A_506] {strides = array<i32>} : memref<640xf32, #tpu.memory_space<vmem>>, vector<16xf32>,
    %add3A_508 = arith.addf %get3A_505, %get3A_507 : vector<16xf32>
    %add3A_509 = arith.constant 1.000000e+00 : f32
    %add3A_510 = vector.broadcast %add3A_509 : f32 to vector<16xf32>
    %add3A_511 = arith.addf %add3A_508, %add3A_510 : vector<16xf32>
    %bitcast3A_512 = vector.bitcast %add3A_511 : vector<16xf32> to vector<16xi32>
    %shift_right_logical3A_513 = arith.constant 1 : i32
    %shift_right_logical3A_514 = vector.broadcast %shift_right_logical3A_513 : i32 to vector<16xi32>
    %shift_right_logical3A_515 = arith.shrui %bitcast3A_512, %shift_right_logical3A_514 : vector<16xi32>
    %sub3A_516 = arith.subi %broadcast_in_dim3A_13, %shift_right_logical3A_515 : vector<16xi32>
    %bitcast3A_517 = vector.bitcast %sub3A_516 : vector<16xi32> to vector<16xf32>
    %mul3A_518 = arith.constant 5.000000e-01 : f32
    %mul3A_519 = vector.broadcast %mul3A_518 : f32 to vector<16xf32>
    %mul3A_520 = arith.mulf %mul3A_519, %add3A_511 : vector<16xf32>
    %mul3A_521 = arith.mulf %mul3A_520, %bitcast3A_517 : vector<16xf32>
    %mul3A_522 = arith.mulf %mul3A_521, %bitcast3A_517 : vector<16xf32>
    %sub3A_523 = arith.constant 1.500000e+00 : f32
    %sub3A_524 = vector.broadcast %sub3A_523 : f32 to vector<16xf32>
    %sub3A_525 = arith.subf %sub3A_524, %mul3A_522 : vector<16xf32>
    %mul3A_526 = arith.mulf %bitcast3A_517, %sub3A_525 : vector<16xf32>
    %mul3A_527 = arith.constant 5.000000e-01 : f32
    %mul3A_528 = vector.broadcast %mul3A_527 : f32 to vector<16xf32>
    %mul3A_529 = arith.mulf %mul3A_528, %add3A_511 : vector<16xf32>
    %mul3A_530 = arith.mulf %mul3A_529, %mul3A_526 : vector<16xf32>
    %mul3A_531 = arith.mulf %mul3A_530, %mul3A_526 : vector<16xf32>
    %sub3A_532 = arith.constant 1.500000e+00 : f32
    %sub3A_533 = vector.broadcast %sub3A_532 : f32 to vector<16xf32>
    %sub3A_534 = arith.subf %sub3A_533, %mul3A_531 : vector<16xf32>
    %mul3A_535 = arith.mulf %mul3A_526, %sub3A_534 : vector<16xf32>
    %mul3A_536 = arith.constant 5.000000e-01 : f32
    %mul3A_537 = vector.broadcast %mul3A_536 : f32 to vector<16xf32>
    %mul3A_538 = arith.mulf %mul3A_537, %add3A_511 : vector<16xf32>
    %mul3A_539 = arith.mulf %mul3A_538, %mul3A_535 : vector<16xf32>
    %mul3A_540 = arith.mulf %mul3A_539, %mul3A_535 : vector<16xf32>
    %sub3A_541 = arith.constant 1.500000e+00 : f32
    %sub3A_542 = vector.broadcast %sub3A_541 : f32 to vector<16xf32>
    %sub3A_543 = arith.subf %sub3A_542, %mul3A_540 : vector<16xf32>
    %mul3A_544 = arith.mulf %mul3A_535, %sub3A_543 : vector<16xf32>
    %swap3A_545 = arith.constant 176 : index
    %swap3A_546 = tpu.vector_load %arg22[%swap3A_545] {strides = array<i32>} : memref<640xf32, #tpu.memory_space<vmem>>, vector<16xf32>,
    %swap3A_547 = vector.shape_cast %swap3A_546 : vector<16xf32> to vector<16xf32>
    %swap3A_548 = vector.shape_cast %mul3A_544 : vector<16xf32> to vector<16xf32>
    tpu.vector_store %arg22[%swap3A_545], %swap3A_548 {strides = array<i32>} : memref<640xf32, #tpu.memory_space<vmem>>, vector<16xf32>,
    %get3A_549 = arith.constant 192 : index
    %get3A_550 = tpu.vector_load %arg20[%get3A_549] {strides = array<i32>} : memref<640xf32, #tpu.memory_space<vmem>>, vector<16xf32>,
    %get3A_551 = arith.constant 192 : index
    %get3A_552 = tpu.vector_load %arg21[%get3A_551] {strides = array<i32>} : memref<640xf32, #tpu.memory_space<vmem>>, vector<16xf32>,
    %add3A_553 = arith.addf %get3A_550, %get3A_552 : vector<16xf32>
    %add3A_554 = arith.constant 1.000000e+00 : f32
    %add3A_555 = vector.broadcast %add3A_554 : f32 to vector<16xf32>
    %add3A_556 = arith.addf %add3A_553, %add3A_555 : vector<16xf32>
    %bitcast3A_557 = vector.bitcast %add3A_556 : vector<16xf32> to vector<16xi32>
    %shift_right_logical3A_558 = arith.constant 1 : i32
    %shift_right_logical3A_559 = vector.broadcast %shift_right_logical3A_558 : i32 to vector<16xi32>
    %shift_right_logical3A_560 = arith.shrui %bitcast3A_557, %shift_right_logical3A_559 : vector<16xi32>
    %sub3A_561 = arith.subi %broadcast_in_dim3A_13, %shift_right_logical3A_560 : vector<16xi32>
    %bitcast3A_562 = vector.bitcast %sub3A_561 : vector<16xi32> to vector<16xf32>
    %mul3A_563 = arith.constant 5.000000e-01 : f32
    %mul3A_564 = vector.broadcast %mul3A_563 : f32 to vector<16xf32>
    %mul3A_565 = arith.mulf %mul3A_564, %add3A_556 : vector<16xf32>
    %mul3A_566 = arith.mulf %mul3A_565, %bitcast3A_562 : vector<16xf32>
    %mul3A_567 = arith.mulf %mul3A_566, %bitcast3A_562 : vector<16xf32>
    %sub3A_568 = arith.constant 1.500000e+00 : f32
    %sub3A_569 = vector.broadcast %sub3A_568 : f32 to vector<16xf32>
    %sub3A_570 = arith.subf %sub3A_569, %mul3A_567 : vector<16xf32>
    %mul3A_571 = arith.mulf %bitcast3A_562, %sub3A_570 : vector<16xf32>
    %mul3A_572 = arith.constant 5.000000e-01 : f32
    %mul3A_573 = vector.broadcast %mul3A_572 : f32 to vector<16xf32>
    %mul3A_574 = arith.mulf %mul3A_573, %add3A_556 : vector<16xf32>
    %mul3A_575 = arith.mulf %mul3A_574, %mul3A_571 : vector<16xf32>
    %mul3A_576 = arith.mulf %mul3A_575, %mul3A_571 : vector<16xf32>
    %sub3A_577 = arith.constant 1.500000e+00 : f32
    %sub3A_578 = vector.broadcast %sub3A_577 : f32 to vector<16xf32>
    %sub3A_579 = arith.subf %sub3A_578, %mul3A_576 : vector<16xf32>
    %mul3A_580 = arith.mulf %mul3A_571, %sub3A_579 : vector<16xf32>
    %mul3A_581 = arith.constant 5.000000e-01 : f32
    %mul3A_582 = vector.broadcast %mul3A_581 : f32 to vector<16xf32>
    %mul3A_583 = arith.mulf %mul3A_582, %add3A_556 : vector<16xf32>
    %mul3A_584 = arith.mulf %mul3A_583, %mul3A_580 : vector<16xf32>
    %mul3A_585 = arith.mulf %mul3A_584, %mul3A_580 : vector<16xf32>
    %sub3A_586 = arith.constant 1.500000e+00 : f32
    %sub3A_587 = vector.broadcast %sub3A_586 : f32 to vector<16xf32>
    %sub3A_588 = arith.subf %sub3A_587, %mul3A_585 : vector<16xf32>
    %mul3A_589 = arith.mulf %mul3A_580, %sub3A_588 : vector<16xf32>
    %swap3A_590 = arith.constant 192 : index
    %swap3A_591 = tpu.vector_load %arg22[%swap3A_590] {strides = array<i32>} : memref<640xf32, #tpu.memory_space<vmem>>, vector<16xf32>,
    %swap3A_592 = vector.shape_cast %swap3A_591 : vector<16xf32> to vector<16xf32>
    %swap3A_593 = vector.shape_cast %mul3A_589 : vector<16xf32> to vector<16xf32>
    tpu.vector_store %arg22[%swap3A_590], %swap3A_593 {strides = array<i32>} : memref<640xf32, #tpu.memory_space<vmem>>, vector<16xf32>,
    %get3A_594 = arith.constant 208 : index
    %get3A_595 = tpu.vector_load %arg20[%get3A_594] {strides = array<i32>} : memref<640xf32, #tpu.memory_space<vmem>>, vector<16xf32>,
    %get3A_596 = arith.constant 208 : index
    %get3A_597 = tpu.vector_load %arg21[%get3A_596] {strides = array<i32>} : memref<640xf32, #tpu.memory_space<vmem>>, vector<16xf32>,
    %add3A_598 = arith.addf %get3A_595, %get3A_597 : vector<16xf32>
    %add3A_599 = arith.constant 1.000000e+00 : f32
    %add3A_600 = vector.broadcast %add3A_599 : f32 to vector<16xf32>
    %add3A_601 = arith.addf %add3A_598, %add3A_600 : vector<16xf32>
    %bitcast3A_602 = vector.bitcast %add3A_601 : vector<16xf32> to vector<16xi32>
    %shift_right_logical3A_603 = arith.constant 1 : i32
    %shift_right_logical3A_604 = vector.broadcast %shift_right_logical3A_603 : i32 to vector<16xi32>
    %shift_right_logical3A_605 = arith.shrui %bitcast3A_602, %shift_right_logical3A_604 : vector<16xi32>
    %sub3A_606 = arith.subi %broadcast_in_dim3A_13, %shift_right_logical3A_605 : vector<16xi32>
    %bitcast3A_607 = vector.bitcast %sub3A_606 : vector<16xi32> to vector<16xf32>
    %mul3A_608 = arith.constant 5.000000e-01 : f32
    %mul3A_609 = vector.broadcast %mul3A_608 : f32 to vector<16xf32>
    %mul3A_610 = arith.mulf %mul3A_609, %add3A_601 : vector<16xf32>
    %mul3A_611 = arith.mulf %mul3A_610, %bitcast3A_607 : vector<16xf32>
    %mul3A_612 = arith.mulf %mul3A_611, %bitcast3A_607 : vector<16xf32>
    %sub3A_613 = arith.constant 1.500000e+00 : f32
    %sub3A_614 = vector.broadcast %sub3A_613 : f32 to vector<16xf32>
    %sub3A_615 = arith.subf %sub3A_614, %mul3A_612 : vector<16xf32>
    %mul3A_616 = arith.mulf %bitcast3A_607, %sub3A_615 : vector<16xf32>
    %mul3A_617 = arith.constant 5.000000e-01 : f32
    %mul3A_618 = vector.broadcast %mul3A_617 : f32 to vector<16xf32>
    %mul3A_619 = arith.mulf %mul3A_618, %add3A_601 : vector<16xf32>
    %mul3A_620 = arith.mulf %mul3A_619, %mul3A_616 : vector<16xf32>
    %mul3A_621 = arith.mulf %mul3A_620, %mul3A_616 : vector<16xf32>
    %sub3A_622 = arith.constant 1.500000e+00 : f32
    %sub3A_623 = vector.broadcast %sub3A_622 : f32 to vector<16xf32>
    %sub3A_624 = arith.subf %sub3A_623, %mul3A_621 : vector<16xf32>
    %mul3A_625 = arith.mulf %mul3A_616, %sub3A_624 : vector<16xf32>
    %mul3A_626 = arith.constant 5.000000e-01 : f32
    %mul3A_627 = vector.broadcast %mul3A_626 : f32 to vector<16xf32>
    %mul3A_628 = arith.mulf %mul3A_627, %add3A_601 : vector<16xf32>
    %mul3A_629 = arith.mulf %mul3A_628, %mul3A_625 : vector<16xf32>
    %mul3A_630 = arith.mulf %mul3A_629, %mul3A_625 : vector<16xf32>
    %sub3A_631 = arith.constant 1.500000e+00 : f32
    %sub3A_632 = vector.broadcast %sub3A_631 : f32 to vector<16xf32>
    %sub3A_633 = arith.subf %sub3A_632, %mul3A_630 : vector<16xf32>
    %mul3A_634 = arith.mulf %mul3A_625, %sub3A_633 : vector<16xf32>
    %swap3A_635 = arith.constant 208 : index
    %swap3A_636 = tpu.vector_load %arg22[%swap3A_635] {strides = array<i32>} : memref<640xf32, #tpu.memory_space<vmem>>, vector<16xf32>,
    %swap3A_637 = vector.shape_cast %swap3A_636 : vector<16xf32> to vector<16xf32>
    %swap3A_638 = vector.shape_cast %mul3A_634 : vector<16xf32> to vector<16xf32>
    tpu.vector_store %arg22[%swap3A_635], %swap3A_638 {strides = array<i32>} : memref<640xf32, #tpu.memory_space<vmem>>, vector<16xf32>,
    %get3A_639 = arith.constant 224 : index
    %get3A_640 = tpu.vector_load %arg20[%get3A_639] {strides = array<i32>} : memref<640xf32, #tpu.memory_space<vmem>>, vector<16xf32>,
    %get3A_641 = arith.constant 224 : index
    %get3A_642 = tpu.vector_load %arg21[%get3A_641] {strides = array<i32>} : memref<640xf32, #tpu.memory_space<vmem>>, vector<16xf32>,
    %add3A_643 = arith.addf %get3A_640, %get3A_642 : vector<16xf32>
    %add3A_644 = arith.constant 1.000000e+00 : f32
    %add3A_645 = vector.broadcast %add3A_644 : f32 to vector<16xf32>
    %add3A_646 = arith.addf %add3A_643, %add3A_645 : vector<16xf32>
    %bitcast3A_647 = vector.bitcast %add3A_646 : vector<16xf32> to vector<16xi32>
    %shift_right_logical3A_648 = arith.constant 1 : i32
    %shift_right_logical3A_649 = vector.broadcast %shift_right_logical3A_648 : i32 to vector<16xi32>
    %shift_right_logical3A_650 = arith.shrui %bitcast3A_647, %shift_right_logical3A_649 : vector<16xi32>
    %sub3A_651 = arith.subi %broadcast_in_dim3A_13, %shift_right_logical3A_650 : vector<16xi32>
    %bitcast3A_652 = vector.bitcast %sub3A_651 : vector<16xi32> to vector<16xf32>
    %mul3A_653 = arith.constant 5.000000e-01 : f32
    %mul3A_654 = vector.broadcast %mul3A_653 : f32 to vector<16xf32>
    %mul3A_655 = arith.mulf %mul3A_654, %add3A_646 : vector<16xf32>
    %mul3A_656 = arith.mulf %mul3A_655, %bitcast3A_652 : vector<16xf32>
    %mul3A_657 = arith.mulf %mul3A_656, %bitcast3A_652 : vector<16xf32>
    %sub3A_658 = arith.constant 1.500000e+00 : f32
    %sub3A_659 = vector.broadcast %sub3A_658 : f32 to vector<16xf32>
    %sub3A_660 = arith.subf %sub3A_659, %mul3A_657 : vector<16xf32>
    %mul3A_661 = arith.mulf %bitcast3A_652, %sub3A_660 : vector<16xf32>
    %mul3A_662 = arith.constant 5.000000e-01 : f32
    %mul3A_663 = vector.broadcast %mul3A_662 : f32 to vector<16xf32>
    %mul3A_664 = arith.mulf %mul3A_663, %add3A_646 : vector<16xf32>
    %mul3A_665 = arith.mulf %mul3A_664, %mul3A_661 : vector<16xf32>
    %mul3A_666 = arith.mulf %mul3A_665, %mul3A_661 : vector<16xf32>
    %sub3A_667 = arith.constant 1.500000e+00 : f32
    %sub3A_668 = vector.broadcast %sub3A_667 : f32 to vector<16xf32>
    %sub3A_669 = arith.subf %sub3A_668, %mul3A_666 : vector<16xf32>
    %mul3A_670 = arith.mulf %mul3A_661, %sub3A_669 : vector<16xf32>
    %mul3A_671 = arith.constant 5.000000e-01 : f32
    %mul3A_672 = vector.broadcast %mul3A_671 : f32 to vector<16xf32>
    %mul3A_673 = arith.mulf %mul3A_672, %add3A_646 : vector<16xf32>
    %mul3A_674 = arith.mulf %mul3A_673, %mul3A_670 : vector<16xf32>
    %mul3A_675 = arith.mulf %mul3A_674, %mul3A_670 : vector<16xf32>
    %sub3A_676 = arith.constant 1.500000e+00 : f32
    %sub3A_677 = vector.broadcast %sub3A_676 : f32 to vector<16xf32>
    %sub3A_678 = arith.subf %sub3A_677, %mul3A_675 : vector<16xf32>
    %mul3A_679 = arith.mulf %mul3A_670, %sub3A_678 : vector<16xf32>
    %swap3A_680 = arith.constant 224 : index
    %swap3A_681 = tpu.vector_load %arg22[%swap3A_680] {strides = array<i32>} : memref<640xf32, #tpu.memory_space<vmem>>, vector<16xf32>,
    %swap3A_682 = vector.shape_cast %swap3A_681 : vector<16xf32> to vector<16xf32>
    %swap3A_683 = vector.shape_cast %mul3A_679 : vector<16xf32> to vector<16xf32>
    tpu.vector_store %arg22[%swap3A_680], %swap3A_683 {strides = array<i32>} : memref<640xf32, #tpu.memory_space<vmem>>, vector<16xf32>,
    %get3A_684 = arith.constant 240 : index
    %get3A_685 = tpu.vector_load %arg20[%get3A_684] {strides = array<i32>} : memref<640xf32, #tpu.memory_space<vmem>>, vector<16xf32>,
    %get3A_686 = arith.constant 240 : index
    %get3A_687 = tpu.vector_load %arg21[%get3A_686] {strides = array<i32>} : memref<640xf32, #tpu.memory_space<vmem>>, vector<16xf32>,
    %add3A_688 = arith.addf %get3A_685, %get3A_687 : vector<16xf32>
    %add3A_689 = arith.constant 1.000000e+00 : f32
    %add3A_690 = vector.broadcast %add3A_689 : f32 to vector<16xf32>
    %add3A_691 = arith.addf %add3A_688, %add3A_690 : vector<16xf32>
    %bitcast3A_692 = vector.bitcast %add3A_691 : vector<16xf32> to vector<16xi32>
    %shift_right_logical3A_693 = arith.constant 1 : i32
    %shift_right_logical3A_694 = vector.broadcast %shift_right_logical3A_693 : i32 to vector<16xi32>
    %shift_right_logical3A_695 = arith.shrui %bitcast3A_692, %shift_right_logical3A_694 : vector<16xi32>
    %sub3A_696 = arith.subi %broadcast_in_dim3A_13, %shift_right_logical3A_695 : vector<16xi32>
    %bitcast3A_697 = vector.bitcast %sub3A_696 : vector<16xi32> to vector<16xf32>
    %mul3A_698 = arith.constant 5.000000e-01 : f32
    %mul3A_699 = vector.broadcast %mul3A_698 : f32 to vector<16xf32>
    %mul3A_700 = arith.mulf %mul3A_699, %add3A_691 : vector<16xf32>
    %mul3A_701 = arith.mulf %mul3A_700, %bitcast3A_697 : vector<16xf32>
    %mul3A_702 = arith.mulf %mul3A_701, %bitcast3A_697 : vector<16xf32>
    %sub3A_703 = arith.constant 1.500000e+00 : f32
    %sub3A_704 = vector.broadcast %sub3A_703 : f32 to vector<16xf32>
    %sub3A_705 = arith.subf %sub3A_704, %mul3A_702 : vector<16xf32>
    %mul3A_706 = arith.mulf %bitcast3A_697, %sub3A_705 : vector<16xf32>
    %mul3A_707 = arith.constant 5.000000e-01 : f32
    %mul3A_708 = vector.broadcast %mul3A_707 : f32 to vector<16xf32>
    %mul3A_709 = arith.mulf %mul3A_708, %add3A_691 : vector<16xf32>
    %mul3A_710 = arith.mulf %mul3A_709, %mul3A_706 : vector<16xf32>
    %mul3A_711 = arith.mulf %mul3A_710, %mul3A_706 : vector<16xf32>
    %sub3A_712 = arith.constant 1.500000e+00 : f32
    %sub3A_713 = vector.broadcast %sub3A_712 : f32 to vector<16xf32>
    %sub3A_714 = arith.subf %sub3A_713, %mul3A_711 : vector<16xf32>
    %mul3A_715 = arith.mulf %mul3A_706, %sub3A_714 : vector<16xf32>
    %mul3A_716 = arith.constant 5.000000e-01 : f32
    %mul3A_717 = vector.broadcast %mul3A_716 : f32 to vector<16xf32>
    %mul3A_718 = arith.mulf %mul3A_717, %add3A_691 : vector<16xf32>
    %mul3A_719 = arith.mulf %mul3A_718, %mul3A_715 : vector<16xf32>
    %mul3A_720 = arith.mulf %mul3A_719, %mul3A_715 : vector<16xf32>
    %sub3A_721 = arith.constant 1.500000e+00 : f32
    %sub3A_722 = vector.broadcast %sub3A_721 : f32 to vector<16xf32>
    %sub3A_723 = arith.subf %sub3A_722, %mul3A_720 : vector<16xf32>
    %mul3A_724 = arith.mulf %mul3A_715, %sub3A_723 : vector<16xf32>
    %swap3A_725 = arith.constant 240 : index
    %swap3A_726 = tpu.vector_load %arg22[%swap3A_725] {strides = array<i32>} : memref<640xf32, #tpu.memory_space<vmem>>, vector<16xf32>,
    %swap3A_727 = vector.shape_cast %swap3A_726 : vector<16xf32> to vector<16xf32>
    %swap3A_728 = vector.shape_cast %mul3A_724 : vector<16xf32> to vector<16xf32>
    tpu.vector_store %arg22[%swap3A_725], %swap3A_728 {strides = array<i32>} : memref<640xf32, #tpu.memory_space<vmem>>, vector<16xf32>,
    %get3A_729 = arith.constant 256 : index
    %get3A_730 = tpu.vector_load %arg20[%get3A_729] {strides = array<i32>} : memref<640xf32, #tpu.memory_space<vmem>>, vector<16xf32>,
    %get3A_731 = arith.constant 256 : index
    %get3A_732 = tpu.vector_load %arg21[%get3A_731] {strides = array<i32>} : memref<640xf32, #tpu.memory_space<vmem>>, vector<16xf32>,
    %add3A_733 = arith.addf %get3A_730, %get3A_732 : vector<16xf32>
    %add3A_734 = arith.constant 1.000000e+00 : f32
    %add3A_735 = vector.broadcast %add3A_734 : f32 to vector<16xf32>
    %add3A_736 = arith.addf %add3A_733, %add3A_735 : vector<16xf32>
    %bitcast3A_737 = vector.bitcast %add3A_736 : vector<16xf32> to vector<16xi32>
    %shift_right_logical3A_738 = arith.constant 1 : i32
    %shift_right_logical3A_739 = vector.broadcast %shift_right_logical3A_738 : i32 to vector<16xi32>
    %shift_right_logical3A_740 = arith.shrui %bitcast3A_737, %shift_right_logical3A_739 : vector<16xi32>
    %sub3A_741 = arith.subi %broadcast_in_dim3A_13, %shift_right_logical3A_740 : vector<16xi32>
    %bitcast3A_742 = vector.bitcast %sub3A_741 : vector<16xi32> to vector<16xf32>
    %mul3A_743 = arith.constant 5.000000e-01 : f32
    %mul3A_744 = vector.broadcast %mul3A_743 : f32 to vector<16xf32>
    %mul3A_745 = arith.mulf %mul3A_744, %add3A_736 : vector<16xf32>
    %mul3A_746 = arith.mulf %mul3A_745, %bitcast3A_742 : vector<16xf32>
    %mul3A_747 = arith.mulf %mul3A_746, %bitcast3A_742 : vector<16xf32>
    %sub3A_748 = arith.constant 1.500000e+00 : f32
    %sub3A_749 = vector.broadcast %sub3A_748 : f32 to vector<16xf32>
    %sub3A_750 = arith.subf %sub3A_749, %mul3A_747 : vector<16xf32>
    %mul3A_751 = arith.mulf %bitcast3A_742, %sub3A_750 : vector<16xf32>
    %mul3A_752 = arith.constant 5.000000e-01 : f32
    %mul3A_753 = vector.broadcast %mul3A_752 : f32 to vector<16xf32>
    %mul3A_754 = arith.mulf %mul3A_753, %add3A_736 : vector<16xf32>
    %mul3A_755 = arith.mulf %mul3A_754, %mul3A_751 : vector<16xf32>
    %mul3A_756 = arith.mulf %mul3A_755, %mul3A_751 : vector<16xf32>
    %sub3A_757 = arith.constant 1.500000e+00 : f32
    %sub3A_758 = vector.broadcast %sub3A_757 : f32 to vector<16xf32>
    %sub3A_759 = arith.subf %sub3A_758, %mul3A_756 : vector<16xf32>
    %mul3A_760 = arith.mulf %mul3A_751, %sub3A_759 : vector<16xf32>
    %mul3A_761 = arith.constant 5.000000e-01 : f32
    %mul3A_762 = vector.broadcast %mul3A_761 : f32 to vector<16xf32>
    %mul3A_763 = arith.mulf %mul3A_762, %add3A_736 : vector<16xf32>
    %mul3A_764 = arith.mulf %mul3A_763, %mul3A_760 : vector<16xf32>
    %mul3A_765 = arith.mulf %mul3A_764, %mul3A_760 : vector<16xf32>
    %sub3A_766 = arith.constant 1.500000e+00 : f32
    %sub3A_767 = vector.broadcast %sub3A_766 : f32 to vector<16xf32>
    %sub3A_768 = arith.subf %sub3A_767, %mul3A_765 : vector<16xf32>
    %mul3A_769 = arith.mulf %mul3A_760, %sub3A_768 : vector<16xf32>
    %swap3A_770 = arith.constant 256 : index
    %swap3A_771 = tpu.vector_load %arg22[%swap3A_770] {strides = array<i32>} : memref<640xf32, #tpu.memory_space<vmem>>, vector<16xf32>,
    %swap3A_772 = vector.shape_cast %swap3A_771 : vector<16xf32> to vector<16xf32>
    %swap3A_773 = vector.shape_cast %mul3A_769 : vector<16xf32> to vector<16xf32>
    tpu.vector_store %arg22[%swap3A_770], %swap3A_773 {strides = array<i32>} : memref<640xf32, #tpu.memory_space<vmem>>, vector<16xf32>,
    %get3A_774 = arith.constant 272 : index
    %get3A_775 = tpu.vector_load %arg20[%get3A_774] {strides = array<i32>} : memref<640xf32, #tpu.memory_space<vmem>>, vector<16xf32>,
    %get3A_776 = arith.constant 272 : index
    %get3A_777 = tpu.vector_load %arg21[%get3A_776] {strides = array<i32>} : memref<640xf32, #tpu.memory_space<vmem>>, vector<16xf32>,
    %add3A_778 = arith.addf %get3A_775, %get3A_777 : vector<16xf32>
    %add3A_779 = arith.constant 1.000000e+00 : f32
    %add3A_780 = vector.broadcast %add3A_779 : f32 to vector<16xf32>
    %add3A_781 = arith.addf %add3A_778, %add3A_780 : vector<16xf32>
    %bitcast3A_782 = vector.bitcast %add3A_781 : vector<16xf32> to vector<16xi32>
    %shift_right_logical3A_783 = arith.constant 1 : i32
    %shift_right_logical3A_784 = vector.broadcast %shift_right_logical3A_783 : i32 to vector<16xi32>
    %shift_right_logical3A_785 = arith.shrui %bitcast3A_782, %shift_right_logical3A_784 : vector<16xi32>
    %sub3A_786 = arith.subi %broadcast_in_dim3A_13, %shift_right_logical3A_785 : vector<16xi32>
    %bitcast3A_787 = vector.bitcast %sub3A_786 : vector<16xi32> to vector<16xf32>
    %mul3A_788 = arith.constant 5.000000e-01 : f32
    %mul3A_789 = vector.broadcast %mul3A_788 : f32 to vector<16xf32>
    %mul3A_790 = arith.mulf %mul3A_789, %add3A_781 : vector<16xf32>
    %mul3A_791 = arith.mulf %mul3A_790, %bitcast3A_787 : vector<16xf32>
    %mul3A_792 = arith.mulf %mul3A_791, %bitcast3A_787 : vector<16xf32>
    %sub3A_793 = arith.constant 1.500000e+00 : f32
    %sub3A_794 = vector.broadcast %sub3A_793 : f32 to vector<16xf32>
    %sub3A_795 = arith.subf %sub3A_794, %mul3A_792 : vector<16xf32>
    %mul3A_796 = arith.mulf %bitcast3A_787, %sub3A_795 : vector<16xf32>
    %mul3A_797 = arith.constant 5.000000e-01 : f32
    %mul3A_798 = vector.broadcast %mul3A_797 : f32 to vector<16xf32>
    %mul3A_799 = arith.mulf %mul3A_798, %add3A_781 : vector<16xf32>
    %mul3A_800 = arith.mulf %mul3A_799, %mul3A_796 : vector<16xf32>
    %mul3A_801 = arith.mulf %mul3A_800, %mul3A_796 : vector<16xf32>
    %sub3A_802 = arith.constant 1.500000e+00 : f32
    %sub3A_803 = vector.broadcast %sub3A_802 : f32 to vector<16xf32>
    %sub3A_804 = arith.subf %sub3A_803, %mul3A_801 : vector<16xf32>
    %mul3A_805 = arith.mulf %mul3A_796, %sub3A_804 : vector<16xf32>
    %mul3A_806 = arith.constant 5.000000e-01 : f32
    %mul3A_807 = vector.broadcast %mul3A_806 : f32 to vector<16xf32>
    %mul3A_808 = arith.mulf %mul3A_807, %add3A_781 : vector<16xf32>
    %mul3A_809 = arith.mulf %mul3A_808, %mul3A_805 : vector<16xf32>
    %mul3A_810 = arith.mulf %mul3A_809, %mul3A_805 : vector<16xf32>
    %sub3A_811 = arith.constant 1.500000e+00 : f32
    %sub3A_812 = vector.broadcast %sub3A_811 : f32 to vector<16xf32>
    %sub3A_813 = arith.subf %sub3A_812, %mul3A_810 : vector<16xf32>
    %mul3A_814 = arith.mulf %mul3A_805, %sub3A_813 : vector<16xf32>
    %swap3A_815 = arith.constant 272 : index
    %swap3A_816 = tpu.vector_load %arg22[%swap3A_815] {strides = array<i32>} : memref<640xf32, #tpu.memory_space<vmem>>, vector<16xf32>,
    %swap3A_817 = vector.shape_cast %swap3A_816 : vector<16xf32> to vector<16xf32>
    %swap3A_818 = vector.shape_cast %mul3A_814 : vector<16xf32> to vector<16xf32>
    tpu.vector_store %arg22[%swap3A_815], %swap3A_818 {strides = array<i32>} : memref<640xf32, #tpu.memory_space<vmem>>, vector<16xf32>,
    %get3A_819 = arith.constant 288 : index
    %get3A_820 = tpu.vector_load %arg20[%get3A_819] {strides = array<i32>} : memref<640xf32, #tpu.memory_space<vmem>>, vector<16xf32>,
    %get3A_821 = arith.constant 288 : index
    %get3A_822 = tpu.vector_load %arg21[%get3A_821] {strides = array<i32>} : memref<640xf32, #tpu.memory_space<vmem>>, vector<16xf32>,
    %add3A_823 = arith.addf %get3A_820, %get3A_822 : vector<16xf32>
    %add3A_824 = arith.constant 1.000000e+00 : f32
    %add3A_825 = vector.broadcast %add3A_824 : f32 to vector<16xf32>
    %add3A_826 = arith.addf %add3A_823, %add3A_825 : vector<16xf32>
    %bitcast3A_827 = vector.bitcast %add3A_826 : vector<16xf32> to vector<16xi32>
    %shift_right_logical3A_828 = arith.constant 1 : i32
    %shift_right_logical3A_829 = vector.broadcast %shift_right_logical3A_828 : i32 to vector<16xi32>
    %shift_right_logical3A_830 = arith.shrui %bitcast3A_827, %shift_right_logical3A_829 : vector<16xi32>
    %sub3A_831 = arith.subi %broadcast_in_dim3A_13, %shift_right_logical3A_830 : vector<16xi32>
    %bitcast3A_832 = vector.bitcast %sub3A_831 : vector<16xi32> to vector<16xf32>
    %mul3A_833 = arith.constant 5.000000e-01 : f32
    %mul3A_834 = vector.broadcast %mul3A_833 : f32 to vector<16xf32>
    %mul3A_835 = arith.mulf %mul3A_834, %add3A_826 : vector<16xf32>
    %mul3A_836 = arith.mulf %mul3A_835, %bitcast3A_832 : vector<16xf32>
    %mul3A_837 = arith.mulf %mul3A_836, %bitcast3A_832 : vector<16xf32>
    %sub3A_838 = arith.constant 1.500000e+00 : f32
    %sub3A_839 = vector.broadcast %sub3A_838 : f32 to vector<16xf32>
    %sub3A_840 = arith.subf %sub3A_839, %mul3A_837 : vector<16xf32>
    %mul3A_841 = arith.mulf %bitcast3A_832, %sub3A_840 : vector<16xf32>
    %mul3A_842 = arith.constant 5.000000e-01 : f32
    %mul3A_843 = vector.broadcast %mul3A_842 : f32 to vector<16xf32>
    %mul3A_844 = arith.mulf %mul3A_843, %add3A_826 : vector<16xf32>
    %mul3A_845 = arith.mulf %mul3A_844, %mul3A_841 : vector<16xf32>
    %mul3A_846 = arith.mulf %mul3A_845, %mul3A_841 : vector<16xf32>
    %sub3A_847 = arith.constant 1.500000e+00 : f32
    %sub3A_848 = vector.broadcast %sub3A_847 : f32 to vector<16xf32>
    %sub3A_849 = arith.subf %sub3A_848, %mul3A_846 : vector<16xf32>
    %mul3A_850 = arith.mulf %mul3A_841, %sub3A_849 : vector<16xf32>
    %mul3A_851 = arith.constant 5.000000e-01 : f32
    %mul3A_852 = vector.broadcast %mul3A_851 : f32 to vector<16xf32>
    %mul3A_853 = arith.mulf %mul3A_852, %add3A_826 : vector<16xf32>
    %mul3A_854 = arith.mulf %mul3A_853, %mul3A_850 : vector<16xf32>
    %mul3A_855 = arith.mulf %mul3A_854, %mul3A_850 : vector<16xf32>
    %sub3A_856 = arith.constant 1.500000e+00 : f32
    %sub3A_857 = vector.broadcast %sub3A_856 : f32 to vector<16xf32>
    %sub3A_858 = arith.subf %sub3A_857, %mul3A_855 : vector<16xf32>
    %mul3A_859 = arith.mulf %mul3A_850, %sub3A_858 : vector<16xf32>
    %swap3A_860 = arith.constant 288 : index
    %swap3A_861 = tpu.vector_load %arg22[%swap3A_860] {strides = array<i32>} : memref<640xf32, #tpu.memory_space<vmem>>, vector<16xf32>,
    %swap3A_862 = vector.shape_cast %swap3A_861 : vector<16xf32> to vector<16xf32>
    %swap3A_863 = vector.shape_cast %mul3A_859 : vector<16xf32> to vector<16xf32>
    tpu.vector_store %arg22[%swap3A_860], %swap3A_863 {strides = array<i32>} : memref<640xf32, #tpu.memory_space<vmem>>, vector<16xf32>,
    %get3A_864 = arith.constant 304 : index
    %get3A_865 = tpu.vector_load %arg20[%get3A_864] {strides = array<i32>} : memref<640xf32, #tpu.memory_space<vmem>>, vector<16xf32>,
    %get3A_866 = arith.constant 304 : index
    %get3A_867 = tpu.vector_load %arg21[%get3A_866] {strides = array<i32>} : memref<640xf32, #tpu.memory_space<vmem>>, vector<16xf32>,
    %add3A_868 = arith.addf %get3A_865, %get3A_867 : vector<16xf32>
    %add3A_869 = arith.constant 1.000000e+00 : f32
    %add3A_870 = vector.broadcast %add3A_869 : f32 to vector<16xf32>
    %add3A_871 = arith.addf %add3A_868, %add3A_870 : vector<16xf32>
    %bitcast3A_872 = vector.bitcast %add3A_871 : vector<16xf32> to vector<16xi32>
    %shift_right_logical3A_873 = arith.constant 1 : i32
    %shift_right_logical3A_874 = vector.broadcast %shift_right_logical3A_873 : i32 to vector<16xi32>
    %shift_right_logical3A_875 = arith.shrui %bitcast3A_872, %shift_right_logical3A_874 : vector<16xi32>
    %sub3A_876 = arith.subi %broadcast_in_dim3A_13, %shift_right_logical3A_875 : vector<16xi32>
    %bitcast3A_877 = vector.bitcast %sub3A_876 : vector<16xi32> to vector<16xf32>
    %mul3A_878 = arith.constant 5.000000e-01 : f32
    %mul3A_879 = vector.broadcast %mul3A_878 : f32 to vector<16xf32>
    %mul3A_880 = arith.mulf %mul3A_879, %add3A_871 : vector<16xf32>
    %mul3A_881 = arith.mulf %mul3A_880, %bitcast3A_877 : vector<16xf32>
    %mul3A_882 = arith.mulf %mul3A_881, %bitcast3A_877 : vector<16xf32>
    %sub3A_883 = arith.constant 1.500000e+00 : f32
    %sub3A_884 = vector.broadcast %sub3A_883 : f32 to vector<16xf32>
    %sub3A_885 = arith.subf %sub3A_884, %mul3A_882 : vector<16xf32>
    %mul3A_886 = arith.mulf %bitcast3A_877, %sub3A_885 : vector<16xf32>
    %mul3A_887 = arith.constant 5.000000e-01 : f32
    %mul3A_888 = vector.broadcast %mul3A_887 : f32 to vector<16xf32>
    %mul3A_889 = arith.mulf %mul3A_888, %add3A_871 : vector<16xf32>
    %mul3A_890 = arith.mulf %mul3A_889, %mul3A_886 : vector<16xf32>
    %mul3A_891 = arith.mulf %mul3A_890, %mul3A_886 : vector<16xf32>
    %sub3A_892 = arith.constant 1.500000e+00 : f32
    %sub3A_893 = vector.broadcast %sub3A_892 : f32 to vector<16xf32>
    %sub3A_894 = arith.subf %sub3A_893, %mul3A_891 : vector<16xf32>
    %mul3A_895 = arith.mulf %mul3A_886, %sub3A_894 : vector<16xf32>
    %mul3A_896 = arith.constant 5.000000e-01 : f32
    %mul3A_897 = vector.broadcast %mul3A_896 : f32 to vector<16xf32>
    %mul3A_898 = arith.mulf %mul3A_897, %add3A_871 : vector<16xf32>
    %mul3A_899 = arith.mulf %mul3A_898, %mul3A_895 : vector<16xf32>
    %mul3A_900 = arith.mulf %mul3A_899, %mul3A_895 : vector<16xf32>
    %sub3A_901 = arith.constant 1.500000e+00 : f32
    %sub3A_902 = vector.broadcast %sub3A_901 : f32 to vector<16xf32>
    %sub3A_903 = arith.subf %sub3A_902, %mul3A_900 : vector<16xf32>
    %mul3A_904 = arith.mulf %mul3A_895, %sub3A_903 : vector<16xf32>
    %swap3A_905 = arith.constant 304 : index
    %swap3A_906 = tpu.vector_load %arg22[%swap3A_905] {strides = array<i32>} : memref<640xf32, #tpu.memory_space<vmem>>, vector<16xf32>,
    %swap3A_907 = vector.shape_cast %swap3A_906 : vector<16xf32> to vector<16xf32>
    %swap3A_908 = vector.shape_cast %mul3A_904 : vector<16xf32> to vector<16xf32>
    tpu.vector_store %arg22[%swap3A_905], %swap3A_908 {strides = array<i32>} : memref<640xf32, #tpu.memory_space<vmem>>, vector<16xf32>,
    %get3A_909 = arith.constant 320 : index
    %get3A_910 = tpu.vector_load %arg20[%get3A_909] {strides = array<i32>} : memref<640xf32, #tpu.memory_space<vmem>>, vector<16xf32>,
    %get3A_911 = arith.constant 320 : index
    %get3A_912 = tpu.vector_load %arg21[%get3A_911] {strides = array<i32>} : memref<640xf32, #tpu.memory_space<vmem>>, vector<16xf32>,
    %add3A_913 = arith.addf %get3A_910, %get3A_912 : vector<16xf32>
    %add3A_914 = arith.constant 1.000000e+00 : f32
    %add3A_915 = vector.broadcast %add3A_914 : f32 to vector<16xf32>
    %add3A_916 = arith.addf %add3A_913, %add3A_915 : vector<16xf32>
    %bitcast3A_917 = vector.bitcast %add3A_916 : vector<16xf32> to vector<16xi32>
    %shift_right_logical3A_918 = arith.constant 1 : i32
    %shift_right_logical3A_919 = vector.broadcast %shift_right_logical3A_918 : i32 to vector<16xi32>
    %shift_right_logical3A_920 = arith.shrui %bitcast3A_917, %shift_right_logical3A_919 : vector<16xi32>
    %sub3A_921 = arith.subi %broadcast_in_dim3A_13, %shift_right_logical3A_920 : vector<16xi32>
    %bitcast3A_922 = vector.bitcast %sub3A_921 : vector<16xi32> to vector<16xf32>
    %mul3A_923 = arith.constant 5.000000e-01 : f32
    %mul3A_924 = vector.broadcast %mul3A_923 : f32 to vector<16xf32>
    %mul3A_925 = arith.mulf %mul3A_924, %add3A_916 : vector<16xf32>
    %mul3A_926 = arith.mulf %mul3A_925, %bitcast3A_922 : vector<16xf32>
    %mul3A_927 = arith.mulf %mul3A_926, %bitcast3A_922 : vector<16xf32>
    %sub3A_928 = arith.constant 1.500000e+00 : f32
    %sub3A_929 = vector.broadcast %sub3A_928 : f32 to vector<16xf32>
    %sub3A_930 = arith.subf %sub3A_929, %mul3A_927 : vector<16xf32>
    %mul3A_931 = arith.mulf %bitcast3A_922, %sub3A_930 : vector<16xf32>
    %mul3A_932 = arith.constant 5.000000e-01 : f32
    %mul3A_933 = vector.broadcast %mul3A_932 : f32 to vector<16xf32>
    %mul3A_934 = arith.mulf %mul3A_933, %add3A_916 : vector<16xf32>
    %mul3A_935 = arith.mulf %mul3A_934, %mul3A_931 : vector<16xf32>
    %mul3A_936 = arith.mulf %mul3A_935, %mul3A_931 : vector<16xf32>
    %sub3A_937 = arith.constant 1.500000e+00 : f32
    %sub3A_938 = vector.broadcast %sub3A_937 : f32 to vector<16xf32>
    %sub3A_939 = arith.subf %sub3A_938, %mul3A_936 : vector<16xf32>
    %mul3A_940 = arith.mulf %mul3A_931, %sub3A_939 : vector<16xf32>
    %mul3A_941 = arith.constant 5.000000e-01 : f32
    %mul3A_942 = vector.broadcast %mul3A_941 : f32 to vector<16xf32>
    %mul3A_943 = arith.mulf %mul3A_942, %add3A_916 : vector<16xf32>
    %mul3A_944 = arith.mulf %mul3A_943, %mul3A_940 : vector<16xf32>
    %mul3A_945 = arith.mulf %mul3A_944, %mul3A_940 : vector<16xf32>
    %sub3A_946 = arith.constant 1.500000e+00 : f32
    %sub3A_947 = vector.broadcast %sub3A_946 : f32 to vector<16xf32>
    %sub3A_948 = arith.subf %sub3A_947, %mul3A_945 : vector<16xf32>
    %mul3A_949 = arith.mulf %mul3A_940, %sub3A_948 : vector<16xf32>
    %swap3A_950 = arith.constant 320 : index
    %swap3A_951 = tpu.vector_load %arg22[%swap3A_950] {strides = array<i32>} : memref<640xf32, #tpu.memory_space<vmem>>, vector<16xf32>,
    %swap3A_952 = vector.shape_cast %swap3A_951 : vector<16xf32> to vector<16xf32>
    %swap3A_953 = vector.shape_cast %mul3A_949 : vector<16xf32> to vector<16xf32>
    tpu.vector_store %arg22[%swap3A_950], %swap3A_953 {strides = array<i32>} : memref<640xf32, #tpu.memory_space<vmem>>, vector<16xf32>,
    %get3A_954 = arith.constant 336 : index
    %get3A_955 = tpu.vector_load %arg20[%get3A_954] {strides = array<i32>} : memref<640xf32, #tpu.memory_space<vmem>>, vector<16xf32>,
    %get3A_956 = arith.constant 336 : index
    %get3A_957 = tpu.vector_load %arg21[%get3A_956] {strides = array<i32>} : memref<640xf32, #tpu.memory_space<vmem>>, vector<16xf32>,
    %add3A_958 = arith.addf %get3A_955, %get3A_957 : vector<16xf32>
    %add3A_959 = arith.constant 1.000000e+00 : f32
    %add3A_960 = vector.broadcast %add3A_959 : f32 to vector<16xf32>
    %add3A_961 = arith.addf %add3A_958, %add3A_960 : vector<16xf32>
    %bitcast3A_962 = vector.bitcast %add3A_961 : vector<16xf32> to vector<16xi32>
    %shift_right_logical3A_963 = arith.constant 1 : i32
    %shift_right_logical3A_964 = vector.broadcast %shift_right_logical3A_963 : i32 to vector<16xi32>
    %shift_right_logical3A_965 = arith.shrui %bitcast3A_962, %shift_right_logical3A_964 : vector<16xi32>
    %sub3A_966 = arith.subi %broadcast_in_dim3A_13, %shift_right_logical3A_965 : vector<16xi32>
    %bitcast3A_967 = vector.bitcast %sub3A_966 : vector<16xi32> to vector<16xf32>
    %mul3A_968 = arith.constant 5.000000e-01 : f32
    %mul3A_969 = vector.broadcast %mul3A_968 : f32 to vector<16xf32>
    %mul3A_970 = arith.mulf %mul3A_969, %add3A_961 : vector<16xf32>
    %mul3A_971 = arith.mulf %mul3A_970, %bitcast3A_967 : vector<16xf32>
    %mul3A_972 = arith.mulf %mul3A_971, %bitcast3A_967 : vector<16xf32>
    %sub3A_973 = arith.constant 1.500000e+00 : f32
    %sub3A_974 = vector.broadcast %sub3A_973 : f32 to vector<16xf32>
    %sub3A_975 = arith.subf %sub3A_974, %mul3A_972 : vector<16xf32>
    %mul3A_976 = arith.mulf %bitcast3A_967, %sub3A_975 : vector<16xf32>
    %mul3A_977 = arith.constant 5.000000e-01 : f32
    %mul3A_978 = vector.broadcast %mul3A_977 : f32 to vector<16xf32>
    %mul3A_979 = arith.mulf %mul3A_978, %add3A_961 : vector<16xf32>
    %mul3A_980 = arith.mulf %mul3A_979, %mul3A_976 : vector<16xf32>
    %mul3A_981 = arith.mulf %mul3A_980, %mul3A_976 : vector<16xf32>
    %sub3A_982 = arith.constant 1.500000e+00 : f32
    %sub3A_983 = vector.broadcast %sub3A_982 : f32 to vector<16xf32>
    %sub3A_984 = arith.subf %sub3A_983, %mul3A_981 : vector<16xf32>
    %mul3A_985 = arith.mulf %mul3A_976, %sub3A_984 : vector<16xf32>
    %mul3A_986 = arith.constant 5.000000e-01 : f32
    %mul3A_987 = vector.broadcast %mul3A_986 : f32 to vector<16xf32>
    %mul3A_988 = arith.mulf %mul3A_987, %add3A_961 : vector<16xf32>
    %mul3A_989 = arith.mulf %mul3A_988, %mul3A_985 : vector<16xf32>
    %mul3A_990 = arith.mulf %mul3A_989, %mul3A_985 : vector<16xf32>
    %sub3A_991 = arith.constant 1.500000e+00 : f32
    %sub3A_992 = vector.broadcast %sub3A_991 : f32 to vector<16xf32>
    %sub3A_993 = arith.subf %sub3A_992, %mul3A_990 : vector<16xf32>
    %mul3A_994 = arith.mulf %mul3A_985, %sub3A_993 : vector<16xf32>
    %swap3A_995 = arith.constant 336 : index
    %swap3A_996 = tpu.vector_load %arg22[%swap3A_995] {strides = array<i32>} : memref<640xf32, #tpu.memory_space<vmem>>, vector<16xf32>,
    %swap3A_997 = vector.shape_cast %swap3A_996 : vector<16xf32> to vector<16xf32>
    %swap3A_998 = vector.shape_cast %mul3A_994 : vector<16xf32> to vector<16xf32>
    tpu.vector_store %arg22[%swap3A_995], %swap3A_998 {strides = array<i32>} : memref<640xf32, #tpu.memory_space<vmem>>, vector<16xf32>,
    %get3A_999 = arith.constant 352 : index
    %get3A_1000 = tpu.vector_load %arg20[%get3A_999] {strides = array<i32>} : memref<640xf32, #tpu.memory_space<vmem>>, vector<16xf32>,
    %get3A_1001 = arith.constant 352 : index
    %get3A_1002 = tpu.vector_load %arg21[%get3A_1001] {strides = array<i32>} : memref<640xf32, #tpu.memory_space<vmem>>, vector<16xf32>,
    %add3A_1003 = arith.addf %get3A_1000, %get3A_1002 : vector<16xf32>
    %add3A_1004 = arith.constant 1.000000e+00 : f32
    %add3A_1005 = vector.broadcast %add3A_1004 : f32 to vector<16xf32>
    %add3A_1006 = arith.addf %add3A_1003, %add3A_1005 : vector<16xf32>
    %bitcast3A_1007 = vector.bitcast %add3A_1006 : vector<16xf32> to vector<16xi32>
    %shift_right_logical3A_1008 = arith.constant 1 : i32
    %shift_right_logical3A_1009 = vector.broadcast %shift_right_logical3A_1008 : i32 to vector<16xi32>
    %shift_right_logical3A_1010 = arith.shrui %bitcast3A_1007, %shift_right_logical3A_1009 : vector<16xi32>
    %sub3A_1011 = arith.subi %broadcast_in_dim3A_13, %shift_right_logical3A_1010 : vector<16xi32>
    %bitcast3A_1012 = vector.bitcast %sub3A_1011 : vector<16xi32> to vector<16xf32>
    %mul3A_1013 = arith.constant 5.000000e-01 : f32
    %mul3A_1014 = vector.broadcast %mul3A_1013 : f32 to vector<16xf32>
    %mul3A_1015 = arith.mulf %mul3A_1014, %add3A_1006 : vector<16xf32>
    %mul3A_1016 = arith.mulf %mul3A_1015, %bitcast3A_1012 : vector<16xf32>
    %mul3A_1017 = arith.mulf %mul3A_1016, %bitcast3A_1012 : vector<16xf32>
    %sub3A_1018 = arith.constant 1.500000e+00 : f32
    %sub3A_1019 = vector.broadcast %sub3A_1018 : f32 to vector<16xf32>
    %sub3A_1020 = arith.subf %sub3A_1019, %mul3A_1017 : vector<16xf32>
    %mul3A_1021 = arith.mulf %bitcast3A_1012, %sub3A_1020 : vector<16xf32>
    %mul3A_1022 = arith.constant 5.000000e-01 : f32
    %mul3A_1023 = vector.broadcast %mul3A_1022 : f32 to vector<16xf32>
    %mul3A_1024 = arith.mulf %mul3A_1023, %add3A_1006 : vector<16xf32>
    %mul3A_1025 = arith.mulf %mul3A_1024, %mul3A_1021 : vector<16xf32>
    %mul3A_1026 = arith.mulf %mul3A_1025, %mul3A_1021 : vector<16xf32>
    %sub3A_1027 = arith.constant 1.500000e+00 : f32
    %sub3A_1028 = vector.broadcast %sub3A_1027 : f32 to vector<16xf32>
    %sub3A_1029 = arith.subf %sub3A_1028, %mul3A_1026 : vector<16xf32>
    %mul3A_1030 = arith.mulf %mul3A_1021, %sub3A_1029 : vector<16xf32>
    %mul3A_1031 = arith.constant 5.000000e-01 : f32
    %mul3A_1032 = vector.broadcast %mul3A_1031 : f32 to vector<16xf32>
    %mul3A_1033 = arith.mulf %mul3A_1032, %add3A_1006 : vector<16xf32>
    %mul3A_1034 = arith.mulf %mul3A_1033, %mul3A_1030 : vector<16xf32>
    %mul3A_1035 = arith.mulf %mul3A_1034, %mul3A_1030 : vector<16xf32>
    %sub3A_1036 = arith.constant 1.500000e+00 : f32
    %sub3A_1037 = vector.broadcast %sub3A_1036 : f32 to vector<16xf32>
    %sub3A_1038 = arith.subf %sub3A_1037, %mul3A_1035 : vector<16xf32>
    %mul3A_1039 = arith.mulf %mul3A_1030, %sub3A_1038 : vector<16xf32>
    %swap3A_1040 = arith.constant 352 : index
    %swap3A_1041 = tpu.vector_load %arg22[%swap3A_1040] {strides = array<i32>} : memref<640xf32, #tpu.memory_space<vmem>>, vector<16xf32>,
    %swap3A_1042 = vector.shape_cast %swap3A_1041 : vector<16xf32> to vector<16xf32>
    %swap3A_1043 = vector.shape_cast %mul3A_1039 : vector<16xf32> to vector<16xf32>
    tpu.vector_store %arg22[%swap3A_1040], %swap3A_1043 {strides = array<i32>} : memref<640xf32, #tpu.memory_space<vmem>>, vector<16xf32>,
    %get3A_1044 = arith.constant 368 : index
    %get3A_1045 = tpu.vector_load %arg20[%get3A_1044] {strides = array<i32>} : memref<640xf32, #tpu.memory_space<vmem>>, vector<16xf32>,
    %get3A_1046 = arith.constant 368 : index
    %get3A_1047 = tpu.vector_load %arg21[%get3A_1046] {strides = array<i32>} : memref<640xf32, #tpu.memory_space<vmem>>, vector<16xf32>,
    %add3A_1048 = arith.addf %get3A_1045, %get3A_1047 : vector<16xf32>
    %add3A_1049 = arith.constant 1.000000e+00 : f32
    %add3A_1050 = vector.broadcast %add3A_1049 : f32 to vector<16xf32>
    %add3A_1051 = arith.addf %add3A_1048, %add3A_1050 : vector<16xf32>
    %bitcast3A_1052 = vector.bitcast %add3A_1051 : vector<16xf32> to vector<16xi32>
    %shift_right_logical3A_1053 = arith.constant 1 : i32
    %shift_right_logical3A_1054 = vector.broadcast %shift_right_logical3A_1053 : i32 to vector<16xi32>
    %shift_right_logical3A_1055 = arith.shrui %bitcast3A_1052, %shift_right_logical3A_1054 : vector<16xi32>
    %sub3A_1056 = arith.subi %broadcast_in_dim3A_13, %shift_right_logical3A_1055 : vector<16xi32>
    %bitcast3A_1057 = vector.bitcast %sub3A_1056 : vector<16xi32> to vector<16xf32>
    %mul3A_1058 = arith.constant 5.000000e-01 : f32
    %mul3A_1059 = vector.broadcast %mul3A_1058 : f32 to vector<16xf32>
    %mul3A_1060 = arith.mulf %mul3A_1059, %add3A_1051 : vector<16xf32>
    %mul3A_1061 = arith.mulf %mul3A_1060, %bitcast3A_1057 : vector<16xf32>
    %mul3A_1062 = arith.mulf %mul3A_1061, %bitcast3A_1057 : vector<16xf32>
    %sub3A_1063 = arith.constant 1.500000e+00 : f32
    %sub3A_1064 = vector.broadcast %sub3A_1063 : f32 to vector<16xf32>
    %sub3A_1065 = arith.subf %sub3A_1064, %mul3A_1062 : vector<16xf32>
    %mul3A_1066 = arith.mulf %bitcast3A_1057, %sub3A_1065 : vector<16xf32>
    %mul3A_1067 = arith.constant 5.000000e-01 : f32
    %mul3A_1068 = vector.broadcast %mul3A_1067 : f32 to vector<16xf32>
    %mul3A_1069 = arith.mulf %mul3A_1068, %add3A_1051 : vector<16xf32>
    %mul3A_1070 = arith.mulf %mul3A_1069, %mul3A_1066 : vector<16xf32>
    %mul3A_1071 = arith.mulf %mul3A_1070, %mul3A_1066 : vector<16xf32>
    %sub3A_1072 = arith.constant 1.500000e+00 : f32
    %sub3A_1073 = vector.broadcast %sub3A_1072 : f32 to vector<16xf32>
    %sub3A_1074 = arith.subf %sub3A_1073, %mul3A_1071 : vector<16xf32>
    %mul3A_1075 = arith.mulf %mul3A_1066, %sub3A_1074 : vector<16xf32>
    %mul3A_1076 = arith.constant 5.000000e-01 : f32
    %mul3A_1077 = vector.broadcast %mul3A_1076 : f32 to vector<16xf32>
    %mul3A_1078 = arith.mulf %mul3A_1077, %add3A_1051 : vector<16xf32>
    %mul3A_1079 = arith.mulf %mul3A_1078, %mul3A_1075 : vector<16xf32>
    %mul3A_1080 = arith.mulf %mul3A_1079, %mul3A_1075 : vector<16xf32>
    %sub3A_1081 = arith.constant 1.500000e+00 : f32
    %sub3A_1082 = vector.broadcast %sub3A_1081 : f32 to vector<16xf32>
    %sub3A_1083 = arith.subf %sub3A_1082, %mul3A_1080 : vector<16xf32>
    %mul3A_1084 = arith.mulf %mul3A_1075, %sub3A_1083 : vector<16xf32>
    %swap3A_1085 = arith.constant 368 : index
    %swap3A_1086 = tpu.vector_load %arg22[%swap3A_1085] {strides = array<i32>} : memref<640xf32, #tpu.memory_space<vmem>>, vector<16xf32>,
    %swap3A_1087 = vector.shape_cast %swap3A_1086 : vector<16xf32> to vector<16xf32>
    %swap3A_1088 = vector.shape_cast %mul3A_1084 : vector<16xf32> to vector<16xf32>
    tpu.vector_store %arg22[%swap3A_1085], %swap3A_1088 {strides = array<i32>} : memref<640xf32, #tpu.memory_space<vmem>>, vector<16xf32>,
    %get3A_1089 = arith.constant 384 : index
    %get3A_1090 = tpu.vector_load %arg20[%get3A_1089] {strides = array<i32>} : memref<640xf32, #tpu.memory_space<vmem>>, vector<16xf32>,
    %get3A_1091 = arith.constant 384 : index
    %get3A_1092 = tpu.vector_load %arg21[%get3A_1091] {strides = array<i32>} : memref<640xf32, #tpu.memory_space<vmem>>, vector<16xf32>,
    %add3A_1093 = arith.addf %get3A_1090, %get3A_1092 : vector<16xf32>
    %add3A_1094 = arith.constant 1.000000e+00 : f32
    %add3A_1095 = vector.broadcast %add3A_1094 : f32 to vector<16xf32>
    %add3A_1096 = arith.addf %add3A_1093, %add3A_1095 : vector<16xf32>
    %bitcast3A_1097 = vector.bitcast %add3A_1096 : vector<16xf32> to vector<16xi32>
    %shift_right_logical3A_1098 = arith.constant 1 : i32
    %shift_right_logical3A_1099 = vector.broadcast %shift_right_logical3A_1098 : i32 to vector<16xi32>
    %shift_right_logical3A_1100 = arith.shrui %bitcast3A_1097, %shift_right_logical3A_1099 : vector<16xi32>
    %sub3A_1101 = arith.subi %broadcast_in_dim3A_13, %shift_right_logical3A_1100 : vector<16xi32>
    %bitcast3A_1102 = vector.bitcast %sub3A_1101 : vector<16xi32> to vector<16xf32>
    %mul3A_1103 = arith.constant 5.000000e-01 : f32
    %mul3A_1104 = vector.broadcast %mul3A_1103 : f32 to vector<16xf32>
    %mul3A_1105 = arith.mulf %mul3A_1104, %add3A_1096 : vector<16xf32>
    %mul3A_1106 = arith.mulf %mul3A_1105, %bitcast3A_1102 : vector<16xf32>
    %mul3A_1107 = arith.mulf %mul3A_1106, %bitcast3A_1102 : vector<16xf32>
    %sub3A_1108 = arith.constant 1.500000e+00 : f32
    %sub3A_1109 = vector.broadcast %sub3A_1108 : f32 to vector<16xf32>
    %sub3A_1110 = arith.subf %sub3A_1109, %mul3A_1107 : vector<16xf32>
    %mul3A_1111 = arith.mulf %bitcast3A_1102, %sub3A_1110 : vector<16xf32>
    %mul3A_1112 = arith.constant 5.000000e-01 : f32
    %mul3A_1113 = vector.broadcast %mul3A_1112 : f32 to vector<16xf32>
    %mul3A_1114 = arith.mulf %mul3A_1113, %add3A_1096 : vector<16xf32>
    %mul3A_1115 = arith.mulf %mul3A_1114, %mul3A_1111 : vector<16xf32>
    %mul3A_1116 = arith.mulf %mul3A_1115, %mul3A_1111 : vector<16xf32>
    %sub3A_1117 = arith.constant 1.500000e+00 : f32
    %sub3A_1118 = vector.broadcast %sub3A_1117 : f32 to vector<16xf32>
    %sub3A_1119 = arith.subf %sub3A_1118, %mul3A_1116 : vector<16xf32>
    %mul3A_1120 = arith.mulf %mul3A_1111, %sub3A_1119 : vector<16xf32>
    %mul3A_1121 = arith.constant 5.000000e-01 : f32
    %mul3A_1122 = vector.broadcast %mul3A_1121 : f32 to vector<16xf32>
    %mul3A_1123 = arith.mulf %mul3A_1122, %add3A_1096 : vector<16xf32>
    %mul3A_1124 = arith.mulf %mul3A_1123, %mul3A_1120 : vector<16xf32>
    %mul3A_1125 = arith.mulf %mul3A_1124, %mul3A_1120 : vector<16xf32>
    %sub3A_1126 = arith.constant 1.500000e+00 : f32
    %sub3A_1127 = vector.broadcast %sub3A_1126 : f32 to vector<16xf32>
    %sub3A_1128 = arith.subf %sub3A_1127, %mul3A_1125 : vector<16xf32>
    %mul3A_1129 = arith.mulf %mul3A_1120, %sub3A_1128 : vector<16xf32>
    %swap3A_1130 = arith.constant 384 : index
    %swap3A_1131 = tpu.vector_load %arg22[%swap3A_1130] {strides = array<i32>} : memref<640xf32, #tpu.memory_space<vmem>>, vector<16xf32>,
    %swap3A_1132 = vector.shape_cast %swap3A_1131 : vector<16xf32> to vector<16xf32>
    %swap3A_1133 = vector.shape_cast %mul3A_1129 : vector<16xf32> to vector<16xf32>
    tpu.vector_store %arg22[%swap3A_1130], %swap3A_1133 {strides = array<i32>} : memref<640xf32, #tpu.memory_space<vmem>>, vector<16xf32>,
    %get3A_1134 = arith.constant 400 : index
    %get3A_1135 = tpu.vector_load %arg20[%get3A_1134] {strides = array<i32>} : memref<640xf32, #tpu.memory_space<vmem>>, vector<16xf32>,
    %get3A_1136 = arith.constant 400 : index
    %get3A_1137 = tpu.vector_load %arg21[%get3A_1136] {strides = array<i32>} : memref<640xf32, #tpu.memory_space<vmem>>, vector<16xf32>,
    %add3A_1138 = arith.addf %get3A_1135, %get3A_1137 : vector<16xf32>
    %add3A_1139 = arith.constant 1.000000e+00 : f32
    %add3A_1140 = vector.broadcast %add3A_1139 : f32 to vector<16xf32>
    %add3A_1141 = arith.addf %add3A_1138, %add3A_1140 : vector<16xf32>
    %bitcast3A_1142 = vector.bitcast %add3A_1141 : vector<16xf32> to vector<16xi32>
    %shift_right_logical3A_1143 = arith.constant 1 : i32
    %shift_right_logical3A_1144 = vector.broadcast %shift_right_logical3A_1143 : i32 to vector<16xi32>
    %shift_right_logical3A_1145 = arith.shrui %bitcast3A_1142, %shift_right_logical3A_1144 : vector<16xi32>
    %sub3A_1146 = arith.subi %broadcast_in_dim3A_13, %shift_right_logical3A_1145 : vector<16xi32>
    %bitcast3A_1147 = vector.bitcast %sub3A_1146 : vector<16xi32> to vector<16xf32>
    %mul3A_1148 = arith.constant 5.000000e-01 : f32
    %mul3A_1149 = vector.broadcast %mul3A_1148 : f32 to vector<16xf32>
    %mul3A_1150 = arith.mulf %mul3A_1149, %add3A_1141 : vector<16xf32>
    %mul3A_1151 = arith.mulf %mul3A_1150, %bitcast3A_1147 : vector<16xf32>
    %mul3A_1152 = arith.mulf %mul3A_1151, %bitcast3A_1147 : vector<16xf32>
    %sub3A_1153 = arith.constant 1.500000e+00 : f32
    %sub3A_1154 = vector.broadcast %sub3A_1153 : f32 to vector<16xf32>
    %sub3A_1155 = arith.subf %sub3A_1154, %mul3A_1152 : vector<16xf32>
    %mul3A_1156 = arith.mulf %bitcast3A_1147, %sub3A_1155 : vector<16xf32>
    %mul3A_1157 = arith.constant 5.000000e-01 : f32
    %mul3A_1158 = vector.broadcast %mul3A_1157 : f32 to vector<16xf32>
    %mul3A_1159 = arith.mulf %mul3A_1158, %add3A_1141 : vector<16xf32>
    %mul3A_1160 = arith.mulf %mul3A_1159, %mul3A_1156 : vector<16xf32>
    %mul3A_1161 = arith.mulf %mul3A_1160, %mul3A_1156 : vector<16xf32>
    %sub3A_1162 = arith.constant 1.500000e+00 : f32
    %sub3A_1163 = vector.broadcast %sub3A_1162 : f32 to vector<16xf32>
    %sub3A_1164 = arith.subf %sub3A_1163, %mul3A_1161 : vector<16xf32>
    %mul3A_1165 = arith.mulf %mul3A_1156, %sub3A_1164 : vector<16xf32>
    %mul3A_1166 = arith.constant 5.000000e-01 : f32
    %mul3A_1167 = vector.broadcast %mul3A_1166 : f32 to vector<16xf32>
    %mul3A_1168 = arith.mulf %mul3A_1167, %add3A_1141 : vector<16xf32>
    %mul3A_1169 = arith.mulf %mul3A_1168, %mul3A_1165 : vector<16xf32>
    %mul3A_1170 = arith.mulf %mul3A_1169, %mul3A_1165 : vector<16xf32>
    %sub3A_1171 = arith.constant 1.500000e+00 : f32
    %sub3A_1172 = vector.broadcast %sub3A_1171 : f32 to vector<16xf32>
    %sub3A_1173 = arith.subf %sub3A_1172, %mul3A_1170 : vector<16xf32>
    %mul3A_1174 = arith.mulf %mul3A_1165, %sub3A_1173 : vector<16xf32>
    %swap3A_1175 = arith.constant 400 : index
    %swap3A_1176 = tpu.vector_load %arg22[%swap3A_1175] {strides = array<i32>} : memref<640xf32, #tpu.memory_space<vmem>>, vector<16xf32>,
    %swap3A_1177 = vector.shape_cast %swap3A_1176 : vector<16xf32> to vector<16xf32>
    %swap3A_1178 = vector.shape_cast %mul3A_1174 : vector<16xf32> to vector<16xf32>
    tpu.vector_store %arg22[%swap3A_1175], %swap3A_1178 {strides = array<i32>} : memref<640xf32, #tpu.memory_space<vmem>>, vector<16xf32>,
    %get3A_1179 = arith.constant 416 : index
    %get3A_1180 = tpu.vector_load %arg20[%get3A_1179] {strides = array<i32>} : memref<640xf32, #tpu.memory_space<vmem>>, vector<16xf32>,
    %get3A_1181 = arith.constant 416 : index
    %get3A_1182 = tpu.vector_load %arg21[%get3A_1181] {strides = array<i32>} : memref<640xf32, #tpu.memory_space<vmem>>, vector<16xf32>,
    %add3A_1183 = arith.addf %get3A_1180, %get3A_1182 : vector<16xf32>
    %add3A_1184 = arith.constant 1.000000e+00 : f32
    %add3A_1185 = vector.broadcast %add3A_1184 : f32 to vector<16xf32>
    %add3A_1186 = arith.addf %add3A_1183, %add3A_1185 : vector<16xf32>
    %bitcast3A_1187 = vector.bitcast %add3A_1186 : vector<16xf32> to vector<16xi32>
    %shift_right_logical3A_1188 = arith.constant 1 : i32
    %shift_right_logical3A_1189 = vector.broadcast %shift_right_logical3A_1188 : i32 to vector<16xi32>
    %shift_right_logical3A_1190 = arith.shrui %bitcast3A_1187, %shift_right_logical3A_1189 : vector<16xi32>
    %sub3A_1191 = arith.subi %broadcast_in_dim3A_13, %shift_right_logical3A_1190 : vector<16xi32>
    %bitcast3A_1192 = vector.bitcast %sub3A_1191 : vector<16xi32> to vector<16xf32>
    %mul3A_1193 = arith.constant 5.000000e-01 : f32
    %mul3A_1194 = vector.broadcast %mul3A_1193 : f32 to vector<16xf32>
    %mul3A_1195 = arith.mulf %mul3A_1194, %add3A_1186 : vector<16xf32>
    %mul3A_1196 = arith.mulf %mul3A_1195, %bitcast3A_1192 : vector<16xf32>
    %mul3A_1197 = arith.mulf %mul3A_1196, %bitcast3A_1192 : vector<16xf32>
    %sub3A_1198 = arith.constant 1.500000e+00 : f32
    %sub3A_1199 = vector.broadcast %sub3A_1198 : f32 to vector<16xf32>
    %sub3A_1200 = arith.subf %sub3A_1199, %mul3A_1197 : vector<16xf32>
    %mul3A_1201 = arith.mulf %bitcast3A_1192, %sub3A_1200 : vector<16xf32>
    %mul3A_1202 = arith.constant 5.000000e-01 : f32
    %mul3A_1203 = vector.broadcast %mul3A_1202 : f32 to vector<16xf32>
    %mul3A_1204 = arith.mulf %mul3A_1203, %add3A_1186 : vector<16xf32>
    %mul3A_1205 = arith.mulf %mul3A_1204, %mul3A_1201 : vector<16xf32>
    %mul3A_1206 = arith.mulf %mul3A_1205, %mul3A_1201 : vector<16xf32>
    %sub3A_1207 = arith.constant 1.500000e+00 : f32
    %sub3A_1208 = vector.broadcast %sub3A_1207 : f32 to vector<16xf32>
    %sub3A_1209 = arith.subf %sub3A_1208, %mul3A_1206 : vector<16xf32>
    %mul3A_1210 = arith.mulf %mul3A_1201, %sub3A_1209 : vector<16xf32>
    %mul3A_1211 = arith.constant 5.000000e-01 : f32
    %mul3A_1212 = vector.broadcast %mul3A_1211 : f32 to vector<16xf32>
    %mul3A_1213 = arith.mulf %mul3A_1212, %add3A_1186 : vector<16xf32>
    %mul3A_1214 = arith.mulf %mul3A_1213, %mul3A_1210 : vector<16xf32>
    %mul3A_1215 = arith.mulf %mul3A_1214, %mul3A_1210 : vector<16xf32>
    %sub3A_1216 = arith.constant 1.500000e+00 : f32
    %sub3A_1217 = vector.broadcast %sub3A_1216 : f32 to vector<16xf32>
    %sub3A_1218 = arith.subf %sub3A_1217, %mul3A_1215 : vector<16xf32>
    %mul3A_1219 = arith.mulf %mul3A_1210, %sub3A_1218 : vector<16xf32>
    %swap3A_1220 = arith.constant 416 : index
    %swap3A_1221 = tpu.vector_load %arg22[%swap3A_1220] {strides = array<i32>} : memref<640xf32, #tpu.memory_space<vmem>>, vector<16xf32>,
    %swap3A_1222 = vector.shape_cast %swap3A_1221 : vector<16xf32> to vector<16xf32>
    %swap3A_1223 = vector.shape_cast %mul3A_1219 : vector<16xf32> to vector<16xf32>
    tpu.vector_store %arg22[%swap3A_1220], %swap3A_1223 {strides = array<i32>} : memref<640xf32, #tpu.memory_space<vmem>>, vector<16xf32>,
    %get3A_1224 = arith.constant 432 : index
    %get3A_1225 = tpu.vector_load %arg20[%get3A_1224] {strides = array<i32>} : memref<640xf32, #tpu.memory_space<vmem>>, vector<16xf32>,
    %get3A_1226 = arith.constant 432 : index
    %get3A_1227 = tpu.vector_load %arg21[%get3A_1226] {strides = array<i32>} : memref<640xf32, #tpu.memory_space<vmem>>, vector<16xf32>,
    %add3A_1228 = arith.addf %get3A_1225, %get3A_1227 : vector<16xf32>
    %add3A_1229 = arith.constant 1.000000e+00 : f32
    %add3A_1230 = vector.broadcast %add3A_1229 : f32 to vector<16xf32>
    %add3A_1231 = arith.addf %add3A_1228, %add3A_1230 : vector<16xf32>
    %bitcast3A_1232 = vector.bitcast %add3A_1231 : vector<16xf32> to vector<16xi32>
    %shift_right_logical3A_1233 = arith.constant 1 : i32
    %shift_right_logical3A_1234 = vector.broadcast %shift_right_logical3A_1233 : i32 to vector<16xi32>
    %shift_right_logical3A_1235 = arith.shrui %bitcast3A_1232, %shift_right_logical3A_1234 : vector<16xi32>
    %sub3A_1236 = arith.subi %broadcast_in_dim3A_13, %shift_right_logical3A_1235 : vector<16xi32>
    %bitcast3A_1237 = vector.bitcast %sub3A_1236 : vector<16xi32> to vector<16xf32>
    %mul3A_1238 = arith.constant 5.000000e-01 : f32
    %mul3A_1239 = vector.broadcast %mul3A_1238 : f32 to vector<16xf32>
    %mul3A_1240 = arith.mulf %mul3A_1239, %add3A_1231 : vector<16xf32>
    %mul3A_1241 = arith.mulf %mul3A_1240, %bitcast3A_1237 : vector<16xf32>
    %mul3A_1242 = arith.mulf %mul3A_1241, %bitcast3A_1237 : vector<16xf32>
    %sub3A_1243 = arith.constant 1.500000e+00 : f32
    %sub3A_1244 = vector.broadcast %sub3A_1243 : f32 to vector<16xf32>
    %sub3A_1245 = arith.subf %sub3A_1244, %mul3A_1242 : vector<16xf32>
    %mul3A_1246 = arith.mulf %bitcast3A_1237, %sub3A_1245 : vector<16xf32>
    %mul3A_1247 = arith.constant 5.000000e-01 : f32
    %mul3A_1248 = vector.broadcast %mul3A_1247 : f32 to vector<16xf32>
    %mul3A_1249 = arith.mulf %mul3A_1248, %add3A_1231 : vector<16xf32>
    %mul3A_1250 = arith.mulf %mul3A_1249, %mul3A_1246 : vector<16xf32>
    %mul3A_1251 = arith.mulf %mul3A_1250, %mul3A_1246 : vector<16xf32>
    %sub3A_1252 = arith.constant 1.500000e+00 : f32
    %sub3A_1253 = vector.broadcast %sub3A_1252 : f32 to vector<16xf32>
    %sub3A_1254 = arith.subf %sub3A_1253, %mul3A_1251 : vector<16xf32>
    %mul3A_1255 = arith.mulf %mul3A_1246, %sub3A_1254 : vector<16xf32>
    %mul3A_1256 = arith.constant 5.000000e-01 : f32
    %mul3A_1257 = vector.broadcast %mul3A_1256 : f32 to vector<16xf32>
    %mul3A_1258 = arith.mulf %mul3A_1257, %add3A_1231 : vector<16xf32>
    %mul3A_1259 = arith.mulf %mul3A_1258, %mul3A_1255 : vector<16xf32>
    %mul3A_1260 = arith.mulf %mul3A_1259, %mul3A_1255 : vector<16xf32>
    %sub3A_1261 = arith.constant 1.500000e+00 : f32
    %sub3A_1262 = vector.broadcast %sub3A_1261 : f32 to vector<16xf32>
    %sub3A_1263 = arith.subf %sub3A_1262, %mul3A_1260 : vector<16xf32>
    %mul3A_1264 = arith.mulf %mul3A_1255, %sub3A_1263 : vector<16xf32>
    %swap3A_1265 = arith.constant 432 : index
    %swap3A_1266 = tpu.vector_load %arg22[%swap3A_1265] {strides = array<i32>} : memref<640xf32, #tpu.memory_space<vmem>>, vector<16xf32>,
    %swap3A_1267 = vector.shape_cast %swap3A_1266 : vector<16xf32> to vector<16xf32>
    %swap3A_1268 = vector.shape_cast %mul3A_1264 : vector<16xf32> to vector<16xf32>
    tpu.vector_store %arg22[%swap3A_1265], %swap3A_1268 {strides = array<i32>} : memref<640xf32, #tpu.memory_space<vmem>>, vector<16xf32>,
    %get3A_1269 = arith.constant 448 : index
    %get3A_1270 = tpu.vector_load %arg20[%get3A_1269] {strides = array<i32>} : memref<640xf32, #tpu.memory_space<vmem>>, vector<16xf32>,
    %get3A_1271 = arith.constant 448 : index
    %get3A_1272 = tpu.vector_load %arg21[%get3A_1271] {strides = array<i32>} : memref<640xf32, #tpu.memory_space<vmem>>, vector<16xf32>,
    %add3A_1273 = arith.addf %get3A_1270, %get3A_1272 : vector<16xf32>
    %add3A_1274 = arith.constant 1.000000e+00 : f32
    %add3A_1275 = vector.broadcast %add3A_1274 : f32 to vector<16xf32>
    %add3A_1276 = arith.addf %add3A_1273, %add3A_1275 : vector<16xf32>
    %bitcast3A_1277 = vector.bitcast %add3A_1276 : vector<16xf32> to vector<16xi32>
    %shift_right_logical3A_1278 = arith.constant 1 : i32
    %shift_right_logical3A_1279 = vector.broadcast %shift_right_logical3A_1278 : i32 to vector<16xi32>
    %shift_right_logical3A_1280 = arith.shrui %bitcast3A_1277, %shift_right_logical3A_1279 : vector<16xi32>
    %sub3A_1281 = arith.subi %broadcast_in_dim3A_13, %shift_right_logical3A_1280 : vector<16xi32>
    %bitcast3A_1282 = vector.bitcast %sub3A_1281 : vector<16xi32> to vector<16xf32>
    %mul3A_1283 = arith.constant 5.000000e-01 : f32
    %mul3A_1284 = vector.broadcast %mul3A_1283 : f32 to vector<16xf32>
    %mul3A_1285 = arith.mulf %mul3A_1284, %add3A_1276 : vector<16xf32>
    %mul3A_1286 = arith.mulf %mul3A_1285, %bitcast3A_1282 : vector<16xf32>
    %mul3A_1287 = arith.mulf %mul3A_1286, %bitcast3A_1282 : vector<16xf32>
    %sub3A_1288 = arith.constant 1.500000e+00 : f32
    %sub3A_1289 = vector.broadcast %sub3A_1288 : f32 to vector<16xf32>
    %sub3A_1290 = arith.subf %sub3A_1289, %mul3A_1287 : vector<16xf32>
    %mul3A_1291 = arith.mulf %bitcast3A_1282, %sub3A_1290 : vector<16xf32>
    %mul3A_1292 = arith.constant 5.000000e-01 : f32
    %mul3A_1293 = vector.broadcast %mul3A_1292 : f32 to vector<16xf32>
    %mul3A_1294 = arith.mulf %mul3A_1293, %add3A_1276 : vector<16xf32>
    %mul3A_1295 = arith.mulf %mul3A_1294, %mul3A_1291 : vector<16xf32>
    %mul3A_1296 = arith.mulf %mul3A_1295, %mul3A_1291 : vector<16xf32>
    %sub3A_1297 = arith.constant 1.500000e+00 : f32
    %sub3A_1298 = vector.broadcast %sub3A_1297 : f32 to vector<16xf32>
    %sub3A_1299 = arith.subf %sub3A_1298, %mul3A_1296 : vector<16xf32>
    %mul3A_1300 = arith.mulf %mul3A_1291, %sub3A_1299 : vector<16xf32>
    %mul3A_1301 = arith.constant 5.000000e-01 : f32
    %mul3A_1302 = vector.broadcast %mul3A_1301 : f32 to vector<16xf32>
    %mul3A_1303 = arith.mulf %mul3A_1302, %add3A_1276 : vector<16xf32>
    %mul3A_1304 = arith.mulf %mul3A_1303, %mul3A_1300 : vector<16xf32>
    %mul3A_1305 = arith.mulf %mul3A_1304, %mul3A_1300 : vector<16xf32>
    %sub3A_1306 = arith.constant 1.500000e+00 : f32
    %sub3A_1307 = vector.broadcast %sub3A_1306 : f32 to vector<16xf32>
    %sub3A_1308 = arith.subf %sub3A_1307, %mul3A_1305 : vector<16xf32>
    %mul3A_1309 = arith.mulf %mul3A_1300, %sub3A_1308 : vector<16xf32>
    %swap3A_1310 = arith.constant 448 : index
    %swap3A_1311 = tpu.vector_load %arg22[%swap3A_1310] {strides = array<i32>} : memref<640xf32, #tpu.memory_space<vmem>>, vector<16xf32>,
    %swap3A_1312 = vector.shape_cast %swap3A_1311 : vector<16xf32> to vector<16xf32>
    %swap3A_1313 = vector.shape_cast %mul3A_1309 : vector<16xf32> to vector<16xf32>
    tpu.vector_store %arg22[%swap3A_1310], %swap3A_1313 {strides = array<i32>} : memref<640xf32, #tpu.memory_space<vmem>>, vector<16xf32>,
    %get3A_1314 = arith.constant 464 : index
    %get3A_1315 = tpu.vector_load %arg20[%get3A_1314] {strides = array<i32>} : memref<640xf32, #tpu.memory_space<vmem>>, vector<16xf32>,
    %get3A_1316 = arith.constant 464 : index
    %get3A_1317 = tpu.vector_load %arg21[%get3A_1316] {strides = array<i32>} : memref<640xf32, #tpu.memory_space<vmem>>, vector<16xf32>,
    %add3A_1318 = arith.addf %get3A_1315, %get3A_1317 : vector<16xf32>
    %add3A_1319 = arith.constant 1.000000e+00 : f32
    %add3A_1320 = vector.broadcast %add3A_1319 : f32 to vector<16xf32>
    %add3A_1321 = arith.addf %add3A_1318, %add3A_1320 : vector<16xf32>
    %bitcast3A_1322 = vector.bitcast %add3A_1321 : vector<16xf32> to vector<16xi32>
    %shift_right_logical3A_1323 = arith.constant 1 : i32
    %shift_right_logical3A_1324 = vector.broadcast %shift_right_logical3A_1323 : i32 to vector<16xi32>
    %shift_right_logical3A_1325 = arith.shrui %bitcast3A_1322, %shift_right_logical3A_1324 : vector<16xi32>
    %sub3A_1326 = arith.subi %broadcast_in_dim3A_13, %shift_right_logical3A_1325 : vector<16xi32>
    %bitcast3A_1327 = vector.bitcast %sub3A_1326 : vector<16xi32> to vector<16xf32>
    %mul3A_1328 = arith.constant 5.000000e-01 : f32
    %mul3A_1329 = vector.broadcast %mul3A_1328 : f32 to vector<16xf32>
    %mul3A_1330 = arith.mulf %mul3A_1329, %add3A_1321 : vector<16xf32>
    %mul3A_1331 = arith.mulf %mul3A_1330, %bitcast3A_1327 : vector<16xf32>
    %mul3A_1332 = arith.mulf %mul3A_1331, %bitcast3A_1327 : vector<16xf32>
    %sub3A_1333 = arith.constant 1.500000e+00 : f32
    %sub3A_1334 = vector.broadcast %sub3A_1333 : f32 to vector<16xf32>
    %sub3A_1335 = arith.subf %sub3A_1334, %mul3A_1332 : vector<16xf32>
    %mul3A_1336 = arith.mulf %bitcast3A_1327, %sub3A_1335 : vector<16xf32>
    %mul3A_1337 = arith.constant 5.000000e-01 : f32
    %mul3A_1338 = vector.broadcast %mul3A_1337 : f32 to vector<16xf32>
    %mul3A_1339 = arith.mulf %mul3A_1338, %add3A_1321 : vector<16xf32>
    %mul3A_1340 = arith.mulf %mul3A_1339, %mul3A_1336 : vector<16xf32>
    %mul3A_1341 = arith.mulf %mul3A_1340, %mul3A_1336 : vector<16xf32>
    %sub3A_1342 = arith.constant 1.500000e+00 : f32
    %sub3A_1343 = vector.broadcast %sub3A_1342 : f32 to vector<16xf32>
    %sub3A_1344 = arith.subf %sub3A_1343, %mul3A_1341 : vector<16xf32>
    %mul3A_1345 = arith.mulf %mul3A_1336, %sub3A_1344 : vector<16xf32>
    %mul3A_1346 = arith.constant 5.000000e-01 : f32
    %mul3A_1347 = vector.broadcast %mul3A_1346 : f32 to vector<16xf32>
    %mul3A_1348 = arith.mulf %mul3A_1347, %add3A_1321 : vector<16xf32>
    %mul3A_1349 = arith.mulf %mul3A_1348, %mul3A_1345 : vector<16xf32>
    %mul3A_1350 = arith.mulf %mul3A_1349, %mul3A_1345 : vector<16xf32>
    %sub3A_1351 = arith.constant 1.500000e+00 : f32
    %sub3A_1352 = vector.broadcast %sub3A_1351 : f32 to vector<16xf32>
    %sub3A_1353 = arith.subf %sub3A_1352, %mul3A_1350 : vector<16xf32>
    %mul3A_1354 = arith.mulf %mul3A_1345, %sub3A_1353 : vector<16xf32>
    %swap3A_1355 = arith.constant 464 : index
    %swap3A_1356 = tpu.vector_load %arg22[%swap3A_1355] {strides = array<i32>} : memref<640xf32, #tpu.memory_space<vmem>>, vector<16xf32>,
    %swap3A_1357 = vector.shape_cast %swap3A_1356 : vector<16xf32> to vector<16xf32>
    %swap3A_1358 = vector.shape_cast %mul3A_1354 : vector<16xf32> to vector<16xf32>
    tpu.vector_store %arg22[%swap3A_1355], %swap3A_1358 {strides = array<i32>} : memref<640xf32, #tpu.memory_space<vmem>>, vector<16xf32>,
    %get3A_1359 = arith.constant 480 : index
    %get3A_1360 = tpu.vector_load %arg20[%get3A_1359] {strides = array<i32>} : memref<640xf32, #tpu.memory_space<vmem>>, vector<16xf32>,
    %get3A_1361 = arith.constant 480 : index
    %get3A_1362 = tpu.vector_load %arg21[%get3A_1361] {strides = array<i32>} : memref<640xf32, #tpu.memory_space<vmem>>, vector<16xf32>,
    %add3A_1363 = arith.addf %get3A_1360, %get3A_1362 : vector<16xf32>
    %add3A_1364 = arith.constant 1.000000e+00 : f32
    %add3A_1365 = vector.broadcast %add3A_1364 : f32 to vector<16xf32>
    %add3A_1366 = arith.addf %add3A_1363, %add3A_1365 : vector<16xf32>
    %bitcast3A_1367 = vector.bitcast %add3A_1366 : vector<16xf32> to vector<16xi32>
    %shift_right_logical3A_1368 = arith.constant 1 : i32
    %shift_right_logical3A_1369 = vector.broadcast %shift_right_logical3A_1368 : i32 to vector<16xi32>
    %shift_right_logical3A_1370 = arith.shrui %bitcast3A_1367, %shift_right_logical3A_1369 : vector<16xi32>
    %sub3A_1371 = arith.subi %broadcast_in_dim3A_13, %shift_right_logical3A_1370 : vector<16xi32>
    %bitcast3A_1372 = vector.bitcast %sub3A_1371 : vector<16xi32> to vector<16xf32>
    %mul3A_1373 = arith.constant 5.000000e-01 : f32
    %mul3A_1374 = vector.broadcast %mul3A_1373 : f32 to vector<16xf32>
    %mul3A_1375 = arith.mulf %mul3A_1374, %add3A_1366 : vector<16xf32>
    %mul3A_1376 = arith.mulf %mul3A_1375, %bitcast3A_1372 : vector<16xf32>
    %mul3A_1377 = arith.mulf %mul3A_1376, %bitcast3A_1372 : vector<16xf32>
    %sub3A_1378 = arith.constant 1.500000e+00 : f32
    %sub3A_1379 = vector.broadcast %sub3A_1378 : f32 to vector<16xf32>
    %sub3A_1380 = arith.subf %sub3A_1379, %mul3A_1377 : vector<16xf32>
    %mul3A_1381 = arith.mulf %bitcast3A_1372, %sub3A_1380 : vector<16xf32>
    %mul3A_1382 = arith.constant 5.000000e-01 : f32
    %mul3A_1383 = vector.broadcast %mul3A_1382 : f32 to vector<16xf32>
    %mul3A_1384 = arith.mulf %mul3A_1383, %add3A_1366 : vector<16xf32>
    %mul3A_1385 = arith.mulf %mul3A_1384, %mul3A_1381 : vector<16xf32>
    %mul3A_1386 = arith.mulf %mul3A_1385, %mul3A_1381 : vector<16xf32>
    %sub3A_1387 = arith.constant 1.500000e+00 : f32
    %sub3A_1388 = vector.broadcast %sub3A_1387 : f32 to vector<16xf32>
    %sub3A_1389 = arith.subf %sub3A_1388, %mul3A_1386 : vector<16xf32>
    %mul3A_1390 = arith.mulf %mul3A_1381, %sub3A_1389 : vector<16xf32>
    %mul3A_1391 = arith.constant 5.000000e-01 : f32
    %mul3A_1392 = vector.broadcast %mul3A_1391 : f32 to vector<16xf32>
    %mul3A_1393 = arith.mulf %mul3A_1392, %add3A_1366 : vector<16xf32>
    %mul3A_1394 = arith.mulf %mul3A_1393, %mul3A_1390 : vector<16xf32>
    %mul3A_1395 = arith.mulf %mul3A_1394, %mul3A_1390 : vector<16xf32>
    %sub3A_1396 = arith.constant 1.500000e+00 : f32
    %sub3A_1397 = vector.broadcast %sub3A_1396 : f32 to vector<16xf32>
    %sub3A_1398 = arith.subf %sub3A_1397, %mul3A_1395 : vector<16xf32>
    %mul3A_1399 = arith.mulf %mul3A_1390, %sub3A_1398 : vector<16xf32>
    %swap3A_1400 = arith.constant 480 : index
    %swap3A_1401 = tpu.vector_load %arg22[%swap3A_1400] {strides = array<i32>} : memref<640xf32, #tpu.memory_space<vmem>>, vector<16xf32>,
    %swap3A_1402 = vector.shape_cast %swap3A_1401 : vector<16xf32> to vector<16xf32>
    %swap3A_1403 = vector.shape_cast %mul3A_1399 : vector<16xf32> to vector<16xf32>
    tpu.vector_store %arg22[%swap3A_1400], %swap3A_1403 {strides = array<i32>} : memref<640xf32, #tpu.memory_space<vmem>>, vector<16xf32>,
    %get3A_1404 = arith.constant 496 : index
    %get3A_1405 = tpu.vector_load %arg20[%get3A_1404] {strides = array<i32>} : memref<640xf32, #tpu.memory_space<vmem>>, vector<16xf32>,
    %get3A_1406 = arith.constant 496 : index
    %get3A_1407 = tpu.vector_load %arg21[%get3A_1406] {strides = array<i32>} : memref<640xf32, #tpu.memory_space<vmem>>, vector<16xf32>,
    %add3A_1408 = arith.addf %get3A_1405, %get3A_1407 : vector<16xf32>
    %add3A_1409 = arith.constant 1.000000e+00 : f32
    %add3A_1410 = vector.broadcast %add3A_1409 : f32 to vector<16xf32>
    %add3A_1411 = arith.addf %add3A_1408, %add3A_1410 : vector<16xf32>
    %bitcast3A_1412 = vector.bitcast %add3A_1411 : vector<16xf32> to vector<16xi32>
    %shift_right_logical3A_1413 = arith.constant 1 : i32
    %shift_right_logical3A_1414 = vector.broadcast %shift_right_logical3A_1413 : i32 to vector<16xi32>
    %shift_right_logical3A_1415 = arith.shrui %bitcast3A_1412, %shift_right_logical3A_1414 : vector<16xi32>
    %sub3A_1416 = arith.subi %broadcast_in_dim3A_13, %shift_right_logical3A_1415 : vector<16xi32>
    %bitcast3A_1417 = vector.bitcast %sub3A_1416 : vector<16xi32> to vector<16xf32>
    %mul3A_1418 = arith.constant 5.000000e-01 : f32
    %mul3A_1419 = vector.broadcast %mul3A_1418 : f32 to vector<16xf32>
    %mul3A_1420 = arith.mulf %mul3A_1419, %add3A_1411 : vector<16xf32>
    %mul3A_1421 = arith.mulf %mul3A_1420, %bitcast3A_1417 : vector<16xf32>
    %mul3A_1422 = arith.mulf %mul3A_1421, %bitcast3A_1417 : vector<16xf32>
    %sub3A_1423 = arith.constant 1.500000e+00 : f32
    %sub3A_1424 = vector.broadcast %sub3A_1423 : f32 to vector<16xf32>
    %sub3A_1425 = arith.subf %sub3A_1424, %mul3A_1422 : vector<16xf32>
    %mul3A_1426 = arith.mulf %bitcast3A_1417, %sub3A_1425 : vector<16xf32>
    %mul3A_1427 = arith.constant 5.000000e-01 : f32
    %mul3A_1428 = vector.broadcast %mul3A_1427 : f32 to vector<16xf32>
    %mul3A_1429 = arith.mulf %mul3A_1428, %add3A_1411 : vector<16xf32>
    %mul3A_1430 = arith.mulf %mul3A_1429, %mul3A_1426 : vector<16xf32>
    %mul3A_1431 = arith.mulf %mul3A_1430, %mul3A_1426 : vector<16xf32>
    %sub3A_1432 = arith.constant 1.500000e+00 : f32
    %sub3A_1433 = vector.broadcast %sub3A_1432 : f32 to vector<16xf32>
    %sub3A_1434 = arith.subf %sub3A_1433, %mul3A_1431 : vector<16xf32>
    %mul3A_1435 = arith.mulf %mul3A_1426, %sub3A_1434 : vector<16xf32>
    %mul3A_1436 = arith.constant 5.000000e-01 : f32
    %mul3A_1437 = vector.broadcast %mul3A_1436 : f32 to vector<16xf32>
    %mul3A_1438 = arith.mulf %mul3A_1437, %add3A_1411 : vector<16xf32>
    %mul3A_1439 = arith.mulf %mul3A_1438, %mul3A_1435 : vector<16xf32>
    %mul3A_1440 = arith.mulf %mul3A_1439, %mul3A_1435 : vector<16xf32>
    %sub3A_1441 = arith.constant 1.500000e+00 : f32
    %sub3A_1442 = vector.broadcast %sub3A_1441 : f32 to vector<16xf32>
    %sub3A_1443 = arith.subf %sub3A_1442, %mul3A_1440 : vector<16xf32>
    %mul3A_1444 = arith.mulf %mul3A_1435, %sub3A_1443 : vector<16xf32>
    %swap3A_1445 = arith.constant 496 : index
    %swap3A_1446 = tpu.vector_load %arg22[%swap3A_1445] {strides = array<i32>} : memref<640xf32, #tpu.memory_space<vmem>>, vector<16xf32>,
    %swap3A_1447 = vector.shape_cast %swap3A_1446 : vector<16xf32> to vector<16xf32>
    %swap3A_1448 = vector.shape_cast %mul3A_1444 : vector<16xf32> to vector<16xf32>
    tpu.vector_store %arg22[%swap3A_1445], %swap3A_1448 {strides = array<i32>} : memref<640xf32, #tpu.memory_space<vmem>>, vector<16xf32>,
    %get3A_1449 = arith.constant 512 : index
    %get3A_1450 = tpu.vector_load %arg20[%get3A_1449] {strides = array<i32>} : memref<640xf32, #tpu.memory_space<vmem>>, vector<16xf32>,
    %get3A_1451 = arith.constant 512 : index
    %get3A_1452 = tpu.vector_load %arg21[%get3A_1451] {strides = array<i32>} : memref<640xf32, #tpu.memory_space<vmem>>, vector<16xf32>,
    %add3A_1453 = arith.addf %get3A_1450, %get3A_1452 : vector<16xf32>
    %add3A_1454 = arith.constant 1.000000e+00 : f32
    %add3A_1455 = vector.broadcast %add3A_1454 : f32 to vector<16xf32>
    %add3A_1456 = arith.addf %add3A_1453, %add3A_1455 : vector<16xf32>
    %bitcast3A_1457 = vector.bitcast %add3A_1456 : vector<16xf32> to vector<16xi32>
    %shift_right_logical3A_1458 = arith.constant 1 : i32
    %shift_right_logical3A_1459 = vector.broadcast %shift_right_logical3A_1458 : i32 to vector<16xi32>
    %shift_right_logical3A_1460 = arith.shrui %bitcast3A_1457, %shift_right_logical3A_1459 : vector<16xi32>
    %sub3A_1461 = arith.subi %broadcast_in_dim3A_13, %shift_right_logical3A_1460 : vector<16xi32>
    %bitcast3A_1462 = vector.bitcast %sub3A_1461 : vector<16xi32> to vector<16xf32>
    %mul3A_1463 = arith.constant 5.000000e-01 : f32
    %mul3A_1464 = vector.broadcast %mul3A_1463 : f32 to vector<16xf32>
    %mul3A_1465 = arith.mulf %mul3A_1464, %add3A_1456 : vector<16xf32>
    %mul3A_1466 = arith.mulf %mul3A_1465, %bitcast3A_1462 : vector<16xf32>
    %mul3A_1467 = arith.mulf %mul3A_1466, %bitcast3A_1462 : vector<16xf32>
    %sub3A_1468 = arith.constant 1.500000e+00 : f32
    %sub3A_1469 = vector.broadcast %sub3A_1468 : f32 to vector<16xf32>
    %sub3A_1470 = arith.subf %sub3A_1469, %mul3A_1467 : vector<16xf32>
    %mul3A_1471 = arith.mulf %bitcast3A_1462, %sub3A_1470 : vector<16xf32>
    %mul3A_1472 = arith.constant 5.000000e-01 : f32
    %mul3A_1473 = vector.broadcast %mul3A_1472 : f32 to vector<16xf32>
    %mul3A_1474 = arith.mulf %mul3A_1473, %add3A_1456 : vector<16xf32>
    %mul3A_1475 = arith.mulf %mul3A_1474, %mul3A_1471 : vector<16xf32>
    %mul3A_1476 = arith.mulf %mul3A_1475, %mul3A_1471 : vector<16xf32>
    %sub3A_1477 = arith.constant 1.500000e+00 : f32
    %sub3A_1478 = vector.broadcast %sub3A_1477 : f32 to vector<16xf32>
    %sub3A_1479 = arith.subf %sub3A_1478, %mul3A_1476 : vector<16xf32>
    %mul3A_1480 = arith.mulf %mul3A_1471, %sub3A_1479 : vector<16xf32>
    %mul3A_1481 = arith.constant 5.000000e-01 : f32
    %mul3A_1482 = vector.broadcast %mul3A_1481 : f32 to vector<16xf32>
    %mul3A_1483 = arith.mulf %mul3A_1482, %add3A_1456 : vector<16xf32>
    %mul3A_1484 = arith.mulf %mul3A_1483, %mul3A_1480 : vector<16xf32>
    %mul3A_1485 = arith.mulf %mul3A_1484, %mul3A_1480 : vector<16xf32>
    %sub3A_1486 = arith.constant 1.500000e+00 : f32
    %sub3A_1487 = vector.broadcast %sub3A_1486 : f32 to vector<16xf32>
    %sub3A_1488 = arith.subf %sub3A_1487, %mul3A_1485 : vector<16xf32>
    %mul3A_1489 = arith.mulf %mul3A_1480, %sub3A_1488 : vector<16xf32>
    %swap3A_1490 = arith.constant 512 : index
    %swap3A_1491 = tpu.vector_load %arg22[%swap3A_1490] {strides = array<i32>} : memref<640xf32, #tpu.memory_space<vmem>>, vector<16xf32>,
    %swap3A_1492 = vector.shape_cast %swap3A_1491 : vector<16xf32> to vector<16xf32>
    %swap3A_1493 = vector.shape_cast %mul3A_1489 : vector<16xf32> to vector<16xf32>
    tpu.vector_store %arg22[%swap3A_1490], %swap3A_1493 {strides = array<i32>} : memref<640xf32, #tpu.memory_space<vmem>>, vector<16xf32>,
    %get3A_1494 = arith.constant 528 : index
    %get3A_1495 = tpu.vector_load %arg20[%get3A_1494] {strides = array<i32>} : memref<640xf32, #tpu.memory_space<vmem>>, vector<16xf32>,
    %get3A_1496 = arith.constant 528 : index
    %get3A_1497 = tpu.vector_load %arg21[%get3A_1496] {strides = array<i32>} : memref<640xf32, #tpu.memory_space<vmem>>, vector<16xf32>,
    %add3A_1498 = arith.addf %get3A_1495, %get3A_1497 : vector<16xf32>
    %add3A_1499 = arith.constant 1.000000e+00 : f32
    %add3A_1500 = vector.broadcast %add3A_1499 : f32 to vector<16xf32>
    %add3A_1501 = arith.addf %add3A_1498, %add3A_1500 : vector<16xf32>
    %bitcast3A_1502 = vector.bitcast %add3A_1501 : vector<16xf32> to vector<16xi32>
    %shift_right_logical3A_1503 = arith.constant 1 : i32
    %shift_right_logical3A_1504 = vector.broadcast %shift_right_logical3A_1503 : i32 to vector<16xi32>
    %shift_right_logical3A_1505 = arith.shrui %bitcast3A_1502, %shift_right_logical3A_1504 : vector<16xi32>
    %sub3A_1506 = arith.subi %broadcast_in_dim3A_13, %shift_right_logical3A_1505 : vector<16xi32>
    %bitcast3A_1507 = vector.bitcast %sub3A_1506 : vector<16xi32> to vector<16xf32>
    %mul3A_1508 = arith.constant 5.000000e-01 : f32
    %mul3A_1509 = vector.broadcast %mul3A_1508 : f32 to vector<16xf32>
    %mul3A_1510 = arith.mulf %mul3A_1509, %add3A_1501 : vector<16xf32>
    %mul3A_1511 = arith.mulf %mul3A_1510, %bitcast3A_1507 : vector<16xf32>
    %mul3A_1512 = arith.mulf %mul3A_1511, %bitcast3A_1507 : vector<16xf32>
    %sub3A_1513 = arith.constant 1.500000e+00 : f32
    %sub3A_1514 = vector.broadcast %sub3A_1513 : f32 to vector<16xf32>
    %sub3A_1515 = arith.subf %sub3A_1514, %mul3A_1512 : vector<16xf32>
    %mul3A_1516 = arith.mulf %bitcast3A_1507, %sub3A_1515 : vector<16xf32>
    %mul3A_1517 = arith.constant 5.000000e-01 : f32
    %mul3A_1518 = vector.broadcast %mul3A_1517 : f32 to vector<16xf32>
    %mul3A_1519 = arith.mulf %mul3A_1518, %add3A_1501 : vector<16xf32>
    %mul3A_1520 = arith.mulf %mul3A_1519, %mul3A_1516 : vector<16xf32>
    %mul3A_1521 = arith.mulf %mul3A_1520, %mul3A_1516 : vector<16xf32>
    %sub3A_1522 = arith.constant 1.500000e+00 : f32
    %sub3A_1523 = vector.broadcast %sub3A_1522 : f32 to vector<16xf32>
    %sub3A_1524 = arith.subf %sub3A_1523, %mul3A_1521 : vector<16xf32>
    %mul3A_1525 = arith.mulf %mul3A_1516, %sub3A_1524 : vector<16xf32>
    %mul3A_1526 = arith.constant 5.000000e-01 : f32
    %mul3A_1527 = vector.broadcast %mul3A_1526 : f32 to vector<16xf32>
    %mul3A_1528 = arith.mulf %mul3A_1527, %add3A_1501 : vector<16xf32>
    %mul3A_1529 = arith.mulf %mul3A_1528, %mul3A_1525 : vector<16xf32>
    %mul3A_1530 = arith.mulf %mul3A_1529, %mul3A_1525 : vector<16xf32>
    %sub3A_1531 = arith.constant 1.500000e+00 : f32
    %sub3A_1532 = vector.broadcast %sub3A_1531 : f32 to vector<16xf32>
    %sub3A_1533 = arith.subf %sub3A_1532, %mul3A_1530 : vector<16xf32>
    %mul3A_1534 = arith.mulf %mul3A_1525, %sub3A_1533 : vector<16xf32>
    %swap3A_1535 = arith.constant 528 : index
    %swap3A_1536 = tpu.vector_load %arg22[%swap3A_1535] {strides = array<i32>} : memref<640xf32, #tpu.memory_space<vmem>>, vector<16xf32>,
    %swap3A_1537 = vector.shape_cast %swap3A_1536 : vector<16xf32> to vector<16xf32>
    %swap3A_1538 = vector.shape_cast %mul3A_1534 : vector<16xf32> to vector<16xf32>
    tpu.vector_store %arg22[%swap3A_1535], %swap3A_1538 {strides = array<i32>} : memref<640xf32, #tpu.memory_space<vmem>>, vector<16xf32>,
    %get3A_1539 = arith.constant 544 : index
    %get3A_1540 = tpu.vector_load %arg20[%get3A_1539] {strides = array<i32>} : memref<640xf32, #tpu.memory_space<vmem>>, vector<16xf32>,
    %get3A_1541 = arith.constant 544 : index
    %get3A_1542 = tpu.vector_load %arg21[%get3A_1541] {strides = array<i32>} : memref<640xf32, #tpu.memory_space<vmem>>, vector<16xf32>,
    %add3A_1543 = arith.addf %get3A_1540, %get3A_1542 : vector<16xf32>
    %add3A_1544 = arith.constant 1.000000e+00 : f32
    %add3A_1545 = vector.broadcast %add3A_1544 : f32 to vector<16xf32>
    %add3A_1546 = arith.addf %add3A_1543, %add3A_1545 : vector<16xf32>
    %bitcast3A_1547 = vector.bitcast %add3A_1546 : vector<16xf32> to vector<16xi32>
    %shift_right_logical3A_1548 = arith.constant 1 : i32
    %shift_right_logical3A_1549 = vector.broadcast %shift_right_logical3A_1548 : i32 to vector<16xi32>
    %shift_right_logical3A_1550 = arith.shrui %bitcast3A_1547, %shift_right_logical3A_1549 : vector<16xi32>
    %sub3A_1551 = arith.subi %broadcast_in_dim3A_13, %shift_right_logical3A_1550 : vector<16xi32>
    %bitcast3A_1552 = vector.bitcast %sub3A_1551 : vector<16xi32> to vector<16xf32>
    %mul3A_1553 = arith.constant 5.000000e-01 : f32
    %mul3A_1554 = vector.broadcast %mul3A_1553 : f32 to vector<16xf32>
    %mul3A_1555 = arith.mulf %mul3A_1554, %add3A_1546 : vector<16xf32>
    %mul3A_1556 = arith.mulf %mul3A_1555, %bitcast3A_1552 : vector<16xf32>
    %mul3A_1557 = arith.mulf %mul3A_1556, %bitcast3A_1552 : vector<16xf32>
    %sub3A_1558 = arith.constant 1.500000e+00 : f32
    %sub3A_1559 = vector.broadcast %sub3A_1558 : f32 to vector<16xf32>
    %sub3A_1560 = arith.subf %sub3A_1559, %mul3A_1557 : vector<16xf32>
    %mul3A_1561 = arith.mulf %bitcast3A_1552, %sub3A_1560 : vector<16xf32>
    %mul3A_1562 = arith.constant 5.000000e-01 : f32
    %mul3A_1563 = vector.broadcast %mul3A_1562 : f32 to vector<16xf32>
    %mul3A_1564 = arith.mulf %mul3A_1563, %add3A_1546 : vector<16xf32>
    %mul3A_1565 = arith.mulf %mul3A_1564, %mul3A_1561 : vector<16xf32>
    %mul3A_1566 = arith.mulf %mul3A_1565, %mul3A_1561 : vector<16xf32>
    %sub3A_1567 = arith.constant 1.500000e+00 : f32
    %sub3A_1568 = vector.broadcast %sub3A_1567 : f32 to vector<16xf32>
    %sub3A_1569 = arith.subf %sub3A_1568, %mul3A_1566 : vector<16xf32>
    %mul3A_1570 = arith.mulf %mul3A_1561, %sub3A_1569 : vector<16xf32>
    %mul3A_1571 = arith.constant 5.000000e-01 : f32
    %mul3A_1572 = vector.broadcast %mul3A_1571 : f32 to vector<16xf32>
    %mul3A_1573 = arith.mulf %mul3A_1572, %add3A_1546 : vector<16xf32>
    %mul3A_1574 = arith.mulf %mul3A_1573, %mul3A_1570 : vector<16xf32>
    %mul3A_1575 = arith.mulf %mul3A_1574, %mul3A_1570 : vector<16xf32>
    %sub3A_1576 = arith.constant 1.500000e+00 : f32
    %sub3A_1577 = vector.broadcast %sub3A_1576 : f32 to vector<16xf32>
    %sub3A_1578 = arith.subf %sub3A_1577, %mul3A_1575 : vector<16xf32>
    %mul3A_1579 = arith.mulf %mul3A_1570, %sub3A_1578 : vector<16xf32>
    %swap3A_1580 = arith.constant 544 : index
    %swap3A_1581 = tpu.vector_load %arg22[%swap3A_1580] {strides = array<i32>} : memref<640xf32, #tpu.memory_space<vmem>>, vector<16xf32>,
    %swap3A_1582 = vector.shape_cast %swap3A_1581 : vector<16xf32> to vector<16xf32>
    %swap3A_1583 = vector.shape_cast %mul3A_1579 : vector<16xf32> to vector<16xf32>
    tpu.vector_store %arg22[%swap3A_1580], %swap3A_1583 {strides = array<i32>} : memref<640xf32, #tpu.memory_space<vmem>>, vector<16xf32>,
    %get3A_1584 = arith.constant 560 : index
    %get3A_1585 = tpu.vector_load %arg20[%get3A_1584] {strides = array<i32>} : memref<640xf32, #tpu.memory_space<vmem>>, vector<16xf32>,
    %get3A_1586 = arith.constant 560 : index
    %get3A_1587 = tpu.vector_load %arg21[%get3A_1586] {strides = array<i32>} : memref<640xf32, #tpu.memory_space<vmem>>, vector<16xf32>,
    %add3A_1588 = arith.addf %get3A_1585, %get3A_1587 : vector<16xf32>
    %add3A_1589 = arith.constant 1.000000e+00 : f32
    %add3A_1590 = vector.broadcast %add3A_1589 : f32 to vector<16xf32>
    %add3A_1591 = arith.addf %add3A_1588, %add3A_1590 : vector<16xf32>
    %bitcast3A_1592 = vector.bitcast %add3A_1591 : vector<16xf32> to vector<16xi32>
    %shift_right_logical3A_1593 = arith.constant 1 : i32
    %shift_right_logical3A_1594 = vector.broadcast %shift_right_logical3A_1593 : i32 to vector<16xi32>
    %shift_right_logical3A_1595 = arith.shrui %bitcast3A_1592, %shift_right_logical3A_1594 : vector<16xi32>
    %sub3A_1596 = arith.subi %broadcast_in_dim3A_13, %shift_right_logical3A_1595 : vector<16xi32>
    %bitcast3A_1597 = vector.bitcast %sub3A_1596 : vector<16xi32> to vector<16xf32>
    %mul3A_1598 = arith.constant 5.000000e-01 : f32
    %mul3A_1599 = vector.broadcast %mul3A_1598 : f32 to vector<16xf32>
    %mul3A_1600 = arith.mulf %mul3A_1599, %add3A_1591 : vector<16xf32>
    %mul3A_1601 = arith.mulf %mul3A_1600, %bitcast3A_1597 : vector<16xf32>
    %mul3A_1602 = arith.mulf %mul3A_1601, %bitcast3A_1597 : vector<16xf32>
    %sub3A_1603 = arith.constant 1.500000e+00 : f32
    %sub3A_1604 = vector.broadcast %sub3A_1603 : f32 to vector<16xf32>
    %sub3A_1605 = arith.subf %sub3A_1604, %mul3A_1602 : vector<16xf32>
    %mul3A_1606 = arith.mulf %bitcast3A_1597, %sub3A_1605 : vector<16xf32>
    %mul3A_1607 = arith.constant 5.000000e-01 : f32
    %mul3A_1608 = vector.broadcast %mul3A_1607 : f32 to vector<16xf32>
    %mul3A_1609 = arith.mulf %mul3A_1608, %add3A_1591 : vector<16xf32>
    %mul3A_1610 = arith.mulf %mul3A_1609, %mul3A_1606 : vector<16xf32>
    %mul3A_1611 = arith.mulf %mul3A_1610, %mul3A_1606 : vector<16xf32>
    %sub3A_1612 = arith.constant 1.500000e+00 : f32
    %sub3A_1613 = vector.broadcast %sub3A_1612 : f32 to vector<16xf32>
    %sub3A_1614 = arith.subf %sub3A_1613, %mul3A_1611 : vector<16xf32>
    %mul3A_1615 = arith.mulf %mul3A_1606, %sub3A_1614 : vector<16xf32>
    %mul3A_1616 = arith.constant 5.000000e-01 : f32
    %mul3A_1617 = vector.broadcast %mul3A_1616 : f32 to vector<16xf32>
    %mul3A_1618 = arith.mulf %mul3A_1617, %add3A_1591 : vector<16xf32>
    %mul3A_1619 = arith.mulf %mul3A_1618, %mul3A_1615 : vector<16xf32>
    %mul3A_1620 = arith.mulf %mul3A_1619, %mul3A_1615 : vector<16xf32>
    %sub3A_1621 = arith.constant 1.500000e+00 : f32
    %sub3A_1622 = vector.broadcast %sub3A_1621 : f32 to vector<16xf32>
    %sub3A_1623 = arith.subf %sub3A_1622, %mul3A_1620 : vector<16xf32>
    %mul3A_1624 = arith.mulf %mul3A_1615, %sub3A_1623 : vector<16xf32>
    %swap3A_1625 = arith.constant 560 : index
    %swap3A_1626 = tpu.vector_load %arg22[%swap3A_1625] {strides = array<i32>} : memref<640xf32, #tpu.memory_space<vmem>>, vector<16xf32>,
    %swap3A_1627 = vector.shape_cast %swap3A_1626 : vector<16xf32> to vector<16xf32>
    %swap3A_1628 = vector.shape_cast %mul3A_1624 : vector<16xf32> to vector<16xf32>
    tpu.vector_store %arg22[%swap3A_1625], %swap3A_1628 {strides = array<i32>} : memref<640xf32, #tpu.memory_space<vmem>>, vector<16xf32>,
    %get3A_1629 = arith.constant 576 : index
    %get3A_1630 = tpu.vector_load %arg20[%get3A_1629] {strides = array<i32>} : memref<640xf32, #tpu.memory_space<vmem>>, vector<16xf32>,
    %get3A_1631 = arith.constant 576 : index
    %get3A_1632 = tpu.vector_load %arg21[%get3A_1631] {strides = array<i32>} : memref<640xf32, #tpu.memory_space<vmem>>, vector<16xf32>,
    %add3A_1633 = arith.addf %get3A_1630, %get3A_1632 : vector<16xf32>
    %add3A_1634 = arith.constant 1.000000e+00 : f32
    %add3A_1635 = vector.broadcast %add3A_1634 : f32 to vector<16xf32>
    %add3A_1636 = arith.addf %add3A_1633, %add3A_1635 : vector<16xf32>
    %bitcast3A_1637 = vector.bitcast %add3A_1636 : vector<16xf32> to vector<16xi32>
    %shift_right_logical3A_1638 = arith.constant 1 : i32
    %shift_right_logical3A_1639 = vector.broadcast %shift_right_logical3A_1638 : i32 to vector<16xi32>
    %shift_right_logical3A_1640 = arith.shrui %bitcast3A_1637, %shift_right_logical3A_1639 : vector<16xi32>
    %sub3A_1641 = arith.subi %broadcast_in_dim3A_13, %shift_right_logical3A_1640 : vector<16xi32>
    %bitcast3A_1642 = vector.bitcast %sub3A_1641 : vector<16xi32> to vector<16xf32>
    %mul3A_1643 = arith.constant 5.000000e-01 : f32
    %mul3A_1644 = vector.broadcast %mul3A_1643 : f32 to vector<16xf32>
    %mul3A_1645 = arith.mulf %mul3A_1644, %add3A_1636 : vector<16xf32>
    %mul3A_1646 = arith.mulf %mul3A_1645, %bitcast3A_1642 : vector<16xf32>
    %mul3A_1647 = arith.mulf %mul3A_1646, %bitcast3A_1642 : vector<16xf32>
    %sub3A_1648 = arith.constant 1.500000e+00 : f32
    %sub3A_1649 = vector.broadcast %sub3A_1648 : f32 to vector<16xf32>
    %sub3A_1650 = arith.subf %sub3A_1649, %mul3A_1647 : vector<16xf32>
    %mul3A_1651 = arith.mulf %bitcast3A_1642, %sub3A_1650 : vector<16xf32>
    %mul3A_1652 = arith.constant 5.000000e-01 : f32
    %mul3A_1653 = vector.broadcast %mul3A_1652 : f32 to vector<16xf32>
    %mul3A_1654 = arith.mulf %mul3A_1653, %add3A_1636 : vector<16xf32>
    %mul3A_1655 = arith.mulf %mul3A_1654, %mul3A_1651 : vector<16xf32>
    %mul3A_1656 = arith.mulf %mul3A_1655, %mul3A_1651 : vector<16xf32>
    %sub3A_1657 = arith.constant 1.500000e+00 : f32
    %sub3A_1658 = vector.broadcast %sub3A_1657 : f32 to vector<16xf32>
    %sub3A_1659 = arith.subf %sub3A_1658, %mul3A_1656 : vector<16xf32>
    %mul3A_1660 = arith.mulf %mul3A_1651, %sub3A_1659 : vector<16xf32>
    %mul3A_1661 = arith.constant 5.000000e-01 : f32
    %mul3A_1662 = vector.broadcast %mul3A_1661 : f32 to vector<16xf32>
    %mul3A_1663 = arith.mulf %mul3A_1662, %add3A_1636 : vector<16xf32>
    %mul3A_1664 = arith.mulf %mul3A_1663, %mul3A_1660 : vector<16xf32>
    %mul3A_1665 = arith.mulf %mul3A_1664, %mul3A_1660 : vector<16xf32>
    %sub3A_1666 = arith.constant 1.500000e+00 : f32
    %sub3A_1667 = vector.broadcast %sub3A_1666 : f32 to vector<16xf32>
    %sub3A_1668 = arith.subf %sub3A_1667, %mul3A_1665 : vector<16xf32>
    %mul3A_1669 = arith.mulf %mul3A_1660, %sub3A_1668 : vector<16xf32>
    %swap3A_1670 = arith.constant 576 : index
    %swap3A_1671 = tpu.vector_load %arg22[%swap3A_1670] {strides = array<i32>} : memref<640xf32, #tpu.memory_space<vmem>>, vector<16xf32>,
    %swap3A_1672 = vector.shape_cast %swap3A_1671 : vector<16xf32> to vector<16xf32>
    %swap3A_1673 = vector.shape_cast %mul3A_1669 : vector<16xf32> to vector<16xf32>
    tpu.vector_store %arg22[%swap3A_1670], %swap3A_1673 {strides = array<i32>} : memref<640xf32, #tpu.memory_space<vmem>>, vector<16xf32>,
    %get3A_1674 = arith.constant 592 : index
    %get3A_1675 = tpu.vector_load %arg20[%get3A_1674] {strides = array<i32>} : memref<640xf32, #tpu.memory_space<vmem>>, vector<16xf32>,
    %get3A_1676 = arith.constant 592 : index
    %get3A_1677 = tpu.vector_load %arg21[%get3A_1676] {strides = array<i32>} : memref<640xf32, #tpu.memory_space<vmem>>, vector<16xf32>,
    %add3A_1678 = arith.addf %get3A_1675, %get3A_1677 : vector<16xf32>
    %add3A_1679 = arith.constant 1.000000e+00 : f32
    %add3A_1680 = vector.broadcast %add3A_1679 : f32 to vector<16xf32>
    %add3A_1681 = arith.addf %add3A_1678, %add3A_1680 : vector<16xf32>
    %bitcast3A_1682 = vector.bitcast %add3A_1681 : vector<16xf32> to vector<16xi32>
    %shift_right_logical3A_1683 = arith.constant 1 : i32
    %shift_right_logical3A_1684 = vector.broadcast %shift_right_logical3A_1683 : i32 to vector<16xi32>
    %shift_right_logical3A_1685 = arith.shrui %bitcast3A_1682, %shift_right_logical3A_1684 : vector<16xi32>
    %sub3A_1686 = arith.subi %broadcast_in_dim3A_13, %shift_right_logical3A_1685 : vector<16xi32>
    %bitcast3A_1687 = vector.bitcast %sub3A_1686 : vector<16xi32> to vector<16xf32>
    %mul3A_1688 = arith.constant 5.000000e-01 : f32
    %mul3A_1689 = vector.broadcast %mul3A_1688 : f32 to vector<16xf32>
    %mul3A_1690 = arith.mulf %mul3A_1689, %add3A_1681 : vector<16xf32>
    %mul3A_1691 = arith.mulf %mul3A_1690, %bitcast3A_1687 : vector<16xf32>
    %mul3A_1692 = arith.mulf %mul3A_1691, %bitcast3A_1687 : vector<16xf32>
    %sub3A_1693 = arith.constant 1.500000e+00 : f32
    %sub3A_1694 = vector.broadcast %sub3A_1693 : f32 to vector<16xf32>
    %sub3A_1695 = arith.subf %sub3A_1694, %mul3A_1692 : vector<16xf32>
    %mul3A_1696 = arith.mulf %bitcast3A_1687, %sub3A_1695 : vector<16xf32>
    %mul3A_1697 = arith.constant 5.000000e-01 : f32
    %mul3A_1698 = vector.broadcast %mul3A_1697 : f32 to vector<16xf32>
    %mul3A_1699 = arith.mulf %mul3A_1698, %add3A_1681 : vector<16xf32>
    %mul3A_1700 = arith.mulf %mul3A_1699, %mul3A_1696 : vector<16xf32>
    %mul3A_1701 = arith.mulf %mul3A_1700, %mul3A_1696 : vector<16xf32>
    %sub3A_1702 = arith.constant 1.500000e+00 : f32
    %sub3A_1703 = vector.broadcast %sub3A_1702 : f32 to vector<16xf32>
    %sub3A_1704 = arith.subf %sub3A_1703, %mul3A_1701 : vector<16xf32>
    %mul3A_1705 = arith.mulf %mul3A_1696, %sub3A_1704 : vector<16xf32>
    %mul3A_1706 = arith.constant 5.000000e-01 : f32
    %mul3A_1707 = vector.broadcast %mul3A_1706 : f32 to vector<16xf32>
    %mul3A_1708 = arith.mulf %mul3A_1707, %add3A_1681 : vector<16xf32>
    %mul3A_1709 = arith.mulf %mul3A_1708, %mul3A_1705 : vector<16xf32>
    %mul3A_1710 = arith.mulf %mul3A_1709, %mul3A_1705 : vector<16xf32>
    %sub3A_1711 = arith.constant 1.500000e+00 : f32
    %sub3A_1712 = vector.broadcast %sub3A_1711 : f32 to vector<16xf32>
    %sub3A_1713 = arith.subf %sub3A_1712, %mul3A_1710 : vector<16xf32>
    %mul3A_1714 = arith.mulf %mul3A_1705, %sub3A_1713 : vector<16xf32>
    %swap3A_1715 = arith.constant 592 : index
    %swap3A_1716 = tpu.vector_load %arg22[%swap3A_1715] {strides = array<i32>} : memref<640xf32, #tpu.memory_space<vmem>>, vector<16xf32>,
    %swap3A_1717 = vector.shape_cast %swap3A_1716 : vector<16xf32> to vector<16xf32>
    %swap3A_1718 = vector.shape_cast %mul3A_1714 : vector<16xf32> to vector<16xf32>
    tpu.vector_store %arg22[%swap3A_1715], %swap3A_1718 {strides = array<i32>} : memref<640xf32, #tpu.memory_space<vmem>>, vector<16xf32>,
    %get3A_1719 = arith.constant 608 : index
    %get3A_1720 = tpu.vector_load %arg20[%get3A_1719] {strides = array<i32>} : memref<640xf32, #tpu.memory_space<vmem>>, vector<16xf32>,
    %get3A_1721 = arith.constant 608 : index
    %get3A_1722 = tpu.vector_load %arg21[%get3A_1721] {strides = array<i32>} : memref<640xf32, #tpu.memory_space<vmem>>, vector<16xf32>,
    %add3A_1723 = arith.addf %get3A_1720, %get3A_1722 : vector<16xf32>
    %add3A_1724 = arith.constant 1.000000e+00 : f32
    %add3A_1725 = vector.broadcast %add3A_1724 : f32 to vector<16xf32>
    %add3A_1726 = arith.addf %add3A_1723, %add3A_1725 : vector<16xf32>
    %bitcast3A_1727 = vector.bitcast %add3A_1726 : vector<16xf32> to vector<16xi32>
    %shift_right_logical3A_1728 = arith.constant 1 : i32
    %shift_right_logical3A_1729 = vector.broadcast %shift_right_logical3A_1728 : i32 to vector<16xi32>
    %shift_right_logical3A_1730 = arith.shrui %bitcast3A_1727, %shift_right_logical3A_1729 : vector<16xi32>
    %sub3A_1731 = arith.subi %broadcast_in_dim3A_13, %shift_right_logical3A_1730 : vector<16xi32>
    %bitcast3A_1732 = vector.bitcast %sub3A_1731 : vector<16xi32> to vector<16xf32>
    %mul3A_1733 = arith.constant 5.000000e-01 : f32
    %mul3A_1734 = vector.broadcast %mul3A_1733 : f32 to vector<16xf32>
    %mul3A_1735 = arith.mulf %mul3A_1734, %add3A_1726 : vector<16xf32>
    %mul3A_1736 = arith.mulf %mul3A_1735, %bitcast3A_1732 : vector<16xf32>
    %mul3A_1737 = arith.mulf %mul3A_1736, %bitcast3A_1732 : vector<16xf32>
    %sub3A_1738 = arith.constant 1.500000e+00 : f32
    %sub3A_1739 = vector.broadcast %sub3A_1738 : f32 to vector<16xf32>
    %sub3A_1740 = arith.subf %sub3A_1739, %mul3A_1737 : vector<16xf32>
    %mul3A_1741 = arith.mulf %bitcast3A_1732, %sub3A_1740 : vector<16xf32>
    %mul3A_1742 = arith.constant 5.000000e-01 : f32
    %mul3A_1743 = vector.broadcast %mul3A_1742 : f32 to vector<16xf32>
    %mul3A_1744 = arith.mulf %mul3A_1743, %add3A_1726 : vector<16xf32>
    %mul3A_1745 = arith.mulf %mul3A_1744, %mul3A_1741 : vector<16xf32>
    %mul3A_1746 = arith.mulf %mul3A_1745, %mul3A_1741 : vector<16xf32>
    %sub3A_1747 = arith.constant 1.500000e+00 : f32
    %sub3A_1748 = vector.broadcast %sub3A_1747 : f32 to vector<16xf32>
    %sub3A_1749 = arith.subf %sub3A_1748, %mul3A_1746 : vector<16xf32>
    %mul3A_1750 = arith.mulf %mul3A_1741, %sub3A_1749 : vector<16xf32>
    %mul3A_1751 = arith.constant 5.000000e-01 : f32
    %mul3A_1752 = vector.broadcast %mul3A_1751 : f32 to vector<16xf32>
    %mul3A_1753 = arith.mulf %mul3A_1752, %add3A_1726 : vector<16xf32>
    %mul3A_1754 = arith.mulf %mul3A_1753, %mul3A_1750 : vector<16xf32>
    %mul3A_1755 = arith.mulf %mul3A_1754, %mul3A_1750 : vector<16xf32>
    %sub3A_1756 = arith.constant 1.500000e+00 : f32
    %sub3A_1757 = vector.broadcast %sub3A_1756 : f32 to vector<16xf32>
    %sub3A_1758 = arith.subf %sub3A_1757, %mul3A_1755 : vector<16xf32>
    %mul3A_1759 = arith.mulf %mul3A_1750, %sub3A_1758 : vector<16xf32>
    %swap3A_1760 = arith.constant 608 : index
    %swap3A_1761 = tpu.vector_load %arg22[%swap3A_1760] {strides = array<i32>} : memref<640xf32, #tpu.memory_space<vmem>>, vector<16xf32>,
    %swap3A_1762 = vector.shape_cast %swap3A_1761 : vector<16xf32> to vector<16xf32>
    %swap3A_1763 = vector.shape_cast %mul3A_1759 : vector<16xf32> to vector<16xf32>
    tpu.vector_store %arg22[%swap3A_1760], %swap3A_1763 {strides = array<i32>} : memref<640xf32, #tpu.memory_space<vmem>>, vector<16xf32>,
    %get3A_1764 = arith.constant 624 : index
    %get3A_1765 = tpu.vector_load %arg20[%get3A_1764] {strides = array<i32>} : memref<640xf32, #tpu.memory_space<vmem>>, vector<16xf32>,
    %get3A_1766 = arith.constant 624 : index
    %get3A_1767 = tpu.vector_load %arg21[%get3A_1766] {strides = array<i32>} : memref<640xf32, #tpu.memory_space<vmem>>, vector<16xf32>,
    %add3A_1768 = arith.addf %get3A_1765, %get3A_1767 : vector<16xf32>
    %add3A_1769 = arith.constant 1.000000e+00 : f32
    %add3A_1770 = vector.broadcast %add3A_1769 : f32 to vector<16xf32>
    %add3A_1771 = arith.addf %add3A_1768, %add3A_1770 : vector<16xf32>
    %bitcast3A_1772 = vector.bitcast %add3A_1771 : vector<16xf32> to vector<16xi32>
    %shift_right_logical3A_1773 = arith.constant 1 : i32
    %shift_right_logical3A_1774 = vector.broadcast %shift_right_logical3A_1773 : i32 to vector<16xi32>
    %shift_right_logical3A_1775 = arith.shrui %bitcast3A_1772, %shift_right_logical3A_1774 : vector<16xi32>
    %sub3A_1776 = arith.subi %broadcast_in_dim3A_13, %shift_right_logical3A_1775 : vector<16xi32>
    %bitcast3A_1777 = vector.bitcast %sub3A_1776 : vector<16xi32> to vector<16xf32>
    %mul3A_1778 = arith.constant 5.000000e-01 : f32
    %mul3A_1779 = vector.broadcast %mul3A_1778 : f32 to vector<16xf32>
    %mul3A_1780 = arith.mulf %mul3A_1779, %add3A_1771 : vector<16xf32>
    %mul3A_1781 = arith.mulf %mul3A_1780, %bitcast3A_1777 : vector<16xf32>
    %mul3A_1782 = arith.mulf %mul3A_1781, %bitcast3A_1777 : vector<16xf32>
    %sub3A_1783 = arith.constant 1.500000e+00 : f32
    %sub3A_1784 = vector.broadcast %sub3A_1783 : f32 to vector<16xf32>
    %sub3A_1785 = arith.subf %sub3A_1784, %mul3A_1782 : vector<16xf32>
    %mul3A_1786 = arith.mulf %bitcast3A_1777, %sub3A_1785 : vector<16xf32>
    %mul3A_1787 = arith.constant 5.000000e-01 : f32
    %mul3A_1788 = vector.broadcast %mul3A_1787 : f32 to vector<16xf32>
    %mul3A_1789 = arith.mulf %mul3A_1788, %add3A_1771 : vector<16xf32>
    %mul3A_1790 = arith.mulf %mul3A_1789, %mul3A_1786 : vector<16xf32>
    %mul3A_1791 = arith.mulf %mul3A_1790, %mul3A_1786 : vector<16xf32>
    %sub3A_1792 = arith.constant 1.500000e+00 : f32
    %sub3A_1793 = vector.broadcast %sub3A_1792 : f32 to vector<16xf32>
    %sub3A_1794 = arith.subf %sub3A_1793, %mul3A_1791 : vector<16xf32>
    %mul3A_1795 = arith.mulf %mul3A_1786, %sub3A_1794 : vector<16xf32>
    %mul3A_1796 = arith.constant 5.000000e-01 : f32
    %mul3A_1797 = vector.broadcast %mul3A_1796 : f32 to vector<16xf32>
    %mul3A_1798 = arith.mulf %mul3A_1797, %add3A_1771 : vector<16xf32>
    %mul3A_1799 = arith.mulf %mul3A_1798, %mul3A_1795 : vector<16xf32>
    %mul3A_1800 = arith.mulf %mul3A_1799, %mul3A_1795 : vector<16xf32>
    %sub3A_1801 = arith.constant 1.500000e+00 : f32
    %sub3A_1802 = vector.broadcast %sub3A_1801 : f32 to vector<16xf32>
    %sub3A_1803 = arith.subf %sub3A_1802, %mul3A_1800 : vector<16xf32>
    %mul3A_1804 = arith.mulf %mul3A_1795, %sub3A_1803 : vector<16xf32>
    %swap3A_1805 = arith.constant 624 : index
    %swap3A_1806 = tpu.vector_load %arg22[%swap3A_1805] {strides = array<i32>} : memref<640xf32, #tpu.memory_space<vmem>>, vector<16xf32>,
    %swap3A_1807 = vector.shape_cast %swap3A_1806 : vector<16xf32> to vector<16xf32>
    %swap3A_1808 = vector.shape_cast %mul3A_1804 : vector<16xf32> to vector<16xf32>
    tpu.vector_store %arg22[%swap3A_1805], %swap3A_1808 {strides = array<i32>} : memref<640xf32, #tpu.memory_space<vmem>>, vector<16xf32>,
    "tpu.region"() ({
      %run_scoped3A_1886 = tpu.sem_alloc : memref<!tpu.dma_semaphore, #tpu.memory_space<semaphore_mem>>
      %dma_start3A_1887 = arith.constant 0 : i32
      %dma_start3A_1888 = tpu.memref_slice %arg2[%mul3A_2, %dma_start3A_1887] : memref<10240x32xf32, #tpu.memory_space<hbm>> -> memref<640x32xf32, #tpu.memory_space<hbm>>
      %dma_start3A_1889 = arith.constant 0 : i32
      %dma_start3A_1890 = tpu.memref_slice %arg2[%mul3A_2, %dma_start3A_1889] : memref<10240x32xf32, #tpu.memory_space<hbm>> -> memref<640x32xf32, #tpu.memory_space<hbm>>
      tpu.enqueue_dma source(%dma_start3A_1890 : memref<640x32xf32, #tpu.memory_space<hbm>>) target(%arg19 : memref<640x32xf32, #tpu.memory_space<vmem>>) target_semaphore(%run_scoped3A_1886 : memref<!tpu.dma_semaphore, #tpu.memory_space<semaphore_mem>>)
      %dma_wait3A_1891 = arith.constant 0 : i32
      %dma_wait3A_1892 = tpu.memref_slice %arg2[%mul3A_2, %dma_wait3A_1891] : memref<10240x32xf32, #tpu.memory_space<hbm>> -> memref<640x32xf32, #tpu.memory_space<hbm>>
      %dma_wait3A_1893 = arith.constant 0 : i32
      %dma_wait3A_1894 = tpu.memref_slice %arg2[%mul3A_2, %dma_wait3A_1893] : memref<10240x32xf32, #tpu.memory_space<hbm>> -> memref<640x32xf32, #tpu.memory_space<hbm>>
      tpu.wait_dma2 semaphore(%run_scoped3A_1886 : memref<!tpu.dma_semaphore, #tpu.memory_space<semaphore_mem>>) src(%dma_wait3A_1894 : memref<640x32xf32, #tpu.memory_space<hbm>>) dst(%arg19 : memref<640x32xf32, #tpu.memory_space<vmem>>)
      tpu.yield
    }) : () -> ()
    %scan3A_1809 = arith.constant 0 : i32
    %scan3A_1810 = arith.constant 0 : i32
    %scan3A_1811 = arith.constant 40 : i32
    %scan3A_1812 = arith.addi %scan3A_1810, %scan3A_1811 : i32
    %scan3A_1813 = arith.constant 1 : i32
    scf.for %scan3A_1886 = %scan3A_1810 to %scan3A_1812 step %scan3A_1813  : i32 {
      %mul3A_1887 = arith.constant 16 : i32
      %mul3A_1888 = arith.muli %scan3A_1886, %mul3A_1887 : i32
      %get3A_1889 = arith.index_cast %mul3A_1888 : i32 to index
      %get3A_1890 = tpu.vector_load %arg22[%get3A_1889] {strides = array<i32>} : memref<640xf32, #tpu.memory_space<vmem>>, vector<16xf32>,
      %mul3A_1891 = arith.constant 16 : i32
      %mul3A_1892 = arith.muli %scan3A_1886, %mul3A_1891 : i32
      %add3A_1893 = arith.constant 0 : i32
      %add3A_1894 = arith.addi %mul3A_1892, %add3A_1893 : i32
      %slice3A = vector.extract_strided_slice %get3A_1890 {offsets = [0], sizes = [1], strides = [1]} : vector<16xf32> to vector<1xf32>
      %squeeze3A = vector.extract %slice3A[0] : f32 from vector<1xf32>
      %get3A_1895 = arith.index_cast %add3A_1894 : i32 to index
      %get3A_1896 = arith.constant 0 : index
      %get3A_1897 = tpu.vector_load %arg19[%get3A_1895, %get3A_1896] {strides = array<i32>} : memref<640x32xf32, #tpu.memory_space<vmem>>, vector<16xf32>,
      %mul3A_1898 = vector.broadcast %squeeze3A : f32 to vector<16xf32>
      %mul3A_1899 = arith.mulf %get3A_1897, %mul3A_1898 : vector<16xf32>
      %swap3A_1900 = arith.index_cast %add3A_1894 : i32 to index
      %swap3A_1901 = arith.constant 0 : index
      %swap3A_1902 = tpu.vector_load %arg19[%swap3A_1900, %swap3A_1901] {strides = array<i32>} : memref<640x32xf32, #tpu.memory_space<vmem>>, vector<16xf32>,
      tpu.vector_store %arg19[%swap3A_1900, %swap3A_1901], %mul3A_1899 {strides = array<i32>} : memref<640x32xf32, #tpu.memory_space<vmem>>, vector<16xf32>,
      %get3A_1903 = arith.index_cast %add3A_1894 : i32 to index
      %get3A_1904 = arith.constant 16 : index
      %get3A_1905 = tpu.vector_load %arg19[%get3A_1903, %get3A_1904] {strides = array<i32>} : memref<640x32xf32, #tpu.memory_space<vmem>>, vector<16xf32>,
      %mul3A_1906 = vector.broadcast %squeeze3A : f32 to vector<16xf32>
      %mul3A_1907 = arith.mulf %get3A_1905, %mul3A_1906 : vector<16xf32>
      %swap3A_1908 = arith.index_cast %add3A_1894 : i32 to index
      %swap3A_1909 = arith.constant 16 : index
      %swap3A_1910 = tpu.vector_load %arg19[%swap3A_1908, %swap3A_1909] {strides = array<i32>} : memref<640x32xf32, #tpu.memory_space<vmem>>, vector<16xf32>,
      tpu.vector_store %arg19[%swap3A_1908, %swap3A_1909], %mul3A_1907 {strides = array<i32>} : memref<640x32xf32, #tpu.memory_space<vmem>>, vector<16xf32>,
      %broadcast_in_dim3A_1911 = vector.broadcast %squeeze3A : f32 to vector<16xf32>
      %swap3A_1912 = arith.index_cast %add3A_1894 : i32 to index
      %swap3A_1913 = arith.constant 0 : index
      %swap3A_1914 = tpu.vector_load %arg23[%swap3A_1912, %swap3A_1913] {strides = array<i32>} : memref<640x32xf32, #tpu.memory_space<vmem>>, vector<16xf32>,
      tpu.vector_store %arg23[%swap3A_1912, %swap3A_1913], %broadcast_in_dim3A_1911 {strides = array<i32>} : memref<640x32xf32, #tpu.memory_space<vmem>>, vector<16xf32>,
      %swap3A_1915 = arith.index_cast %add3A_1894 : i32 to index
      %swap3A_1916 = arith.constant 16 : index
      %swap3A_1917 = tpu.vector_load %arg23[%swap3A_1915, %swap3A_1916] {strides = array<i32>} : memref<640x32xf32, #tpu.memory_space<vmem>>, vector<16xf32>,
      tpu.vector_store %arg23[%swap3A_1915, %swap3A_1916], %broadcast_in_dim3A_1911 {strides = array<i32>} : memref<640x32xf32, #tpu.memory_space<vmem>>, vector<16xf32>,
      %mul3A_1918 = arith.constant 16 : i32
      %mul3A_1919 = arith.muli %scan3A_1886, %mul3A_1918 : i32
      %add3A_1920 = arith.constant 1 : i32
      %add3A_1921 = arith.addi %mul3A_1919, %add3A_1920 : i32
      %slice3A_1922 = vector.extract_strided_slice %get3A_1890 {offsets = [1], sizes = [1], strides = [1]} : vector<16xf32> to vector<1xf32>
      %squeeze3A_1923 = vector.extract %slice3A_1922[0] : f32 from vector<1xf32>
      %get3A_1924 = arith.index_cast %add3A_1921 : i32 to index
      %get3A_1925 = arith.constant 0 : index
      %get3A_1926 = tpu.vector_load %arg19[%get3A_1924, %get3A_1925] {strides = array<i32>} : memref<640x32xf32, #tpu.memory_space<vmem>>, vector<16xf32>,
      %mul3A_1927 = vector.broadcast %squeeze3A_1923 : f32 to vector<16xf32>
      %mul3A_1928 = arith.mulf %get3A_1926, %mul3A_1927 : vector<16xf32>
      %swap3A_1929 = arith.index_cast %add3A_1921 : i32 to index
      %swap3A_1930 = arith.constant 0 : index
      %swap3A_1931 = tpu.vector_load %arg19[%swap3A_1929, %swap3A_1930] {strides = array<i32>} : memref<640x32xf32, #tpu.memory_space<vmem>>, vector<16xf32>,
      tpu.vector_store %arg19[%swap3A_1929, %swap3A_1930], %mul3A_1928 {strides = array<i32>} : memref<640x32xf32, #tpu.memory_space<vmem>>, vector<16xf32>,
      %get3A_1932 = arith.index_cast %add3A_1921 : i32 to index
      %get3A_1933 = arith.constant 16 : index
      %get3A_1934 = tpu.vector_load %arg19[%get3A_1932, %get3A_1933] {strides = array<i32>} : memref<640x32xf32, #tpu.memory_space<vmem>>, vector<16xf32>,
      %mul3A_1935 = vector.broadcast %squeeze3A_1923 : f32 to vector<16xf32>
      %mul3A_1936 = arith.mulf %get3A_1934, %mul3A_1935 : vector<16xf32>
      %swap3A_1937 = arith.index_cast %add3A_1921 : i32 to index
      %swap3A_1938 = arith.constant 16 : index
      %swap3A_1939 = tpu.vector_load %arg19[%swap3A_1937, %swap3A_1938] {strides = array<i32>} : memref<640x32xf32, #tpu.memory_space<vmem>>, vector<16xf32>,
      tpu.vector_store %arg19[%swap3A_1937, %swap3A_1938], %mul3A_1936 {strides = array<i32>} : memref<640x32xf32, #tpu.memory_space<vmem>>, vector<16xf32>,
      %broadcast_in_dim3A_1940 = vector.broadcast %squeeze3A_1923 : f32 to vector<16xf32>
      %swap3A_1941 = arith.index_cast %add3A_1921 : i32 to index
      %swap3A_1942 = arith.constant 0 : index
      %swap3A_1943 = tpu.vector_load %arg23[%swap3A_1941, %swap3A_1942] {strides = array<i32>} : memref<640x32xf32, #tpu.memory_space<vmem>>, vector<16xf32>,
      tpu.vector_store %arg23[%swap3A_1941, %swap3A_1942], %broadcast_in_dim3A_1940 {strides = array<i32>} : memref<640x32xf32, #tpu.memory_space<vmem>>, vector<16xf32>,
      %swap3A_1944 = arith.index_cast %add3A_1921 : i32 to index
      %swap3A_1945 = arith.constant 16 : index
      %swap3A_1946 = tpu.vector_load %arg23[%swap3A_1944, %swap3A_1945] {strides = array<i32>} : memref<640x32xf32, #tpu.memory_space<vmem>>, vector<16xf32>,
      tpu.vector_store %arg23[%swap3A_1944, %swap3A_1945], %broadcast_in_dim3A_1940 {strides = array<i32>} : memref<640x32xf32, #tpu.memory_space<vmem>>, vector<16xf32>,
      %mul3A_1947 = arith.constant 16 : i32
      %mul3A_1948 = arith.muli %scan3A_1886, %mul3A_1947 : i32
      %add3A_1949 = arith.constant 2 : i32
      %add3A_1950 = arith.addi %mul3A_1948, %add3A_1949 : i32
      %slice3A_1951 = vector.extract_strided_slice %get3A_1890 {offsets = [2], sizes = [1], strides = [1]} : vector<16xf32> to vector<1xf32>
      %squeeze3A_1952 = vector.extract %slice3A_1951[0] : f32 from vector<1xf32>
      %get3A_1953 = arith.index_cast %add3A_1950 : i32 to index
      %get3A_1954 = arith.constant 0 : index
      %get3A_1955 = tpu.vector_load %arg19[%get3A_1953, %get3A_1954] {strides = array<i32>} : memref<640x32xf32, #tpu.memory_space<vmem>>, vector<16xf32>,
      %mul3A_1956 = vector.broadcast %squeeze3A_1952 : f32 to vector<16xf32>
      %mul3A_1957 = arith.mulf %get3A_1955, %mul3A_1956 : vector<16xf32>
      %swap3A_1958 = arith.index_cast %add3A_1950 : i32 to index
      %swap3A_1959 = arith.constant 0 : index
      %swap3A_1960 = tpu.vector_load %arg19[%swap3A_1958, %swap3A_1959] {strides = array<i32>} : memref<640x32xf32, #tpu.memory_space<vmem>>, vector<16xf32>,
      tpu.vector_store %arg19[%swap3A_1958, %swap3A_1959], %mul3A_1957 {strides = array<i32>} : memref<640x32xf32, #tpu.memory_space<vmem>>, vector<16xf32>,
      %get3A_1961 = arith.index_cast %add3A_1950 : i32 to index
      %get3A_1962 = arith.constant 16 : index
      %get3A_1963 = tpu.vector_load %arg19[%get3A_1961, %get3A_1962] {strides = array<i32>} : memref<640x32xf32, #tpu.memory_space<vmem>>, vector<16xf32>,
      %mul3A_1964 = vector.broadcast %squeeze3A_1952 : f32 to vector<16xf32>
      %mul3A_1965 = arith.mulf %get3A_1963, %mul3A_1964 : vector<16xf32>
      %swap3A_1966 = arith.index_cast %add3A_1950 : i32 to index
      %swap3A_1967 = arith.constant 16 : index
      %swap3A_1968 = tpu.vector_load %arg19[%swap3A_1966, %swap3A_1967] {strides = array<i32>} : memref<640x32xf32, #tpu.memory_space<vmem>>, vector<16xf32>,
      tpu.vector_store %arg19[%swap3A_1966, %swap3A_1967], %mul3A_1965 {strides = array<i32>} : memref<640x32xf32, #tpu.memory_space<vmem>>, vector<16xf32>,
      %broadcast_in_dim3A_1969 = vector.broadcast %squeeze3A_1952 : f32 to vector<16xf32>
      %swap3A_1970 = arith.index_cast %add3A_1950 : i32 to index
      %swap3A_1971 = arith.constant 0 : index
      %swap3A_1972 = tpu.vector_load %arg23[%swap3A_1970, %swap3A_1971] {strides = array<i32>} : memref<640x32xf32, #tpu.memory_space<vmem>>, vector<16xf32>,
      tpu.vector_store %arg23[%swap3A_1970, %swap3A_1971], %broadcast_in_dim3A_1969 {strides = array<i32>} : memref<640x32xf32, #tpu.memory_space<vmem>>, vector<16xf32>,
      %swap3A_1973 = arith.index_cast %add3A_1950 : i32 to index
      %swap3A_1974 = arith.constant 16 : index
      %swap3A_1975 = tpu.vector_load %arg23[%swap3A_1973, %swap3A_1974] {strides = array<i32>} : memref<640x32xf32, #tpu.memory_space<vmem>>, vector<16xf32>,
      tpu.vector_store %arg23[%swap3A_1973, %swap3A_1974], %broadcast_in_dim3A_1969 {strides = array<i32>} : memref<640x32xf32, #tpu.memory_space<vmem>>, vector<16xf32>,
      %mul3A_1976 = arith.constant 16 : i32
      %mul3A_1977 = arith.muli %scan3A_1886, %mul3A_1976 : i32
      %add3A_1978 = arith.constant 3 : i32
      %add3A_1979 = arith.addi %mul3A_1977, %add3A_1978 : i32
      %slice3A_1980 = vector.extract_strided_slice %get3A_1890 {offsets = [3], sizes = [1], strides = [1]} : vector<16xf32> to vector<1xf32>
      %squeeze3A_1981 = vector.extract %slice3A_1980[0] : f32 from vector<1xf32>
      %get3A_1982 = arith.index_cast %add3A_1979 : i32 to index
      %get3A_1983 = arith.constant 0 : index
      %get3A_1984 = tpu.vector_load %arg19[%get3A_1982, %get3A_1983] {strides = array<i32>} : memref<640x32xf32, #tpu.memory_space<vmem>>, vector<16xf32>,
      %mul3A_1985 = vector.broadcast %squeeze3A_1981 : f32 to vector<16xf32>
      %mul3A_1986 = arith.mulf %get3A_1984, %mul3A_1985 : vector<16xf32>
      %swap3A_1987 = arith.index_cast %add3A_1979 : i32 to index
      %swap3A_1988 = arith.constant 0 : index
      %swap3A_1989 = tpu.vector_load %arg19[%swap3A_1987, %swap3A_1988] {strides = array<i32>} : memref<640x32xf32, #tpu.memory_space<vmem>>, vector<16xf32>,
      tpu.vector_store %arg19[%swap3A_1987, %swap3A_1988], %mul3A_1986 {strides = array<i32>} : memref<640x32xf32, #tpu.memory_space<vmem>>, vector<16xf32>,
      %get3A_1990 = arith.index_cast %add3A_1979 : i32 to index
      %get3A_1991 = arith.constant 16 : index
      %get3A_1992 = tpu.vector_load %arg19[%get3A_1990, %get3A_1991] {strides = array<i32>} : memref<640x32xf32, #tpu.memory_space<vmem>>, vector<16xf32>,
      %mul3A_1993 = vector.broadcast %squeeze3A_1981 : f32 to vector<16xf32>
      %mul3A_1994 = arith.mulf %get3A_1992, %mul3A_1993 : vector<16xf32>
      %swap3A_1995 = arith.index_cast %add3A_1979 : i32 to index
      %swap3A_1996 = arith.constant 16 : index
      %swap3A_1997 = tpu.vector_load %arg19[%swap3A_1995, %swap3A_1996] {strides = array<i32>} : memref<640x32xf32, #tpu.memory_space<vmem>>, vector<16xf32>,
      tpu.vector_store %arg19[%swap3A_1995, %swap3A_1996], %mul3A_1994 {strides = array<i32>} : memref<640x32xf32, #tpu.memory_space<vmem>>, vector<16xf32>,
      %broadcast_in_dim3A_1998 = vector.broadcast %squeeze3A_1981 : f32 to vector<16xf32>
      %swap3A_1999 = arith.index_cast %add3A_1979 : i32 to index
      %swap3A_2000 = arith.constant 0 : index
      %swap3A_2001 = tpu.vector_load %arg23[%swap3A_1999, %swap3A_2000] {strides = array<i32>} : memref<640x32xf32, #tpu.memory_space<vmem>>, vector<16xf32>,
      tpu.vector_store %arg23[%swap3A_1999, %swap3A_2000], %broadcast_in_dim3A_1998 {strides = array<i32>} : memref<640x32xf32, #tpu.memory_space<vmem>>, vector<16xf32>,
      %swap3A_2002 = arith.index_cast %add3A_1979 : i32 to index
      %swap3A_2003 = arith.constant 16 : index
      %swap3A_2004 = tpu.vector_load %arg23[%swap3A_2002, %swap3A_2003] {strides = array<i32>} : memref<640x32xf32, #tpu.memory_space<vmem>>, vector<16xf32>,
      tpu.vector_store %arg23[%swap3A_2002, %swap3A_2003], %broadcast_in_dim3A_1998 {strides = array<i32>} : memref<640x32xf32, #tpu.memory_space<vmem>>, vector<16xf32>,
      %mul3A_2005 = arith.constant 16 : i32
      %mul3A_2006 = arith.muli %scan3A_1886, %mul3A_2005 : i32
      %add3A_2007 = arith.constant 4 : i32
      %add3A_2008 = arith.addi %mul3A_2006, %add3A_2007 : i32
      %slice3A_2009 = vector.extract_strided_slice %get3A_1890 {offsets = [4], sizes = [1], strides = [1]} : vector<16xf32> to vector<1xf32>
      %squeeze3A_2010 = vector.extract %slice3A_2009[0] : f32 from vector<1xf32>
      %get3A_2011 = arith.index_cast %add3A_2008 : i32 to index
      %get3A_2012 = arith.constant 0 : index
      %get3A_2013 = tpu.vector_load %arg19[%get3A_2011, %get3A_2012] {strides = array<i32>} : memref<640x32xf32, #tpu.memory_space<vmem>>, vector<16xf32>,
      %mul3A_2014 = vector.broadcast %squeeze3A_2010 : f32 to vector<16xf32>
      %mul3A_2015 = arith.mulf %get3A_2013, %mul3A_2014 : vector<16xf32>
      %swap3A_2016 = arith.index_cast %add3A_2008 : i32 to index
      %swap3A_2017 = arith.constant 0 : index
      %swap3A_2018 = tpu.vector_load %arg19[%swap3A_2016, %swap3A_2017] {strides = array<i32>} : memref<640x32xf32, #tpu.memory_space<vmem>>, vector<16xf32>,
      tpu.vector_store %arg19[%swap3A_2016, %swap3A_2017], %mul3A_2015 {strides = array<i32>} : memref<640x32xf32, #tpu.memory_space<vmem>>, vector<16xf32>,
      %get3A_2019 = arith.index_cast %add3A_2008 : i32 to index
      %get3A_2020 = arith.constant 16 : index
      %get3A_2021 = tpu.vector_load %arg19[%get3A_2019, %get3A_2020] {strides = array<i32>} : memref<640x32xf32, #tpu.memory_space<vmem>>, vector<16xf32>,
      %mul3A_2022 = vector.broadcast %squeeze3A_2010 : f32 to vector<16xf32>
      %mul3A_2023 = arith.mulf %get3A_2021, %mul3A_2022 : vector<16xf32>
      %swap3A_2024 = arith.index_cast %add3A_2008 : i32 to index
      %swap3A_2025 = arith.constant 16 : index
      %swap3A_2026 = tpu.vector_load %arg19[%swap3A_2024, %swap3A_2025] {strides = array<i32>} : memref<640x32xf32, #tpu.memory_space<vmem>>, vector<16xf32>,
      tpu.vector_store %arg19[%swap3A_2024, %swap3A_2025], %mul3A_2023 {strides = array<i32>} : memref<640x32xf32, #tpu.memory_space<vmem>>, vector<16xf32>,
      %broadcast_in_dim3A_2027 = vector.broadcast %squeeze3A_2010 : f32 to vector<16xf32>
      %swap3A_2028 = arith.index_cast %add3A_2008 : i32 to index
      %swap3A_2029 = arith.constant 0 : index
      %swap3A_2030 = tpu.vector_load %arg23[%swap3A_2028, %swap3A_2029] {strides = array<i32>} : memref<640x32xf32, #tpu.memory_space<vmem>>, vector<16xf32>,
      tpu.vector_store %arg23[%swap3A_2028, %swap3A_2029], %broadcast_in_dim3A_2027 {strides = array<i32>} : memref<640x32xf32, #tpu.memory_space<vmem>>, vector<16xf32>,
      %swap3A_2031 = arith.index_cast %add3A_2008 : i32 to index
      %swap3A_2032 = arith.constant 16 : index
      %swap3A_2033 = tpu.vector_load %arg23[%swap3A_2031, %swap3A_2032] {strides = array<i32>} : memref<640x32xf32, #tpu.memory_space<vmem>>, vector<16xf32>,
      tpu.vector_store %arg23[%swap3A_2031, %swap3A_2032], %broadcast_in_dim3A_2027 {strides = array<i32>} : memref<640x32xf32, #tpu.memory_space<vmem>>, vector<16xf32>,
      %mul3A_2034 = arith.constant 16 : i32
      %mul3A_2035 = arith.muli %scan3A_1886, %mul3A_2034 : i32
      %add3A_2036 = arith.constant 5 : i32
      %add3A_2037 = arith.addi %mul3A_2035, %add3A_2036 : i32
      %slice3A_2038 = vector.extract_strided_slice %get3A_1890 {offsets = [5], sizes = [1], strides = [1]} : vector<16xf32> to vector<1xf32>
      %squeeze3A_2039 = vector.extract %slice3A_2038[0] : f32 from vector<1xf32>
      %get3A_2040 = arith.index_cast %add3A_2037 : i32 to index
      %get3A_2041 = arith.constant 0 : index
      %get3A_2042 = tpu.vector_load %arg19[%get3A_2040, %get3A_2041] {strides = array<i32>} : memref<640x32xf32, #tpu.memory_space<vmem>>, vector<16xf32>,
      %mul3A_2043 = vector.broadcast %squeeze3A_2039 : f32 to vector<16xf32>
      %mul3A_2044 = arith.mulf %get3A_2042, %mul3A_2043 : vector<16xf32>
      %swap3A_2045 = arith.index_cast %add3A_2037 : i32 to index
      %swap3A_2046 = arith.constant 0 : index
      %swap3A_2047 = tpu.vector_load %arg19[%swap3A_2045, %swap3A_2046] {strides = array<i32>} : memref<640x32xf32, #tpu.memory_space<vmem>>, vector<16xf32>,
      tpu.vector_store %arg19[%swap3A_2045, %swap3A_2046], %mul3A_2044 {strides = array<i32>} : memref<640x32xf32, #tpu.memory_space<vmem>>, vector<16xf32>,
      %get3A_2048 = arith.index_cast %add3A_2037 : i32 to index
      %get3A_2049 = arith.constant 16 : index
      %get3A_2050 = tpu.vector_load %arg19[%get3A_2048, %get3A_2049] {strides = array<i32>} : memref<640x32xf32, #tpu.memory_space<vmem>>, vector<16xf32>,
      %mul3A_2051 = vector.broadcast %squeeze3A_2039 : f32 to vector<16xf32>
      %mul3A_2052 = arith.mulf %get3A_2050, %mul3A_2051 : vector<16xf32>
      %swap3A_2053 = arith.index_cast %add3A_2037 : i32 to index
      %swap3A_2054 = arith.constant 16 : index
      %swap3A_2055 = tpu.vector_load %arg19[%swap3A_2053, %swap3A_2054] {strides = array<i32>} : memref<640x32xf32, #tpu.memory_space<vmem>>, vector<16xf32>,
      tpu.vector_store %arg19[%swap3A_2053, %swap3A_2054], %mul3A_2052 {strides = array<i32>} : memref<640x32xf32, #tpu.memory_space<vmem>>, vector<16xf32>,
      %broadcast_in_dim3A_2056 = vector.broadcast %squeeze3A_2039 : f32 to vector<16xf32>
      %swap3A_2057 = arith.index_cast %add3A_2037 : i32 to index
      %swap3A_2058 = arith.constant 0 : index
      %swap3A_2059 = tpu.vector_load %arg23[%swap3A_2057, %swap3A_2058] {strides = array<i32>} : memref<640x32xf32, #tpu.memory_space<vmem>>, vector<16xf32>,
      tpu.vector_store %arg23[%swap3A_2057, %swap3A_2058], %broadcast_in_dim3A_2056 {strides = array<i32>} : memref<640x32xf32, #tpu.memory_space<vmem>>, vector<16xf32>,
      %swap3A_2060 = arith.index_cast %add3A_2037 : i32 to index
      %swap3A_2061 = arith.constant 16 : index
      %swap3A_2062 = tpu.vector_load %arg23[%swap3A_2060, %swap3A_2061] {strides = array<i32>} : memref<640x32xf32, #tpu.memory_space<vmem>>, vector<16xf32>,
      tpu.vector_store %arg23[%swap3A_2060, %swap3A_2061], %broadcast_in_dim3A_2056 {strides = array<i32>} : memref<640x32xf32, #tpu.memory_space<vmem>>, vector<16xf32>,
      %mul3A_2063 = arith.constant 16 : i32
      %mul3A_2064 = arith.muli %scan3A_1886, %mul3A_2063 : i32
      %add3A_2065 = arith.constant 6 : i32
      %add3A_2066 = arith.addi %mul3A_2064, %add3A_2065 : i32
      %slice3A_2067 = vector.extract_strided_slice %get3A_1890 {offsets = [6], sizes = [1], strides = [1]} : vector<16xf32> to vector<1xf32>
      %squeeze3A_2068 = vector.extract %slice3A_2067[0] : f32 from vector<1xf32>
      %get3A_2069 = arith.index_cast %add3A_2066 : i32 to index
      %get3A_2070 = arith.constant 0 : index
      %get3A_2071 = tpu.vector_load %arg19[%get3A_2069, %get3A_2070] {strides = array<i32>} : memref<640x32xf32, #tpu.memory_space<vmem>>, vector<16xf32>,
      %mul3A_2072 = vector.broadcast %squeeze3A_2068 : f32 to vector<16xf32>
      %mul3A_2073 = arith.mulf %get3A_2071, %mul3A_2072 : vector<16xf32>
      %swap3A_2074 = arith.index_cast %add3A_2066 : i32 to index
      %swap3A_2075 = arith.constant 0 : index
      %swap3A_2076 = tpu.vector_load %arg19[%swap3A_2074, %swap3A_2075] {strides = array<i32>} : memref<640x32xf32, #tpu.memory_space<vmem>>, vector<16xf32>,
      tpu.vector_store %arg19[%swap3A_2074, %swap3A_2075], %mul3A_2073 {strides = array<i32>} : memref<640x32xf32, #tpu.memory_space<vmem>>, vector<16xf32>,
      %get3A_2077 = arith.index_cast %add3A_2066 : i32 to index
      %get3A_2078 = arith.constant 16 : index
      %get3A_2079 = tpu.vector_load %arg19[%get3A_2077, %get3A_2078] {strides = array<i32>} : memref<640x32xf32, #tpu.memory_space<vmem>>, vector<16xf32>,
      %mul3A_2080 = vector.broadcast %squeeze3A_2068 : f32 to vector<16xf32>
      %mul3A_2081 = arith.mulf %get3A_2079, %mul3A_2080 : vector<16xf32>
      %swap3A_2082 = arith.index_cast %add3A_2066 : i32 to index
      %swap3A_2083 = arith.constant 16 : index
      %swap3A_2084 = tpu.vector_load %arg19[%swap3A_2082, %swap3A_2083] {strides = array<i32>} : memref<640x32xf32, #tpu.memory_space<vmem>>, vector<16xf32>,
      tpu.vector_store %arg19[%swap3A_2082, %swap3A_2083], %mul3A_2081 {strides = array<i32>} : memref<640x32xf32, #tpu.memory_space<vmem>>, vector<16xf32>,
      %broadcast_in_dim3A_2085 = vector.broadcast %squeeze3A_2068 : f32 to vector<16xf32>
      %swap3A_2086 = arith.index_cast %add3A_2066 : i32 to index
      %swap3A_2087 = arith.constant 0 : index
      %swap3A_2088 = tpu.vector_load %arg23[%swap3A_2086, %swap3A_2087] {strides = array<i32>} : memref<640x32xf32, #tpu.memory_space<vmem>>, vector<16xf32>,
      tpu.vector_store %arg23[%swap3A_2086, %swap3A_2087], %broadcast_in_dim3A_2085 {strides = array<i32>} : memref<640x32xf32, #tpu.memory_space<vmem>>, vector<16xf32>,
      %swap3A_2089 = arith.index_cast %add3A_2066 : i32 to index
      %swap3A_2090 = arith.constant 16 : index
      %swap3A_2091 = tpu.vector_load %arg23[%swap3A_2089, %swap3A_2090] {strides = array<i32>} : memref<640x32xf32, #tpu.memory_space<vmem>>, vector<16xf32>,
      tpu.vector_store %arg23[%swap3A_2089, %swap3A_2090], %broadcast_in_dim3A_2085 {strides = array<i32>} : memref<640x32xf32, #tpu.memory_space<vmem>>, vector<16xf32>,
      %mul3A_2092 = arith.constant 16 : i32
      %mul3A_2093 = arith.muli %scan3A_1886, %mul3A_2092 : i32
      %add3A_2094 = arith.constant 7 : i32
      %add3A_2095 = arith.addi %mul3A_2093, %add3A_2094 : i32
      %slice3A_2096 = vector.extract_strided_slice %get3A_1890 {offsets = [7], sizes = [1], strides = [1]} : vector<16xf32> to vector<1xf32>
      %squeeze3A_2097 = vector.extract %slice3A_2096[0] : f32 from vector<1xf32>
      %get3A_2098 = arith.index_cast %add3A_2095 : i32 to index
      %get3A_2099 = arith.constant 0 : index
      %get3A_2100 = tpu.vector_load %arg19[%get3A_2098, %get3A_2099] {strides = array<i32>} : memref<640x32xf32, #tpu.memory_space<vmem>>, vector<16xf32>,
      %mul3A_2101 = vector.broadcast %squeeze3A_2097 : f32 to vector<16xf32>
      %mul3A_2102 = arith.mulf %get3A_2100, %mul3A_2101 : vector<16xf32>
      %swap3A_2103 = arith.index_cast %add3A_2095 : i32 to index
      %swap3A_2104 = arith.constant 0 : index
      %swap3A_2105 = tpu.vector_load %arg19[%swap3A_2103, %swap3A_2104] {strides = array<i32>} : memref<640x32xf32, #tpu.memory_space<vmem>>, vector<16xf32>,
      tpu.vector_store %arg19[%swap3A_2103, %swap3A_2104], %mul3A_2102 {strides = array<i32>} : memref<640x32xf32, #tpu.memory_space<vmem>>, vector<16xf32>,
      %get3A_2106 = arith.index_cast %add3A_2095 : i32 to index
      %get3A_2107 = arith.constant 16 : index
      %get3A_2108 = tpu.vector_load %arg19[%get3A_2106, %get3A_2107] {strides = array<i32>} : memref<640x32xf32, #tpu.memory_space<vmem>>, vector<16xf32>,
      %mul3A_2109 = vector.broadcast %squeeze3A_2097 : f32 to vector<16xf32>
      %mul3A_2110 = arith.mulf %get3A_2108, %mul3A_2109 : vector<16xf32>
      %swap3A_2111 = arith.index_cast %add3A_2095 : i32 to index
      %swap3A_2112 = arith.constant 16 : index
      %swap3A_2113 = tpu.vector_load %arg19[%swap3A_2111, %swap3A_2112] {strides = array<i32>} : memref<640x32xf32, #tpu.memory_space<vmem>>, vector<16xf32>,
      tpu.vector_store %arg19[%swap3A_2111, %swap3A_2112], %mul3A_2110 {strides = array<i32>} : memref<640x32xf32, #tpu.memory_space<vmem>>, vector<16xf32>,
      %broadcast_in_dim3A_2114 = vector.broadcast %squeeze3A_2097 : f32 to vector<16xf32>
      %swap3A_2115 = arith.index_cast %add3A_2095 : i32 to index
      %swap3A_2116 = arith.constant 0 : index
      %swap3A_2117 = tpu.vector_load %arg23[%swap3A_2115, %swap3A_2116] {strides = array<i32>} : memref<640x32xf32, #tpu.memory_space<vmem>>, vector<16xf32>,
      tpu.vector_store %arg23[%swap3A_2115, %swap3A_2116], %broadcast_in_dim3A_2114 {strides = array<i32>} : memref<640x32xf32, #tpu.memory_space<vmem>>, vector<16xf32>,
      %swap3A_2118 = arith.index_cast %add3A_2095 : i32 to index
      %swap3A_2119 = arith.constant 16 : index
      %swap3A_2120 = tpu.vector_load %arg23[%swap3A_2118, %swap3A_2119] {strides = array<i32>} : memref<640x32xf32, #tpu.memory_space<vmem>>, vector<16xf32>,
      tpu.vector_store %arg23[%swap3A_2118, %swap3A_2119], %broadcast_in_dim3A_2114 {strides = array<i32>} : memref<640x32xf32, #tpu.memory_space<vmem>>, vector<16xf32>,
      %mul3A_2121 = arith.constant 16 : i32
      %mul3A_2122 = arith.muli %scan3A_1886, %mul3A_2121 : i32
      %add3A_2123 = arith.constant 8 : i32
      %add3A_2124 = arith.addi %mul3A_2122, %add3A_2123 : i32
      %slice3A_2125 = vector.extract_strided_slice %get3A_1890 {offsets = [8], sizes = [1], strides = [1]} : vector<16xf32> to vector<1xf32>
      %squeeze3A_2126 = vector.extract %slice3A_2125[0] : f32 from vector<1xf32>
      %get3A_2127 = arith.index_cast %add3A_2124 : i32 to index
      %get3A_2128 = arith.constant 0 : index
      %get3A_2129 = tpu.vector_load %arg19[%get3A_2127, %get3A_2128] {strides = array<i32>} : memref<640x32xf32, #tpu.memory_space<vmem>>, vector<16xf32>,
      %mul3A_2130 = vector.broadcast %squeeze3A_2126 : f32 to vector<16xf32>
      %mul3A_2131 = arith.mulf %get3A_2129, %mul3A_2130 : vector<16xf32>
      %swap3A_2132 = arith.index_cast %add3A_2124 : i32 to index
      %swap3A_2133 = arith.constant 0 : index
      %swap3A_2134 = tpu.vector_load %arg19[%swap3A_2132, %swap3A_2133] {strides = array<i32>} : memref<640x32xf32, #tpu.memory_space<vmem>>, vector<16xf32>,
      tpu.vector_store %arg19[%swap3A_2132, %swap3A_2133], %mul3A_2131 {strides = array<i32>} : memref<640x32xf32, #tpu.memory_space<vmem>>, vector<16xf32>,
      %get3A_2135 = arith.index_cast %add3A_2124 : i32 to index
      %get3A_2136 = arith.constant 16 : index
      %get3A_2137 = tpu.vector_load %arg19[%get3A_2135, %get3A_2136] {strides = array<i32>} : memref<640x32xf32, #tpu.memory_space<vmem>>, vector<16xf32>,
      %mul3A_2138 = vector.broadcast %squeeze3A_2126 : f32 to vector<16xf32>
      %mul3A_2139 = arith.mulf %get3A_2137, %mul3A_2138 : vector<16xf32>
      %swap3A_2140 = arith.index_cast %add3A_2124 : i32 to index
      %swap3A_2141 = arith.constant 16 : index
      %swap3A_2142 = tpu.vector_load %arg19[%swap3A_2140, %swap3A_2141] {strides = array<i32>} : memref<640x32xf32, #tpu.memory_space<vmem>>, vector<16xf32>,
      tpu.vector_store %arg19[%swap3A_2140, %swap3A_2141], %mul3A_2139 {strides = array<i32>} : memref<640x32xf32, #tpu.memory_space<vmem>>, vector<16xf32>,
      %broadcast_in_dim3A_2143 = vector.broadcast %squeeze3A_2126 : f32 to vector<16xf32>
      %swap3A_2144 = arith.index_cast %add3A_2124 : i32 to index
      %swap3A_2145 = arith.constant 0 : index
      %swap3A_2146 = tpu.vector_load %arg23[%swap3A_2144, %swap3A_2145] {strides = array<i32>} : memref<640x32xf32, #tpu.memory_space<vmem>>, vector<16xf32>,
      tpu.vector_store %arg23[%swap3A_2144, %swap3A_2145], %broadcast_in_dim3A_2143 {strides = array<i32>} : memref<640x32xf32, #tpu.memory_space<vmem>>, vector<16xf32>,
      %swap3A_2147 = arith.index_cast %add3A_2124 : i32 to index
      %swap3A_2148 = arith.constant 16 : index
      %swap3A_2149 = tpu.vector_load %arg23[%swap3A_2147, %swap3A_2148] {strides = array<i32>} : memref<640x32xf32, #tpu.memory_space<vmem>>, vector<16xf32>,
      tpu.vector_store %arg23[%swap3A_2147, %swap3A_2148], %broadcast_in_dim3A_2143 {strides = array<i32>} : memref<640x32xf32, #tpu.memory_space<vmem>>, vector<16xf32>,
      %mul3A_2150 = arith.constant 16 : i32
      %mul3A_2151 = arith.muli %scan3A_1886, %mul3A_2150 : i32
      %add3A_2152 = arith.constant 9 : i32
      %add3A_2153 = arith.addi %mul3A_2151, %add3A_2152 : i32
      %slice3A_2154 = vector.extract_strided_slice %get3A_1890 {offsets = [9], sizes = [1], strides = [1]} : vector<16xf32> to vector<1xf32>
      %squeeze3A_2155 = vector.extract %slice3A_2154[0] : f32 from vector<1xf32>
      %get3A_2156 = arith.index_cast %add3A_2153 : i32 to index
      %get3A_2157 = arith.constant 0 : index
      %get3A_2158 = tpu.vector_load %arg19[%get3A_2156, %get3A_2157] {strides = array<i32>} : memref<640x32xf32, #tpu.memory_space<vmem>>, vector<16xf32>,
      %mul3A_2159 = vector.broadcast %squeeze3A_2155 : f32 to vector<16xf32>
      %mul3A_2160 = arith.mulf %get3A_2158, %mul3A_2159 : vector<16xf32>
      %swap3A_2161 = arith.index_cast %add3A_2153 : i32 to index
      %swap3A_2162 = arith.constant 0 : index
      %swap3A_2163 = tpu.vector_load %arg19[%swap3A_2161, %swap3A_2162] {strides = array<i32>} : memref<640x32xf32, #tpu.memory_space<vmem>>, vector<16xf32>,
      tpu.vector_store %arg19[%swap3A_2161, %swap3A_2162], %mul3A_2160 {strides = array<i32>} : memref<640x32xf32, #tpu.memory_space<vmem>>, vector<16xf32>,
      %get3A_2164 = arith.index_cast %add3A_2153 : i32 to index
      %get3A_2165 = arith.constant 16 : index
      %get3A_2166 = tpu.vector_load %arg19[%get3A_2164, %get3A_2165] {strides = array<i32>} : memref<640x32xf32, #tpu.memory_space<vmem>>, vector<16xf32>,
      %mul3A_2167 = vector.broadcast %squeeze3A_2155 : f32 to vector<16xf32>
      %mul3A_2168 = arith.mulf %get3A_2166, %mul3A_2167 : vector<16xf32>
      %swap3A_2169 = arith.index_cast %add3A_2153 : i32 to index
      %swap3A_2170 = arith.constant 16 : index
      %swap3A_2171 = tpu.vector_load %arg19[%swap3A_2169, %swap3A_2170] {strides = array<i32>} : memref<640x32xf32, #tpu.memory_space<vmem>>, vector<16xf32>,
      tpu.vector_store %arg19[%swap3A_2169, %swap3A_2170], %mul3A_2168 {strides = array<i32>} : memref<640x32xf32, #tpu.memory_space<vmem>>, vector<16xf32>,
      %broadcast_in_dim3A_2172 = vector.broadcast %squeeze3A_2155 : f32 to vector<16xf32>
      %swap3A_2173 = arith.index_cast %add3A_2153 : i32 to index
      %swap3A_2174 = arith.constant 0 : index
      %swap3A_2175 = tpu.vector_load %arg23[%swap3A_2173, %swap3A_2174] {strides = array<i32>} : memref<640x32xf32, #tpu.memory_space<vmem>>, vector<16xf32>,
      tpu.vector_store %arg23[%swap3A_2173, %swap3A_2174], %broadcast_in_dim3A_2172 {strides = array<i32>} : memref<640x32xf32, #tpu.memory_space<vmem>>, vector<16xf32>,
      %swap3A_2176 = arith.index_cast %add3A_2153 : i32 to index
      %swap3A_2177 = arith.constant 16 : index
      %swap3A_2178 = tpu.vector_load %arg23[%swap3A_2176, %swap3A_2177] {strides = array<i32>} : memref<640x32xf32, #tpu.memory_space<vmem>>, vector<16xf32>,
      tpu.vector_store %arg23[%swap3A_2176, %swap3A_2177], %broadcast_in_dim3A_2172 {strides = array<i32>} : memref<640x32xf32, #tpu.memory_space<vmem>>, vector<16xf32>,
      %mul3A_2179 = arith.constant 16 : i32
      %mul3A_2180 = arith.muli %scan3A_1886, %mul3A_2179 : i32
      %add3A_2181 = arith.constant 10 : i32
      %add3A_2182 = arith.addi %mul3A_2180, %add3A_2181 : i32
      %slice3A_2183 = vector.extract_strided_slice %get3A_1890 {offsets = [10], sizes = [1], strides = [1]} : vector<16xf32> to vector<1xf32>
      %squeeze3A_2184 = vector.extract %slice3A_2183[0] : f32 from vector<1xf32>
      %get3A_2185 = arith.index_cast %add3A_2182 : i32 to index
      %get3A_2186 = arith.constant 0 : index
      %get3A_2187 = tpu.vector_load %arg19[%get3A_2185, %get3A_2186] {strides = array<i32>} : memref<640x32xf32, #tpu.memory_space<vmem>>, vector<16xf32>,
      %mul3A_2188 = vector.broadcast %squeeze3A_2184 : f32 to vector<16xf32>
      %mul3A_2189 = arith.mulf %get3A_2187, %mul3A_2188 : vector<16xf32>
      %swap3A_2190 = arith.index_cast %add3A_2182 : i32 to index
      %swap3A_2191 = arith.constant 0 : index
      %swap3A_2192 = tpu.vector_load %arg19[%swap3A_2190, %swap3A_2191] {strides = array<i32>} : memref<640x32xf32, #tpu.memory_space<vmem>>, vector<16xf32>,
      tpu.vector_store %arg19[%swap3A_2190, %swap3A_2191], %mul3A_2189 {strides = array<i32>} : memref<640x32xf32, #tpu.memory_space<vmem>>, vector<16xf32>,
      %get3A_2193 = arith.index_cast %add3A_2182 : i32 to index
      %get3A_2194 = arith.constant 16 : index
      %get3A_2195 = tpu.vector_load %arg19[%get3A_2193, %get3A_2194] {strides = array<i32>} : memref<640x32xf32, #tpu.memory_space<vmem>>, vector<16xf32>,
      %mul3A_2196 = vector.broadcast %squeeze3A_2184 : f32 to vector<16xf32>
      %mul3A_2197 = arith.mulf %get3A_2195, %mul3A_2196 : vector<16xf32>
      %swap3A_2198 = arith.index_cast %add3A_2182 : i32 to index
      %swap3A_2199 = arith.constant 16 : index
      %swap3A_2200 = tpu.vector_load %arg19[%swap3A_2198, %swap3A_2199] {strides = array<i32>} : memref<640x32xf32, #tpu.memory_space<vmem>>, vector<16xf32>,
      tpu.vector_store %arg19[%swap3A_2198, %swap3A_2199], %mul3A_2197 {strides = array<i32>} : memref<640x32xf32, #tpu.memory_space<vmem>>, vector<16xf32>,
      %broadcast_in_dim3A_2201 = vector.broadcast %squeeze3A_2184 : f32 to vector<16xf32>
      %swap3A_2202 = arith.index_cast %add3A_2182 : i32 to index
      %swap3A_2203 = arith.constant 0 : index
      %swap3A_2204 = tpu.vector_load %arg23[%swap3A_2202, %swap3A_2203] {strides = array<i32>} : memref<640x32xf32, #tpu.memory_space<vmem>>, vector<16xf32>,
      tpu.vector_store %arg23[%swap3A_2202, %swap3A_2203], %broadcast_in_dim3A_2201 {strides = array<i32>} : memref<640x32xf32, #tpu.memory_space<vmem>>, vector<16xf32>,
      %swap3A_2205 = arith.index_cast %add3A_2182 : i32 to index
      %swap3A_2206 = arith.constant 16 : index
      %swap3A_2207 = tpu.vector_load %arg23[%swap3A_2205, %swap3A_2206] {strides = array<i32>} : memref<640x32xf32, #tpu.memory_space<vmem>>, vector<16xf32>,
      tpu.vector_store %arg23[%swap3A_2205, %swap3A_2206], %broadcast_in_dim3A_2201 {strides = array<i32>} : memref<640x32xf32, #tpu.memory_space<vmem>>, vector<16xf32>,
      %mul3A_2208 = arith.constant 16 : i32
      %mul3A_2209 = arith.muli %scan3A_1886, %mul3A_2208 : i32
      %add3A_2210 = arith.constant 11 : i32
      %add3A_2211 = arith.addi %mul3A_2209, %add3A_2210 : i32
      %slice3A_2212 = vector.extract_strided_slice %get3A_1890 {offsets = [11], sizes = [1], strides = [1]} : vector<16xf32> to vector<1xf32>
      %squeeze3A_2213 = vector.extract %slice3A_2212[0] : f32 from vector<1xf32>
      %get3A_2214 = arith.index_cast %add3A_2211 : i32 to index
      %get3A_2215 = arith.constant 0 : index
      %get3A_2216 = tpu.vector_load %arg19[%get3A_2214, %get3A_2215] {strides = array<i32>} : memref<640x32xf32, #tpu.memory_space<vmem>>, vector<16xf32>,
      %mul3A_2217 = vector.broadcast %squeeze3A_2213 : f32 to vector<16xf32>
      %mul3A_2218 = arith.mulf %get3A_2216, %mul3A_2217 : vector<16xf32>
      %swap3A_2219 = arith.index_cast %add3A_2211 : i32 to index
      %swap3A_2220 = arith.constant 0 : index
      %swap3A_2221 = tpu.vector_load %arg19[%swap3A_2219, %swap3A_2220] {strides = array<i32>} : memref<640x32xf32, #tpu.memory_space<vmem>>, vector<16xf32>,
      tpu.vector_store %arg19[%swap3A_2219, %swap3A_2220], %mul3A_2218 {strides = array<i32>} : memref<640x32xf32, #tpu.memory_space<vmem>>, vector<16xf32>,
      %get3A_2222 = arith.index_cast %add3A_2211 : i32 to index
      %get3A_2223 = arith.constant 16 : index
      %get3A_2224 = tpu.vector_load %arg19[%get3A_2222, %get3A_2223] {strides = array<i32>} : memref<640x32xf32, #tpu.memory_space<vmem>>, vector<16xf32>,
      %mul3A_2225 = vector.broadcast %squeeze3A_2213 : f32 to vector<16xf32>
      %mul3A_2226 = arith.mulf %get3A_2224, %mul3A_2225 : vector<16xf32>
      %swap3A_2227 = arith.index_cast %add3A_2211 : i32 to index
      %swap3A_2228 = arith.constant 16 : index
      %swap3A_2229 = tpu.vector_load %arg19[%swap3A_2227, %swap3A_2228] {strides = array<i32>} : memref<640x32xf32, #tpu.memory_space<vmem>>, vector<16xf32>,
      tpu.vector_store %arg19[%swap3A_2227, %swap3A_2228], %mul3A_2226 {strides = array<i32>} : memref<640x32xf32, #tpu.memory_space<vmem>>, vector<16xf32>,
      %broadcast_in_dim3A_2230 = vector.broadcast %squeeze3A_2213 : f32 to vector<16xf32>
      %swap3A_2231 = arith.index_cast %add3A_2211 : i32 to index
      %swap3A_2232 = arith.constant 0 : index
      %swap3A_2233 = tpu.vector_load %arg23[%swap3A_2231, %swap3A_2232] {strides = array<i32>} : memref<640x32xf32, #tpu.memory_space<vmem>>, vector<16xf32>,
      tpu.vector_store %arg23[%swap3A_2231, %swap3A_2232], %broadcast_in_dim3A_2230 {strides = array<i32>} : memref<640x32xf32, #tpu.memory_space<vmem>>, vector<16xf32>,
      %swap3A_2234 = arith.index_cast %add3A_2211 : i32 to index
      %swap3A_2235 = arith.constant 16 : index
      %swap3A_2236 = tpu.vector_load %arg23[%swap3A_2234, %swap3A_2235] {strides = array<i32>} : memref<640x32xf32, #tpu.memory_space<vmem>>, vector<16xf32>,
      tpu.vector_store %arg23[%swap3A_2234, %swap3A_2235], %broadcast_in_dim3A_2230 {strides = array<i32>} : memref<640x32xf32, #tpu.memory_space<vmem>>, vector<16xf32>,
      %mul3A_2237 = arith.constant 16 : i32
      %mul3A_2238 = arith.muli %scan3A_1886, %mul3A_2237 : i32
      %add3A_2239 = arith.constant 12 : i32
      %add3A_2240 = arith.addi %mul3A_2238, %add3A_2239 : i32
      %slice3A_2241 = vector.extract_strided_slice %get3A_1890 {offsets = [12], sizes = [1], strides = [1]} : vector<16xf32> to vector<1xf32>
      %squeeze3A_2242 = vector.extract %slice3A_2241[0] : f32 from vector<1xf32>
      %get3A_2243 = arith.index_cast %add3A_2240 : i32 to index
      %get3A_2244 = arith.constant 0 : index
      %get3A_2245 = tpu.vector_load %arg19[%get3A_2243, %get3A_2244] {strides = array<i32>} : memref<640x32xf32, #tpu.memory_space<vmem>>, vector<16xf32>,
      %mul3A_2246 = vector.broadcast %squeeze3A_2242 : f32 to vector<16xf32>
      %mul3A_2247 = arith.mulf %get3A_2245, %mul3A_2246 : vector<16xf32>
      %swap3A_2248 = arith.index_cast %add3A_2240 : i32 to index
      %swap3A_2249 = arith.constant 0 : index
      %swap3A_2250 = tpu.vector_load %arg19[%swap3A_2248, %swap3A_2249] {strides = array<i32>} : memref<640x32xf32, #tpu.memory_space<vmem>>, vector<16xf32>,
      tpu.vector_store %arg19[%swap3A_2248, %swap3A_2249], %mul3A_2247 {strides = array<i32>} : memref<640x32xf32, #tpu.memory_space<vmem>>, vector<16xf32>,
      %get3A_2251 = arith.index_cast %add3A_2240 : i32 to index
      %get3A_2252 = arith.constant 16 : index
      %get3A_2253 = tpu.vector_load %arg19[%get3A_2251, %get3A_2252] {strides = array<i32>} : memref<640x32xf32, #tpu.memory_space<vmem>>, vector<16xf32>,
      %mul3A_2254 = vector.broadcast %squeeze3A_2242 : f32 to vector<16xf32>
      %mul3A_2255 = arith.mulf %get3A_2253, %mul3A_2254 : vector<16xf32>
      %swap3A_2256 = arith.index_cast %add3A_2240 : i32 to index
      %swap3A_2257 = arith.constant 16 : index
      %swap3A_2258 = tpu.vector_load %arg19[%swap3A_2256, %swap3A_2257] {strides = array<i32>} : memref<640x32xf32, #tpu.memory_space<vmem>>, vector<16xf32>,
      tpu.vector_store %arg19[%swap3A_2256, %swap3A_2257], %mul3A_2255 {strides = array<i32>} : memref<640x32xf32, #tpu.memory_space<vmem>>, vector<16xf32>,
      %broadcast_in_dim3A_2259 = vector.broadcast %squeeze3A_2242 : f32 to vector<16xf32>
      %swap3A_2260 = arith.index_cast %add3A_2240 : i32 to index
      %swap3A_2261 = arith.constant 0 : index
      %swap3A_2262 = tpu.vector_load %arg23[%swap3A_2260, %swap3A_2261] {strides = array<i32>} : memref<640x32xf32, #tpu.memory_space<vmem>>, vector<16xf32>,
      tpu.vector_store %arg23[%swap3A_2260, %swap3A_2261], %broadcast_in_dim3A_2259 {strides = array<i32>} : memref<640x32xf32, #tpu.memory_space<vmem>>, vector<16xf32>,
      %swap3A_2263 = arith.index_cast %add3A_2240 : i32 to index
      %swap3A_2264 = arith.constant 16 : index
      %swap3A_2265 = tpu.vector_load %arg23[%swap3A_2263, %swap3A_2264] {strides = array<i32>} : memref<640x32xf32, #tpu.memory_space<vmem>>, vector<16xf32>,
      tpu.vector_store %arg23[%swap3A_2263, %swap3A_2264], %broadcast_in_dim3A_2259 {strides = array<i32>} : memref<640x32xf32, #tpu.memory_space<vmem>>, vector<16xf32>,
      %mul3A_2266 = arith.constant 16 : i32
      %mul3A_2267 = arith.muli %scan3A_1886, %mul3A_2266 : i32
      %add3A_2268 = arith.constant 13 : i32
      %add3A_2269 = arith.addi %mul3A_2267, %add3A_2268 : i32
      %slice3A_2270 = vector.extract_strided_slice %get3A_1890 {offsets = [13], sizes = [1], strides = [1]} : vector<16xf32> to vector<1xf32>
      %squeeze3A_2271 = vector.extract %slice3A_2270[0] : f32 from vector<1xf32>
      %get3A_2272 = arith.index_cast %add3A_2269 : i32 to index
      %get3A_2273 = arith.constant 0 : index
      %get3A_2274 = tpu.vector_load %arg19[%get3A_2272, %get3A_2273] {strides = array<i32>} : memref<640x32xf32, #tpu.memory_space<vmem>>, vector<16xf32>,
      %mul3A_2275 = vector.broadcast %squeeze3A_2271 : f32 to vector<16xf32>
      %mul3A_2276 = arith.mulf %get3A_2274, %mul3A_2275 : vector<16xf32>
      %swap3A_2277 = arith.index_cast %add3A_2269 : i32 to index
      %swap3A_2278 = arith.constant 0 : index
      %swap3A_2279 = tpu.vector_load %arg19[%swap3A_2277, %swap3A_2278] {strides = array<i32>} : memref<640x32xf32, #tpu.memory_space<vmem>>, vector<16xf32>,
      tpu.vector_store %arg19[%swap3A_2277, %swap3A_2278], %mul3A_2276 {strides = array<i32>} : memref<640x32xf32, #tpu.memory_space<vmem>>, vector<16xf32>,
      %get3A_2280 = arith.index_cast %add3A_2269 : i32 to index
      %get3A_2281 = arith.constant 16 : index
      %get3A_2282 = tpu.vector_load %arg19[%get3A_2280, %get3A_2281] {strides = array<i32>} : memref<640x32xf32, #tpu.memory_space<vmem>>, vector<16xf32>,
      %mul3A_2283 = vector.broadcast %squeeze3A_2271 : f32 to vector<16xf32>
      %mul3A_2284 = arith.mulf %get3A_2282, %mul3A_2283 : vector<16xf32>
      %swap3A_2285 = arith.index_cast %add3A_2269 : i32 to index
      %swap3A_2286 = arith.constant 16 : index
      %swap3A_2287 = tpu.vector_load %arg19[%swap3A_2285, %swap3A_2286] {strides = array<i32>} : memref<640x32xf32, #tpu.memory_space<vmem>>, vector<16xf32>,
      tpu.vector_store %arg19[%swap3A_2285, %swap3A_2286], %mul3A_2284 {strides = array<i32>} : memref<640x32xf32, #tpu.memory_space<vmem>>, vector<16xf32>,
      %broadcast_in_dim3A_2288 = vector.broadcast %squeeze3A_2271 : f32 to vector<16xf32>
      %swap3A_2289 = arith.index_cast %add3A_2269 : i32 to index
      %swap3A_2290 = arith.constant 0 : index
      %swap3A_2291 = tpu.vector_load %arg23[%swap3A_2289, %swap3A_2290] {strides = array<i32>} : memref<640x32xf32, #tpu.memory_space<vmem>>, vector<16xf32>,
      tpu.vector_store %arg23[%swap3A_2289, %swap3A_2290], %broadcast_in_dim3A_2288 {strides = array<i32>} : memref<640x32xf32, #tpu.memory_space<vmem>>, vector<16xf32>,
      %swap3A_2292 = arith.index_cast %add3A_2269 : i32 to index
      %swap3A_2293 = arith.constant 16 : index
      %swap3A_2294 = tpu.vector_load %arg23[%swap3A_2292, %swap3A_2293] {strides = array<i32>} : memref<640x32xf32, #tpu.memory_space<vmem>>, vector<16xf32>,
      tpu.vector_store %arg23[%swap3A_2292, %swap3A_2293], %broadcast_in_dim3A_2288 {strides = array<i32>} : memref<640x32xf32, #tpu.memory_space<vmem>>, vector<16xf32>,
      %mul3A_2295 = arith.constant 16 : i32
      %mul3A_2296 = arith.muli %scan3A_1886, %mul3A_2295 : i32
      %add3A_2297 = arith.constant 14 : i32
      %add3A_2298 = arith.addi %mul3A_2296, %add3A_2297 : i32
      %slice3A_2299 = vector.extract_strided_slice %get3A_1890 {offsets = [14], sizes = [1], strides = [1]} : vector<16xf32> to vector<1xf32>
      %squeeze3A_2300 = vector.extract %slice3A_2299[0] : f32 from vector<1xf32>
      %get3A_2301 = arith.index_cast %add3A_2298 : i32 to index
      %get3A_2302 = arith.constant 0 : index
      %get3A_2303 = tpu.vector_load %arg19[%get3A_2301, %get3A_2302] {strides = array<i32>} : memref<640x32xf32, #tpu.memory_space<vmem>>, vector<16xf32>,
      %mul3A_2304 = vector.broadcast %squeeze3A_2300 : f32 to vector<16xf32>
      %mul3A_2305 = arith.mulf %get3A_2303, %mul3A_2304 : vector<16xf32>
      %swap3A_2306 = arith.index_cast %add3A_2298 : i32 to index
      %swap3A_2307 = arith.constant 0 : index
      %swap3A_2308 = tpu.vector_load %arg19[%swap3A_2306, %swap3A_2307] {strides = array<i32>} : memref<640x32xf32, #tpu.memory_space<vmem>>, vector<16xf32>,
      tpu.vector_store %arg19[%swap3A_2306, %swap3A_2307], %mul3A_2305 {strides = array<i32>} : memref<640x32xf32, #tpu.memory_space<vmem>>, vector<16xf32>,
      %get3A_2309 = arith.index_cast %add3A_2298 : i32 to index
      %get3A_2310 = arith.constant 16 : index
      %get3A_2311 = tpu.vector_load %arg19[%get3A_2309, %get3A_2310] {strides = array<i32>} : memref<640x32xf32, #tpu.memory_space<vmem>>, vector<16xf32>,
      %mul3A_2312 = vector.broadcast %squeeze3A_2300 : f32 to vector<16xf32>
      %mul3A_2313 = arith.mulf %get3A_2311, %mul3A_2312 : vector<16xf32>
      %swap3A_2314 = arith.index_cast %add3A_2298 : i32 to index
      %swap3A_2315 = arith.constant 16 : index
      %swap3A_2316 = tpu.vector_load %arg19[%swap3A_2314, %swap3A_2315] {strides = array<i32>} : memref<640x32xf32, #tpu.memory_space<vmem>>, vector<16xf32>,
      tpu.vector_store %arg19[%swap3A_2314, %swap3A_2315], %mul3A_2313 {strides = array<i32>} : memref<640x32xf32, #tpu.memory_space<vmem>>, vector<16xf32>,
      %broadcast_in_dim3A_2317 = vector.broadcast %squeeze3A_2300 : f32 to vector<16xf32>
      %swap3A_2318 = arith.index_cast %add3A_2298 : i32 to index
      %swap3A_2319 = arith.constant 0 : index
      %swap3A_2320 = tpu.vector_load %arg23[%swap3A_2318, %swap3A_2319] {strides = array<i32>} : memref<640x32xf32, #tpu.memory_space<vmem>>, vector<16xf32>,
      tpu.vector_store %arg23[%swap3A_2318, %swap3A_2319], %broadcast_in_dim3A_2317 {strides = array<i32>} : memref<640x32xf32, #tpu.memory_space<vmem>>, vector<16xf32>,
      %swap3A_2321 = arith.index_cast %add3A_2298 : i32 to index
      %swap3A_2322 = arith.constant 16 : index
      %swap3A_2323 = tpu.vector_load %arg23[%swap3A_2321, %swap3A_2322] {strides = array<i32>} : memref<640x32xf32, #tpu.memory_space<vmem>>, vector<16xf32>,
      tpu.vector_store %arg23[%swap3A_2321, %swap3A_2322], %broadcast_in_dim3A_2317 {strides = array<i32>} : memref<640x32xf32, #tpu.memory_space<vmem>>, vector<16xf32>,
      %mul3A_2324 = arith.constant 16 : i32
      %mul3A_2325 = arith.muli %scan3A_1886, %mul3A_2324 : i32
      %add3A_2326 = arith.constant 15 : i32
      %add3A_2327 = arith.addi %mul3A_2325, %add3A_2326 : i32
      %slice3A_2328 = vector.extract_strided_slice %get3A_1890 {offsets = [15], sizes = [1], strides = [1]} : vector<16xf32> to vector<1xf32>
      %squeeze3A_2329 = vector.extract %slice3A_2328[0] : f32 from vector<1xf32>
      %get3A_2330 = arith.index_cast %add3A_2327 : i32 to index
      %get3A_2331 = arith.constant 0 : index
      %get3A_2332 = tpu.vector_load %arg19[%get3A_2330, %get3A_2331] {strides = array<i32>} : memref<640x32xf32, #tpu.memory_space<vmem>>, vector<16xf32>,
      %mul3A_2333 = vector.broadcast %squeeze3A_2329 : f32 to vector<16xf32>
      %mul3A_2334 = arith.mulf %get3A_2332, %mul3A_2333 : vector<16xf32>
      %swap3A_2335 = arith.index_cast %add3A_2327 : i32 to index
      %swap3A_2336 = arith.constant 0 : index
      %swap3A_2337 = tpu.vector_load %arg19[%swap3A_2335, %swap3A_2336] {strides = array<i32>} : memref<640x32xf32, #tpu.memory_space<vmem>>, vector<16xf32>,
      tpu.vector_store %arg19[%swap3A_2335, %swap3A_2336], %mul3A_2334 {strides = array<i32>} : memref<640x32xf32, #tpu.memory_space<vmem>>, vector<16xf32>,
      %get3A_2338 = arith.index_cast %add3A_2327 : i32 to index
      %get3A_2339 = arith.constant 16 : index
      %get3A_2340 = tpu.vector_load %arg19[%get3A_2338, %get3A_2339] {strides = array<i32>} : memref<640x32xf32, #tpu.memory_space<vmem>>, vector<16xf32>,
      %mul3A_2341 = vector.broadcast %squeeze3A_2329 : f32 to vector<16xf32>
      %mul3A_2342 = arith.mulf %get3A_2340, %mul3A_2341 : vector<16xf32>
      %swap3A_2343 = arith.index_cast %add3A_2327 : i32 to index
      %swap3A_2344 = arith.constant 16 : index
      %swap3A_2345 = tpu.vector_load %arg19[%swap3A_2343, %swap3A_2344] {strides = array<i32>} : memref<640x32xf32, #tpu.memory_space<vmem>>, vector<16xf32>,
      tpu.vector_store %arg19[%swap3A_2343, %swap3A_2344], %mul3A_2342 {strides = array<i32>} : memref<640x32xf32, #tpu.memory_space<vmem>>, vector<16xf32>,
      %broadcast_in_dim3A_2346 = vector.broadcast %squeeze3A_2329 : f32 to vector<16xf32>
      %swap3A_2347 = arith.index_cast %add3A_2327 : i32 to index
      %swap3A_2348 = arith.constant 0 : index
      %swap3A_2349 = tpu.vector_load %arg23[%swap3A_2347, %swap3A_2348] {strides = array<i32>} : memref<640x32xf32, #tpu.memory_space<vmem>>, vector<16xf32>,
      tpu.vector_store %arg23[%swap3A_2347, %swap3A_2348], %broadcast_in_dim3A_2346 {strides = array<i32>} : memref<640x32xf32, #tpu.memory_space<vmem>>, vector<16xf32>,
      %swap3A_2350 = arith.index_cast %add3A_2327 : i32 to index
      %swap3A_2351 = arith.constant 16 : index
      %swap3A_2352 = tpu.vector_load %arg23[%swap3A_2350, %swap3A_2351] {strides = array<i32>} : memref<640x32xf32, #tpu.memory_space<vmem>>, vector<16xf32>,
      tpu.vector_store %arg23[%swap3A_2350, %swap3A_2351], %broadcast_in_dim3A_2346 {strides = array<i32>} : memref<640x32xf32, #tpu.memory_space<vmem>>, vector<16xf32>,
    }
    %scan3A_1814 = arith.constant 40 : i32
    %iota3A = tpu.iota {dimensions = array<i32: 0>} : vector<16xi32>
    %ge3A = arith.constant 8 : i32
    %ge3A_1815 = vector.broadcast %ge3A : i32 to vector<16xi32>
    %ge3A_1816 = arith.cmpi sge, %iota3A, %ge3A_1815 : vector<16xi32>
    %convert_element_type3A = arith.extui %ge3A_1816 : vector<16xi1> to vector<16xi32>
    %scan3A_1817 = arith.constant 0 : i32
    %scan3A_1818 = arith.constant 0 : i32
    %scan3A_1819 = arith.constant 320 : i32
    %scan3A_1820 = arith.addi %scan3A_1818, %scan3A_1819 : i32
    %scan3A_1821 = arith.constant 1 : i32
    scf.for %scan3A_1886 = %scan3A_1818 to %scan3A_1820 step %scan3A_1821  : i32 {
      %mul3A_1887 = arith.constant 2 : i32
      %mul3A_1888 = arith.muli %mul3A_1887, %scan3A_1886 : i32
      %add3A_1889 = vector.broadcast %mul3A_1888 : i32 to vector<16xi32>
      %add3A_1890 = arith.addi %add3A_1889, %convert_element_type3A : vector<16xi32>
      %gather3A = tpu.vector_load_idx %arg22[%add3A_1890] : memref<640xf32, #tpu.memory_space<vmem>>[vector<16xi32>], vector<16xf32>,
      %swap3A_1891 = arith.index_cast %scan3A_1886 : i32 to index
      %swap3A_1892 = arith.constant 0 : index
      %swap3A_1893 = tpu.vector_load %arg24[%swap3A_1891, %swap3A_1892] {strides = array<i32>} : memref<320x16xf32, #tpu.memory_space<vmem>>, vector<16xf32>,
      tpu.vector_store %arg24[%swap3A_1891, %swap3A_1892], %gather3A {strides = array<i32>} : memref<320x16xf32, #tpu.memory_space<vmem>>, vector<16xf32>,
    }
    %scan3A_1822 = arith.constant 320 : i32
    "tpu.region"() ({
      %run_scoped3A_1886 = tpu.sem_alloc : memref<!tpu.dma_semaphore, #tpu.memory_space<semaphore_mem>>
      %dma_start3A_1887 = arith.constant 0 : i32
      %dma_start3A_1888 = tpu.memref_slice %arg7[%mul3A_2, %dma_start3A_1887] : memref<10240x32xf32, #tpu.memory_space<hbm>> -> memref<640x32xf32, #tpu.memory_space<hbm>>
      %dma_start3A_1889 = arith.constant 0 : i32
      %dma_start3A_1890 = tpu.memref_slice %arg7[%mul3A_2, %dma_start3A_1889] : memref<10240x32xf32, #tpu.memory_space<hbm>> -> memref<640x32xf32, #tpu.memory_space<hbm>>
      tpu.enqueue_dma source(%arg23 : memref<640x32xf32, #tpu.memory_space<vmem>>) target(%dma_start3A_1890 : memref<640x32xf32, #tpu.memory_space<hbm>>) target_semaphore(%run_scoped3A_1886 : memref<!tpu.dma_semaphore, #tpu.memory_space<semaphore_mem>>)
      %dma_wait3A_1891 = arith.constant 0 : i32
      %dma_wait3A_1892 = tpu.memref_slice %arg7[%mul3A_2, %dma_wait3A_1891] : memref<10240x32xf32, #tpu.memory_space<hbm>> -> memref<640x32xf32, #tpu.memory_space<hbm>>
      %dma_wait3A_1893 = arith.constant 0 : i32
      %dma_wait3A_1894 = tpu.memref_slice %arg7[%mul3A_2, %dma_wait3A_1893] : memref<10240x32xf32, #tpu.memory_space<hbm>> -> memref<640x32xf32, #tpu.memory_space<hbm>>
      tpu.wait_dma2 semaphore(%run_scoped3A_1886 : memref<!tpu.dma_semaphore, #tpu.memory_space<semaphore_mem>>) src(%arg23 : memref<640x32xf32, #tpu.memory_space<vmem>>) dst(%dma_wait3A_1894 : memref<640x32xf32, #tpu.memory_space<hbm>>)
      tpu.yield
    }) : () -> ()
    %mul3A_1823 = arith.constant 320 : i32
    %mul3A_1824 = arith.muli %arg1, %mul3A_1823 : i32
    "tpu.region"() ({
      %run_scoped3A_1886 = tpu.sem_alloc : memref<!tpu.dma_semaphore, #tpu.memory_space<semaphore_mem>>
      %dma_start3A_1887 = arith.constant 0 : i32
      %dma_start3A_1888 = tpu.memref_slice %arg8[%mul3A_1824, %dma_start3A_1887] : memref<5120x16xf32, #tpu.memory_space<hbm>> -> memref<320x16xf32, #tpu.memory_space<hbm>>
      %dma_start3A_1889 = arith.constant 0 : i32
      %dma_start3A_1890 = tpu.memref_slice %arg8[%mul3A_1824, %dma_start3A_1889] : memref<5120x16xf32, #tpu.memory_space<hbm>> -> memref<320x16xf32, #tpu.memory_space<hbm>>
      tpu.enqueue_dma source(%arg24 : memref<320x16xf32, #tpu.memory_space<vmem>>) target(%dma_start3A_1890 : memref<320x16xf32, #tpu.memory_space<hbm>>) target_semaphore(%run_scoped3A_1886 : memref<!tpu.dma_semaphore, #tpu.memory_space<semaphore_mem>>)
      %dma_wait3A_1891 = arith.constant 0 : i32
      %dma_wait3A_1892 = tpu.memref_slice %arg8[%mul3A_1824, %dma_wait3A_1891] : memref<5120x16xf32, #tpu.memory_space<hbm>> -> memref<320x16xf32, #tpu.memory_space<hbm>>
      %dma_wait3A_1893 = arith.constant 0 : i32
      %dma_wait3A_1894 = tpu.memref_slice %arg8[%mul3A_1824, %dma_wait3A_1893] : memref<5120x16xf32, #tpu.memory_space<hbm>> -> memref<320x16xf32, #tpu.memory_space<hbm>>
      tpu.wait_dma2 semaphore(%run_scoped3A_1886 : memref<!tpu.dma_semaphore, #tpu.memory_space<semaphore_mem>>) src(%arg24 : memref<320x16xf32, #tpu.memory_space<vmem>>) dst(%dma_wait3A_1894 : memref<320x16xf32, #tpu.memory_space<hbm>>)
      tpu.yield
    }) : () -> ()
    "tpu.region"() ({
      %run_scoped3A_1886 = tpu.sem_alloc : memref<!tpu.dma_semaphore, #tpu.memory_space<semaphore_mem>>
      %dma_start3A_1887 = arith.constant 0 : i32
      %dma_start3A_1888 = tpu.memref_slice %arg6[%mul3A_2, %dma_start3A_1887] : memref<10240x32xf32, #tpu.memory_space<hbm>> -> memref<640x32xf32, #tpu.memory_space<hbm>>
      %dma_start3A_1889 = arith.constant 0 : i32
      %dma_start3A_1890 = tpu.memref_slice %arg6[%mul3A_2, %dma_start3A_1889] : memref<10240x32xf32, #tpu.memory_space<hbm>> -> memref<640x32xf32, #tpu.memory_space<hbm>>
      tpu.enqueue_dma source(%arg19 : memref<640x32xf32, #tpu.memory_space<vmem>>) target(%dma_start3A_1890 : memref<640x32xf32, #tpu.memory_space<hbm>>) target_semaphore(%run_scoped3A_1886 : memref<!tpu.dma_semaphore, #tpu.memory_space<semaphore_mem>>)
      %dma_wait3A_1891 = arith.constant 0 : i32
      %dma_wait3A_1892 = tpu.memref_slice %arg6[%mul3A_2, %dma_wait3A_1891] : memref<10240x32xf32, #tpu.memory_space<hbm>> -> memref<640x32xf32, #tpu.memory_space<hbm>>
      %dma_wait3A_1893 = arith.constant 0 : i32
      %dma_wait3A_1894 = tpu.memref_slice %arg6[%mul3A_2, %dma_wait3A_1893] : memref<10240x32xf32, #tpu.memory_space<hbm>> -> memref<640x32xf32, #tpu.memory_space<hbm>>
      tpu.wait_dma2 semaphore(%run_scoped3A_1886 : memref<!tpu.dma_semaphore, #tpu.memory_space<semaphore_mem>>) src(%arg19 : memref<640x32xf32, #tpu.memory_space<vmem>>) dst(%dma_wait3A_1894 : memref<640x32xf32, #tpu.memory_space<hbm>>)
      tpu.yield
    }) : () -> ()
    %barrier3A = arith.constant 0 : index
    tpu.barrier barrier_id(%barrier3A)
    %dma_start3A = arith.constant 0 : i32
    %dma_start3A_1825 = arith.constant 0 : i32
    %dma_start3A_1826 = tpu.memref_slice %arg9[%dma_start3A, %dma_start3A_1825] : memref<80x128xi32, #tpu.memory_space<vmem>> -> memref<1x128xi32, #tpu.memory_space<vmem>>
    %dma_start3A_1827 = tpu.memref_squeeze %dma_start3A_1826 : memref<1x128xi32, #tpu.memory_space<vmem>> -> memref<128xi32, #tpu.memory_space<vmem>>
    %dma_start3A_1828 = arith.constant 0 : i32
    %dma_start3A_1829 = arith.constant 0 : i32
    %dma_start3A_1830 = tpu.memref_slice %arg6[%dma_start3A_1828, %dma_start3A_1829] : memref<10240x32xf32, #tpu.memory_space<hbm>> -> memref<10240x32xf32, #tpu.memory_space<hbm>>
    tpu.enqueue_indirect_dma source(%dma_start3A_1830 : memref<10240x32xf32, #tpu.memory_space<hbm>>) target(%arg11 : memref<128x32xf32, #tpu.memory_space<vmem>>) offsets(%dma_start3A_1827 : memref<128xi32, #tpu.memory_space<vmem>>) semaphore(%arg26 : memref<!tpu.dma_semaphore, #tpu.memory_space<semaphore_mem>>)
    %dma_start3A_1831 = arith.constant 1 : i32
    %dma_start3A_1832 = arith.constant 0 : i32
    %dma_start3A_1833 = tpu.memref_slice %arg9[%dma_start3A_1831, %dma_start3A_1832] : memref<80x128xi32, #tpu.memory_space<vmem>> -> memref<1x128xi32, #tpu.memory_space<vmem>>
    %dma_start3A_1834 = tpu.memref_squeeze %dma_start3A_1833 : memref<1x128xi32, #tpu.memory_space<vmem>> -> memref<128xi32, #tpu.memory_space<vmem>>
    %dma_start3A_1835 = arith.constant 0 : i32
    %dma_start3A_1836 = arith.constant 0 : i32
    %dma_start3A_1837 = tpu.memref_slice %arg6[%dma_start3A_1835, %dma_start3A_1836] : memref<10240x32xf32, #tpu.memory_space<hbm>> -> memref<10240x32xf32, #tpu.memory_space<hbm>>
    tpu.enqueue_indirect_dma source(%dma_start3A_1837 : memref<10240x32xf32, #tpu.memory_space<hbm>>) target(%arg12 : memref<128x32xf32, #tpu.memory_space<vmem>>) offsets(%dma_start3A_1834 : memref<128xi32, #tpu.memory_space<vmem>>) semaphore(%arg27 : memref<!tpu.dma_semaphore, #tpu.memory_space<semaphore_mem>>)
    %dma_start3A_1838 = arith.constant 2 : i32
    %dma_start3A_1839 = arith.constant 0 : i32
    %dma_start3A_1840 = tpu.memref_slice %arg9[%dma_start3A_1838, %dma_start3A_1839] : memref<80x128xi32, #tpu.memory_space<vmem>> -> memref<1x128xi32, #tpu.memory_space<vmem>>
    %dma_start3A_1841 = tpu.memref_squeeze %dma_start3A_1840 : memref<1x128xi32, #tpu.memory_space<vmem>> -> memref<128xi32, #tpu.memory_space<vmem>>
    %dma_start3A_1842 = arith.constant 0 : i32
    %dma_start3A_1843 = arith.constant 0 : i32
    %dma_start3A_1844 = tpu.memref_slice %arg6[%dma_start3A_1842, %dma_start3A_1843] : memref<10240x32xf32, #tpu.memory_space<hbm>> -> memref<10240x32xf32, #tpu.memory_space<hbm>>
    tpu.enqueue_indirect_dma source(%dma_start3A_1844 : memref<10240x32xf32, #tpu.memory_space<hbm>>) target(%arg13 : memref<128x32xf32, #tpu.memory_space<vmem>>) offsets(%dma_start3A_1841 : memref<128xi32, #tpu.memory_space<vmem>>) semaphore(%arg28 : memref<!tpu.dma_semaphore, #tpu.memory_space<semaphore_mem>>)
    %dma_start3A_1845 = arith.constant 3 : i32
    %dma_start3A_1846 = arith.constant 0 : i32
    %dma_start3A_1847 = tpu.memref_slice %arg9[%dma_start3A_1845, %dma_start3A_1846] : memref<80x128xi32, #tpu.memory_space<vmem>> -> memref<1x128xi32, #tpu.memory_space<vmem>>
    %dma_start3A_1848 = tpu.memref_squeeze %dma_start3A_1847 : memref<1x128xi32, #tpu.memory_space<vmem>> -> memref<128xi32, #tpu.memory_space<vmem>>
    %dma_start3A_1849 = arith.constant 0 : i32
    %dma_start3A_1850 = arith.constant 0 : i32
    %dma_start3A_1851 = tpu.memref_slice %arg6[%dma_start3A_1849, %dma_start3A_1850] : memref<10240x32xf32, #tpu.memory_space<hbm>> -> memref<10240x32xf32, #tpu.memory_space<hbm>>
    tpu.enqueue_indirect_dma source(%dma_start3A_1851 : memref<10240x32xf32, #tpu.memory_space<hbm>>) target(%arg14 : memref<128x32xf32, #tpu.memory_space<vmem>>) offsets(%dma_start3A_1848 : memref<128xi32, #tpu.memory_space<vmem>>) semaphore(%arg29 : memref<!tpu.dma_semaphore, #tpu.memory_space<semaphore_mem>>)
    %dma_start3A_1852 = arith.constant 4 : i32
    %dma_start3A_1853 = arith.constant 0 : i32
    %dma_start3A_1854 = tpu.memref_slice %arg9[%dma_start3A_1852, %dma_start3A_1853] : memref<80x128xi32, #tpu.memory_space<vmem>> -> memref<1x128xi32, #tpu.memory_space<vmem>>
    %dma_start3A_1855 = tpu.memref_squeeze %dma_start3A_1854 : memref<1x128xi32, #tpu.memory_space<vmem>> -> memref<128xi32, #tpu.memory_space<vmem>>
    %dma_start3A_1856 = arith.constant 0 : i32
    %dma_start3A_1857 = arith.constant 0 : i32
    %dma_start3A_1858 = tpu.memref_slice %arg6[%dma_start3A_1856, %dma_start3A_1857] : memref<10240x32xf32, #tpu.memory_space<hbm>> -> memref<10240x32xf32, #tpu.memory_space<hbm>>
    tpu.enqueue_indirect_dma source(%dma_start3A_1858 : memref<10240x32xf32, #tpu.memory_space<hbm>>) target(%arg15 : memref<128x32xf32, #tpu.memory_space<vmem>>) offsets(%dma_start3A_1855 : memref<128xi32, #tpu.memory_space<vmem>>) semaphore(%arg30 : memref<!tpu.dma_semaphore, #tpu.memory_space<semaphore_mem>>)
    %dma_start3A_1859 = arith.constant 5 : i32
    %dma_start3A_1860 = arith.constant 0 : i32
    %dma_start3A_1861 = tpu.memref_slice %arg9[%dma_start3A_1859, %dma_start3A_1860] : memref<80x128xi32, #tpu.memory_space<vmem>> -> memref<1x128xi32, #tpu.memory_space<vmem>>
    %dma_start3A_1862 = tpu.memref_squeeze %dma_start3A_1861 : memref<1x128xi32, #tpu.memory_space<vmem>> -> memref<128xi32, #tpu.memory_space<vmem>>
    %dma_start3A_1863 = arith.constant 0 : i32
    %dma_start3A_1864 = arith.constant 0 : i32
    %dma_start3A_1865 = tpu.memref_slice %arg6[%dma_start3A_1863, %dma_start3A_1864] : memref<10240x32xf32, #tpu.memory_space<hbm>> -> memref<10240x32xf32, #tpu.memory_space<hbm>>
    tpu.enqueue_indirect_dma source(%dma_start3A_1865 : memref<10240x32xf32, #tpu.memory_space<hbm>>) target(%arg16 : memref<128x32xf32, #tpu.memory_space<vmem>>) offsets(%dma_start3A_1862 : memref<128xi32, #tpu.memory_space<vmem>>) semaphore(%arg31 : memref<!tpu.dma_semaphore, #tpu.memory_space<semaphore_mem>>)
    %scan3A_1866 = arith.constant 0 : i32
    %scan3A_1867 = arith.constant 0 : i32
    %scan3A_1868 = arith.constant 10 : i32
    %scan3A_1869 = arith.addi %scan3A_1867, %scan3A_1868 : i32
    %scan3A_1870 = arith.constant 1 : i32
    scf.for %scan3A_1886 = %scan3A_1867 to %scan3A_1869 step %scan3A_1870  : i32 {
      %mul3A_1887 = arith.constant 8 : i32
      %mul3A_1888 = arith.muli %mul3A_1887, %scan3A_1886 : i32
      %add3A_1889 = arith.constant 0 : i32
      %add3A_1890 = arith.addi %mul3A_1888, %add3A_1889 : i32
      %dma_wait3A_1891 = arith.constant 0 : i32
      %dma_wait3A_1892 = tpu.memref_slice %arg9[%add3A_1890, %dma_wait3A_1891] : memref<80x128xi32, #tpu.memory_space<vmem>> -> memref<1x128xi32, #tpu.memory_space<vmem>>
      %dma_wait3A_1893 = tpu.memref_squeeze %dma_wait3A_1892 : memref<1x128xi32, #tpu.memory_space<vmem>> -> memref<128xi32, #tpu.memory_space<vmem>>
      %dma_wait3A_1894 = arith.constant 0 : i32
      %dma_wait3A_1895 = arith.constant 0 : i32
      %dma_wait3A_1896 = tpu.memref_slice %arg6[%dma_wait3A_1894, %dma_wait3A_1895] : memref<10240x32xf32, #tpu.memory_space<hbm>> -> memref<10240x32xf32, #tpu.memory_space<hbm>>
      tpu.wait_indirect_dma semaphore(%arg26 : memref<!tpu.dma_semaphore, #tpu.memory_space<semaphore_mem>>) src(%dma_wait3A_1896 : memref<10240x32xf32, #tpu.memory_space<hbm>>) dst(%arg11 : memref<128x32xf32, #tpu.memory_space<vmem>>)
      %dma_start3A_1897 = arith.constant 0 : i32
      %dma_start3A_1898 = tpu.memref_slice %arg10[%add3A_1890, %dma_start3A_1897] : memref<80x128xi32, #tpu.memory_space<vmem>> -> memref<1x128xi32, #tpu.memory_space<vmem>>
      %dma_start3A_1899 = tpu.memref_squeeze %dma_start3A_1898 : memref<1x128xi32, #tpu.memory_space<vmem>> -> memref<128xi32, #tpu.memory_space<vmem>>
      %dma_start3A_1900 = arith.constant 0 : i32
      %dma_start3A_1901 = arith.constant 0 : i32
      %dma_start3A_1902 = tpu.memref_slice %arg25[%dma_start3A_1900, %dma_start3A_1901] : memref<10240x32xf32, #tpu.memory_space<vmem_shared>> -> memref<10240x32xf32, #tpu.memory_space<vmem_shared>>
      tpu.enqueue_indirect_dma source(%arg11 : memref<128x32xf32, #tpu.memory_space<vmem>>) target(%dma_start3A_1902 : memref<10240x32xf32, #tpu.memory_space<vmem_shared>>) offsets(%dma_start3A_1899 : memref<128xi32, #tpu.memory_space<vmem>>) semaphore(%arg34 : memref<!tpu.dma_semaphore, #tpu.memory_space<semaphore_mem>>) {add = true}
      %ge3A_1903 = arith.constant 2 : i32
      %ge3A_1904 = arith.cmpi sge, %add3A_1890, %ge3A_1903 : i32
      %convert_element_type3A_1905 = arith.extui %ge3A_1904 : i1 to i32
      %cond3A = arith.constant 0 : i32
      %cond3A_1906 = arith.cmpi ne, %convert_element_type3A_1905, %cond3A : i32
      scf.if %cond3A_1906 {
        %sub3A_2109 = arith.constant 2 : i32
        %sub3A_2110 = arith.subi %add3A_1890, %sub3A_2109 : i32
        %dma_wait3A_2111 = arith.constant 0 : i32
        %dma_wait3A_2112 = tpu.memref_slice %arg10[%sub3A_2110, %dma_wait3A_2111] : memref<80x128xi32, #tpu.memory_space<vmem>> -> memref<1x128xi32, #tpu.memory_space<vmem>>
        %dma_wait3A_2113 = tpu.memref_squeeze %dma_wait3A_2112 : memref<1x128xi32, #tpu.memory_space<vmem>> -> memref<128xi32, #tpu.memory_space<vmem>>
        %dma_wait3A_2114 = arith.constant 0 : i32
        %dma_wait3A_2115 = arith.constant 0 : i32
        %dma_wait3A_2116 = tpu.memref_slice %arg25[%dma_wait3A_2114, %dma_wait3A_2115] : memref<10240x32xf32, #tpu.memory_space<vmem_shared>> -> memref<10240x32xf32, #tpu.memory_space<vmem_shared>>
        tpu.wait_indirect_dma semaphore(%arg40 : memref<!tpu.dma_semaphore, #tpu.memory_space<semaphore_mem>>) src(%arg17 : memref<128x32xf32, #tpu.memory_space<vmem>>) dst(%dma_wait3A_2116 : memref<10240x32xf32, #tpu.memory_space<vmem_shared>>)
      } else {
      }
      %add3A_1907 = arith.constant 6 : i32
      %add3A_1908 = arith.addi %add3A_1890, %add3A_1907 : i32
      %lt3A = arith.constant 80 : i32
      %lt3A_1909 = arith.cmpi slt, %add3A_1908, %lt3A : i32
      %convert_element_type3A_1910 = arith.extui %lt3A_1909 : i1 to i32
      %cond3A_1911 = arith.constant 0 : i32
      %cond3A_1912 = arith.cmpi ne, %convert_element_type3A_1910, %cond3A_1911 : i32
      scf.if %cond3A_1912 {
        %add3A_2109 = arith.constant 6 : i32
        %add3A_2110 = arith.addi %add3A_1890, %add3A_2109 : i32
        %dma_start3A_2111 = arith.constant 0 : i32
        %dma_start3A_2112 = tpu.memref_slice %arg9[%add3A_2110, %dma_start3A_2111] : memref<80x128xi32, #tpu.memory_space<vmem>> -> memref<1x128xi32, #tpu.memory_space<vmem>>
        %dma_start3A_2113 = tpu.memref_squeeze %dma_start3A_2112 : memref<1x128xi32, #tpu.memory_space<vmem>> -> memref<128xi32, #tpu.memory_space<vmem>>
        %dma_start3A_2114 = arith.constant 0 : i32
        %dma_start3A_2115 = arith.constant 0 : i32
        %dma_start3A_2116 = tpu.memref_slice %arg6[%dma_start3A_2114, %dma_start3A_2115] : memref<10240x32xf32, #tpu.memory_space<hbm>> -> memref<10240x32xf32, #tpu.memory_space<hbm>>
        tpu.enqueue_indirect_dma source(%dma_start3A_2116 : memref<10240x32xf32, #tpu.memory_space<hbm>>) target(%arg17 : memref<128x32xf32, #tpu.memory_space<vmem>>) offsets(%dma_start3A_2113 : memref<128xi32, #tpu.memory_space<vmem>>) semaphore(%arg32 : memref<!tpu.dma_semaphore, #tpu.memory_space<semaphore_mem>>)
      } else {
      }
      %mul3A_1913 = arith.constant 8 : i32
      %mul3A_1914 = arith.muli %mul3A_1913, %scan3A_1886 : i32
      %add3A_1915 = arith.constant 1 : i32
      %add3A_1916 = arith.addi %mul3A_1914, %add3A_1915 : i32
      %dma_wait3A_1917 = arith.constant 0 : i32
      %dma_wait3A_1918 = tpu.memref_slice %arg9[%add3A_1916, %dma_wait3A_1917] : memref<80x128xi32, #tpu.memory_space<vmem>> -> memref<1x128xi32, #tpu.memory_space<vmem>>
      %dma_wait3A_1919 = tpu.memref_squeeze %dma_wait3A_1918 : memref<1x128xi32, #tpu.memory_space<vmem>> -> memref<128xi32, #tpu.memory_space<vmem>>
      %dma_wait3A_1920 = arith.constant 0 : i32
      %dma_wait3A_1921 = arith.constant 0 : i32
      %dma_wait3A_1922 = tpu.memref_slice %arg6[%dma_wait3A_1920, %dma_wait3A_1921] : memref<10240x32xf32, #tpu.memory_space<hbm>> -> memref<10240x32xf32, #tpu.memory_space<hbm>>
      tpu.wait_indirect_dma semaphore(%arg27 : memref<!tpu.dma_semaphore, #tpu.memory_space<semaphore_mem>>) src(%dma_wait3A_1922 : memref<10240x32xf32, #tpu.memory_space<hbm>>) dst(%arg12 : memref<128x32xf32, #tpu.memory_space<vmem>>)
      %dma_start3A_1923 = arith.constant 0 : i32
      %dma_start3A_1924 = tpu.memref_slice %arg10[%add3A_1916, %dma_start3A_1923] : memref<80x128xi32, #tpu.memory_space<vmem>> -> memref<1x128xi32, #tpu.memory_space<vmem>>
      %dma_start3A_1925 = tpu.memref_squeeze %dma_start3A_1924 : memref<1x128xi32, #tpu.memory_space<vmem>> -> memref<128xi32, #tpu.memory_space<vmem>>
      %dma_start3A_1926 = arith.constant 0 : i32
      %dma_start3A_1927 = arith.constant 0 : i32
      %dma_start3A_1928 = tpu.memref_slice %arg25[%dma_start3A_1926, %dma_start3A_1927] : memref<10240x32xf32, #tpu.memory_space<vmem_shared>> -> memref<10240x32xf32, #tpu.memory_space<vmem_shared>>
      tpu.enqueue_indirect_dma source(%arg12 : memref<128x32xf32, #tpu.memory_space<vmem>>) target(%dma_start3A_1928 : memref<10240x32xf32, #tpu.memory_space<vmem_shared>>) offsets(%dma_start3A_1925 : memref<128xi32, #tpu.memory_space<vmem>>) semaphore(%arg35 : memref<!tpu.dma_semaphore, #tpu.memory_space<semaphore_mem>>) {add = true}
      %ge3A_1929 = arith.constant 2 : i32
      %ge3A_1930 = arith.cmpi sge, %add3A_1916, %ge3A_1929 : i32
      %convert_element_type3A_1931 = arith.extui %ge3A_1930 : i1 to i32
      %cond3A_1932 = arith.constant 0 : i32
      %cond3A_1933 = arith.cmpi ne, %convert_element_type3A_1931, %cond3A_1932 : i32
      scf.if %cond3A_1933 {
        %sub3A_2109 = arith.constant 2 : i32
        %sub3A_2110 = arith.subi %add3A_1916, %sub3A_2109 : i32
        %dma_wait3A_2111 = arith.constant 0 : i32
        %dma_wait3A_2112 = tpu.memref_slice %arg10[%sub3A_2110, %dma_wait3A_2111] : memref<80x128xi32, #tpu.memory_space<vmem>> -> memref<1x128xi32, #tpu.memory_space<vmem>>
        %dma_wait3A_2113 = tpu.memref_squeeze %dma_wait3A_2112 : memref<1x128xi32, #tpu.memory_space<vmem>> -> memref<128xi32, #tpu.memory_space<vmem>>
        %dma_wait3A_2114 = arith.constant 0 : i32
        %dma_wait3A_2115 = arith.constant 0 : i32
        %dma_wait3A_2116 = tpu.memref_slice %arg25[%dma_wait3A_2114, %dma_wait3A_2115] : memref<10240x32xf32, #tpu.memory_space<vmem_shared>> -> memref<10240x32xf32, #tpu.memory_space<vmem_shared>>
        tpu.wait_indirect_dma semaphore(%arg41 : memref<!tpu.dma_semaphore, #tpu.memory_space<semaphore_mem>>) src(%arg18 : memref<128x32xf32, #tpu.memory_space<vmem>>) dst(%dma_wait3A_2116 : memref<10240x32xf32, #tpu.memory_space<vmem_shared>>)
      } else {
      }
      %add3A_1934 = arith.constant 6 : i32
      %add3A_1935 = arith.addi %add3A_1916, %add3A_1934 : i32
      %lt3A_1936 = arith.constant 80 : i32
      %lt3A_1937 = arith.cmpi slt, %add3A_1935, %lt3A_1936 : i32
      %convert_element_type3A_1938 = arith.extui %lt3A_1937 : i1 to i32
      %cond3A_1939 = arith.constant 0 : i32
      %cond3A_1940 = arith.cmpi ne, %convert_element_type3A_1938, %cond3A_1939 : i32
      scf.if %cond3A_1940 {
        %add3A_2109 = arith.constant 6 : i32
        %add3A_2110 = arith.addi %add3A_1916, %add3A_2109 : i32
        %dma_start3A_2111 = arith.constant 0 : i32
        %dma_start3A_2112 = tpu.memref_slice %arg9[%add3A_2110, %dma_start3A_2111] : memref<80x128xi32, #tpu.memory_space<vmem>> -> memref<1x128xi32, #tpu.memory_space<vmem>>
        %dma_start3A_2113 = tpu.memref_squeeze %dma_start3A_2112 : memref<1x128xi32, #tpu.memory_space<vmem>> -> memref<128xi32, #tpu.memory_space<vmem>>
        %dma_start3A_2114 = arith.constant 0 : i32
        %dma_start3A_2115 = arith.constant 0 : i32
        %dma_start3A_2116 = tpu.memref_slice %arg6[%dma_start3A_2114, %dma_start3A_2115] : memref<10240x32xf32, #tpu.memory_space<hbm>> -> memref<10240x32xf32, #tpu.memory_space<hbm>>
        tpu.enqueue_indirect_dma source(%dma_start3A_2116 : memref<10240x32xf32, #tpu.memory_space<hbm>>) target(%arg18 : memref<128x32xf32, #tpu.memory_space<vmem>>) offsets(%dma_start3A_2113 : memref<128xi32, #tpu.memory_space<vmem>>) semaphore(%arg33 : memref<!tpu.dma_semaphore, #tpu.memory_space<semaphore_mem>>)
      } else {
      }
      %mul3A_1941 = arith.constant 8 : i32
      %mul3A_1942 = arith.muli %mul3A_1941, %scan3A_1886 : i32
      %add3A_1943 = arith.constant 2 : i32
      %add3A_1944 = arith.addi %mul3A_1942, %add3A_1943 : i32
      %dma_wait3A_1945 = arith.constant 0 : i32
      %dma_wait3A_1946 = tpu.memref_slice %arg9[%add3A_1944, %dma_wait3A_1945] : memref<80x128xi32, #tpu.memory_space<vmem>> -> memref<1x128xi32, #tpu.memory_space<vmem>>
      %dma_wait3A_1947 = tpu.memref_squeeze %dma_wait3A_1946 : memref<1x128xi32, #tpu.memory_space<vmem>> -> memref<128xi32, #tpu.memory_space<vmem>>
      %dma_wait3A_1948 = arith.constant 0 : i32
      %dma_wait3A_1949 = arith.constant 0 : i32
      %dma_wait3A_1950 = tpu.memref_slice %arg6[%dma_wait3A_1948, %dma_wait3A_1949] : memref<10240x32xf32, #tpu.memory_space<hbm>> -> memref<10240x32xf32, #tpu.memory_space<hbm>>
      tpu.wait_indirect_dma semaphore(%arg28 : memref<!tpu.dma_semaphore, #tpu.memory_space<semaphore_mem>>) src(%dma_wait3A_1950 : memref<10240x32xf32, #tpu.memory_space<hbm>>) dst(%arg13 : memref<128x32xf32, #tpu.memory_space<vmem>>)
      %dma_start3A_1951 = arith.constant 0 : i32
      %dma_start3A_1952 = tpu.memref_slice %arg10[%add3A_1944, %dma_start3A_1951] : memref<80x128xi32, #tpu.memory_space<vmem>> -> memref<1x128xi32, #tpu.memory_space<vmem>>
      %dma_start3A_1953 = tpu.memref_squeeze %dma_start3A_1952 : memref<1x128xi32, #tpu.memory_space<vmem>> -> memref<128xi32, #tpu.memory_space<vmem>>
      %dma_start3A_1954 = arith.constant 0 : i32
      %dma_start3A_1955 = arith.constant 0 : i32
      %dma_start3A_1956 = tpu.memref_slice %arg25[%dma_start3A_1954, %dma_start3A_1955] : memref<10240x32xf32, #tpu.memory_space<vmem_shared>> -> memref<10240x32xf32, #tpu.memory_space<vmem_shared>>
      tpu.enqueue_indirect_dma source(%arg13 : memref<128x32xf32, #tpu.memory_space<vmem>>) target(%dma_start3A_1956 : memref<10240x32xf32, #tpu.memory_space<vmem_shared>>) offsets(%dma_start3A_1953 : memref<128xi32, #tpu.memory_space<vmem>>) semaphore(%arg36 : memref<!tpu.dma_semaphore, #tpu.memory_space<semaphore_mem>>) {add = true}
      %ge3A_1957 = arith.constant 2 : i32
      %ge3A_1958 = arith.cmpi sge, %add3A_1944, %ge3A_1957 : i32
      %convert_element_type3A_1959 = arith.extui %ge3A_1958 : i1 to i32
      %cond3A_1960 = arith.constant 0 : i32
      %cond3A_1961 = arith.cmpi ne, %convert_element_type3A_1959, %cond3A_1960 : i32
      scf.if %cond3A_1961 {
        %sub3A_2109 = arith.constant 2 : i32
        %sub3A_2110 = arith.subi %add3A_1944, %sub3A_2109 : i32
        %dma_wait3A_2111 = arith.constant 0 : i32
        %dma_wait3A_2112 = tpu.memref_slice %arg10[%sub3A_2110, %dma_wait3A_2111] : memref<80x128xi32, #tpu.memory_space<vmem>> -> memref<1x128xi32, #tpu.memory_space<vmem>>
        %dma_wait3A_2113 = tpu.memref_squeeze %dma_wait3A_2112 : memref<1x128xi32, #tpu.memory_space<vmem>> -> memref<128xi32, #tpu.memory_space<vmem>>
        %dma_wait3A_2114 = arith.constant 0 : i32
        %dma_wait3A_2115 = arith.constant 0 : i32
        %dma_wait3A_2116 = tpu.memref_slice %arg25[%dma_wait3A_2114, %dma_wait3A_2115] : memref<10240x32xf32, #tpu.memory_space<vmem_shared>> -> memref<10240x32xf32, #tpu.memory_space<vmem_shared>>
        tpu.wait_indirect_dma semaphore(%arg34 : memref<!tpu.dma_semaphore, #tpu.memory_space<semaphore_mem>>) src(%arg11 : memref<128x32xf32, #tpu.memory_space<vmem>>) dst(%dma_wait3A_2116 : memref<10240x32xf32, #tpu.memory_space<vmem_shared>>)
      } else {
      }
      %add3A_1962 = arith.constant 6 : i32
      %add3A_1963 = arith.addi %add3A_1944, %add3A_1962 : i32
      %lt3A_1964 = arith.constant 80 : i32
      %lt3A_1965 = arith.cmpi slt, %add3A_1963, %lt3A_1964 : i32
      %convert_element_type3A_1966 = arith.extui %lt3A_1965 : i1 to i32
      %cond3A_1967 = arith.constant 0 : i32
      %cond3A_1968 = arith.cmpi ne, %convert_element_type3A_1966, %cond3A_1967 : i32
      scf.if %cond3A_1968 {
        %add3A_2109 = arith.constant 6 : i32
        %add3A_2110 = arith.addi %add3A_1944, %add3A_2109 : i32
        %dma_start3A_2111 = arith.constant 0 : i32
        %dma_start3A_2112 = tpu.memref_slice %arg9[%add3A_2110, %dma_start3A_2111] : memref<80x128xi32, #tpu.memory_space<vmem>> -> memref<1x128xi32, #tpu.memory_space<vmem>>
        %dma_start3A_2113 = tpu.memref_squeeze %dma_start3A_2112 : memref<1x128xi32, #tpu.memory_space<vmem>> -> memref<128xi32, #tpu.memory_space<vmem>>
        %dma_start3A_2114 = arith.constant 0 : i32
        %dma_start3A_2115 = arith.constant 0 : i32
        %dma_start3A_2116 = tpu.memref_slice %arg6[%dma_start3A_2114, %dma_start3A_2115] : memref<10240x32xf32, #tpu.memory_space<hbm>> -> memref<10240x32xf32, #tpu.memory_space<hbm>>
        tpu.enqueue_indirect_dma source(%dma_start3A_2116 : memref<10240x32xf32, #tpu.memory_space<hbm>>) target(%arg11 : memref<128x32xf32, #tpu.memory_space<vmem>>) offsets(%dma_start3A_2113 : memref<128xi32, #tpu.memory_space<vmem>>) semaphore(%arg26 : memref<!tpu.dma_semaphore, #tpu.memory_space<semaphore_mem>>)
      } else {
      }
      %mul3A_1969 = arith.constant 8 : i32
      %mul3A_1970 = arith.muli %mul3A_1969, %scan3A_1886 : i32
      %add3A_1971 = arith.constant 3 : i32
      %add3A_1972 = arith.addi %mul3A_1970, %add3A_1971 : i32
      %dma_wait3A_1973 = arith.constant 0 : i32
      %dma_wait3A_1974 = tpu.memref_slice %arg9[%add3A_1972, %dma_wait3A_1973] : memref<80x128xi32, #tpu.memory_space<vmem>> -> memref<1x128xi32, #tpu.memory_space<vmem>>
      %dma_wait3A_1975 = tpu.memref_squeeze %dma_wait3A_1974 : memref<1x128xi32, #tpu.memory_space<vmem>> -> memref<128xi32, #tpu.memory_space<vmem>>
      %dma_wait3A_1976 = arith.constant 0 : i32
      %dma_wait3A_1977 = arith.constant 0 : i32
      %dma_wait3A_1978 = tpu.memref_slice %arg6[%dma_wait3A_1976, %dma_wait3A_1977] : memref<10240x32xf32, #tpu.memory_space<hbm>> -> memref<10240x32xf32, #tpu.memory_space<hbm>>
      tpu.wait_indirect_dma semaphore(%arg29 : memref<!tpu.dma_semaphore, #tpu.memory_space<semaphore_mem>>) src(%dma_wait3A_1978 : memref<10240x32xf32, #tpu.memory_space<hbm>>) dst(%arg14 : memref<128x32xf32, #tpu.memory_space<vmem>>)
      %dma_start3A_1979 = arith.constant 0 : i32
      %dma_start3A_1980 = tpu.memref_slice %arg10[%add3A_1972, %dma_start3A_1979] : memref<80x128xi32, #tpu.memory_space<vmem>> -> memref<1x128xi32, #tpu.memory_space<vmem>>
      %dma_start3A_1981 = tpu.memref_squeeze %dma_start3A_1980 : memref<1x128xi32, #tpu.memory_space<vmem>> -> memref<128xi32, #tpu.memory_space<vmem>>
      %dma_start3A_1982 = arith.constant 0 : i32
      %dma_start3A_1983 = arith.constant 0 : i32
      %dma_start3A_1984 = tpu.memref_slice %arg25[%dma_start3A_1982, %dma_start3A_1983] : memref<10240x32xf32, #tpu.memory_space<vmem_shared>> -> memref<10240x32xf32, #tpu.memory_space<vmem_shared>>
      tpu.enqueue_indirect_dma source(%arg14 : memref<128x32xf32, #tpu.memory_space<vmem>>) target(%dma_start3A_1984 : memref<10240x32xf32, #tpu.memory_space<vmem_shared>>) offsets(%dma_start3A_1981 : memref<128xi32, #tpu.memory_space<vmem>>) semaphore(%arg37 : memref<!tpu.dma_semaphore, #tpu.memory_space<semaphore_mem>>) {add = true}
      %ge3A_1985 = arith.constant 2 : i32
      %ge3A_1986 = arith.cmpi sge, %add3A_1972, %ge3A_1985 : i32
      %convert_element_type3A_1987 = arith.extui %ge3A_1986 : i1 to i32
      %cond3A_1988 = arith.constant 0 : i32
      %cond3A_1989 = arith.cmpi ne, %convert_element_type3A_1987, %cond3A_1988 : i32
      scf.if %cond3A_1989 {
        %sub3A_2109 = arith.constant 2 : i32
        %sub3A_2110 = arith.subi %add3A_1972, %sub3A_2109 : i32
        %dma_wait3A_2111 = arith.constant 0 : i32
        %dma_wait3A_2112 = tpu.memref_slice %arg10[%sub3A_2110, %dma_wait3A_2111] : memref<80x128xi32, #tpu.memory_space<vmem>> -> memref<1x128xi32, #tpu.memory_space<vmem>>
        %dma_wait3A_2113 = tpu.memref_squeeze %dma_wait3A_2112 : memref<1x128xi32, #tpu.memory_space<vmem>> -> memref<128xi32, #tpu.memory_space<vmem>>
        %dma_wait3A_2114 = arith.constant 0 : i32
        %dma_wait3A_2115 = arith.constant 0 : i32
        %dma_wait3A_2116 = tpu.memref_slice %arg25[%dma_wait3A_2114, %dma_wait3A_2115] : memref<10240x32xf32, #tpu.memory_space<vmem_shared>> -> memref<10240x32xf32, #tpu.memory_space<vmem_shared>>
        tpu.wait_indirect_dma semaphore(%arg35 : memref<!tpu.dma_semaphore, #tpu.memory_space<semaphore_mem>>) src(%arg12 : memref<128x32xf32, #tpu.memory_space<vmem>>) dst(%dma_wait3A_2116 : memref<10240x32xf32, #tpu.memory_space<vmem_shared>>)
      } else {
      }
      %add3A_1990 = arith.constant 6 : i32
      %add3A_1991 = arith.addi %add3A_1972, %add3A_1990 : i32
      %lt3A_1992 = arith.constant 80 : i32
      %lt3A_1993 = arith.cmpi slt, %add3A_1991, %lt3A_1992 : i32
      %convert_element_type3A_1994 = arith.extui %lt3A_1993 : i1 to i32
      %cond3A_1995 = arith.constant 0 : i32
      %cond3A_1996 = arith.cmpi ne, %convert_element_type3A_1994, %cond3A_1995 : i32
      scf.if %cond3A_1996 {
        %add3A_2109 = arith.constant 6 : i32
        %add3A_2110 = arith.addi %add3A_1972, %add3A_2109 : i32
        %dma_start3A_2111 = arith.constant 0 : i32
        %dma_start3A_2112 = tpu.memref_slice %arg9[%add3A_2110, %dma_start3A_2111] : memref<80x128xi32, #tpu.memory_space<vmem>> -> memref<1x128xi32, #tpu.memory_space<vmem>>
        %dma_start3A_2113 = tpu.memref_squeeze %dma_start3A_2112 : memref<1x128xi32, #tpu.memory_space<vmem>> -> memref<128xi32, #tpu.memory_space<vmem>>
        %dma_start3A_2114 = arith.constant 0 : i32
        %dma_start3A_2115 = arith.constant 0 : i32
        %dma_start3A_2116 = tpu.memref_slice %arg6[%dma_start3A_2114, %dma_start3A_2115] : memref<10240x32xf32, #tpu.memory_space<hbm>> -> memref<10240x32xf32, #tpu.memory_space<hbm>>
        tpu.enqueue_indirect_dma source(%dma_start3A_2116 : memref<10240x32xf32, #tpu.memory_space<hbm>>) target(%arg12 : memref<128x32xf32, #tpu.memory_space<vmem>>) offsets(%dma_start3A_2113 : memref<128xi32, #tpu.memory_space<vmem>>) semaphore(%arg27 : memref<!tpu.dma_semaphore, #tpu.memory_space<semaphore_mem>>)
      } else {
      }
      %mul3A_1997 = arith.constant 8 : i32
      %mul3A_1998 = arith.muli %mul3A_1997, %scan3A_1886 : i32
      %add3A_1999 = arith.constant 4 : i32
      %add3A_2000 = arith.addi %mul3A_1998, %add3A_1999 : i32
      %dma_wait3A_2001 = arith.constant 0 : i32
      %dma_wait3A_2002 = tpu.memref_slice %arg9[%add3A_2000, %dma_wait3A_2001] : memref<80x128xi32, #tpu.memory_space<vmem>> -> memref<1x128xi32, #tpu.memory_space<vmem>>
      %dma_wait3A_2003 = tpu.memref_squeeze %dma_wait3A_2002 : memref<1x128xi32, #tpu.memory_space<vmem>> -> memref<128xi32, #tpu.memory_space<vmem>>
      %dma_wait3A_2004 = arith.constant 0 : i32
      %dma_wait3A_2005 = arith.constant 0 : i32
      %dma_wait3A_2006 = tpu.memref_slice %arg6[%dma_wait3A_2004, %dma_wait3A_2005] : memref<10240x32xf32, #tpu.memory_space<hbm>> -> memref<10240x32xf32, #tpu.memory_space<hbm>>
      tpu.wait_indirect_dma semaphore(%arg30 : memref<!tpu.dma_semaphore, #tpu.memory_space<semaphore_mem>>) src(%dma_wait3A_2006 : memref<10240x32xf32, #tpu.memory_space<hbm>>) dst(%arg15 : memref<128x32xf32, #tpu.memory_space<vmem>>)
      %dma_start3A_2007 = arith.constant 0 : i32
      %dma_start3A_2008 = tpu.memref_slice %arg10[%add3A_2000, %dma_start3A_2007] : memref<80x128xi32, #tpu.memory_space<vmem>> -> memref<1x128xi32, #tpu.memory_space<vmem>>
      %dma_start3A_2009 = tpu.memref_squeeze %dma_start3A_2008 : memref<1x128xi32, #tpu.memory_space<vmem>> -> memref<128xi32, #tpu.memory_space<vmem>>
      %dma_start3A_2010 = arith.constant 0 : i32
      %dma_start3A_2011 = arith.constant 0 : i32
      %dma_start3A_2012 = tpu.memref_slice %arg25[%dma_start3A_2010, %dma_start3A_2011] : memref<10240x32xf32, #tpu.memory_space<vmem_shared>> -> memref<10240x32xf32, #tpu.memory_space<vmem_shared>>
      tpu.enqueue_indirect_dma source(%arg15 : memref<128x32xf32, #tpu.memory_space<vmem>>) target(%dma_start3A_2012 : memref<10240x32xf32, #tpu.memory_space<vmem_shared>>) offsets(%dma_start3A_2009 : memref<128xi32, #tpu.memory_space<vmem>>) semaphore(%arg38 : memref<!tpu.dma_semaphore, #tpu.memory_space<semaphore_mem>>) {add = true}
      %ge3A_2013 = arith.constant 2 : i32
      %ge3A_2014 = arith.cmpi sge, %add3A_2000, %ge3A_2013 : i32
      %convert_element_type3A_2015 = arith.extui %ge3A_2014 : i1 to i32
      %cond3A_2016 = arith.constant 0 : i32
      %cond3A_2017 = arith.cmpi ne, %convert_element_type3A_2015, %cond3A_2016 : i32
      scf.if %cond3A_2017 {
        %sub3A_2109 = arith.constant 2 : i32
        %sub3A_2110 = arith.subi %add3A_2000, %sub3A_2109 : i32
        %dma_wait3A_2111 = arith.constant 0 : i32
        %dma_wait3A_2112 = tpu.memref_slice %arg10[%sub3A_2110, %dma_wait3A_2111] : memref<80x128xi32, #tpu.memory_space<vmem>> -> memref<1x128xi32, #tpu.memory_space<vmem>>
        %dma_wait3A_2113 = tpu.memref_squeeze %dma_wait3A_2112 : memref<1x128xi32, #tpu.memory_space<vmem>> -> memref<128xi32, #tpu.memory_space<vmem>>
        %dma_wait3A_2114 = arith.constant 0 : i32
        %dma_wait3A_2115 = arith.constant 0 : i32
        %dma_wait3A_2116 = tpu.memref_slice %arg25[%dma_wait3A_2114, %dma_wait3A_2115] : memref<10240x32xf32, #tpu.memory_space<vmem_shared>> -> memref<10240x32xf32, #tpu.memory_space<vmem_shared>>
        tpu.wait_indirect_dma semaphore(%arg36 : memref<!tpu.dma_semaphore, #tpu.memory_space<semaphore_mem>>) src(%arg13 : memref<128x32xf32, #tpu.memory_space<vmem>>) dst(%dma_wait3A_2116 : memref<10240x32xf32, #tpu.memory_space<vmem_shared>>)
      } else {
      }
      %add3A_2018 = arith.constant 6 : i32
      %add3A_2019 = arith.addi %add3A_2000, %add3A_2018 : i32
      %lt3A_2020 = arith.constant 80 : i32
      %lt3A_2021 = arith.cmpi slt, %add3A_2019, %lt3A_2020 : i32
      %convert_element_type3A_2022 = arith.extui %lt3A_2021 : i1 to i32
      %cond3A_2023 = arith.constant 0 : i32
      %cond3A_2024 = arith.cmpi ne, %convert_element_type3A_2022, %cond3A_2023 : i32
      scf.if %cond3A_2024 {
        %add3A_2109 = arith.constant 6 : i32
        %add3A_2110 = arith.addi %add3A_2000, %add3A_2109 : i32
        %dma_start3A_2111 = arith.constant 0 : i32
        %dma_start3A_2112 = tpu.memref_slice %arg9[%add3A_2110, %dma_start3A_2111] : memref<80x128xi32, #tpu.memory_space<vmem>> -> memref<1x128xi32, #tpu.memory_space<vmem>>
        %dma_start3A_2113 = tpu.memref_squeeze %dma_start3A_2112 : memref<1x128xi32, #tpu.memory_space<vmem>> -> memref<128xi32, #tpu.memory_space<vmem>>
        %dma_start3A_2114 = arith.constant 0 : i32
        %dma_start3A_2115 = arith.constant 0 : i32
        %dma_start3A_2116 = tpu.memref_slice %arg6[%dma_start3A_2114, %dma_start3A_2115] : memref<10240x32xf32, #tpu.memory_space<hbm>> -> memref<10240x32xf32, #tpu.memory_space<hbm>>
        tpu.enqueue_indirect_dma source(%dma_start3A_2116 : memref<10240x32xf32, #tpu.memory_space<hbm>>) target(%arg13 : memref<128x32xf32, #tpu.memory_space<vmem>>) offsets(%dma_start3A_2113 : memref<128xi32, #tpu.memory_space<vmem>>) semaphore(%arg28 : memref<!tpu.dma_semaphore, #tpu.memory_space<semaphore_mem>>)
      } else {
      }
      %mul3A_2025 = arith.constant 8 : i32
      %mul3A_2026 = arith.muli %mul3A_2025, %scan3A_1886 : i32
      %add3A_2027 = arith.constant 5 : i32
      %add3A_2028 = arith.addi %mul3A_2026, %add3A_2027 : i32
      %dma_wait3A_2029 = arith.constant 0 : i32
      %dma_wait3A_2030 = tpu.memref_slice %arg9[%add3A_2028, %dma_wait3A_2029] : memref<80x128xi32, #tpu.memory_space<vmem>> -> memref<1x128xi32, #tpu.memory_space<vmem>>
      %dma_wait3A_2031 = tpu.memref_squeeze %dma_wait3A_2030 : memref<1x128xi32, #tpu.memory_space<vmem>> -> memref<128xi32, #tpu.memory_space<vmem>>
      %dma_wait3A_2032 = arith.constant 0 : i32
      %dma_wait3A_2033 = arith.constant 0 : i32
      %dma_wait3A_2034 = tpu.memref_slice %arg6[%dma_wait3A_2032, %dma_wait3A_2033] : memref<10240x32xf32, #tpu.memory_space<hbm>> -> memref<10240x32xf32, #tpu.memory_space<hbm>>
      tpu.wait_indirect_dma semaphore(%arg31 : memref<!tpu.dma_semaphore, #tpu.memory_space<semaphore_mem>>) src(%dma_wait3A_2034 : memref<10240x32xf32, #tpu.memory_space<hbm>>) dst(%arg16 : memref<128x32xf32, #tpu.memory_space<vmem>>)
      %dma_start3A_2035 = arith.constant 0 : i32
      %dma_start3A_2036 = tpu.memref_slice %arg10[%add3A_2028, %dma_start3A_2035] : memref<80x128xi32, #tpu.memory_space<vmem>> -> memref<1x128xi32, #tpu.memory_space<vmem>>
      %dma_start3A_2037 = tpu.memref_squeeze %dma_start3A_2036 : memref<1x128xi32, #tpu.memory_space<vmem>> -> memref<128xi32, #tpu.memory_space<vmem>>
      %dma_start3A_2038 = arith.constant 0 : i32
      %dma_start3A_2039 = arith.constant 0 : i32
      %dma_start3A_2040 = tpu.memref_slice %arg25[%dma_start3A_2038, %dma_start3A_2039] : memref<10240x32xf32, #tpu.memory_space<vmem_shared>> -> memref<10240x32xf32, #tpu.memory_space<vmem_shared>>
      tpu.enqueue_indirect_dma source(%arg16 : memref<128x32xf32, #tpu.memory_space<vmem>>) target(%dma_start3A_2040 : memref<10240x32xf32, #tpu.memory_space<vmem_shared>>) offsets(%dma_start3A_2037 : memref<128xi32, #tpu.memory_space<vmem>>) semaphore(%arg39 : memref<!tpu.dma_semaphore, #tpu.memory_space<semaphore_mem>>) {add = true}
      %ge3A_2041 = arith.constant 2 : i32
      %ge3A_2042 = arith.cmpi sge, %add3A_2028, %ge3A_2041 : i32
      %convert_element_type3A_2043 = arith.extui %ge3A_2042 : i1 to i32
      %cond3A_2044 = arith.constant 0 : i32
      %cond3A_2045 = arith.cmpi ne, %convert_element_type3A_2043, %cond3A_2044 : i32
      scf.if %cond3A_2045 {
        %sub3A_2109 = arith.constant 2 : i32
        %sub3A_2110 = arith.subi %add3A_2028, %sub3A_2109 : i32
        %dma_wait3A_2111 = arith.constant 0 : i32
        %dma_wait3A_2112 = tpu.memref_slice %arg10[%sub3A_2110, %dma_wait3A_2111] : memref<80x128xi32, #tpu.memory_space<vmem>> -> memref<1x128xi32, #tpu.memory_space<vmem>>
        %dma_wait3A_2113 = tpu.memref_squeeze %dma_wait3A_2112 : memref<1x128xi32, #tpu.memory_space<vmem>> -> memref<128xi32, #tpu.memory_space<vmem>>
        %dma_wait3A_2114 = arith.constant 0 : i32
        %dma_wait3A_2115 = arith.constant 0 : i32
        %dma_wait3A_2116 = tpu.memref_slice %arg25[%dma_wait3A_2114, %dma_wait3A_2115] : memref<10240x32xf32, #tpu.memory_space<vmem_shared>> -> memref<10240x32xf32, #tpu.memory_space<vmem_shared>>
        tpu.wait_indirect_dma semaphore(%arg37 : memref<!tpu.dma_semaphore, #tpu.memory_space<semaphore_mem>>) src(%arg14 : memref<128x32xf32, #tpu.memory_space<vmem>>) dst(%dma_wait3A_2116 : memref<10240x32xf32, #tpu.memory_space<vmem_shared>>)
      } else {
      }
      %add3A_2046 = arith.constant 6 : i32
      %add3A_2047 = arith.addi %add3A_2028, %add3A_2046 : i32
      %lt3A_2048 = arith.constant 80 : i32
      %lt3A_2049 = arith.cmpi slt, %add3A_2047, %lt3A_2048 : i32
      %convert_element_type3A_2050 = arith.extui %lt3A_2049 : i1 to i32
      %cond3A_2051 = arith.constant 0 : i32
      %cond3A_2052 = arith.cmpi ne, %convert_element_type3A_2050, %cond3A_2051 : i32
      scf.if %cond3A_2052 {
        %add3A_2109 = arith.constant 6 : i32
        %add3A_2110 = arith.addi %add3A_2028, %add3A_2109 : i32
        %dma_start3A_2111 = arith.constant 0 : i32
        %dma_start3A_2112 = tpu.memref_slice %arg9[%add3A_2110, %dma_start3A_2111] : memref<80x128xi32, #tpu.memory_space<vmem>> -> memref<1x128xi32, #tpu.memory_space<vmem>>
        %dma_start3A_2113 = tpu.memref_squeeze %dma_start3A_2112 : memref<1x128xi32, #tpu.memory_space<vmem>> -> memref<128xi32, #tpu.memory_space<vmem>>
        %dma_start3A_2114 = arith.constant 0 : i32
        %dma_start3A_2115 = arith.constant 0 : i32
        %dma_start3A_2116 = tpu.memref_slice %arg6[%dma_start3A_2114, %dma_start3A_2115] : memref<10240x32xf32, #tpu.memory_space<hbm>> -> memref<10240x32xf32, #tpu.memory_space<hbm>>
        tpu.enqueue_indirect_dma source(%dma_start3A_2116 : memref<10240x32xf32, #tpu.memory_space<hbm>>) target(%arg14 : memref<128x32xf32, #tpu.memory_space<vmem>>) offsets(%dma_start3A_2113 : memref<128xi32, #tpu.memory_space<vmem>>) semaphore(%arg29 : memref<!tpu.dma_semaphore, #tpu.memory_space<semaphore_mem>>)
      } else {
      }
      %mul3A_2053 = arith.constant 8 : i32
      %mul3A_2054 = arith.muli %mul3A_2053, %scan3A_1886 : i32
      %add3A_2055 = arith.constant 6 : i32
      %add3A_2056 = arith.addi %mul3A_2054, %add3A_2055 : i32
      %dma_wait3A_2057 = arith.constant 0 : i32
      %dma_wait3A_2058 = tpu.memref_slice %arg9[%add3A_2056, %dma_wait3A_2057] : memref<80x128xi32, #tpu.memory_space<vmem>> -> memref<1x128xi32, #tpu.memory_space<vmem>>
      %dma_wait3A_2059 = tpu.memref_squeeze %dma_wait3A_2058 : memref<1x128xi32, #tpu.memory_space<vmem>> -> memref<128xi32, #tpu.memory_space<vmem>>
      %dma_wait3A_2060 = arith.constant 0 : i32
      %dma_wait3A_2061 = arith.constant 0 : i32
      %dma_wait3A_2062 = tpu.memref_slice %arg6[%dma_wait3A_2060, %dma_wait3A_2061] : memref<10240x32xf32, #tpu.memory_space<hbm>> -> memref<10240x32xf32, #tpu.memory_space<hbm>>
      tpu.wait_indirect_dma semaphore(%arg32 : memref<!tpu.dma_semaphore, #tpu.memory_space<semaphore_mem>>) src(%dma_wait3A_2062 : memref<10240x32xf32, #tpu.memory_space<hbm>>) dst(%arg17 : memref<128x32xf32, #tpu.memory_space<vmem>>)
      %dma_start3A_2063 = arith.constant 0 : i32
      %dma_start3A_2064 = tpu.memref_slice %arg10[%add3A_2056, %dma_start3A_2063] : memref<80x128xi32, #tpu.memory_space<vmem>> -> memref<1x128xi32, #tpu.memory_space<vmem>>
      %dma_start3A_2065 = tpu.memref_squeeze %dma_start3A_2064 : memref<1x128xi32, #tpu.memory_space<vmem>> -> memref<128xi32, #tpu.memory_space<vmem>>
      %dma_start3A_2066 = arith.constant 0 : i32
      %dma_start3A_2067 = arith.constant 0 : i32
      %dma_start3A_2068 = tpu.memref_slice %arg25[%dma_start3A_2066, %dma_start3A_2067] : memref<10240x32xf32, #tpu.memory_space<vmem_shared>> -> memref<10240x32xf32, #tpu.memory_space<vmem_shared>>
      tpu.enqueue_indirect_dma source(%arg17 : memref<128x32xf32, #tpu.memory_space<vmem>>) target(%dma_start3A_2068 : memref<10240x32xf32, #tpu.memory_space<vmem_shared>>) offsets(%dma_start3A_2065 : memref<128xi32, #tpu.memory_space<vmem>>) semaphore(%arg40 : memref<!tpu.dma_semaphore, #tpu.memory_space<semaphore_mem>>) {add = true}
      %ge3A_2069 = arith.constant 2 : i32
      %ge3A_2070 = arith.cmpi sge, %add3A_2056, %ge3A_2069 : i32
      %convert_element_type3A_2071 = arith.extui %ge3A_2070 : i1 to i32
      %cond3A_2072 = arith.constant 0 : i32
      %cond3A_2073 = arith.cmpi ne, %convert_element_type3A_2071, %cond3A_2072 : i32
      scf.if %cond3A_2073 {
        %sub3A_2109 = arith.constant 2 : i32
        %sub3A_2110 = arith.subi %add3A_2056, %sub3A_2109 : i32
        %dma_wait3A_2111 = arith.constant 0 : i32
        %dma_wait3A_2112 = tpu.memref_slice %arg10[%sub3A_2110, %dma_wait3A_2111] : memref<80x128xi32, #tpu.memory_space<vmem>> -> memref<1x128xi32, #tpu.memory_space<vmem>>
        %dma_wait3A_2113 = tpu.memref_squeeze %dma_wait3A_2112 : memref<1x128xi32, #tpu.memory_space<vmem>> -> memref<128xi32, #tpu.memory_space<vmem>>
        %dma_wait3A_2114 = arith.constant 0 : i32
        %dma_wait3A_2115 = arith.constant 0 : i32
        %dma_wait3A_2116 = tpu.memref_slice %arg25[%dma_wait3A_2114, %dma_wait3A_2115] : memref<10240x32xf32, #tpu.memory_space<vmem_shared>> -> memref<10240x32xf32, #tpu.memory_space<vmem_shared>>
        tpu.wait_indirect_dma semaphore(%arg38 : memref<!tpu.dma_semaphore, #tpu.memory_space<semaphore_mem>>) src(%arg15 : memref<128x32xf32, #tpu.memory_space<vmem>>) dst(%dma_wait3A_2116 : memref<10240x32xf32, #tpu.memory_space<vmem_shared>>)
      } else {
      }
      %add3A_2074 = arith.constant 6 : i32
      %add3A_2075 = arith.addi %add3A_2056, %add3A_2074 : i32
      %lt3A_2076 = arith.constant 80 : i32
      %lt3A_2077 = arith.cmpi slt, %add3A_2075, %lt3A_2076 : i32
      %convert_element_type3A_2078 = arith.extui %lt3A_2077 : i1 to i32
      %cond3A_2079 = arith.constant 0 : i32
      %cond3A_2080 = arith.cmpi ne, %convert_element_type3A_2078, %cond3A_2079 : i32
      scf.if %cond3A_2080 {
        %add3A_2109 = arith.constant 6 : i32
        %add3A_2110 = arith.addi %add3A_2056, %add3A_2109 : i32
        %dma_start3A_2111 = arith.constant 0 : i32
        %dma_start3A_2112 = tpu.memref_slice %arg9[%add3A_2110, %dma_start3A_2111] : memref<80x128xi32, #tpu.memory_space<vmem>> -> memref<1x128xi32, #tpu.memory_space<vmem>>
        %dma_start3A_2113 = tpu.memref_squeeze %dma_start3A_2112 : memref<1x128xi32, #tpu.memory_space<vmem>> -> memref<128xi32, #tpu.memory_space<vmem>>
        %dma_start3A_2114 = arith.constant 0 : i32
        %dma_start3A_2115 = arith.constant 0 : i32
        %dma_start3A_2116 = tpu.memref_slice %arg6[%dma_start3A_2114, %dma_start3A_2115] : memref<10240x32xf32, #tpu.memory_space<hbm>> -> memref<10240x32xf32, #tpu.memory_space<hbm>>
        tpu.enqueue_indirect_dma source(%dma_start3A_2116 : memref<10240x32xf32, #tpu.memory_space<hbm>>) target(%arg15 : memref<128x32xf32, #tpu.memory_space<vmem>>) offsets(%dma_start3A_2113 : memref<128xi32, #tpu.memory_space<vmem>>) semaphore(%arg30 : memref<!tpu.dma_semaphore, #tpu.memory_space<semaphore_mem>>)
      } else {
      }
      %mul3A_2081 = arith.constant 8 : i32
      %mul3A_2082 = arith.muli %mul3A_2081, %scan3A_1886 : i32
      %add3A_2083 = arith.constant 7 : i32
      %add3A_2084 = arith.addi %mul3A_2082, %add3A_2083 : i32
      %dma_wait3A_2085 = arith.constant 0 : i32
      %dma_wait3A_2086 = tpu.memref_slice %arg9[%add3A_2084, %dma_wait3A_2085] : memref<80x128xi32, #tpu.memory_space<vmem>> -> memref<1x128xi32, #tpu.memory_space<vmem>>
      %dma_wait3A_2087 = tpu.memref_squeeze %dma_wait3A_2086 : memref<1x128xi32, #tpu.memory_space<vmem>> -> memref<128xi32, #tpu.memory_space<vmem>>
      %dma_wait3A_2088 = arith.constant 0 : i32
      %dma_wait3A_2089 = arith.constant 0 : i32
      %dma_wait3A_2090 = tpu.memref_slice %arg6[%dma_wait3A_2088, %dma_wait3A_2089] : memref<10240x32xf32, #tpu.memory_space<hbm>> -> memref<10240x32xf32, #tpu.memory_space<hbm>>
      tpu.wait_indirect_dma semaphore(%arg33 : memref<!tpu.dma_semaphore, #tpu.memory_space<semaphore_mem>>) src(%dma_wait3A_2090 : memref<10240x32xf32, #tpu.memory_space<hbm>>) dst(%arg18 : memref<128x32xf32, #tpu.memory_space<vmem>>)
      %dma_start3A_2091 = arith.constant 0 : i32
      %dma_start3A_2092 = tpu.memref_slice %arg10[%add3A_2084, %dma_start3A_2091] : memref<80x128xi32, #tpu.memory_space<vmem>> -> memref<1x128xi32, #tpu.memory_space<vmem>>
      %dma_start3A_2093 = tpu.memref_squeeze %dma_start3A_2092 : memref<1x128xi32, #tpu.memory_space<vmem>> -> memref<128xi32, #tpu.memory_space<vmem>>
      %dma_start3A_2094 = arith.constant 0 : i32
      %dma_start3A_2095 = arith.constant 0 : i32
      %dma_start3A_2096 = tpu.memref_slice %arg25[%dma_start3A_2094, %dma_start3A_2095] : memref<10240x32xf32, #tpu.memory_space<vmem_shared>> -> memref<10240x32xf32, #tpu.memory_space<vmem_shared>>
      tpu.enqueue_indirect_dma source(%arg18 : memref<128x32xf32, #tpu.memory_space<vmem>>) target(%dma_start3A_2096 : memref<10240x32xf32, #tpu.memory_space<vmem_shared>>) offsets(%dma_start3A_2093 : memref<128xi32, #tpu.memory_space<vmem>>) semaphore(%arg41 : memref<!tpu.dma_semaphore, #tpu.memory_space<semaphore_mem>>) {add = true}
      %ge3A_2097 = arith.constant 2 : i32
      %ge3A_2098 = arith.cmpi sge, %add3A_2084, %ge3A_2097 : i32
      %convert_element_type3A_2099 = arith.extui %ge3A_2098 : i1 to i32
      %cond3A_2100 = arith.constant 0 : i32
      %cond3A_2101 = arith.cmpi ne, %convert_element_type3A_2099, %cond3A_2100 : i32
      scf.if %cond3A_2101 {
        %sub3A_2109 = arith.constant 2 : i32
        %sub3A_2110 = arith.subi %add3A_2084, %sub3A_2109 : i32
        %dma_wait3A_2111 = arith.constant 0 : i32
        %dma_wait3A_2112 = tpu.memref_slice %arg10[%sub3A_2110, %dma_wait3A_2111] : memref<80x128xi32, #tpu.memory_space<vmem>> -> memref<1x128xi32, #tpu.memory_space<vmem>>
        %dma_wait3A_2113 = tpu.memref_squeeze %dma_wait3A_2112 : memref<1x128xi32, #tpu.memory_space<vmem>> -> memref<128xi32, #tpu.memory_space<vmem>>
        %dma_wait3A_2114 = arith.constant 0 : i32
        %dma_wait3A_2115 = arith.constant 0 : i32
        %dma_wait3A_2116 = tpu.memref_slice %arg25[%dma_wait3A_2114, %dma_wait3A_2115] : memref<10240x32xf32, #tpu.memory_space<vmem_shared>> -> memref<10240x32xf32, #tpu.memory_space<vmem_shared>>
        tpu.wait_indirect_dma semaphore(%arg39 : memref<!tpu.dma_semaphore, #tpu.memory_space<semaphore_mem>>) src(%arg16 : memref<128x32xf32, #tpu.memory_space<vmem>>) dst(%dma_wait3A_2116 : memref<10240x32xf32, #tpu.memory_space<vmem_shared>>)
      } else {
      }
      %add3A_2102 = arith.constant 6 : i32
      %add3A_2103 = arith.addi %add3A_2084, %add3A_2102 : i32
      %lt3A_2104 = arith.constant 80 : i32
      %lt3A_2105 = arith.cmpi slt, %add3A_2103, %lt3A_2104 : i32
      %convert_element_type3A_2106 = arith.extui %lt3A_2105 : i1 to i32
      %cond3A_2107 = arith.constant 0 : i32
      %cond3A_2108 = arith.cmpi ne, %convert_element_type3A_2106, %cond3A_2107 : i32
      scf.if %cond3A_2108 {
        %add3A_2109 = arith.constant 6 : i32
        %add3A_2110 = arith.addi %add3A_2084, %add3A_2109 : i32
        %dma_start3A_2111 = arith.constant 0 : i32
        %dma_start3A_2112 = tpu.memref_slice %arg9[%add3A_2110, %dma_start3A_2111] : memref<80x128xi32, #tpu.memory_space<vmem>> -> memref<1x128xi32, #tpu.memory_space<vmem>>
        %dma_start3A_2113 = tpu.memref_squeeze %dma_start3A_2112 : memref<1x128xi32, #tpu.memory_space<vmem>> -> memref<128xi32, #tpu.memory_space<vmem>>
        %dma_start3A_2114 = arith.constant 0 : i32
        %dma_start3A_2115 = arith.constant 0 : i32
        %dma_start3A_2116 = tpu.memref_slice %arg6[%dma_start3A_2114, %dma_start3A_2115] : memref<10240x32xf32, #tpu.memory_space<hbm>> -> memref<10240x32xf32, #tpu.memory_space<hbm>>
        tpu.enqueue_indirect_dma source(%dma_start3A_2116 : memref<10240x32xf32, #tpu.memory_space<hbm>>) target(%arg16 : memref<128x32xf32, #tpu.memory_space<vmem>>) offsets(%dma_start3A_2113 : memref<128xi32, #tpu.memory_space<vmem>>) semaphore(%arg31 : memref<!tpu.dma_semaphore, #tpu.memory_space<semaphore_mem>>)
      } else {
      }
    }
    %scan3A_1871 = arith.constant 10 : i32
    %dma_wait3A = arith.constant 78 : i32
    %dma_wait3A_1872 = arith.constant 0 : i32
    %dma_wait3A_1873 = tpu.memref_slice %arg10[%dma_wait3A, %dma_wait3A_1872] : memref<80x128xi32, #tpu.memory_space<vmem>> -> memref<1x128xi32, #tpu.memory_space<vmem>>
    %dma_wait3A_1874 = tpu.memref_squeeze %dma_wait3A_1873 : memref<1x128xi32, #tpu.memory_space<vmem>> -> memref<128xi32, #tpu.memory_space<vmem>>
    %dma_wait3A_1875 = arith.constant 0 : i32
    %dma_wait3A_1876 = arith.constant 0 : i32
    %dma_wait3A_1877 = tpu.memref_slice %arg25[%dma_wait3A_1875, %dma_wait3A_1876] : memref<10240x32xf32, #tpu.memory_space<vmem_shared>> -> memref<10240x32xf32, #tpu.memory_space<vmem_shared>>
    tpu.wait_indirect_dma semaphore(%arg40 : memref<!tpu.dma_semaphore, #tpu.memory_space<semaphore_mem>>) src(%arg17 : memref<128x32xf32, #tpu.memory_space<vmem>>) dst(%dma_wait3A_1877 : memref<10240x32xf32, #tpu.memory_space<vmem_shared>>)
    %dma_wait3A_1878 = arith.constant 79 : i32
    %dma_wait3A_1879 = arith.constant 0 : i32
    %dma_wait3A_1880 = tpu.memref_slice %arg10[%dma_wait3A_1878, %dma_wait3A_1879] : memref<80x128xi32, #tpu.memory_space<vmem>> -> memref<1x128xi32, #tpu.memory_space<vmem>>
    %dma_wait3A_1881 = tpu.memref_squeeze %dma_wait3A_1880 : memref<1x128xi32, #tpu.memory_space<vmem>> -> memref<128xi32, #tpu.memory_space<vmem>>
    %dma_wait3A_1882 = arith.constant 0 : i32
    %dma_wait3A_1883 = arith.constant 0 : i32
    %dma_wait3A_1884 = tpu.memref_slice %arg25[%dma_wait3A_1882, %dma_wait3A_1883] : memref<10240x32xf32, #tpu.memory_space<vmem_shared>> -> memref<10240x32xf32, #tpu.memory_space<vmem_shared>>
    tpu.wait_indirect_dma semaphore(%arg41 : memref<!tpu.dma_semaphore, #tpu.memory_space<semaphore_mem>>) src(%arg18 : memref<128x32xf32, #tpu.memory_space<vmem>>) dst(%dma_wait3A_1884 : memref<10240x32xf32, #tpu.memory_space<vmem_shared>>)
    %barrier3A_1885 = arith.constant 0 : index
    tpu.barrier barrier_id(%barrier3A_1885)
    "tpu.region"() ({
      %run_scoped3A_1886 = tpu.sem_alloc : memref<!tpu.dma_semaphore, #tpu.memory_space<semaphore_mem>>
      %dma_start3A_1887 = arith.constant 0 : i32
      %dma_start3A_1888 = tpu.memref_slice %arg5[%arg0, %mul3A_2, %dma_start3A_1887] : memref<2x10240x32xf32, #tpu.memory_space<hbm>> -> memref<1x640x32xf32, #tpu.memory_space<hbm>>
      %dma_start3A_1889 = tpu.memref_squeeze %dma_start3A_1888 : memref<1x640x32xf32, #tpu.memory_space<hbm>> -> memref<640x32xf32, #tpu.memory_space<hbm>>
      %dma_start3A_1890 = arith.constant 0 : i32
      %dma_start3A_1891 = tpu.memref_slice %arg25[%mul3A_2, %dma_start3A_1890] : memref<10240x32xf32, #tpu.memory_space<vmem_shared>> -> memref<640x32xf32, #tpu.memory_space<vmem_shared>>
      tpu.enqueue_dma source(%dma_start3A_1891 : memref<640x32xf32, #tpu.memory_space<vmem_shared>>) target(%dma_start3A_1889 : memref<640x32xf32, #tpu.memory_space<hbm>>) target_semaphore(%run_scoped3A_1886 : memref<!tpu.dma_semaphore, #tpu.memory_space<semaphore_mem>>)
      %dma_wait3A_1892 = arith.constant 0 : i32
      %dma_wait3A_1893 = tpu.memref_slice %arg5[%arg0, %mul3A_2, %dma_wait3A_1892] : memref<2x10240x32xf32, #tpu.memory_space<hbm>> -> memref<1x640x32xf32, #tpu.memory_space<hbm>>
      %dma_wait3A_1894 = tpu.memref_squeeze %dma_wait3A_1893 : memref<1x640x32xf32, #tpu.memory_space<hbm>> -> memref<640x32xf32, #tpu.memory_space<hbm>>
      %dma_wait3A_1895 = arith.constant 0 : i32
      %dma_wait3A_1896 = tpu.memref_slice %arg25[%mul3A_2, %dma_wait3A_1895] : memref<10240x32xf32, #tpu.memory_space<vmem_shared>> -> memref<640x32xf32, #tpu.memory_space<vmem_shared>>
      tpu.wait_dma2 semaphore(%run_scoped3A_1886 : memref<!tpu.dma_semaphore, #tpu.memory_space<semaphore_mem>>) src(%dma_wait3A_1896 : memref<640x32xf32, #tpu.memory_space<vmem_shared>>) dst(%dma_wait3A_1894 : memref<640x32xf32, #tpu.memory_space<hbm>>)
      tpu.yield
    }) : () -> ()
    return
  }
}

module attributes {stable_mosaic.version = 14 : i64} {
  func.func @_k2a_body(%arg0: i32, %arg1: memref<1024x128xf32, #tpu.memory_space<vmem>>, %arg2: memref<128x32xf32, #tpu.memory_space<vmem>>, %arg3: memref<1024x32xf32, #tpu.memory_space<vmem>>) attributes {dimension_semantics = [#tpu.dimension_semantics<arbitrary>], iteration_bounds = array<i64: 10>, scalar_prefetch = 0 : i64, scratch_operands = 0 : i64, tpu.core_type = #tpu.core_type<tc>, window_params = [{transform_indices = @transform_0, window_bounds = array<i64: 1024, 128>}, {pipeline_mode = #tpu.pipeline_mode<synchronous>, transform_indices = @transform_1, window_bounds = array<i64: 128, 32>}, {transform_indices = @transform_2, window_bounds = array<i64: 1024, 32>}]} {
    %get3A = arith.constant 0 : index
    %get3A_0 = arith.constant 0 : index
    %get3A_1 = vector.load %arg1[%get3A, %get3A_0] : memref<1024x128xf32, #tpu.memory_space<vmem>>, vector<1024x128xf32>
    %get3A_2 = arith.constant 0 : index
    %get3A_3 = arith.constant 0 : index
    %get3A_4 = vector.load %arg2[%get3A_2, %get3A_3] : memref<128x32xf32, #tpu.memory_space<vmem>>, vector<128x32xf32>
    %dot_general3A = arith.constant dense<0.000000e+00> : vector<1024x32xf32>
    %dot_general3A_5 = tpu.matmul %get3A_1, %get3A_4, %dot_general3A {dimension_numbers = #tpu.dot_dimension_numbers<[1], [0], [0], [1], [0, 0, 1, 1], [], []>, transpose_lhs_hint = false} : vector<1024x128xf32>, vector<128x32xf32>, vector<1024x32xf32> -> vector<1024x32xf32>
    %swap3A = arith.constant 0 : index
    %swap3A_6 = arith.constant 0 : index
    %swap3A_7 = vector.load %arg3[%swap3A, %swap3A_6] : memref<1024x32xf32, #tpu.memory_space<vmem>>, vector<1024x32xf32>
    tpu.vector_store %arg3[%swap3A, %swap3A_6], %dot_general3A_5 {strides = array<i32>} : memref<1024x32xf32, #tpu.memory_space<vmem>>, vector<1024x32xf32>,
    return
  }
  func.func @transform_0(%arg0: i32) -> (i32, i32) {
    %c0_i32 = arith.constant 0 : i32
    %c0_i32_0 = arith.constant 0 : i32
    return %arg0, %c0_i32 : i32, i32
  }
  func.func @transform_1(%arg0: i32) -> (i32, i32) {
    %c0_i32 = arith.constant 0 : i32
    %c0_i32_0 = arith.constant 0 : i32
    %c0_i32_1 = arith.constant 0 : i32
    return %c0_i32, %c0_i32_0 : i32, i32
  }
  func.func @transform_2(%arg0: i32) -> (i32, i32) {
    %c0_i32 = arith.constant 0 : i32
    %c0_i32_0 = arith.constant 0 : i32
    return %arg0, %c0_i32 : i32, i32
  }
}

module attributes {stable_mosaic.version = 14 : i64} {
  func.func @_k4_body(%arg0: i32, %arg1: memref<2x256x128xf32, #tpu.memory_space<vmem>>, %arg2: memref<256x128xf32, #tpu.memory_space<vmem>>, %arg3: memref<256x128xf32, #tpu.memory_space<vmem>>, %arg4: memref<1x128xf32, #tpu.memory_space<vmem>>, %arg5: memref<128x32xf32, #tpu.memory_space<vmem>>, %arg6: memref<256x32xf32, #tpu.memory_space<vmem>>) attributes {dimension_semantics = [#tpu.dimension_semantics<arbitrary>], iteration_bounds = array<i64: 10>, scalar_prefetch = 0 : i64, scratch_operands = 0 : i64, tpu.core_type = #tpu.core_type<tc>, window_params = [{transform_indices = @transform_0, window_bounds = array<i64: 2, 256, 128>}, {transform_indices = @transform_1, window_bounds = array<i64: 256, 128>}, {transform_indices = @transform_2, window_bounds = array<i64: 256, 128>}, {pipeline_mode = #tpu.pipeline_mode<synchronous>, transform_indices = @transform_3, window_bounds = array<i64: 1, 128>}, {pipeline_mode = #tpu.pipeline_mode<synchronous>, transform_indices = @transform_4, window_bounds = array<i64: 128, 32>}, {transform_indices = @transform_5, window_bounds = array<i64: 256, 32>}]} {
    %get3A = arith.constant 0 : index
    %get3A_0 = arith.constant 0 : index
    %get3A_1 = vector.load %arg3[%get3A, %get3A_0] : memref<256x128xf32, #tpu.memory_space<vmem>>, vector<256x128xf32>
    %get3A_2 = arith.constant 0 : index
    %get3A_3 = arith.constant 0 : index
    %get3A_4 = arith.constant 0 : index
    %get3A_5 = vector.load %arg1[%get3A_2, %get3A_3, %get3A_4] : memref<2x256x128xf32, #tpu.memory_space<vmem>>, vector<1x256x128xf32>
    %get3A_6 = vector.shape_cast %get3A_5 : vector<1x256x128xf32> to vector<256x128xf32>
    %get3A_7 = arith.constant 1 : index
    %get3A_8 = arith.constant 0 : index
    %get3A_9 = arith.constant 0 : index
    %get3A_10 = vector.load %arg1[%get3A_7, %get3A_8, %get3A_9] : memref<2x256x128xf32, #tpu.memory_space<vmem>>, vector<1x256x128xf32>
    %get3A_11 = vector.shape_cast %get3A_10 : vector<1x256x128xf32> to vector<256x128xf32>
    %add3A = arith.addf %get3A_6, %get3A_11 : vector<256x128xf32>
    %get3A_12 = arith.constant 0 : index
    %get3A_13 = arith.constant 0 : index
    %get3A_14 = vector.load %arg2[%get3A_12, %get3A_13] : memref<256x128xf32, #tpu.memory_space<vmem>>, vector<256x128xf32>
    %add3A_15 = arith.addf %add3A, %get3A_14 : vector<256x128xf32>
    %mul3A = arith.mulf %add3A_15, %get3A_1 : vector<256x128xf32>
    %get3A_16 = arith.constant 0 : index
    %get3A_17 = arith.constant 0 : index
    %get3A_18 = vector.load %arg4[%get3A_16, %get3A_17] : memref<1x128xf32, #tpu.memory_space<vmem>>, vector<1x128xf32>
    %add3A_19 = vector.broadcast %get3A_18 : vector<1x128xf32> to vector<256x128xf32>
    %add3A_20 = arith.addf %mul3A, %add3A_19 : vector<256x128xf32>
    %max3A = arith.constant 0.000000e+00 : f32
    %max3A_21 = vector.broadcast %max3A : f32 to vector<256x128xf32>
    %max3A_22 = arith.maximumf %add3A_20, %max3A_21 : vector<256x128xf32>
    %mul3A_23 = arith.mulf %max3A_22, %get3A_1 : vector<256x128xf32>
    %get3A_24 = arith.constant 0 : index
    %get3A_25 = arith.constant 0 : index
    %get3A_26 = vector.load %arg5[%get3A_24, %get3A_25] : memref<128x32xf32, #tpu.memory_space<vmem>>, vector<128x32xf32>
    %dot_general3A = arith.constant dense<0.000000e+00> : vector<256x32xf32>
    %dot_general3A_27 = tpu.matmul %mul3A_23, %get3A_26, %dot_general3A {dimension_numbers = #tpu.dot_dimension_numbers<[1], [0], [0], [1], [0, 0, 1, 1], [], []>, transpose_lhs_hint = false} : vector<256x128xf32>, vector<128x32xf32>, vector<256x32xf32> -> vector<256x32xf32>
    %swap3A = arith.constant 0 : index
    %swap3A_28 = arith.constant 0 : index
    %swap3A_29 = vector.load %arg6[%swap3A, %swap3A_28] : memref<256x32xf32, #tpu.memory_space<vmem>>, vector<256x32xf32>
    tpu.vector_store %arg6[%swap3A, %swap3A_28], %dot_general3A_27 {strides = array<i32>} : memref<256x32xf32, #tpu.memory_space<vmem>>, vector<256x32xf32>,
    return
  }
  func.func @transform_0(%arg0: i32) -> (i32, i32, i32) {
    %c0_i32 = arith.constant 0 : i32
    %c0_i32_0 = arith.constant 0 : i32
    %c0_i32_1 = arith.constant 0 : i32
    return %c0_i32, %arg0, %c0_i32_0 : i32, i32, i32
  }
  func.func @transform_1(%arg0: i32) -> (i32, i32) {
    %c0_i32 = arith.constant 0 : i32
    %c0_i32_0 = arith.constant 0 : i32
    return %arg0, %c0_i32 : i32, i32
  }
  func.func @transform_2(%arg0: i32) -> (i32, i32) {
    %c0_i32 = arith.constant 0 : i32
    %c0_i32_0 = arith.constant 0 : i32
    return %arg0, %c0_i32 : i32, i32
  }
  func.func @transform_3(%arg0: i32) -> (i32, i32) {
    %c0_i32 = arith.constant 0 : i32
    %c0_i32_0 = arith.constant 0 : i32
    %c0_i32_1 = arith.constant 0 : i32
    return %c0_i32, %c0_i32_0 : i32, i32
  }
  func.func @transform_4(%arg0: i32) -> (i32, i32) {
    %c0_i32 = arith.constant 0 : i32
    %c0_i32_0 = arith.constant 0 : i32
    %c0_i32_1 = arith.constant 0 : i32
    return %c0_i32, %c0_i32_0 : i32, i32
  }
  func.func @transform_5(%arg0: i32) -> (i32, i32) {
    %c0_i32 = arith.constant 0 : i32
    %c0_i32_0 = arith.constant 0 : i32
    return %arg0, %c0_i32 : i32, i32
  }
}

module attributes {stable_mosaic.version = 14 : i64} {
  func.func @_k6_body(%arg0: i32, %arg1: memref<2x64x128xf32, #tpu.memory_space<vmem>>, %arg2: memref<64x128xf32, #tpu.memory_space<vmem>>, %arg3: memref<64x128xf32, #tpu.memory_space<vmem>>, %arg4: memref<1x128xf32, #tpu.memory_space<vmem>>, %arg5: memref<64x128xf32, #tpu.memory_space<vmem>>) attributes {dimension_semantics = [#tpu.dimension_semantics<arbitrary>], iteration_bounds = array<i64: 10>, scalar_prefetch = 0 : i64, scratch_operands = 0 : i64, tpu.core_type = #tpu.core_type<tc>, window_params = [{transform_indices = @transform_0, window_bounds = array<i64: 2, 64, 128>}, {transform_indices = @transform_1, window_bounds = array<i64: 64, 128>}, {transform_indices = @transform_2, window_bounds = array<i64: 64, 128>}, {pipeline_mode = #tpu.pipeline_mode<synchronous>, transform_indices = @transform_3, window_bounds = array<i64: 1, 128>}, {transform_indices = @transform_4, window_bounds = array<i64: 64, 128>}]} {
    %get3A = arith.constant 0 : index
    %get3A_0 = arith.constant 0 : index
    %get3A_1 = arith.constant 0 : index
    %get3A_2 = vector.load %arg1[%get3A, %get3A_0, %get3A_1] : memref<2x64x128xf32, #tpu.memory_space<vmem>>, vector<1x64x128xf32>
    %get3A_3 = vector.shape_cast %get3A_2 : vector<1x64x128xf32> to vector<64x128xf32>
    %get3A_4 = arith.constant 1 : index
    %get3A_5 = arith.constant 0 : index
    %get3A_6 = arith.constant 0 : index
    %get3A_7 = vector.load %arg1[%get3A_4, %get3A_5, %get3A_6] : memref<2x64x128xf32, #tpu.memory_space<vmem>>, vector<1x64x128xf32>
    %get3A_8 = vector.shape_cast %get3A_7 : vector<1x64x128xf32> to vector<64x128xf32>
    %add3A = arith.addf %get3A_3, %get3A_8 : vector<64x128xf32>
    %get3A_9 = arith.constant 0 : index
    %get3A_10 = arith.constant 0 : index
    %get3A_11 = vector.load %arg2[%get3A_9, %get3A_10] : memref<64x128xf32, #tpu.memory_space<vmem>>, vector<64x128xf32>
    %add3A_12 = arith.addf %add3A, %get3A_11 : vector<64x128xf32>
    %get3A_13 = arith.constant 0 : index
    %get3A_14 = arith.constant 0 : index
    %get3A_15 = vector.load %arg3[%get3A_13, %get3A_14] : memref<64x128xf32, #tpu.memory_space<vmem>>, vector<64x128xf32>
    %mul3A = arith.mulf %add3A_12, %get3A_15 : vector<64x128xf32>
    %get3A_16 = arith.constant 0 : index
    %get3A_17 = arith.constant 0 : index
    %get3A_18 = vector.load %arg4[%get3A_16, %get3A_17] : memref<1x128xf32, #tpu.memory_space<vmem>>, vector<1x128xf32>
    %add3A_19 = vector.broadcast %get3A_18 : vector<1x128xf32> to vector<64x128xf32>
    %add3A_20 = arith.addf %mul3A, %add3A_19 : vector<64x128xf32>
    %slice3A = vector.extract_strided_slice %add3A_20 {offsets = [0, 0], sizes = [64, 8], strides = [1, 1]} : vector<64x128xf32> to vector<64x8xf32>
    %reduce_max3A = arith.constant dense<0xFF800000> : vector<64xf32>
    %reduce_max3A_21 = vector.multi_reduction <maximumf>, %slice3A, %reduce_max3A [1] : vector<64x8xf32> to vector<64xf32>
    %broadcast_in_dim3A = vector.shape_cast %reduce_max3A_21 : vector<64xf32> to vector<64x1xf32>
    %sub3A = vector.broadcast %broadcast_in_dim3A : vector<64x1xf32> to vector<64x8xf32>
    %sub3A_22 = arith.subf %slice3A, %sub3A : vector<64x8xf32>
    %exp3A = math.exp %sub3A_22 : vector<64x8xf32>
    %reduce_sum3A = arith.constant dense<0.000000e+00> : vector<64xf32>
    %reduce_sum3A_23 = vector.multi_reduction <add>, %exp3A, %reduce_sum3A [1] : vector<64x8xf32> to vector<64xf32>
    %broadcast_in_dim3A_24 = vector.shape_cast %reduce_sum3A_23 : vector<64xf32> to vector<64x1xf32>
    %div3A = vector.broadcast %broadcast_in_dim3A_24 : vector<64x1xf32> to vector<64x8xf32>
    %div3A_25 = arith.divf %exp3A, %div3A : vector<64x8xf32>
    %swap3A = arith.constant 0 : index
    %swap3A_26 = arith.constant 0 : index
    %swap3A_27 = vector.load %arg5[%swap3A, %swap3A_26] : memref<64x128xf32, #tpu.memory_space<vmem>>, vector<64x8xf32>
    tpu.vector_store %arg5[%swap3A, %swap3A_26], %div3A_25 {strides = array<i32>} : memref<64x128xf32, #tpu.memory_space<vmem>>, vector<64x8xf32>,
    %slice3A_28 = vector.extract_strided_slice %add3A_20 {offsets = [0, 8], sizes = [64, 8], strides = [1, 1]} : vector<64x128xf32> to vector<64x8xf32>
    %reduce_max3A_29 = arith.constant dense<0xFF800000> : vector<64xf32>
    %reduce_max3A_30 = vector.multi_reduction <maximumf>, %slice3A_28, %reduce_max3A_29 [1] : vector<64x8xf32> to vector<64xf32>
    %broadcast_in_dim3A_31 = vector.shape_cast %reduce_max3A_30 : vector<64xf32> to vector<64x1xf32>
    %sub3A_32 = vector.broadcast %broadcast_in_dim3A_31 : vector<64x1xf32> to vector<64x8xf32>
    %sub3A_33 = arith.subf %slice3A_28, %sub3A_32 : vector<64x8xf32>
    %exp3A_34 = math.exp %sub3A_33 : vector<64x8xf32>
    %reduce_sum3A_35 = arith.constant dense<0.000000e+00> : vector<64xf32>
    %reduce_sum3A_36 = vector.multi_reduction <add>, %exp3A_34, %reduce_sum3A_35 [1] : vector<64x8xf32> to vector<64xf32>
    %broadcast_in_dim3A_37 = vector.shape_cast %reduce_sum3A_36 : vector<64xf32> to vector<64x1xf32>
    %div3A_38 = vector.broadcast %broadcast_in_dim3A_37 : vector<64x1xf32> to vector<64x8xf32>
    %div3A_39 = arith.divf %exp3A_34, %div3A_38 : vector<64x8xf32>
    %swap3A_40 = arith.constant 0 : index
    %swap3A_41 = arith.constant 8 : index
    %swap3A_42 = vector.load %arg5[%swap3A_40, %swap3A_41] : memref<64x128xf32, #tpu.memory_space<vmem>>, vector<64x8xf32>
    tpu.vector_store %arg5[%swap3A_40, %swap3A_41], %div3A_39 {strides = array<i32>} : memref<64x128xf32, #tpu.memory_space<vmem>>, vector<64x8xf32>,
    %slice3A_43 = vector.extract_strided_slice %add3A_20 {offsets = [0, 16], sizes = [64, 8], strides = [1, 1]} : vector<64x128xf32> to vector<64x8xf32>
    %reduce_max3A_44 = arith.constant dense<0xFF800000> : vector<64xf32>
    %reduce_max3A_45 = vector.multi_reduction <maximumf>, %slice3A_43, %reduce_max3A_44 [1] : vector<64x8xf32> to vector<64xf32>
    %broadcast_in_dim3A_46 = vector.shape_cast %reduce_max3A_45 : vector<64xf32> to vector<64x1xf32>
    %sub3A_47 = vector.broadcast %broadcast_in_dim3A_46 : vector<64x1xf32> to vector<64x8xf32>
    %sub3A_48 = arith.subf %slice3A_43, %sub3A_47 : vector<64x8xf32>
    %exp3A_49 = math.exp %sub3A_48 : vector<64x8xf32>
    %reduce_sum3A_50 = arith.constant dense<0.000000e+00> : vector<64xf32>
    %reduce_sum3A_51 = vector.multi_reduction <add>, %exp3A_49, %reduce_sum3A_50 [1] : vector<64x8xf32> to vector<64xf32>
    %broadcast_in_dim3A_52 = vector.shape_cast %reduce_sum3A_51 : vector<64xf32> to vector<64x1xf32>
    %div3A_53 = vector.broadcast %broadcast_in_dim3A_52 : vector<64x1xf32> to vector<64x8xf32>
    %div3A_54 = arith.divf %exp3A_49, %div3A_53 : vector<64x8xf32>
    %swap3A_55 = arith.constant 0 : index
    %swap3A_56 = arith.constant 16 : index
    %swap3A_57 = vector.load %arg5[%swap3A_55, %swap3A_56] : memref<64x128xf32, #tpu.memory_space<vmem>>, vector<64x8xf32>
    tpu.vector_store %arg5[%swap3A_55, %swap3A_56], %div3A_54 {strides = array<i32>} : memref<64x128xf32, #tpu.memory_space<vmem>>, vector<64x8xf32>,
    %slice3A_58 = vector.extract_strided_slice %add3A_20 {offsets = [0, 24], sizes = [64, 8], strides = [1, 1]} : vector<64x128xf32> to vector<64x8xf32>
    %reduce_max3A_59 = arith.constant dense<0xFF800000> : vector<64xf32>
    %reduce_max3A_60 = vector.multi_reduction <maximumf>, %slice3A_58, %reduce_max3A_59 [1] : vector<64x8xf32> to vector<64xf32>
    %broadcast_in_dim3A_61 = vector.shape_cast %reduce_max3A_60 : vector<64xf32> to vector<64x1xf32>
    %sub3A_62 = vector.broadcast %broadcast_in_dim3A_61 : vector<64x1xf32> to vector<64x8xf32>
    %sub3A_63 = arith.subf %slice3A_58, %sub3A_62 : vector<64x8xf32>
    %exp3A_64 = math.exp %sub3A_63 : vector<64x8xf32>
    %reduce_sum3A_65 = arith.constant dense<0.000000e+00> : vector<64xf32>
    %reduce_sum3A_66 = vector.multi_reduction <add>, %exp3A_64, %reduce_sum3A_65 [1] : vector<64x8xf32> to vector<64xf32>
    %broadcast_in_dim3A_67 = vector.shape_cast %reduce_sum3A_66 : vector<64xf32> to vector<64x1xf32>
    %div3A_68 = vector.broadcast %broadcast_in_dim3A_67 : vector<64x1xf32> to vector<64x8xf32>
    %div3A_69 = arith.divf %exp3A_64, %div3A_68 : vector<64x8xf32>
    %swap3A_70 = arith.constant 0 : index
    %swap3A_71 = arith.constant 24 : index
    %swap3A_72 = vector.load %arg5[%swap3A_70, %swap3A_71] : memref<64x128xf32, #tpu.memory_space<vmem>>, vector<64x8xf32>
    tpu.vector_store %arg5[%swap3A_70, %swap3A_71], %div3A_69 {strides = array<i32>} : memref<64x128xf32, #tpu.memory_space<vmem>>, vector<64x8xf32>,
    %slice3A_73 = vector.extract_strided_slice %add3A_20 {offsets = [0, 32], sizes = [64, 8], strides = [1, 1]} : vector<64x128xf32> to vector<64x8xf32>
    %reduce_max3A_74 = arith.constant dense<0xFF800000> : vector<64xf32>
    %reduce_max3A_75 = vector.multi_reduction <maximumf>, %slice3A_73, %reduce_max3A_74 [1] : vector<64x8xf32> to vector<64xf32>
    %broadcast_in_dim3A_76 = vector.shape_cast %reduce_max3A_75 : vector<64xf32> to vector<64x1xf32>
    %sub3A_77 = vector.broadcast %broadcast_in_dim3A_76 : vector<64x1xf32> to vector<64x8xf32>
    %sub3A_78 = arith.subf %slice3A_73, %sub3A_77 : vector<64x8xf32>
    %exp3A_79 = math.exp %sub3A_78 : vector<64x8xf32>
    %reduce_sum3A_80 = arith.constant dense<0.000000e+00> : vector<64xf32>
    %reduce_sum3A_81 = vector.multi_reduction <add>, %exp3A_79, %reduce_sum3A_80 [1] : vector<64x8xf32> to vector<64xf32>
    %broadcast_in_dim3A_82 = vector.shape_cast %reduce_sum3A_81 : vector<64xf32> to vector<64x1xf32>
    %div3A_83 = vector.broadcast %broadcast_in_dim3A_82 : vector<64x1xf32> to vector<64x8xf32>
    %div3A_84 = arith.divf %exp3A_79, %div3A_83 : vector<64x8xf32>
    %swap3A_85 = arith.constant 0 : index
    %swap3A_86 = arith.constant 32 : index
    %swap3A_87 = vector.load %arg5[%swap3A_85, %swap3A_86] : memref<64x128xf32, #tpu.memory_space<vmem>>, vector<64x8xf32>
    tpu.vector_store %arg5[%swap3A_85, %swap3A_86], %div3A_84 {strides = array<i32>} : memref<64x128xf32, #tpu.memory_space<vmem>>, vector<64x8xf32>,
    %slice3A_88 = vector.extract_strided_slice %add3A_20 {offsets = [0, 40], sizes = [64, 8], strides = [1, 1]} : vector<64x128xf32> to vector<64x8xf32>
    %reduce_max3A_89 = arith.constant dense<0xFF800000> : vector<64xf32>
    %reduce_max3A_90 = vector.multi_reduction <maximumf>, %slice3A_88, %reduce_max3A_89 [1] : vector<64x8xf32> to vector<64xf32>
    %broadcast_in_dim3A_91 = vector.shape_cast %reduce_max3A_90 : vector<64xf32> to vector<64x1xf32>
    %sub3A_92 = vector.broadcast %broadcast_in_dim3A_91 : vector<64x1xf32> to vector<64x8xf32>
    %sub3A_93 = arith.subf %slice3A_88, %sub3A_92 : vector<64x8xf32>
    %exp3A_94 = math.exp %sub3A_93 : vector<64x8xf32>
    %reduce_sum3A_95 = arith.constant dense<0.000000e+00> : vector<64xf32>
    %reduce_sum3A_96 = vector.multi_reduction <add>, %exp3A_94, %reduce_sum3A_95 [1] : vector<64x8xf32> to vector<64xf32>
    %broadcast_in_dim3A_97 = vector.shape_cast %reduce_sum3A_96 : vector<64xf32> to vector<64x1xf32>
    %div3A_98 = vector.broadcast %broadcast_in_dim3A_97 : vector<64x1xf32> to vector<64x8xf32>
    %div3A_99 = arith.divf %exp3A_94, %div3A_98 : vector<64x8xf32>
    %swap3A_100 = arith.constant 0 : index
    %swap3A_101 = arith.constant 40 : index
    %swap3A_102 = vector.load %arg5[%swap3A_100, %swap3A_101] : memref<64x128xf32, #tpu.memory_space<vmem>>, vector<64x8xf32>
    tpu.vector_store %arg5[%swap3A_100, %swap3A_101], %div3A_99 {strides = array<i32>} : memref<64x128xf32, #tpu.memory_space<vmem>>, vector<64x8xf32>,
    %slice3A_103 = vector.extract_strided_slice %add3A_20 {offsets = [0, 48], sizes = [64, 8], strides = [1, 1]} : vector<64x128xf32> to vector<64x8xf32>
    %reduce_max3A_104 = arith.constant dense<0xFF800000> : vector<64xf32>
    %reduce_max3A_105 = vector.multi_reduction <maximumf>, %slice3A_103, %reduce_max3A_104 [1] : vector<64x8xf32> to vector<64xf32>
    %broadcast_in_dim3A_106 = vector.shape_cast %reduce_max3A_105 : vector<64xf32> to vector<64x1xf32>
    %sub3A_107 = vector.broadcast %broadcast_in_dim3A_106 : vector<64x1xf32> to vector<64x8xf32>
    %sub3A_108 = arith.subf %slice3A_103, %sub3A_107 : vector<64x8xf32>
    %exp3A_109 = math.exp %sub3A_108 : vector<64x8xf32>
    %reduce_sum3A_110 = arith.constant dense<0.000000e+00> : vector<64xf32>
    %reduce_sum3A_111 = vector.multi_reduction <add>, %exp3A_109, %reduce_sum3A_110 [1] : vector<64x8xf32> to vector<64xf32>
    %broadcast_in_dim3A_112 = vector.shape_cast %reduce_sum3A_111 : vector<64xf32> to vector<64x1xf32>
    %div3A_113 = vector.broadcast %broadcast_in_dim3A_112 : vector<64x1xf32> to vector<64x8xf32>
    %div3A_114 = arith.divf %exp3A_109, %div3A_113 : vector<64x8xf32>
    %swap3A_115 = arith.constant 0 : index
    %swap3A_116 = arith.constant 48 : index
    %swap3A_117 = vector.load %arg5[%swap3A_115, %swap3A_116] : memref<64x128xf32, #tpu.memory_space<vmem>>, vector<64x8xf32>
    tpu.vector_store %arg5[%swap3A_115, %swap3A_116], %div3A_114 {strides = array<i32>} : memref<64x128xf32, #tpu.memory_space<vmem>>, vector<64x8xf32>,
    %slice3A_118 = vector.extract_strided_slice %add3A_20 {offsets = [0, 56], sizes = [64, 8], strides = [1, 1]} : vector<64x128xf32> to vector<64x8xf32>
    %reduce_max3A_119 = arith.constant dense<0xFF800000> : vector<64xf32>
    %reduce_max3A_120 = vector.multi_reduction <maximumf>, %slice3A_118, %reduce_max3A_119 [1] : vector<64x8xf32> to vector<64xf32>
    %broadcast_in_dim3A_121 = vector.shape_cast %reduce_max3A_120 : vector<64xf32> to vector<64x1xf32>
    %sub3A_122 = vector.broadcast %broadcast_in_dim3A_121 : vector<64x1xf32> to vector<64x8xf32>
    %sub3A_123 = arith.subf %slice3A_118, %sub3A_122 : vector<64x8xf32>
    %exp3A_124 = math.exp %sub3A_123 : vector<64x8xf32>
    %reduce_sum3A_125 = arith.constant dense<0.000000e+00> : vector<64xf32>
    %reduce_sum3A_126 = vector.multi_reduction <add>, %exp3A_124, %reduce_sum3A_125 [1] : vector<64x8xf32> to vector<64xf32>
    %broadcast_in_dim3A_127 = vector.shape_cast %reduce_sum3A_126 : vector<64xf32> to vector<64x1xf32>
    %div3A_128 = vector.broadcast %broadcast_in_dim3A_127 : vector<64x1xf32> to vector<64x8xf32>
    %div3A_129 = arith.divf %exp3A_124, %div3A_128 : vector<64x8xf32>
    %swap3A_130 = arith.constant 0 : index
    %swap3A_131 = arith.constant 56 : index
    %swap3A_132 = vector.load %arg5[%swap3A_130, %swap3A_131] : memref<64x128xf32, #tpu.memory_space<vmem>>, vector<64x8xf32>
    tpu.vector_store %arg5[%swap3A_130, %swap3A_131], %div3A_129 {strides = array<i32>} : memref<64x128xf32, #tpu.memory_space<vmem>>, vector<64x8xf32>,
    %slice3A_133 = vector.extract_strided_slice %add3A_20 {offsets = [0, 64], sizes = [64, 8], strides = [1, 1]} : vector<64x128xf32> to vector<64x8xf32>
    %reduce_max3A_134 = arith.constant dense<0xFF800000> : vector<64xf32>
    %reduce_max3A_135 = vector.multi_reduction <maximumf>, %slice3A_133, %reduce_max3A_134 [1] : vector<64x8xf32> to vector<64xf32>
    %broadcast_in_dim3A_136 = vector.shape_cast %reduce_max3A_135 : vector<64xf32> to vector<64x1xf32>
    %sub3A_137 = vector.broadcast %broadcast_in_dim3A_136 : vector<64x1xf32> to vector<64x8xf32>
    %sub3A_138 = arith.subf %slice3A_133, %sub3A_137 : vector<64x8xf32>
    %exp3A_139 = math.exp %sub3A_138 : vector<64x8xf32>
    %reduce_sum3A_140 = arith.constant dense<0.000000e+00> : vector<64xf32>
    %reduce_sum3A_141 = vector.multi_reduction <add>, %exp3A_139, %reduce_sum3A_140 [1] : vector<64x8xf32> to vector<64xf32>
    %broadcast_in_dim3A_142 = vector.shape_cast %reduce_sum3A_141 : vector<64xf32> to vector<64x1xf32>
    %div3A_143 = vector.broadcast %broadcast_in_dim3A_142 : vector<64x1xf32> to vector<64x8xf32>
    %div3A_144 = arith.divf %exp3A_139, %div3A_143 : vector<64x8xf32>
    %swap3A_145 = arith.constant 0 : index
    %swap3A_146 = arith.constant 64 : index
    %swap3A_147 = vector.load %arg5[%swap3A_145, %swap3A_146] : memref<64x128xf32, #tpu.memory_space<vmem>>, vector<64x8xf32>
    tpu.vector_store %arg5[%swap3A_145, %swap3A_146], %div3A_144 {strides = array<i32>} : memref<64x128xf32, #tpu.memory_space<vmem>>, vector<64x8xf32>,
    %slice3A_148 = vector.extract_strided_slice %add3A_20 {offsets = [0, 72], sizes = [64, 8], strides = [1, 1]} : vector<64x128xf32> to vector<64x8xf32>
    %reduce_max3A_149 = arith.constant dense<0xFF800000> : vector<64xf32>
    %reduce_max3A_150 = vector.multi_reduction <maximumf>, %slice3A_148, %reduce_max3A_149 [1] : vector<64x8xf32> to vector<64xf32>
    %broadcast_in_dim3A_151 = vector.shape_cast %reduce_max3A_150 : vector<64xf32> to vector<64x1xf32>
    %sub3A_152 = vector.broadcast %broadcast_in_dim3A_151 : vector<64x1xf32> to vector<64x8xf32>
    %sub3A_153 = arith.subf %slice3A_148, %sub3A_152 : vector<64x8xf32>
    %exp3A_154 = math.exp %sub3A_153 : vector<64x8xf32>
    %reduce_sum3A_155 = arith.constant dense<0.000000e+00> : vector<64xf32>
    %reduce_sum3A_156 = vector.multi_reduction <add>, %exp3A_154, %reduce_sum3A_155 [1] : vector<64x8xf32> to vector<64xf32>
    %broadcast_in_dim3A_157 = vector.shape_cast %reduce_sum3A_156 : vector<64xf32> to vector<64x1xf32>
    %div3A_158 = vector.broadcast %broadcast_in_dim3A_157 : vector<64x1xf32> to vector<64x8xf32>
    %div3A_159 = arith.divf %exp3A_154, %div3A_158 : vector<64x8xf32>
    %swap3A_160 = arith.constant 0 : index
    %swap3A_161 = arith.constant 72 : index
    %swap3A_162 = vector.load %arg5[%swap3A_160, %swap3A_161] : memref<64x128xf32, #tpu.memory_space<vmem>>, vector<64x8xf32>
    tpu.vector_store %arg5[%swap3A_160, %swap3A_161], %div3A_159 {strides = array<i32>} : memref<64x128xf32, #tpu.memory_space<vmem>>, vector<64x8xf32>,
    %slice3A_163 = vector.extract_strided_slice %add3A_20 {offsets = [0, 80], sizes = [64, 8], strides = [1, 1]} : vector<64x128xf32> to vector<64x8xf32>
    %reduce_max3A_164 = arith.constant dense<0xFF800000> : vector<64xf32>
    %reduce_max3A_165 = vector.multi_reduction <maximumf>, %slice3A_163, %reduce_max3A_164 [1] : vector<64x8xf32> to vector<64xf32>
    %broadcast_in_dim3A_166 = vector.shape_cast %reduce_max3A_165 : vector<64xf32> to vector<64x1xf32>
    %sub3A_167 = vector.broadcast %broadcast_in_dim3A_166 : vector<64x1xf32> to vector<64x8xf32>
    %sub3A_168 = arith.subf %slice3A_163, %sub3A_167 : vector<64x8xf32>
    %exp3A_169 = math.exp %sub3A_168 : vector<64x8xf32>
    %reduce_sum3A_170 = arith.constant dense<0.000000e+00> : vector<64xf32>
    %reduce_sum3A_171 = vector.multi_reduction <add>, %exp3A_169, %reduce_sum3A_170 [1] : vector<64x8xf32> to vector<64xf32>
    %broadcast_in_dim3A_172 = vector.shape_cast %reduce_sum3A_171 : vector<64xf32> to vector<64x1xf32>
    %div3A_173 = vector.broadcast %broadcast_in_dim3A_172 : vector<64x1xf32> to vector<64x8xf32>
    %div3A_174 = arith.divf %exp3A_169, %div3A_173 : vector<64x8xf32>
    %swap3A_175 = arith.constant 0 : index
    %swap3A_176 = arith.constant 80 : index
    %swap3A_177 = vector.load %arg5[%swap3A_175, %swap3A_176] : memref<64x128xf32, #tpu.memory_space<vmem>>, vector<64x8xf32>
    tpu.vector_store %arg5[%swap3A_175, %swap3A_176], %div3A_174 {strides = array<i32>} : memref<64x128xf32, #tpu.memory_space<vmem>>, vector<64x8xf32>,
    %slice3A_178 = vector.extract_strided_slice %add3A_20 {offsets = [0, 88], sizes = [64, 8], strides = [1, 1]} : vector<64x128xf32> to vector<64x8xf32>
    %reduce_max3A_179 = arith.constant dense<0xFF800000> : vector<64xf32>
    %reduce_max3A_180 = vector.multi_reduction <maximumf>, %slice3A_178, %reduce_max3A_179 [1] : vector<64x8xf32> to vector<64xf32>
    %broadcast_in_dim3A_181 = vector.shape_cast %reduce_max3A_180 : vector<64xf32> to vector<64x1xf32>
    %sub3A_182 = vector.broadcast %broadcast_in_dim3A_181 : vector<64x1xf32> to vector<64x8xf32>
    %sub3A_183 = arith.subf %slice3A_178, %sub3A_182 : vector<64x8xf32>
    %exp3A_184 = math.exp %sub3A_183 : vector<64x8xf32>
    %reduce_sum3A_185 = arith.constant dense<0.000000e+00> : vector<64xf32>
    %reduce_sum3A_186 = vector.multi_reduction <add>, %exp3A_184, %reduce_sum3A_185 [1] : vector<64x8xf32> to vector<64xf32>
    %broadcast_in_dim3A_187 = vector.shape_cast %reduce_sum3A_186 : vector<64xf32> to vector<64x1xf32>
    %div3A_188 = vector.broadcast %broadcast_in_dim3A_187 : vector<64x1xf32> to vector<64x8xf32>
    %div3A_189 = arith.divf %exp3A_184, %div3A_188 : vector<64x8xf32>
    %swap3A_190 = arith.constant 0 : index
    %swap3A_191 = arith.constant 88 : index
    %swap3A_192 = vector.load %arg5[%swap3A_190, %swap3A_191] : memref<64x128xf32, #tpu.memory_space<vmem>>, vector<64x8xf32>
    tpu.vector_store %arg5[%swap3A_190, %swap3A_191], %div3A_189 {strides = array<i32>} : memref<64x128xf32, #tpu.memory_space<vmem>>, vector<64x8xf32>,
    %slice3A_193 = vector.extract_strided_slice %add3A_20 {offsets = [0, 96], sizes = [64, 8], strides = [1, 1]} : vector<64x128xf32> to vector<64x8xf32>
    %reduce_max3A_194 = arith.constant dense<0xFF800000> : vector<64xf32>
    %reduce_max3A_195 = vector.multi_reduction <maximumf>, %slice3A_193, %reduce_max3A_194 [1] : vector<64x8xf32> to vector<64xf32>
    %broadcast_in_dim3A_196 = vector.shape_cast %reduce_max3A_195 : vector<64xf32> to vector<64x1xf32>
    %sub3A_197 = vector.broadcast %broadcast_in_dim3A_196 : vector<64x1xf32> to vector<64x8xf32>
    %sub3A_198 = arith.subf %slice3A_193, %sub3A_197 : vector<64x8xf32>
    %exp3A_199 = math.exp %sub3A_198 : vector<64x8xf32>
    %reduce_sum3A_200 = arith.constant dense<0.000000e+00> : vector<64xf32>
    %reduce_sum3A_201 = vector.multi_reduction <add>, %exp3A_199, %reduce_sum3A_200 [1] : vector<64x8xf32> to vector<64xf32>
    %broadcast_in_dim3A_202 = vector.shape_cast %reduce_sum3A_201 : vector<64xf32> to vector<64x1xf32>
    %div3A_203 = vector.broadcast %broadcast_in_dim3A_202 : vector<64x1xf32> to vector<64x8xf32>
    %div3A_204 = arith.divf %exp3A_199, %div3A_203 : vector<64x8xf32>
    %swap3A_205 = arith.constant 0 : index
    %swap3A_206 = arith.constant 96 : index
    %swap3A_207 = vector.load %arg5[%swap3A_205, %swap3A_206] : memref<64x128xf32, #tpu.memory_space<vmem>>, vector<64x8xf32>
    tpu.vector_store %arg5[%swap3A_205, %swap3A_206], %div3A_204 {strides = array<i32>} : memref<64x128xf32, #tpu.memory_space<vmem>>, vector<64x8xf32>,
    %slice3A_208 = vector.extract_strided_slice %add3A_20 {offsets = [0, 104], sizes = [64, 8], strides = [1, 1]} : vector<64x128xf32> to vector<64x8xf32>
    %reduce_max3A_209 = arith.constant dense<0xFF800000> : vector<64xf32>
    %reduce_max3A_210 = vector.multi_reduction <maximumf>, %slice3A_208, %reduce_max3A_209 [1] : vector<64x8xf32> to vector<64xf32>
    %broadcast_in_dim3A_211 = vector.shape_cast %reduce_max3A_210 : vector<64xf32> to vector<64x1xf32>
    %sub3A_212 = vector.broadcast %broadcast_in_dim3A_211 : vector<64x1xf32> to vector<64x8xf32>
    %sub3A_213 = arith.subf %slice3A_208, %sub3A_212 : vector<64x8xf32>
    %exp3A_214 = math.exp %sub3A_213 : vector<64x8xf32>
    %reduce_sum3A_215 = arith.constant dense<0.000000e+00> : vector<64xf32>
    %reduce_sum3A_216 = vector.multi_reduction <add>, %exp3A_214, %reduce_sum3A_215 [1] : vector<64x8xf32> to vector<64xf32>
    %broadcast_in_dim3A_217 = vector.shape_cast %reduce_sum3A_216 : vector<64xf32> to vector<64x1xf32>
    %div3A_218 = vector.broadcast %broadcast_in_dim3A_217 : vector<64x1xf32> to vector<64x8xf32>
    %div3A_219 = arith.divf %exp3A_214, %div3A_218 : vector<64x8xf32>
    %swap3A_220 = arith.constant 0 : index
    %swap3A_221 = arith.constant 104 : index
    %swap3A_222 = vector.load %arg5[%swap3A_220, %swap3A_221] : memref<64x128xf32, #tpu.memory_space<vmem>>, vector<64x8xf32>
    tpu.vector_store %arg5[%swap3A_220, %swap3A_221], %div3A_219 {strides = array<i32>} : memref<64x128xf32, #tpu.memory_space<vmem>>, vector<64x8xf32>,
    %slice3A_223 = vector.extract_strided_slice %add3A_20 {offsets = [0, 112], sizes = [64, 8], strides = [1, 1]} : vector<64x128xf32> to vector<64x8xf32>
    %reduce_max3A_224 = arith.constant dense<0xFF800000> : vector<64xf32>
    %reduce_max3A_225 = vector.multi_reduction <maximumf>, %slice3A_223, %reduce_max3A_224 [1] : vector<64x8xf32> to vector<64xf32>
    %broadcast_in_dim3A_226 = vector.shape_cast %reduce_max3A_225 : vector<64xf32> to vector<64x1xf32>
    %sub3A_227 = vector.broadcast %broadcast_in_dim3A_226 : vector<64x1xf32> to vector<64x8xf32>
    %sub3A_228 = arith.subf %slice3A_223, %sub3A_227 : vector<64x8xf32>
    %exp3A_229 = math.exp %sub3A_228 : vector<64x8xf32>
    %reduce_sum3A_230 = arith.constant dense<0.000000e+00> : vector<64xf32>
    %reduce_sum3A_231 = vector.multi_reduction <add>, %exp3A_229, %reduce_sum3A_230 [1] : vector<64x8xf32> to vector<64xf32>
    %broadcast_in_dim3A_232 = vector.shape_cast %reduce_sum3A_231 : vector<64xf32> to vector<64x1xf32>
    %div3A_233 = vector.broadcast %broadcast_in_dim3A_232 : vector<64x1xf32> to vector<64x8xf32>
    %div3A_234 = arith.divf %exp3A_229, %div3A_233 : vector<64x8xf32>
    %swap3A_235 = arith.constant 0 : index
    %swap3A_236 = arith.constant 112 : index
    %swap3A_237 = vector.load %arg5[%swap3A_235, %swap3A_236] : memref<64x128xf32, #tpu.memory_space<vmem>>, vector<64x8xf32>
    tpu.vector_store %arg5[%swap3A_235, %swap3A_236], %div3A_234 {strides = array<i32>} : memref<64x128xf32, #tpu.memory_space<vmem>>, vector<64x8xf32>,
    %slice3A_238 = vector.extract_strided_slice %add3A_20 {offsets = [0, 120], sizes = [64, 8], strides = [1, 1]} : vector<64x128xf32> to vector<64x8xf32>
    %reduce_max3A_239 = arith.constant dense<0xFF800000> : vector<64xf32>
    %reduce_max3A_240 = vector.multi_reduction <maximumf>, %slice3A_238, %reduce_max3A_239 [1] : vector<64x8xf32> to vector<64xf32>
    %broadcast_in_dim3A_241 = vector.shape_cast %reduce_max3A_240 : vector<64xf32> to vector<64x1xf32>
    %sub3A_242 = vector.broadcast %broadcast_in_dim3A_241 : vector<64x1xf32> to vector<64x8xf32>
    %sub3A_243 = arith.subf %slice3A_238, %sub3A_242 : vector<64x8xf32>
    %exp3A_244 = math.exp %sub3A_243 : vector<64x8xf32>
    %reduce_sum3A_245 = arith.constant dense<0.000000e+00> : vector<64xf32>
    %reduce_sum3A_246 = vector.multi_reduction <add>, %exp3A_244, %reduce_sum3A_245 [1] : vector<64x8xf32> to vector<64xf32>
    %broadcast_in_dim3A_247 = vector.shape_cast %reduce_sum3A_246 : vector<64xf32> to vector<64x1xf32>
    %div3A_248 = vector.broadcast %broadcast_in_dim3A_247 : vector<64x1xf32> to vector<64x8xf32>
    %div3A_249 = arith.divf %exp3A_244, %div3A_248 : vector<64x8xf32>
    %swap3A_250 = arith.constant 0 : index
    %swap3A_251 = arith.constant 120 : index
    %swap3A_252 = vector.load %arg5[%swap3A_250, %swap3A_251] : memref<64x128xf32, #tpu.memory_space<vmem>>, vector<64x8xf32>
    tpu.vector_store %arg5[%swap3A_250, %swap3A_251], %div3A_249 {strides = array<i32>} : memref<64x128xf32, #tpu.memory_space<vmem>>, vector<64x8xf32>,
    return
  }
  func.func @transform_0(%arg0: i32) -> (i32, i32, i32) {
    %c0_i32 = arith.constant 0 : i32
    %c0_i32_0 = arith.constant 0 : i32
    %c0_i32_1 = arith.constant 0 : i32
    return %c0_i32, %arg0, %c0_i32_0 : i32, i32, i32
  }
  func.func @transform_1(%arg0: i32) -> (i32, i32) {
    %c0_i32 = arith.constant 0 : i32
    %c0_i32_0 = arith.constant 0 : i32
    return %arg0, %c0_i32 : i32, i32
  }
  func.func @transform_2(%arg0: i32) -> (i32, i32) {
    %c0_i32 = arith.constant 0 : i32
    %c0_i32_0 = arith.constant 0 : i32
    return %arg0, %c0_i32 : i32, i32
  }
  func.func @transform_3(%arg0: i32) -> (i32, i32) {
    %c0_i32 = arith.constant 0 : i32
    %c0_i32_0 = arith.constant 0 : i32
    %c0_i32_1 = arith.constant 0 : i32
    return %c0_i32, %c0_i32_0 : i32, i32
  }
  func.func @transform_4(%arg0: i32) -> (i32, i32) {
    %c0_i32 = arith.constant 0 : i32
    %c0_i32_0 = arith.constant 0 : i32
    return %arg0, %c0_i32 : i32, i32
  }
}

</mosaic_0001>

<sc_bundles>
// kernel: kernel.11.cloned.1.call-start
scs
__scs_entry_jumppad:
0x0: {  	(pc) =	sbr.rel $0x88, $3  }
0x1: {  	(tag) =	ssettag $0x0;
	lr =	simm.s32 $0x1  }
0x2: {  	[smem:$0x3F9B] =	sst lr;
	_ =	strace $0xD0000000  }
0x3: {  	_ = 	snop  }
0x4: {  	_ = 	snop  }
0x5: {  	_ = 	snop  }
0x6: {  	_ = 	snop  }
0x7: {  	_ = 	snop  }
__scs_overlays_trampoline_lowered:
0x8: {  	[smem:$0x3FAA] =	sst s0  }
0x9: {  	[smem:$0x3FAB] =	sst s1  }
0xa: {  	[smem:$0x3FAC] =	sst s2  }
0xb: {  	[smem:$0x3FAD] =	sst s3  }
0xc: {  	[smem:$0x3FAE] =	sst s4  }
0xd: {  	[smem:$0x3FAF] =	sst s5  }
0xe: {  	[smem:$0x3FB0] =	sst s6  }
0xf: {  	[smem:$0x3FB1] =	sst s7  }
0x10: {  	[smem:$0x3FB2] =	sst s8  }
0x11: {  	[smem:$0x3FB3] =	sst s9;
	s0 =	simm.s32 @!p0 $0x0  }
0x12: {  	s1 =	sld [smem:$0x3F99];
	s0 =	simm.s32 @p0 $0x1  }
0x13: {  	[smem:$0x3FB4] =	sst s0;
	s0 =	simm.s32 @!p1 $0x0  }
0x14: {  	s2 =	sld [smem:$0x3F98];
	s0 =	simm.s32 @p1 $0x1  }
0x15: {  	[smem:$0x3FB5] =	sst s0;
	s0 =	simm.s32 @!p2 $0x0  }
0x16: {  	s3 =	sld [smem:$0x3FDB];
	s0 =	simm.s32 @p2 $0x1  }
0x17: {  	s4 =	simm.s32 $0x1BF5;
	[smem:$0x3FB7] =	sst s0  }
0x18: {  	s0 =	sld [smem:$0x3F9A];
	_ =	swait.ge [sflag:s4], $0x0  }
0x19: {  	s7 =	sld [smem:$0x3F9B]  }
0x1a: {  	s8 =	sadd.s32 $0xFFFFE003, lr  }
0x1b: {  	s9 =	sadd.s32 $0xFFFFFEF7, lr;
	s5 =	simm.s32 $0xFFFFFFFF;
	p2 =	slt.u32 s8, $0xFFFFF086  }
0x1c: {  	p1 =	slt.u32 s9, $0xF7A;
	s5 =	simm.s32 @!p2 $0x0  }
0x1d: {  	s5 =	simm.s32 @p1 $0x1;
	p0 =	seq.s32 s7, s2  }
0x1e: {  	s7 =	smul.u32 @!p0 $0xF7A, s2;
	p2 =	seq.s32 @!p0 s5, $0x0  }
0x1f: {  	s9 =	smul.u32 $0xF7A, s1;
	s8 =	simm.s32 @!p0 $0x1BF5;
	p2 =	por !p2, p0  }
0x20: {  	[sflag:s8] =	ssyncset.s32 @!p0 $0xFFFFF086;
	s6 =	sadd.s32 @!p0 s3, s7;
	s7 =	simm.s32 @!p0 $0x108  }
0x21: {  	s3 =	sadd.s32 s3, s9;
	s6 =	sadd.s32 @!p0 $0x88, s6;
	s7 =	simm.s32 @p2 $0x1082  }
0x22: {  	[simem:s7], [sflag:s8] =	dma.local @!p0 [hbm:s6], $0xF7A  }
0x23: {  	s9 =	sor.u32 $0xD0000000, s2;
	s6 =	simm.s32 $0x108;
	_ =	swait.ge @!p0 [sflag:s8], $0x0  }
0x24: {  	s3 =	sadd.s32 $0x88, s3;
	s6 =	simm.s32 @!p1 $0x1082;
	[sflag:s4] =	ssyncset.s32 $0xFFFFF086  }
0x25: {  	[simem:s6], [sflag:s4] =	dma.local [hbm:s3], $0xF7A  }
0x26: {  	[smem:$0x3F9B] =	sst s1;
	(tag) =	ssettag s2;
	_ =	strace s9  }
0x27: {  	s1 =	sld [smem:$0x3FAB]  }
0x28: {  	s2 =	sld [smem:$0x3FAC]  }
0x29: {  	s4 =	sld [smem:$0x3FAE]  }
0x2a: {  	p0 =	seq.s32 s5, $0x0;
	s5 =	sld [smem:$0x3FAF]  }
0x2b: {  	s6 =	sld [smem:$0x3FB0]  }
0x2c: {  	s7 =	sld [smem:$0x3FB1]  }
0x2d: {  	s3 =	simm.s32 $0x108;
	s8 =	sld [smem:$0x3FB2]  }
0x2e: {  	s3 =	simm.s32 @!p0 $0x1082;
	s9 =	sld [smem:$0x3FB3]  }
0x2f: {  	lr =	sadd.s32 s0, s3;
	s0 =	sld [smem:$0x3FAA]  }
0x30: {  	s3 =	sld [smem:$0x3FAD]  }
0x31: {  	[smem:$0x3FB6] =	sst s10  }
0x32: {  	s10 =	sld [smem:$0x3FB4];
	_ =	sdelay $0x3  }
0x33: {  	p0 =	seq.s32 s10, $0x1;
	s10 =	sld [smem:$0x3FB6];
	_ =	sdelay $0x3  }
0x34: {  	[smem:$0x3FB6] =	sst s10  }
0x35: {  	s10 =	sld [smem:$0x3FB5];
	_ =	sdelay $0x3  }
0x36: {  	p1 =	seq.s32 s10, $0x1;
	s10 =	sld [smem:$0x3FB6];
	_ =	sdelay $0x3  }
0x37: {  	[smem:$0x3FB6] =	sst s10  }
0x38: {  	s10 =	sld [smem:$0x3FB7]  }
0x39: {  	_ = 	snop;
	(pc) =	sbr.ind lr, $3  }
0x3a: {  	_ = 	snop  }
0x3b: {  	_ = 	snop  }
0x3c: {  	p2 =	seq.s32 s10, $0x1;
	s10 =	sld [smem:$0x3FB6]  }
0x3d: {  	_ =	shalt  }
0x3e: {  	_ =	shalt  }
0x3f: {  	_ =	shalt  }
0x40: {  	_ =	shalt  }
0x41: {  	_ =	shalt  }
0x42: {  	_ =	shalt  }
0x43: {  	_ =	shalt  }
0x44: {  	_ =	shalt  }
0x45: {  	_ =	shalt  }
0x46: {  	_ =	shalt  }
0x47: {  	_ =	shalt  }
0x48: {  	_ =	shalt  }
0x49: {  	_ =	shalt  }
0x4a: {  	_ =	shalt  }
0x4b: {  	_ =	shalt  }
0x4c: {  	_ =	shalt  }
0x4d: {  	_ =	shalt  }
0x4e: {  	_ =	shalt  }
0x4f: {  	_ =	shalt  }
0x50: {  	_ =	shalt  }
0x51: {  	_ =	shalt  }
0x52: {  	_ =	shalt  }
0x53: {  	_ =	shalt  }
0x54: {  	_ =	shalt  }
0x55: {  	_ =	shalt  }
0x56: {  	_ =	shalt  }
0x57: {  	_ =	shalt  }
0x58: {  	_ =	shalt  }
0x59: {  	_ =	shalt  }
0x5a: {  	_ =	shalt  }
0x5b: {  	_ =	shalt  }
0x5c: {  	_ =	shalt  }
0x5d: {  	_ =	shalt  }
0x5e: {  	_ =	shalt  }
0x5f: {  	_ =	shalt  }
0x60: {  	_ =	shalt  }
0x61: {  	_ =	shalt  }
0x62: {  	_ =	shalt  }
0x63: {  	_ =	shalt  }
0x64: {  	_ =	shalt  }
0x65: {  	_ =	shalt  }
0x66: {  	_ =	shalt  }
0x67: {  	_ =	shalt  }
0x68: {  	_ =	shalt  }
0x69: {  	_ =	shalt  }
0x6a: {  	_ =	shalt  }
0x6b: {  	_ =	shalt  }
0x6c: {  	_ =	shalt  }
0x6d: {  	_ =	shalt  }
0x6e: {  	_ =	shalt  }
0x6f: {  	_ =	shalt  }
0x70: {  	_ =	shalt  }
0x71: {  	_ =	shalt  }
0x72: {  	_ =	shalt  }
0x73: {  	_ =	shalt  }
0x74: {  	_ =	shalt  }
0x75: {  	_ =	shalt  }
0x76: {  	_ =	shalt  }
0x77: {  	_ =	shalt  }
0x78: {  	_ =	shalt  }
0x79: {  	_ =	shalt  }
0x7a: {  	_ =	shalt  }
0x7b: {  	_ =	shalt  }
0x7c: {  	_ =	shalt  }
0x7d: {  	_ =	shalt  }
0x7e: {  	_ =	shalt  }
0x7f: {  	_ =	shalt  }
0x80: {  	_ =	shalt  }
0x81: {  	_ =	shalt  }
0x82: {  	_ =	shalt  }
0x83: {  	_ =	shalt  }
0x84: {  	_ =	shalt  }
0x85: {  	_ =	shalt  }
0x86: {  	_ =	shalt  }
0x87: {  	_ =	shalt  }
.Lfunc_end0:
.L_simem_size_0:
called_computation.1_lowered:
.L_overlay_start_0:
0x88: {  	s2 =	sld [smem:$0x3FD9]  }
0x89: {  	s3 =	sld [smem:$0x3FFE];
	_ =	sdelay $0x1  }
0x8a: {  	s1 =	srdreg.scid  }
0x8b: {  	s0 =	sand.u32 $0x1, s1  }
0x8c: {  	s17 =	sshll.u32 s0, $0xA;
	s2 =	sadd.s32 s3, s2  }
0x8d: {  	s2 =	sadd.s32 s2, s17  }
0x8e: {  	[smem:$0x3FC2] =	sst s2  }
0x8f: {  	_ = 	snop  }
0x90: {  	s2 =	sld [smem:$0x3FD0];
	(tm) =	ssettm $0x1  }
0x91: {  	s18 =	sld [smem:$0x3FFB];
	_ =	sdelay $0x3  }
0x92: {  	_ =	strace s18  }
0x93: {  	s3 =	sld [smem:$0x3FFC];
	_ =	sdelay $0x3  }
0x94: {  	_ =	strace s3  }
0x95: {  	s3 =	sld [smem:$0x3FFD];
	_ =	sdelay $0x3  }
0x96: {  	_ =	strace s3  }
0x97: {  	_ =	strace $0x8FFFFFFF  }
0x98: {  	s19 =	sld [smem:$0x3FDB];
	_ =	sdelay $0x1  }
0x99: {  	s4 =	simm.s32 $_scs_section_size  }
0x9a: {  	s5 =	simm.s32 $_size__tile_overlayer_lowered;
	s6 =	simm.s32 $_tile_overlayer_lowered  }
0x9b: {  	s22 =	simm.s32 $0x1BFF;
	s21 =	sshll.u32 s6, $0x1;
	s3 =	sadd.s32 s4, s19  }
0x9c: {  	s7 =	simm.s32 $0x0;
	s20 =	sshll.u32 s5, $0x1;
	s5 =	sadd.s32 s21, s3  }
0x9d: {  	[timem:s7], [sflag:s22] =	dma.local [hbm:s5], s20  }
0x9e: {  	_ =	swait.ge [sflag:s22], s20  }
0x9f: {  	s4 =	ssub.s32 $0x0, s20;
	[sflag:s22] =	ssyncset.done $0x0  }
0xa0: {  	[sflag:s22] =	ssyncadd.s32 s4;
	_ =	sdelay $0x1  }
0xa1: {  	s23 =	simm.s32 $0x1B8B  }
0xa2: {  	_ =	swait.ge [sflag:s23], $0x1  }
0xa3: {  	[sflag:s23] =	ssyncset.done $0x0  }
0xa4: {  	s25 =	simm.s32 $0x1B8E;
	s24 =	sld [smem:$0x3FFE];
	[sflag:s23] =	ssyncadd.s32 $0xFFFFFFFF  }
0xa5: {  	s26 =	simm.s32 $execute0_lowered;
	[smem:$0x3FD2] =	sst s25  }
0xa6: {  	s5 =	sshll.u32 s26, $0x1;
	_ =	strace $0x80000049;
	[dreg:$0x1] =	wrdreg $0xFFFFFFFF  }
0xa7: {  	s28 =	simm.s32 $_size_execute0_lowered;
	s3 =	sadd.s32 s3, s5;
	[dreg:$0x0] =	wrdreg $0x0  }
0xa8: {  	s5 =	sshll.u32 s28, $0x1;
	[dreg:$0x2] =	wrdreg s3  }
0xa9: {  	[dreg:$0x3] =	wrdreg s5  }
0xaa: {  	[dreg:$0x4] =	wrdreg $0xC0  }
0xab: {  	_ =	task [dreg:s7], $0x5FFFF  }
0xac: {  	[dreg:$0x1] =	wrdreg $0xFFFFFFFF  }
0xad: {  	[dreg:$0x0] =	wrdreg $0x60  }
0xae: {  	[dreg:$0x2] =	wrdreg s24  }
0xaf: {  	[dreg:$0x3] =	wrdreg s2  }
0xb0: {  	[dreg:$0x4] =	wrdreg $0x18B800  }
0xb1: {  	[dreg:$0x5] =	wrdreg $0x9  }
0xb2: {  	_ =	task.clear_ibuf [dreg:s7], $0x6FFFF;
	_ =	strace $0x90000049  }
0xb3: {  	s29 =	simm.s32 $0x9;
	_ =	strace $0x8000004B  }
0xb4: {  	_ =	swait.ge [sflag:s29], $0x1  }
0xb5: {  	[sflag:s29] =	ssyncadd.s32 $0xFFFFFFFF  }
0xb6: {  	_ =	strace $0x9000004B  }
0xb7: {  	_ =	sfence  }
0xb8: {  	s30 =	sld [smem:$0x0];
	_ =	sdelay $0x2  }
0xb9: {  	s31 =	sshll.u32 s1, $0xD;
	s1 =	sshrl.u32 s1, $0x2  }
0xba: {  	s3 =	sand.u32 $0x4000, s31;
	s1 =	sadd.s32 s1, s30  }
0xbb: {  	s0 =	sor.u32 s3, s0;
	s1 =	sshll.u32 s1, $0x11  }
0xbc: {  	s0 =	sor.u32 s1, s0  }
0xbd: {  	s0 =	sadd.s32 $0x8F2B, s0  }
0xbe: {  	[sflag:s0] =	ssyncadd.remote.s32 $0x1  }
0xbf: {  	_ =	sfence.sel $0xFFFF  }
0xc0: {  	[dreg:$0x0] =	wrdreg $0xFFFFFFFF;
	(pc) =	sbr.abs _section_cstart, $3  }
0xc1: {  	[dreg:$0x1] =	wrdreg $0xFFFFFFFF  }
0xc2: {  	_ =	task.clear_ibuf [dreg:s7], $0x2FFFF;
	_ =	strace $0x9FFFFFFF  }
0xc3: {  	(tm) =	ssettm $0x7FFFFFFF  }
tec
execute0_lowered:
.L_overlay_start_1:
0x0: {  	(tag) =	ssettag $0x1  }
0x1: {  	s0 =	rddreg [dreg:$0x0];
	s1 =	srdreg.scid  }
0x2: {  	s10 =	stileid.u32;
	s6 =	rddreg [dreg:$0x1]  }
0x3: {  	s18 =	simm.s32 $0x0;
	s17 =	simm.s32 $0x11;
	s29 =	simm.s32 $0x7000  }
0x4: {  	s28 =	simm.s32 $0x2;
	s30 =	simm.s32 $0xC000;
	s31 =	simm.s32 $0x3  }
0x5: {  	s1 =	sand.u32 $0x1, s1;
	s2 =	sshll.u32 s10, $0x1;
	s5 =	smul.u32 $0x5000, s10  }
0x6: {  	[smem:$0x7FF] =	sst s18;
	s10 =	smul.u32 $0x280, s10;
	s18 =	simm.s32 $0x9000  }
0x7: {  	s3 =	sor.u32 s1, s2;
	s4 =	smul.u32 $0x50000, s1;
	s2 =	rddreg [dreg:$0x2]  }
0x8: {  	_ =	strace $0x8000004A;
	s1 =	ssub.s32 $0x2, s1;
	s7 =	smul.u32 $0x2800, s3  }
0x9: {  	s9 =	sshrl.u32 s5, $0x3;
	s12 =	sshrl.u32 s1, $0x1;
	s4 =	sadd.s32 s5, s4  }
0xa: {  	s11 =	sadd.s32 s9, s0;
	s1 =	ssub.s32 s1, s12;
	s12 =	sadd.s32 s5, s2  }
0xb: {  	s5 =	simm.s32 $0x0;
	s7 =	sshrl.u32 s7, $0x3;
	s4 =	sshrl.u32 s4, $0x3  }
0xc: {  	s22 =	sadd.s32 $0x16A00, s11;
	s23 =	sadd.s32 $0x3EA00, s11;
	s26 =	smax.u32 s1, $0x1  }
0xd: {  	s11 =	simm.s32 $0xD000;
	s1 =	simm.s32 $0x9;
	[dreg:$0x4] =	wrdreg s12  }
0xe: {  	s7 =	sadd.s32 s7, s0;
	s8 =	sadd.s32 s4, s0;
	[dreg:$0x9] =	wrdreg s22  }
0xf: {  	s4 =	sadd.s32 $0x34A00, s0;
	s0 =	sadd.s32 s10, s0;
	[dreg:$0xa] =	wrdreg s23  }
0x10: {  	s10 =	sshrl.u32 s10, $0x3;
	[dreg:$0xe] =	wrdreg s26;
	s26 =	simm.s32 $0x6000  }
0x11: {  	s22 =	simm.s32 $0x1;
	s23 =	simm.s32 $0xB000;
	s19 =	sadd.s32 $0x2A00, s7  }
0x12: {  	s20 =	sadd.s32 s6, s10;
	s21 =	sadd.s32 $0xCA00, s7;
	[dreg:$0x5] =	wrdreg s19  }
0x13: {  	s0 =	sadd.s32 $0x48A00, s0;
	s24 =	sadd.s32 s4, s9;
	[dreg:$0x7] =	wrdreg s21  }
0x14: {  	s25 =	sadd.s32 $0x20A00, s8;
	s6 =	simm.s32 $0x7;
	[dreg:$0x6] =	wrdreg s20  }
.Ltmp0:
0x15: {  	s8 =	simm.s32 $0xD;
	[dreg:$0xb] =	wrdreg s0;
	(pc) =	sbr.rel .LBB2_1-.Ltmp0, $4  }
0x16: {  	s9 =	simm.s32 $0x8;
	s10 =	simm.s32 $0xE;
	[dreg:$0xc] =	wrdreg s24  }
0x17: {  	s3 =	sadd.s32 $0x500, s20;
	[dreg:$0xd] =	wrdreg s25;
	s21 =	simm.s32 $0x12500  }
0x18: {  	v1 =	vlaneseq.u32;
	s24 =	simm.s32 $0x80;
	s25 =	simm.s32 $0x5000;
	s20 =	simm.s32 $0xA000  }
0x19: {  	v0 =	vimm.f32 $0.0e+00;
	v1 =	vshrl.u32 v1, $0x3;
	s19 =	simm.s32 $0x5;
	s0 =	simm.s32 $0xB;
	[dreg:$0x8] =	wrdreg s3  }
.LBB2_10:
0x1a: {  	_ =	swait.ge [sflag:s9], $0x1000  }
0x1b: {  	[sflag:s9] =	ssyncset.done $0x0  }
0x1c: {  	[sflag:s9] =	ssyncadd.s32 $0xFFFFF000  }
0x1d: {  	[spmem:s2] =	stream.indirect.scatter.add.f32 [tilespmem:s30], [sflag:$0x10], $0x20, s15, s24, $0xb8;
	[tilespmem:$0x1DB80] =	vst v63  }
0x1e: {  	_ =	swait.ge [sflag:s10], $0x1000  }
0x1f: {  	[sflag:s10] =	ssyncset.done $0x0  }
0x20: {  	s3 =	simm.s32 $0xF;
	[sflag:s10] =	ssyncadd.s32 $0xFFFFF000  }
0x21: {  	_ =	swait.ge [sflag:s3], $0x1000  }
0x22: {  	[sflag:s3] =	ssyncset.done $0x0  }
0x23: {  	s13 =	simm.s32 $0x10;
	[sflag:s3] =	ssyncadd.s32 $0xFFFFF000  }
0x24: {  	_ =	swait.ge [sflag:s13], $0x1000  }
0x25: {  	[sflag:s13] =	ssyncset.done $0x0  }
0x26: {  	[sflag:s13] =	ssyncadd.s32 $0xFFFFF000  }
0x27: {  	s14 =	stileid.u32;
	[bflag:$0x0] =	sbarrier.arrive $0xFFFF  }
0x28: {  	s3 =	sshll.u32 s14, $0x6;
	s12 =	rddreg [dreg:$0x4]  }
0x29: {  	s3 =	sor.u32 $0x1C11, s3;
	s7 =	rddreg [dreg:$0xd];
	s5 =	sshrl.u32 s12, $0x3  }
0x2a: {  	[hbm:s7], [sflag:s3] =	dma.local [spmem:s5], $0xA00  }
0x2b: {  	_ =	swait.ge [sflag:s17], $0xA00  }
0x2c: {  	s15 =	rddreg [dreg:$0xf]  }
0x2d: {  	s16 =	rddreg [dreg:$0xe];
	s5 =	sadd.s32 $0x1, s15  }
0x2e: {  	p0 =	sne.s32 s5, s16  }
.Ltmp1:
0x2f: {  	_ = 	snop;
	(pc) =	sbr.rel @!p0 .LBB2_11-.Ltmp1, $3  }
0x30: {  	_ =	sdelay $0x1  }
0x31: {  	[sflag:s17] =	ssyncset.done $0x0  }
0x32: {  	s11 =	simm.s32 $0xD000;
	[sflag:s17] =	ssyncadd.s32 $0xFFFFF600  }
.LBB2_1:
0x33: {  	[dreg:$0xf] =	wrdreg s5;
	s7 =	simm.s32 $0x80;
	s14 =	simm.s32 $0x0  }
.LBB2_2:
0x34: {  	p0 =	sne.s32 s7, $0x13F80;
	[tilespmem:s14+$0xD000] =	vst v0;
	s15 =	smov.u32 s7;
	s7 =	sadd.s32 $0x80, s7  }
.Ltmp2:
0x35: {  	[tilespmem:s14+$0xD010] =	vst v0;
	(pc) =	sbr.rel @p0 .LBB2_2-.Ltmp2, $2  }
0x36: {  	_ =	sdelay $0x2  }
0x37: {  	s14 =	sshra.s32 s15, $0x2  }
0x38: {  	[tilespmem:s14+$0xD000] =	vst v0  }
0x39: {  	[tilespmem:s14+$0xD010] =	vst v0  }
0x3a: {  	[spmem:s12] =	stream.linear.scatter [tilespmem:s11], [sflag:$0x11], $0x5000, $0x38;
	[tilespmem:$0x1DB80] =	vst v63  }
0x3b: {  	_ =	swait.ge [sflag:s17], $0x5000  }
0x3c: {  	[sflag:s17] =	ssyncset.done $0x0  }
0x3d: {  	s3 =	simm.s32 $0x0;
	s5 =	rddreg [dreg:$0x5];
	[sflag:s17] =	ssyncadd.s32 $0xFFFFB000  }
0x3e: {  	[tilespmem:s3], [sflag:$0x11] =	stream.linear.gather [hbm4b:s5+s3], $0x2800, $0x38;
	[tilespmem:$0x1DB80] =	vst v63  }
0x3f: {  	_ =	swait.ge [sflag:s17], $0x2800  }
0x40: {  	[sflag:s17] =	ssyncset.done $0x0  }
0x41: {  	s7 =	simm.s32 $0x2800;
	s16 =	rddreg [dreg:$0x7];
	[sflag:s17] =	ssyncadd.s32 $0xFFFFD800  }
0x42: {  	[tilespmem:s7], [sflag:$0x11] =	stream.linear.gather [hbm4b:s16+s3], $0x2800, $0x38;
	[tilespmem:$0x1DB80] =	vst v63  }
0x43: {  	_ =	swait.ge [sflag:s17], $0x2800  }
0x44: {  	[sflag:s17] =	ssyncset.done $0x0  }
0x45: {  	s13 =	simm.s32 $0x12000;
	s12 =	rddreg [dreg:$0x6];
	[sflag:s17] =	ssyncadd.s32 $0xFFFFD800  }
0x46: {  	[tilespmem:s13], [sflag:$0x11] =	stream.linear.gather [hbm4b:s12+s3], $0x280, $0x38;
	[tilespmem:$0x1DB80] =	vst v63  }
0x47: {  	_ =	swait.ge [sflag:s17], $0x280  }
0x48: {  	[sflag:s17] =	ssyncset.done $0x0  }
0x49: {  	s15 =	simm.s32 $0x12280;
	s14 =	rddreg [dreg:$0x8];
	[sflag:s17] =	ssyncadd.s32 $0xFFFFFD80  }
0x4a: {  	[tilespmem:s15], [sflag:$0x11] =	stream.linear.gather [hbm4b:s14+s3], $0x280, $0x38;
	[tilespmem:$0x1DB80] =	vst v63  }
0x4b: {  	_ =	swait.ge [sflag:s17], $0x280  }
0x4c: {  	[sflag:s17] =	ssyncset.done $0x0  }
0x4d: {  	[sflag:s17] =	ssyncadd.s32 $0xFFFFFD80  }
0x4e: {  	v2 =	vld [tilespmem:$0x12000]  }
0x4f: {  	v3 =	vld [tilespmem:$0x12280];
	_ =	sdelay $0x1  }
0x50: {  	v4 =	vld [tilespmem:$0x12010]  }
0x51: {  	v5 =	vld [tilespmem:$0x12290]  }
0x52: {  	v6 =	vld [tilespmem:$0x12020]  }
0x53: {  	v2 =	vadd.f32 v3, v2;
	v3 =	vld [tilespmem:$0x122A0];
	_ =	sdelay $0x1  }
0x54: {  	v2 =	vadd.f32 $1.000000000e+00, v2;
	_ =	sdelay $0x1  }
0x55: {  	v4 =	vadd.f32 v5, v4;
	v7 =	vshrl.u32 v2, $0x1;
	v2 =	vmul.f32 $5.000000000e-01, v2  }
0x56: {  	v8 =	vld [tilespmem:$0x122B0];
	v5 =	vsub.s32 $0x5F3759DF, v7;
	v3 =	vadd.f32 v3, v6  }
0x57: {  	v4 =	vadd.f32 $1.000000000e+00, v4;
	v6 =	vld [tilespmem:$0x12030];
	v7 =	vmul.f32 v5, v2  }
0x58: {  	v3 =	vadd.f32 $1.000000000e+00, v3  }
0x59: {  	v9 =	vshrl.u32 v4, $0x1;
	v4 =	vmul.f32 $5.000000000e-01, v4;
	v7 =	vmul.f32 v5, v7  }
0x5a: {  	v9 =	vsub.s32 $0x5F3759DF, v9;
	v10 =	vshrl.u32 v3, $0x1;
	v3 =	vmul.f32 $5.000000000e-01, v3  }
0x5b: {  	v11 =	vmul.f32 v9, v4;
	v7 =	vsub.f32 $1.500000000e+00, v7;
	v10 =	vsub.s32 $0x5F3759DF, v10  }
0x5c: {  	v6 =	vadd.f32 v8, v6;
	v12 =	vmul.f32 v10, v3  }
0x5d: {  	v5 =	vmul.f32 v5, v7;
	v7 =	vmul.f32 v9, v11  }
0x5e: {  	v6 =	vadd.f32 $1.000000000e+00, v6;
	v8 =	vmul.f32 v10, v12  }
0x5f: {  	v11 =	vmul.f32 v5, v2;
	v7 =	vsub.f32 $1.500000000e+00, v7  }
0x60: {  	v12 =	vshrl.u32 v6, $0x1;
	v6 =	vmul.f32 $5.000000000e-01, v6;
	v8 =	vsub.f32 $1.500000000e+00, v8  }
0x61: {  	v13 =	vld [tilespmem:$0x122C0];
	v11 =	vmul.f32 v11, v5;
	v7 =	vmul.f32 v9, v7;
	v9 =	vsub.s32 $0x5F3759DF, v12  }
0x62: {  	v12 =	vld [tilespmem:$0x12040];
	v8 =	vmul.f32 v10, v8;
	v10 =	vmul.f32 v9, v6  }
0x63: {  	v11 =	vsub.f32 $1.500000000e+00, v11;
	v14 =	vmul.f32 v7, v4  }
0x64: {  	v15 =	vmul.f32 v8, v3;
	v10 =	vmul.f32 v9, v10  }
0x65: {  	v5 =	vmul.f32 v11, v5;
	v11 =	vmul.f32 v14, v7  }
0x66: {  	v14 =	vmul.f32 v15, v8;
	v10 =	vsub.f32 $1.500000000e+00, v10  }
0x67: {  	v12 =	vadd.f32 v13, v12;
	v2 =	vmul.f32 v5, v2;
	v11 =	vsub.f32 $1.500000000e+00, v11  }
0x68: {  	v13 =	vsub.f32 $1.500000000e+00, v14;
	v9 =	vmul.f32 v9, v10  }
0x69: {  	v10 =	vadd.f32 $1.000000000e+00, v12;
	v2 =	vmul.f32 v2, v5;
	v7 =	vmul.f32 v11, v7;
	v11 =	vld [tilespmem:$0x12050]  }
0x6a: {  	v8 =	vmul.f32 v13, v8;
	v12 =	vmul.f32 v9, v6;
	v13 =	vld [tilespmem:$0x122D0]  }
0x6b: {  	v17 =	vld [tilespmem:$0x122E0];
	v14 =	vshrl.u32 v10, $0x1;
	v10 =	vmul.f32 $5.000000000e-01, v10;
	v4 =	vmul.f32 v7, v4  }
0x6c: {  	v26 =	vld [tilespmem:$0x12090];
	v14 =	vsub.s32 $0x5F3759DF, v14;
	v3 =	vmul.f32 v8, v3;
	v12 =	vmul.f32 v12, v9  }
0x6d: {  	v15 =	vld [tilespmem:$0x12060];
	v16 =	vmul.f32 v14, v10;
	v4 =	vmul.f32 v4, v7  }
0x6e: {  	v28 =	vld [tilespmem:$0x12310];
	v2 =	vsub.f32 $1.500000000e+00, v2;
	v3 =	vmul.f32 v3, v8;
	v12 =	vsub.f32 $1.500000000e+00, v12  }
0x6f: {  	v18 =	vld [tilespmem:$0x12070];
	v16 =	vmul.f32 v14, v16;
	v19 =	vsub.f32 $1.500000000e+00, v4;
	v11 =	vadd.f32 v13, v11  }
0x70: {  	v13 =	vld [tilespmem:$0x122F0];
	v4 =	vmul.f32 v2, v5;
	v2 =	vsub.f32 $1.500000000e+00, v3;
	v5 =	vmul.f32 v12, v9  }
0x71: {  	v3 =	vmul.f32 v19, v7;
	v7 =	vsub.f32 $1.500000000e+00, v16;
	v9 =	vadd.f32 $1.000000000e+00, v11  }
0x72: {  	v2 =	vmul.f32 v2, v8;
	v6 =	vmul.f32 v5, v6;
	v8 =	vadd.f32 v17, v15  }
0x73: {  	v17 =	vadd.f32 v28, v26;
	v7 =	vmul.f32 v14, v7;
	v11 =	vshrl.u32 v9, $0x1  }
0x74: {  	v9 =	vmul.f32 $5.000000000e-01, v9;
	v11 =	vsub.s32 $0x5F3759DF, v11;
	v8 =	vadd.f32 $1.000000000e+00, v8  }
0x75: {  	v12 =	vadd.f32 v13, v18;
	v6 =	vmul.f32 v6, v5;
	v17 =	vadd.f32 $1.000000000e+00, v17  }
0x76: {  	v63 =	vld [tilespmem:$0x12300];
	v13 =	vmul.f32 v7, v10;
	v14 =	vmul.f32 v11, v9;
	v62 =	vshrl.u32 v8, $0x1  }
0x77: {  	v15 =	vld [tilespmem:$0x12080];
	v8 =	vmul.f32 $5.000000000e-01, v8;
	v12 =	vadd.f32 $1.000000000e+00, v12;
	v6 =	vsub.f32 $1.500000000e+00, v6  }
0x78: {  	v13 =	vmul.f32 v13, v7;
	v14 =	vmul.f32 v11, v14;
	v16 =	vsub.s32 $0x5F3759DF, v62  }
0x79: {  	v23 =	vmul.f32 v16, v8;
	v24 =	vshrl.u32 v12, $0x1;
	v12 =	vmul.f32 $5.000000000e-01, v12  }
0x7a: {  	v34 =	vshrl.u32 v17, $0x1;
	v14 =	vsub.f32 $1.500000000e+00, v14;
	v19 =	vsub.s32 $0x5F3759DF, v24  }
0x7b: {  	v13 =	vsub.f32 $1.500000000e+00, v13;
	v18 =	vmul.f32 v16, v23;
	v20 =	vmul.f32 v19, v12  }
0x7c: {  	v17 =	vmul.f32 $5.000000000e-01, v17;
	v11 =	vmul.f32 v11, v14;
	v14 =	vadd.f32 v63, v15  }
0x7d: {  	v7 =	vmul.f32 v13, v7;
	v13 =	vsub.f32 $1.500000000e+00, v18;
	v15 =	vmul.f32 v19, v20  }
0x7e: {  	v5 =	vmul.f32 v6, v5;
	v6 =	vmul.f32 v11, v9;
	v14 =	vadd.f32 $1.000000000e+00, v14  }
0x7f: {  	v10 =	vmul.f32 v7, v10;
	v13 =	vmul.f32 v16, v13;
	v15 =	vsub.f32 $1.500000000e+00, v15  }
0x80: {  	v6 =	vmul.f32 v6, v11;
	v25 =	vshrl.u32 v14, $0x1;
	v14 =	vmul.f32 $5.000000000e-01, v14  }
0x81: {  	v27 =	vmul.f32 v13, v8;
	v15 =	vmul.f32 v19, v15;
	v16 =	vsub.s32 $0x5F3759DF, v25  }
0x82: {  	v10 =	vmul.f32 v10, v7;
	v6 =	vsub.f32 $1.500000000e+00, v6;
	v29 =	vmul.f32 v16, v14  }
0x83: {  	v32 =	vld [tilespmem:$0x12320];
	v18 =	vmul.f32 v27, v13;
	v21 =	vmul.f32 v15, v12  }
0x84: {  	v39 =	vld [tilespmem:$0x120D0];
	v20 =	vsub.s32 $0x5F3759DF, v34;
	v11 =	vmul.f32 v6, v11;
	v6 =	vmul.f32 v16, v29  }
0x85: {  	v42 =	vld [tilespmem:$0x12350];
	v22 =	vmul.f32 v20, v17;
	v10 =	vsub.f32 $1.500000000e+00, v10;
	v30 =	vmul.f32 v21, v15  }
0x86: {  	v36 =	vld [tilespmem:$0x120C0];
	v18 =	vsub.f32 $1.500000000e+00, v18;
	v31 =	vsub.f32 $1.500000000e+00, v6  }
0x87: {  	v37 =	vld [tilespmem:$0x12340];
	v22 =	vmul.f32 v20, v22;
	v6 =	vmul.f32 v10, v7;
	v7 =	vsub.f32 $1.500000000e+00, v30  }
0x88: {  	v10 =	vmul.f32 v18, v13;
	v13 =	vld [tilespmem:$0x120A0];
	v16 =	vmul.f32 v16, v31  }
0x89: {  	v33 =	vld [tilespmem:$0x120B0];
	v9 =	vmul.f32 v11, v9;
	v15 =	vmul.f32 v7, v15  }
0x8a: {  	v35 =	vld [tilespmem:$0x12330];
	v19 =	vadd.f32 v42, v39;
	v8 =	vmul.f32 v10, v8;
	v7 =	vmul.f32 v16, v14  }
0x8b: {  	v38 =	vsub.f32 $1.500000000e+00, v22;
	v9 =	vmul.f32 v9, v11;
	v12 =	vmul.f32 v15, v12  }
0x8c: {  	v18 =	vadd.f32 v37, v36;
	v8 =	vmul.f32 v8, v10;
	v7 =	vmul.f32 v7, v16  }
0x8d: {  	v9 =	vsub.f32 $1.500000000e+00, v9;
	v13 =	vadd.f32 v32, v13;
	v12 =	vmul.f32 v12, v15  }
0x8e: {  	v8 =	vsub.f32 $1.500000000e+00, v8;
	v23 =	vsub.f32 $1.500000000e+00, v7  }
0x8f: {  	v7 =	vmul.f32 v9, v11;
	v11 =	vsub.f32 $1.500000000e+00, v12;
	v12 =	vadd.f32 v35, v33  }
0x90: {  	v18 =	vadd.f32 $1.000000000e+00, v18;
	v13 =	vadd.f32 $1.000000000e+00, v13;
	v16 =	vmul.f32 v23, v16  }
0x91: {  	v9 =	vmul.f32 v8, v10;
	v8 =	vmul.f32 v11, v15;
	v10 =	vadd.f32 $1.000000000e+00, v12  }
0x92: {  	v24 =	vshrl.u32 v18, $0x1;
	v12 =	vmul.f32 v20, v38;
	v11 =	vmul.f32 v16, v14  }
0x93: {  	v14 =	vshrl.u32 v13, $0x1;
	v13 =	vmul.f32 $5.000000000e-01, v13;
	v15 =	vshrl.u32 v10, $0x1  }
0x94: {  	v10 =	vmul.f32 $5.000000000e-01, v10;
	v14 =	vsub.s32 $0x5F3759DF, v14;
	v43 =	vmul.f32 v12, v17  }
0x95: {  	v18 =	vmul.f32 $5.000000000e-01, v18;
	v15 =	vsub.s32 $0x5F3759DF, v15;
	v40 =	vmul.f32 v14, v13  }
0x96: {  	v24 =	vsub.s32 $0x5F3759DF, v24;
	v41 =	vmul.f32 v15, v10;
	v23 =	vmul.f32 v43, v12  }
0x97: {  	v19 =	vadd.f32 $1.000000000e+00, v19;
	v25 =	vmul.f32 v24, v18;
	v20 =	vmul.f32 v14, v40  }
0x98: {  	v21 =	vmul.f32 v15, v41;
	v23 =	vsub.f32 $1.500000000e+00, v23  }
0x99: {  	v47 =	vshrl.u32 v19, $0x1;
	v44 =	vmul.f32 v24, v25;
	v20 =	vsub.f32 $1.500000000e+00, v20  }
0x9a: {  	v19 =	vmul.f32 $5.000000000e-01, v19;
	v21 =	vsub.f32 $1.500000000e+00, v21;
	v12 =	vmul.f32 v23, v12  }
0x9b: {  	v23 =	vsub.s32 $0x5F3759DF, v47;
	v14 =	vmul.f32 v14, v20;
	v20 =	vsub.f32 $1.500000000e+00, v44  }
0x9c: {  	v48 =	vmul.f32 v23, v19;
	v15 =	vmul.f32 v15, v21  }
0x9d: {  	v45 =	vmul.f32 v14, v13;
	v20 =	vmul.f32 v24, v20  }
0x9e: {  	v24 =	vmul.f32 v23, v48;
	v46 =	vmul.f32 v15, v10  }
0x9f: {  	v21 =	vmul.f32 v45, v14  }
0xa0: {  	v17 =	vmul.f32 v12, v17;
	v24 =	vsub.f32 $1.500000000e+00, v24;
	v22 =	vmul.f32 v46, v15  }
0xa1: {  	v50 =	vld [tilespmem:$0x120E0];
	v11 =	vmul.f32 v11, v16;
	v21 =	vsub.f32 $1.500000000e+00, v21  }
0xa2: {  	v52 =	vld [tilespmem:$0x12360];
	v17 =	vmul.f32 v17, v12;
	v53 =	vmul.f32 v23, v24;
	v22 =	vsub.f32 $1.500000000e+00, v22  }
0xa3: {  	v58 =	vld [tilespmem:$0x12100];
	v49 =	vmul.f32 v20, v18;
	v14 =	vmul.f32 v21, v14  }
0xa4: {  	v59 =	vld [tilespmem:$0x12380];
	v24 =	vmul.f32 v53, v19;
	v15 =	vmul.f32 v22, v15  }
0xa5: {  	v54 =	vld [tilespmem:$0x12370];
	v11 =	vsub.f32 $1.500000000e+00, v11;
	v51 =	vmul.f32 v49, v20;
	v13 =	vmul.f32 v14, v13  }
0xa6: {  	v27 =	vld [tilespmem:$0x120F0];
	v57 =	vmul.f32 v24, v53;
	v26 =	vmul.f32 v15, v10  }
0xa7: {  	v61 =	vld [tilespmem:$0x12110];
	v17 =	vsub.f32 $1.500000000e+00, v17;
	v10 =	vmul.f32 v11, v16;
	v11 =	vsub.f32 $1.500000000e+00, v51  }
0xa8: {  	v31 =	vld [tilespmem:$0x12390];
	v13 =	vmul.f32 v13, v14;
	v60 =	vsub.f32 $1.500000000e+00, v57;
	v55 =	vmul.f32 v26, v15  }
0xa9: {  	v23 =	vadd.f32 v59, v58;
	v20 =	vmul.f32 v11, v20;
	v11 =	vmul.f32 v17, v12  }
0xaa: {  	v12 =	vsub.f32 $1.500000000e+00, v13;
	v13 =	vadd.f32 v52, v50;
	v16 =	vmul.f32 v60, v53  }
0xab: {  	v22 =	vadd.f32 v54, v27;
	v56 =	vsub.f32 $1.500000000e+00, v55;
	v18 =	vmul.f32 v20, v18  }
0xac: {  	v12 =	vmul.f32 v12, v14;
	v14 =	vadd.f32 $1.000000000e+00, v13;
	v19 =	vmul.f32 v16, v19  }
0xad: {  	v46 =	vld [tilespmem:$0x123B0];
	v13 =	vmul.f32 v56, v15;
	v15 =	vmul.f32 v18, v20;
	v18 =	vadd.f32 v31, v61  }
0xae: {  	v31 =	vld [tilespmem:$0x12130];
	v62 =	vshrl.u32 v14, $0x1;
	v63 =	vmul.f32 $5.000000000e-01, v14;
	v14 =	vadd.f32 $1.000000000e+00, v22  }
0xaf: {  	v19 =	vmul.f32 v19, v16;
	v15 =	vsub.f32 $1.500000000e+00, v15;
	v32 =	vsub.s32 $0x5F3759DF, v62  }
0xb0: {  	v21 =	vmul.f32 v32, v63;
	v33 =	vshrl.u32 v14, $0x1;
	v34 =	vmul.f32 $5.000000000e-01, v14  }
0xb1: {  	v26 =	vsub.s32 $0x5F3759DF, v33;
	v14 =	vmul.f32 v15, v20;
	v15 =	vadd.f32 $1.000000000e+00, v23  }
0xb2: {  	v21 =	vmul.f32 v32, v21;
	v35 =	vmul.f32 v26, v34  }
0xb3: {  	v20 =	vadd.f32 v46, v31;
	v38 =	vshrl.u32 v15, $0x1;
	v23 =	vmul.f32 $5.000000000e-01, v15  }
0xb4: {  	v15 =	vadd.f32 $1.000000000e+00, v18;
	v36 =	vsub.f32 $1.500000000e+00, v21;
	v40 =	vsub.s32 $0x5F3759DF, v38  }
0xb5: {  	v41 =	vld [tilespmem:$0x12120];
	v37 =	vmul.f32 v26, v35;
	v20 =	vadd.f32 $1.000000000e+00, v20;
	v22 =	vmul.f32 v40, v23  }
0xb6: {  	v42 =	vshrl.u32 v15, $0x1;
	v28 =	vmul.f32 $5.000000000e-01, v15;
	v15 =	vld [tilespmem:$0x123A0];
	v17 =	vmul.f32 v32, v36  }
0xb7: {  	v39 =	vsub.f32 $1.500000000e+00, v37;
	v24 =	vsub.s32 $0x5F3759DF, v42;
	v22 =	vmul.f32 v40, v22  }
0xb8: {  	v55 =	vshrl.u32 v20, $0x1;
	v43 =	vmul.f32 v24, v28;
	v29 =	vmul.f32 v17, v63  }
0xb9: {  	v20 =	vmul.f32 $5.000000000e-01, v20;
	v18 =	vmul.f32 v26, v39;
	v22 =	vsub.f32 $1.500000000e+00, v22  }
0xba: {  	v19 =	vsub.f32 $1.500000000e+00, v19;
	v26 =	vmul.f32 v24, v43;
	v29 =	vmul.f32 v29, v17  }
0xbb: {  	v30 =	vmul.f32 v18, v34;
	v21 =	vadd.f32 v15, v41;
	v44 =	vmul.f32 v40, v22  }
0xbc: {  	v15 =	vmul.f32 v19, v16;
	v45 =	vsub.f32 $1.500000000e+00, v26;
	v29 =	vsub.f32 $1.500000000e+00, v29  }
0xbd: {  	v30 =	vmul.f32 v30, v18;
	v21 =	vadd.f32 $1.000000000e+00, v21;
	v48 =	vmul.f32 v44, v23  }
0xbe: {  	v19 =	vmul.f32 v24, v45;
	v17 =	vmul.f32 v29, v17  }
0xbf: {  	v37 =	vld [tilespmem:$0x12160];
	v47 =	vsub.f32 $1.500000000e+00, v30;
	v49 =	vshrl.u32 v21, $0x1;
	v21 =	vmul.f32 $5.000000000e-01, v21  }
0xc0: {  	v40 =	vld [tilespmem:$0x123E0];
	v50 =	vmul.f32 v48, v44;
	v51 =	vmul.f32 v19, v28;
	v22 =	vsub.s32 $0x5F3759DF, v49  }
0xc1: {  	v59 =	vld [tilespmem:$0x123C0];
	v18 =	vmul.f32 v47, v18;
	v52 =	vmul.f32 v22, v21  }
0xc2: {  	v57 =	vld [tilespmem:$0x12140];
	v25 =	vmul.f32 v17, v63;
	v24 =	vsub.f32 $1.500000000e+00, v50;
	v26 =	vmul.f32 v51, v19  }
0xc3: {  	v27 =	vmul.f32 v18, v34;
	v29 =	vmul.f32 v22, v52  }
0xc4: {  	v60 =	vld [tilespmem:$0x12150];
	v25 =	vmul.f32 v25, v17;
	v24 =	vmul.f32 v24, v44;
	v53 =	vsub.f32 $1.500000000e+00, v26  }
0xc5: {  	v34 =	vld [tilespmem:$0x123D0];
	v26 =	vadd.f32 v40, v37;
	v27 =	vmul.f32 v27, v18;
	v54 =	vsub.f32 $1.500000000e+00, v29  }
0xc6: {  	v29 =	vsub.s32 $0x5F3759DF, v55;
	v25 =	vsub.f32 $1.500000000e+00, v25;
	v23 =	vmul.f32 v24, v23  }
0xc7: {  	v39 =	vadd.f32 v59, v57;
	v56 =	vmul.f32 v53, v19;
	v58 =	vmul.f32 v29, v20  }
0xc8: {  	v26 =	vadd.f32 $1.000000000e+00, v26;
	v22 =	vmul.f32 v22, v54;
	v16 =	vmul.f32 v25, v17  }
0xc9: {  	v45 =	vld [tilespmem:$0x12170];
	v61 =	vsub.f32 $1.500000000e+00, v27;
	v25 =	vadd.f32 $1.000000000e+00, v39;
	v23 =	vmul.f32 v23, v24  }
0xca: {  	v47 =	vld [tilespmem:$0x123F0];
	v28 =	vmul.f32 v56, v28;
	v33 =	vmul.f32 v29, v58;
	v43 =	vadd.f32 v34, v60  }
0xcb: {  	v51 =	vshrl.u32 v26, $0x1;
	v26 =	vmul.f32 $5.000000000e-01, v26;
	v32 =	vmul.f32 v22, v21  }
0xcc: {  	v17 =	vmul.f32 v61, v18;
	v46 =	vshrl.u32 v25, $0x1;
	v25 =	vmul.f32 $5.000000000e-01, v25  }
0xcd: {  	v54 =	vsub.s32 $0x5F3759DF, v51;
	v62 =	vmul.f32 v28, v56;
	v23 =	vsub.f32 $1.500000000e+00, v23  }
0xce: {  	v36 =	vsub.f32 $1.500000000e+00, v33;
	v27 =	vadd.f32 $1.000000000e+00, v43;
	v34 =	vmul.f32 v54, v26  }
0xcf: {  	v28 =	vadd.f32 v47, v45;
	v63 =	vmul.f32 v32, v22;
	v19 =	vmul.f32 v23, v24  }
0xd0: {  	v42 =	vmul.f32 v29, v36;
	v29 =	vsub.s32 $0x5F3759DF, v46;
	v49 =	vshrl.u32 v27, $0x1  }
0xd1: {  	v27 =	vmul.f32 $5.000000000e-01, v27;
	v28 =	vadd.f32 $1.000000000e+00, v28;
	v57 =	vmul.f32 v54, v34  }
0xd2: {  	v41 =	vsub.f32 $1.500000000e+00, v63;
	v48 =	vmul.f32 v29, v25;
	v32 =	vsub.s32 $0x5F3759DF, v49  }
0xd3: {  	v61 =	vld [tilespmem:$0x12400];
	v44 =	vmul.f32 v42, v20;
	v50 =	vmul.f32 v32, v27;
	v58 =	vshrl.u32 v28, $0x1  }
0xd4: {  	v36 =	vld [tilespmem:$0x12180];
	v28 =	vmul.f32 $5.000000000e-01, v28;
	v30 =	vsub.f32 $1.500000000e+00, v57;
	v22 =	vmul.f32 v41, v22  }
0xd5: {  	v31 =	vmul.f32 v29, v48;
	v41 =	vld [tilespmem:$0x12190];
	v23 =	vmul.f32 v44, v42  }
0xd6: {  	v38 =	vsub.f32 $1.500000000e+00, v62;
	v48 =	vld [tilespmem:$0x121A0];
	v53 =	vmul.f32 v32, v50;
	v30 =	vmul.f32 v54, v30  }
0xd7: {  	v44 =	vld [tilespmem:$0x12410];
	v21 =	vmul.f32 v22, v21;
	v52 =	vsub.f32 $1.500000000e+00, v31;
	v31 =	vsub.s32 $0x5F3759DF, v58  }
0xd8: {  	v18 =	vmul.f32 v38, v56;
	v50 =	vld [tilespmem:$0x12420];
	v23 =	vsub.f32 $1.500000000e+00, v23;
	v60 =	vmul.f32 v31, v28  }
0xd9: {  	v56 =	vsub.f32 $1.500000000e+00, v53;
	v38 =	vmul.f32 v30, v26;
	v21 =	vmul.f32 v21, v22  }
0xda: {  	v55 =	vmul.f32 v29, v52;
	v23 =	vmul.f32 v23, v42  }
0xdb: {  	v40 =	vadd.f32 v61, v36;
	v29 =	vmul.f32 v32, v56;
	v32 =	vmul.f32 v31, v60  }
0xdc: {  	v39 =	vmul.f32 v38, v30;
	v59 =	vmul.f32 v55, v25;
	v21 =	vsub.f32 $1.500000000e+00, v21  }
0xdd: {  	v33 =	vadd.f32 v44, v41;
	v58 =	vadd.f32 v50, v48;
	v35 =	vmul.f32 v29, v27  }
0xde: {  	v20 =	vmul.f32 v23, v20;
	v32 =	vsub.f32 $1.500000000e+00, v32;
	v42 =	vsub.f32 $1.500000000e+00, v39  }
0xdf: {  	v34 =	vmul.f32 v59, v55;
	v33 =	vadd.f32 $1.000000000e+00, v33;
	v35 =	vmul.f32 v35, v29  }
0xe0: {  	v61 =	vadd.f32 $1.000000000e+00, v58;
	v37 =	vmul.f32 v20, v23;
	v20 =	vmul.f32 v21, v22  }
0xe1: {  	v31 =	vmul.f32 v31, v32;
	v32 =	vadd.f32 $1.000000000e+00, v40;
	v34 =	vsub.f32 $1.500000000e+00, v34  }
0xe2: {  	v30 =	vmul.f32 v42, v30;
	v57 =	vmul.f32 $5.000000000e-01, v33;
	v63 =	vsub.f32 $1.500000000e+00, v35  }
0xe3: {  	v56 =	vshrl.u32 v33, $0x1;
	v43 =	vmul.f32 v31, v28;
	v62 =	vmul.f32 v34, v55  }
0xe4: {  	v51 =	vld [tilespmem:$0x121B0];
	v47 =	vshrl.u32 v32, $0x1;
	v32 =	vmul.f32 $5.000000000e-01, v32;
	v29 =	vmul.f32 v63, v29  }
0xe5: {  	v60 =	vld [tilespmem:$0x121C0];
	v37 =	vsub.f32 $1.500000000e+00, v37;
	v45 =	vmul.f32 v43, v31;
	v25 =	vmul.f32 v62, v25  }
0xe6: {  	v42 =	vshrl.u32 v61, $0x1;
	v26 =	vmul.f32 v30, v26;
	v63 =	vld [tilespmem:$0x12440];
	v27 =	vmul.f32 v29, v27  }
0xe7: {  	v53 =	vld [tilespmem:$0x12430];
	v21 =	vmul.f32 v37, v23;
	v23 =	vsub.f32 $1.500000000e+00, v45;
	v25 =	vmul.f32 v25, v62  }
0xe8: {  	v26 =	vmul.f32 v26, v30;
	v37 =	vsub.s32 $0x5F3759DF, v42;
	v46 =	vmul.f32 v27, v29  }
0xe9: {  	v27 =	vsub.s32 $0x5F3759DF, v47;
	v31 =	vmul.f32 v23, v31;
	v25 =	vsub.f32 $1.500000000e+00, v25  }
0xea: {  	v54 =	vsub.f32 $1.500000000e+00, v26;
	v49 =	vmul.f32 v27, v32;
	v24 =	vsub.f32 $1.500000000e+00, v46  }
0xeb: {  	v34 =	vadd.f32 v63, v60;
	v55 =	vmul.f32 v31, v28;
	v22 =	vmul.f32 v25, v62  }
0xec: {  	v52 =	vmul.f32 v27, v49;
	v62 =	vadd.f32 v53, v51;
	v23 =	vmul.f32 v24, v29  }
0xed: {  	v28 =	vsub.s32 $0x5F3759DF, v56;
	v24 =	vmul.f32 v54, v30;
	v30 =	vmul.f32 $5.000000000e-01, v61  }
0xee: {  	v59 =	vmul.f32 v28, v57;
	v25 =	vsub.f32 $1.500000000e+00, v52;
	v33 =	vadd.f32 $1.000000000e+00, v62  }
0xef: {  	v40 =	vld [tilespmem:$0x121D0];
	v47 =	vadd.f32 $1.000000000e+00, v34;
	v43 =	vmul.f32 v37, v30  }
0xf0: {  	v52 =	vld [tilespmem:$0x12450];
	v27 =	vmul.f32 v27, v25;
	v25 =	vmul.f32 v28, v59;
	v39 =	vshrl.u32 v33, $0x1  }
0xf1: {  	v26 =	vmul.f32 v55, v31;
	v33 =	vmul.f32 $5.000000000e-01, v33;
	v39 =	vsub.s32 $0x5F3759DF, v39  }
0xf2: {  	v44 =	vmul.f32 v37, v43;
	v41 =	vmul.f32 v27, v32;
	v25 =	vsub.f32 $1.500000000e+00, v25  }
0xf3: {  	v50 =	vshrl.u32 v47, $0x1;
	v26 =	vsub.f32 $1.500000000e+00, v26;
	v45 =	vmul.f32 v39, v33  }
0xf4: {  	v35 =	vsub.f32 $1.500000000e+00, v44;
	v36 =	vmul.f32 v41, v27;
	v28 =	vmul.f32 v28, v25  }
0xf5: {  	v38 =	vadd.f32 v52, v40;
	v25 =	vmul.f32 v26, v31;
	v49 =	vmul.f32 v39, v45  }
0xf6: {  	v51 =	vsub.s32 $0x5F3759DF, v50;
	v31 =	vmul.f32 $5.000000000e-01, v47;
	v35 =	vmul.f32 v37, v35  }
0xf7: {  	v56 =	vadd.f32 $1.000000000e+00, v38;
	v46 =	vmul.f32 v28, v57;
	v48 =	vsub.f32 $1.500000000e+00, v36  }
0xf8: {  	v36 =	vsub.f32 $1.500000000e+00, v49;
	v53 =	vmul.f32 v51, v31;
	v41 =	vmul.f32 v35, v30  }
0xf9: {  	v63 =	vld [tilespmem:$0x121E0];
	v40 =	vmul.f32 $5.000000000e-01, v56;
	v26 =	vmul.f32 v46, v28  }
0xfa: {  	v27 =	vmul.f32 v48, v27;
	v36 =	vmul.f32 v39, v36;
	v48 =	vld [tilespmem:$0x12460]  }
0xfb: {  	v54 =	vmul.f32 v51, v53;
	v55 =	vmul.f32 v41, v35;
	v26 =	vsub.f32 $1.500000000e+00, v26  }
0xfc: {  	v43 =	vld [tilespmem:$0x121F0];
	v59 =	vshrl.u32 v56, $0x1;
	v39 =	vmul.f32 v36, v33;
	v32 =	vmul.f32 v27, v32  }
0xfd: {  	v44 =	vld [tilespmem:$0x12470];
	v62 =	vsub.s32 $0x5F3759DF, v59;
	v34 =	vsub.f32 $1.500000000e+00, v55;
	v26 =	vmul.f32 v26, v28  }
0xfe: {  	v52 =	vld [tilespmem:$0x12200];
	v28 =	vsub.f32 $1.500000000e+00, v54;
	v39 =	vmul.f32 v39, v36;
	v32 =	vmul.f32 v32, v27  }
0xff: {  	v54 =	vld [tilespmem:$0x12480];
	v34 =	vmul.f32 v34, v35;
	v53 =	vadd.f32 v48, v63;
	v29 =	vmul.f32 v26, v57  }
0x100: {  	v37 =	vmul.f32 v51, v28;
	v57 =	vsub.f32 $1.500000000e+00, v39;
	v39 =	vmul.f32 v62, v40  }
0x101: {  	v32 =	vsub.f32 $1.500000000e+00, v32;
	v60 =	vmul.f32 v34, v30;
	v29 =	vmul.f32 v29, v26  }
0x102: {  	v56 =	vadd.f32 $1.000000000e+00, v53;
	v58 =	vmul.f32 v37, v31;
	v61 =	vmul.f32 v57, v36  }
0x103: {  	v39 =	vmul.f32 v62, v39;
	v28 =	vmul.f32 v32, v27;
	v57 =	vadd.f32 v44, v43  }
0x104: {  	v42 =	vmul.f32 v60, v34;
	v60 =	vshrl.u32 v56, $0x1;
	v36 =	vadd.f32 v54, v52  }
0x105: {  	v38 =	vmul.f32 v58, v37;
	v33 =	vmul.f32 v61, v33;
	v29 =	vsub.f32 $1.500000000e+00, v29  }
0x106: {  	v55 =	vld [tilespmem:$0x12210];
	v51 =	vsub.f32 $1.500000000e+00, v39;
	v63 =	vsub.s32 $0x5F3759DF, v60;
	v49 =	vsub.f32 $1.500000000e+00, v42  }
0x107: {  	v58 =	vld [tilespmem:$0x12490];
	v42 =	vmul.f32 $5.000000000e-01, v56;
	v36 =	vadd.f32 $1.000000000e+00, v36;
	v50 =	vmul.f32 v33, v61  }
0x108: {  	v38 =	vsub.f32 $1.500000000e+00, v38;
	v26 =	vmul.f32 v29, v26;
	v35 =	vmul.f32 v62, v51  }
0x109: {  	v27 =	vmul.f32 v49, v34;
	v47 =	vmul.f32 v63, v42;
	v51 =	vshrl.u32 v36, $0x1  }
0x10a: {  	v36 =	vmul.f32 $5.000000000e-01, v36;
	v33 =	vmul.f32 v38, v37;
	v32 =	vsub.f32 $1.500000000e+00, v50  }
0x10b: {  	v59 =	vmul.f32 v35, v40;
	v41 =	vsub.s32 $0x5F3759DF, v51;
	v37 =	vmul.f32 v63, v47  }
0x10c: {  	v34 =	vadd.f32 v58, v55;
	v52 =	vmul.f32 v41, v36;
	v31 =	vmul.f32 v33, v31  }
0x10d: {  	v29 =	vmul.f32 v32, v61;
	v61 =	vadd.f32 $1.000000000e+00, v57;
	v62 =	vmul.f32 v59, v35  }
0x10e: {  	v34 =	vadd.f32 $1.000000000e+00, v34;
	v37 =	vsub.f32 $1.500000000e+00, v37;
	v44 =	vmul.f32 v41, v52  }
0x10f: {  	v31 =	vmul.f32 v31, v33;
	v48 =	vshrl.u32 v61, $0x1;
	v43 =	vmul.f32 $5.000000000e-01, v61  }
0x110: {  	v32 =	vsub.f32 $1.500000000e+00, v62;
	v49 =	vsub.s32 $0x5F3759DF, v48;
	v45 =	vshrl.u32 v34, $0x1  }
0x111: {  	v62 =	vld [tilespmem:$0x12220];
	v34 =	vmul.f32 $5.000000000e-01, v34;
	v37 =	vmul.f32 v63, v37;
	v55 =	vsub.f32 $1.500000000e+00, v44  }
0x112: {  	v48 =	vld [tilespmem:$0x124A0];
	v50 =	vmul.f32 v49, v43;
	v53 =	vsub.s32 $0x5F3759DF, v45;
	v32 =	vmul.f32 v32, v35  }
0x113: {  	v54 =	vsub.f32 $1.500000000e+00, v31;
	v45 =	vmul.f32 v53, v34;
	v46 =	vmul.f32 v37, v42  }
0x114: {  	v31 =	vmul.f32 v41, v55;
	v38 =	vmul.f32 v49, v50  }
0x115: {  	v30 =	vmul.f32 v54, v33;
	v40 =	vmul.f32 v32, v40  }
0x116: {  	v47 =	vld [tilespmem:$0x12260];
	v56 =	vmul.f32 v53, v45;
	v57 =	vmul.f32 v46, v37  }
0x117: {  	v63 =	vmul.f32 v31, v36;
	v38 =	vsub.f32 $1.500000000e+00, v38;
	v39 =	vadd.f32 v48, v62;
	v62 =	vld [tilespmem:$0x124D0]  }
0x118: {  	v40 =	vmul.f32 v40, v32;
	v48 =	vld [tilespmem:$0x124E0];
	v59 =	vsub.f32 $1.500000000e+00, v56;
	v60 =	vsub.f32 $1.500000000e+00, v57  }
0x119: {  	v50 =	vmul.f32 v63, v31;
	v57 =	vld [tilespmem:$0x12240];
	v38 =	vmul.f32 v49, v38  }
0x11a: {  	v33 =	vmul.f32 v53, v59;
	v35 =	vmul.f32 v60, v37;
	v59 =	vld [tilespmem:$0x124C0]  }
0x11b: {  	v40 =	vsub.f32 $1.500000000e+00, v40;
	v41 =	vsub.f32 $1.500000000e+00, v50;
	v60 =	vld [tilespmem:$0x12250];
	v58 =	vmul.f32 v38, v43  }
0x11c: {  	v52 =	vld [tilespmem:$0x12230];
	v39 =	vadd.f32 $1.000000000e+00, v39;
	v51 =	vmul.f32 v33, v34;
	v42 =	vmul.f32 v35, v42  }
0x11d: {  	[tilespmem:$0x12550] =	vst v7;
	v53 =	vld [tilespmem:$0x124B0];
	v41 =	vmul.f32 v41, v31;
	v7 =	vadd.f32 v48, v47;
	v61 =	vmul.f32 v58, v38  }
0x11e: {  	v31 =	vmul.f32 v40, v32;
	v58 =	vshrl.u32 v39, $0x1;
	v45 =	vmul.f32 v51, v33  }
0x11f: {  	v42 =	vmul.f32 v42, v35;
	v7 =	vadd.f32 $1.000000000e+00, v7;
	v49 =	vsub.f32 $1.500000000e+00, v61  }
0x120: {  	[tilespmem:$0x12540] =	vst v6;
	v36 =	vmul.f32 v41, v36;
	v50 =	vadd.f32 v59, v57;
	v6 =	vadd.f32 v62, v60  }
0x121: {  	v39 =	vmul.f32 $5.000000000e-01, v39;
	v54 =	vsub.f32 $1.500000000e+00, v45;
	v56 =	vsub.f32 $1.500000000e+00, v42  }
0x122: {  	v36 =	vmul.f32 v36, v41;
	v37 =	vmul.f32 v49, v38;
	v38 =	vadd.f32 v53, v52  }
0x123: {  	v6 =	vadd.f32 $1.000000000e+00, v6;
	v33 =	vmul.f32 v54, v33;
	v35 =	vmul.f32 v56, v35  }
0x124: {  	v51 =	vld [tilespmem:$0x12270];
	v36 =	vsub.f32 $1.500000000e+00, v36;
	v43 =	vmul.f32 v37, v43;
	v38 =	vadd.f32 $1.000000000e+00, v38  }
0x125: {  	[tilespmem:$0x12580] =	vst v10;
	v53 =	vld [tilespmem:$0x124F0];
	v10 =	vshrl.u32 v6, $0x1;
	v6 =	vmul.f32 $5.000000000e-01, v6;
	v34 =	vmul.f32 v33, v34  }
0x126: {  	[tilespmem:$0x12530] =	vst v5;
	v5 =	vmul.f32 v36, v41;
	v10 =	vsub.s32 $0x5F3759DF, v10;
	v55 =	vmul.f32 v43, v37  }
0x127: {  	v43 =	vsub.s32 $0x5F3759DF, v58;
	v63 =	vshrl.u32 v38, $0x1;
	v38 =	vmul.f32 $5.000000000e-01, v38  }
0x128: {  	[tilespmem:$0x125A0] =	vst v12;
	v12 =	vmul.f32 v10, v6;
	v58 =	vshrl.u32 v7, $0x1;
	v7 =	vmul.f32 $5.000000000e-01, v7  }
0x129: {  	[tilespmem:$0x12500] =	vst v4;
	v54 =	vadd.f32 $1.000000000e+00, v50;
	v61 =	vmul.f32 v43, v39;
	v34 =	vmul.f32 v34, v33  }
0x12a: {  	[tilespmem:$0x125B0] =	vst v13;
	v49 =	vsub.s32 $0x5F3759DF, v63;
	v56 =	vadd.f32 v53, v51;
	v13 =	vsub.s32 $0x5F3759DF, v58  }
0x12b: {  	[tilespmem:$0x12510] =	vst v3;
	v32 =	vsub.f32 $1.500000000e+00, v55;
	v52 =	vmul.f32 v49, v38;
	v12 =	vmul.f32 v10, v12  }
0x12c: {  	[tilespmem:$0x125C0] =	vst v14;
	v14 =	vmul.f32 v13, v7;
	v4 =	vmul.f32 v43, v61;
	v3 =	vsub.f32 $1.500000000e+00, v34  }
0x12d: {  	[tilespmem:$0x12520] =	vst v2;
	v55 =	vshrl.u32 v54, $0x1;
	v2 =	vmul.f32 v32, v37;
	v32 =	vmul.f32 v49, v52  }
0x12e: {  	v36 =	vsub.s32 $0x5F3759DF, v55;
	v12 =	vsub.f32 $1.500000000e+00, v12;
	v3 =	vmul.f32 v3, v33  }
0x12f: {  	[tilespmem:$0x12570] =	vst v8;
	v33 =	vmul.f32 $5.000000000e-01, v54;
	v8 =	vsub.f32 $1.500000000e+00, v32;
	v32 =	vadd.f32 $1.000000000e+00, v56  }
0x130: {  	[tilespmem:$0x12560] =	vst v9;
	v14 =	vmul.f32 v13, v14;
	v4 =	vsub.f32 $1.500000000e+00, v4;
	v10 =	vmul.f32 v10, v12  }
0x131: {  	[tilespmem:$0x12590] =	vst v11;
	v57 =	vmul.f32 v36, v33;
	v59 =	vshrl.u32 v32, $0x1;
	v32 =	vmul.f32 $5.000000000e-01, v32  }
0x132: {  	[tilespmem:$0x125D0] =	vst v15;
	v12 =	vsub.f32 $1.500000000e+00, v14;
	v4 =	vmul.f32 v43, v4;
	v37 =	vsub.s32 $0x5F3759DF, v59  }
0x133: {  	[tilespmem:$0x125E0] =	vst v16;
	v11 =	vmul.f32 v36, v57;
	v15 =	vmul.f32 v37, v32  }
0x134: {  	[tilespmem:$0x125F0] =	vst v17;
	v8 =	vmul.f32 v49, v8;
	v12 =	vmul.f32 v13, v12  }
0x135: {  	[tilespmem:$0x12600] =	vst v19;
	v61 =	vmul.f32 v10, v6;
	v11 =	vsub.f32 $1.500000000e+00, v11;
	v15 =	vmul.f32 v37, v15  }
0x136: {  	[tilespmem:$0x12610] =	vst v18;
	v9 =	vmul.f32 v4, v39;
	v60 =	vmul.f32 v8, v38  }
0x137: {  	[tilespmem:$0x12620] =	vst v20;
	v62 =	vmul.f32 v12, v7;
	v11 =	vmul.f32 v36, v11;
	v15 =	vsub.f32 $1.500000000e+00, v15  }
0x138: {  	[tilespmem:$0x12630] =	vst v21;
	v9 =	vmul.f32 v9, v4;
	v14 =	vmul.f32 v60, v8  }
0x139: {  	[tilespmem:$0x12640] =	vst v22;
	v13 =	vmul.f32 v11, v33;
	v15 =	vmul.f32 v37, v15  }
0x13a: {  	[tilespmem:$0x12650] =	vst v23;
	v16 =	vmul.f32 v61, v10;
	v17 =	vmul.f32 v62, v12;
	v9 =	vsub.f32 $1.500000000e+00, v9  }
0x13b: {  	[tilespmem:$0x12660] =	vst v24;
	v14 =	vsub.f32 $1.500000000e+00, v14;
	v13 =	vmul.f32 v13, v11;
	v63 =	vmul.f32 v15, v32  }
0x13c: {  	[tilespmem:$0x12670] =	vst v25;
	v16 =	vsub.f32 $1.500000000e+00, v16;
	v4 =	vmul.f32 v9, v4;
	v9 =	vsub.f32 $1.500000000e+00, v17  }
0x13d: {  	[tilespmem:$0x12680] =	vst v28;
	v8 =	vmul.f32 v14, v8;
	v13 =	vsub.f32 $1.500000000e+00, v13;
	v18 =	vmul.f32 v63, v15  }
0x13e: {  	[tilespmem:$0x12690] =	vst v26;
	v9 =	vmul.f32 v9, v12;
	v12 =	vmul.f32 v4, v39  }
0x13f: {  	[tilespmem:$0x126A0] =	vst v27;
	v10 =	vmul.f32 v16, v10;
	v11 =	vmul.f32 v13, v11;
	v13 =	vsub.f32 $1.500000000e+00, v18  }
0x140: {  	[tilespmem:$0x126B0] =	vst v29;
	v14 =	vmul.f32 v8, v38;
	v12 =	vmul.f32 v12, v4  }
0x141: {  	[tilespmem:$0x126C0] =	vst v30;
	v13 =	vmul.f32 v13, v15;
	v15 =	vmul.f32 v11, v33  }
0x142: {  	[tilespmem:$0x126D0] =	vst v31;
	v6 =	vmul.f32 v10, v6;
	v14 =	vmul.f32 v14, v8  }
0x143: {  	[tilespmem:$0x126E0] =	vst v35;
	v7 =	vmul.f32 v9, v7;
	v12 =	vsub.f32 $1.500000000e+00, v12;
	v15 =	vmul.f32 v15, v11  }
0x144: {  	[tilespmem:$0x126F0] =	vst v2;
	v6 =	vmul.f32 v6, v10;
	v2 =	vsub.f32 $1.500000000e+00, v14;
	v14 =	vmul.f32 v13, v32  }
0x145: {  	[tilespmem:$0x12700] =	vst v5;
	v7 =	vmul.f32 v7, v9;
	v4 =	vmul.f32 v12, v4;
	v5 =	vsub.f32 $1.500000000e+00, v15  }
0x146: {  	[tilespmem:$0x12710] =	vst v3;
	v3 =	vsub.f32 $1.500000000e+00, v6;
	v2 =	vmul.f32 v2, v8;
	v6 =	vmul.f32 v14, v13  }
0x147: {  	[tilespmem:$0x12720] =	vst v4;
	v4 =	vmul.f32 v5, v11;
	v5 =	vsub.f32 $1.500000000e+00, v7  }
0x148: {  	[tilespmem:$0x12730] =	vst v2;
	v2 =	vmul.f32 v3, v10;
	v3 =	vsub.f32 $1.500000000e+00, v6  }
0x149: {  	[tilespmem:$0x12740] =	vst v4;
	v4 =	vmul.f32 v5, v9  }
0x14a: {  	[tilespmem:$0x12750] =	vst v2;
	v2 =	vmul.f32 v3, v13  }
0x14b: {  	[tilespmem:$0x12760] =	vst v4  }
0x14c: {  	s16 =	rddreg [dreg:$0x9];
	[tilespmem:$0x12770] =	vst v2  }
0x14d: {  	[tilespmem:s11], [sflag:$0x11] =	stream.linear.gather [hbm4b:s16+s3], $0x5000, $0x38;
	[tilespmem:$0x1DB80] =	vst v63  }
0x14e: {  	_ =	swait.ge [sflag:s17], $0x5000  }
0x14f: {  	[sflag:s17] =	ssyncset.done $0x0  }
0x150: {  	s14 =	simm.s32 $0x1F0;
	[sflag:s17] =	ssyncadd.s32 $0xFFFFB000  }
0x151: {  	v2 =	vld [tilespmem:s14+$0xD000]  }
0x152: {  	v3 =	vld [tilespmem:s14+$0xCFE0]  }
0x153: {  	v4 =	vld [tilespmem:s14+$0xCF80]  }
0x154: {  	v6 =	vld [tilespmem:s14+$0xCF60]  }
0x155: {  	v7 =	vld [tilespmem:s14+$0xCF00]  }
0x156: {  	v9 =	vld [tilespmem:s14+$0xCEE0]  }
0x157: {  	v12 =	vld [tilespmem:s14+$0xCE80]  }
0x158: {  	v13 =	vld [tilespmem:s14+$0xCE60]  }
0x159: {  	s15 =	simm.s32 $0x12500;
	v14 =	vld [tilespmem:s14+$0xCE40]  }
0x15a: {  	s7 =	simm.s32 $0xFC0;
	v5 =	vld [tilespmem:s15+$0x0]  }
.LBB2_4:
0x15b: {  	p0 =	sne.s32 s7, $0x13FC0;
	v15 =	vld [tilespmem:s14+$0xCE20]  }
0x15c: {  	v16 =	vld [tilespmem:s14+$0xCE10]  }
0x15d: {  	v17 =	vld [tilespmem:s14+$0xCE30]  }
0x15e: {  	v18 =	vld [tilespmem:s14+$0xCE50]  }
0x15f: {  	v19 =	vbroadcast v5, $0x0;
	v11 =	vbroadcast v5, $0x1;
	v20 =	vld [tilespmem:s14+$0xCE70]  }
0x160: {  	v10 =	vbroadcast v5, $0x2;
	v8 =	vbroadcast v5, $0x3;
	v21 =	vld [tilespmem:s14+$0xCEC0]  }
0x161: {  	v16 =	vmul.f32 v19, v16;
	v15 =	vmul.f32 v15, v19;
	[tilespmem:s14+$0x12590] =	vst v19;
	v22 =	vld [tilespmem:s14+$0xCEA0]  }
0x162: {  	v14 =	vmul.f32 v14, v11;
	[tilespmem:s14+$0x125A0] =	vst v19;
	v17 =	vmul.f32 v17, v11;
	v19 =	vld [tilespmem:s14+$0xCE90]  }
0x163: {  	v13 =	vmul.f32 v13, v10;
	[tilespmem:s14+$0xCE10] =	vst v16;
	v16 =	vmul.f32 v18, v10;
	v18 =	vld [tilespmem:s14+$0xCEB0]  }
0x164: {  	v12 =	vmul.f32 v12, v8;
	[tilespmem:s14+$0xCE20] =	vst v15;
	v15 =	vmul.f32 v20, v8;
	v20 =	vld [tilespmem:s14+$0xCED0]  }
0x165: {  	v23 =	vbroadcast v5, $0x5;
	[tilespmem:s14+$0xCE30] =	vst v17;
	v17 =	vbroadcast v5, $0x4;
	v24 =	vld [tilespmem:s14+$0xCEF0]  }
0x166: {  	v25 =	vbroadcast v5, $0x7;
	[tilespmem:s14+$0xCE40] =	vst v14;
	v14 =	vbroadcast v5, $0x6;
	v26 =	vld [tilespmem:s14+$0xCF40]  }
0x167: {  	[tilespmem:s14+$0xCE50] =	vst v16;
	v16 =	vmul.f32 v19, v17;
	v19 =	vmul.f32 v22, v17;
	v22 =	vld [tilespmem:s14+$0xCF20]  }
0x168: {  	[tilespmem:s14+$0xCE60] =	vst v13;
	v13 =	vmul.f32 v18, v23;
	v18 =	vmul.f32 v21, v23;
	v21 =	vld [tilespmem:s14+$0xCF10]  }
0x169: {  	v9 =	vmul.f32 v9, v14;
	[tilespmem:s14+$0xCE70] =	vst v15;
	v15 =	vmul.f32 v20, v14;
	v20 =	vld [tilespmem:s14+$0xCF30]  }
0x16a: {  	v7 =	vmul.f32 v7, v25;
	[tilespmem:s14+$0xCE80] =	vst v12;
	v12 =	vmul.f32 v24, v25;
	v24 =	vld [tilespmem:s14+$0xCF50]  }
0x16b: {  	v27 =	vbroadcast v5, $0x9;
	[tilespmem:s14+$0xCE90] =	vst v16;
	v16 =	vbroadcast v5, $0x8;
	v28 =	vld [tilespmem:s14+$0xCF70]  }
0x16c: {  	v29 =	vbroadcast v5, $0xB;
	[tilespmem:s14+$0xCEA0] =	vst v19;
	v19 =	vbroadcast v5, $0xA;
	v30 =	vld [tilespmem:s14+$0xCFC0]  }
0x16d: {  	[tilespmem:s14+$0xCEB0] =	vst v13;
	v13 =	vmul.f32 v21, v16;
	v21 =	vmul.f32 v22, v16;
	v22 =	vld [tilespmem:s14+$0xCFA0]  }
0x16e: {  	[tilespmem:s14+$0xCEC0] =	vst v18;
	v18 =	vmul.f32 v20, v27;
	v20 =	vmul.f32 v26, v27;
	v26 =	vld [tilespmem:s14+$0xCF90]  }
0x16f: {  	v6 =	vmul.f32 v6, v19;
	[tilespmem:s14+$0xCED0] =	vst v15;
	v15 =	vmul.f32 v24, v19;
	v24 =	vld [tilespmem:s14+$0xCFB0]  }
0x170: {  	v4 =	vmul.f32 v4, v29;
	[tilespmem:s14+$0xCEE0] =	vst v9;
	v9 =	vmul.f32 v28, v29;
	v28 =	vld [tilespmem:s14+$0xCFD0]  }
0x171: {  	v31 =	vbroadcast v5, $0xD;
	[tilespmem:s14+$0xCEF0] =	vst v12;
	v12 =	vbroadcast v5, $0xC;
	v32 =	vld [tilespmem:s14+$0xCFF0]  }
0x172: {  	v33 =	vbroadcast v5, $0xE;
	v5 =	vbroadcast v5, $0xF;
	[tilespmem:s14+$0xCF00] =	vst v7  }
0x173: {  	[tilespmem:s14+$0xCF10] =	vst v13;
	v7 =	vmul.f32 v26, v12;
	v13 =	vmul.f32 v22, v12  }
0x174: {  	v22 =	vmul.f32 v30, v31;
	[tilespmem:s14+$0xCF20] =	vst v21;
	v21 =	vmul.f32 v24, v31  }
0x175: {  	v3 =	vmul.f32 v3, v33;
	[tilespmem:s14+$0xCF30] =	vst v18;
	v18 =	vmul.f32 v28, v33  }
0x176: {  	v2 =	vmul.f32 v2, v5;
	[tilespmem:s14+$0xCF40] =	vst v20;
	v20 =	vmul.f32 v32, v5  }
0x177: {  	[tilespmem:s14+$0xCF50] =	vst v15  }
0x178: {  	[tilespmem:s14+$0xCF60] =	vst v6  }
0x179: {  	[tilespmem:s14+$0xCF70] =	vst v9  }
0x17a: {  	[tilespmem:s14+$0xCF80] =	vst v4  }
0x17b: {  	[tilespmem:s14+$0xCF90] =	vst v7  }
0x17c: {  	[tilespmem:s14+$0xCFA0] =	vst v13  }
0x17d: {  	[tilespmem:s14+$0xCFB0] =	vst v21  }
0x17e: {  	[tilespmem:s14+$0xCFC0] =	vst v22  }
0x17f: {  	[tilespmem:s14+$0xCFD0] =	vst v18  }
0x180: {  	[tilespmem:s14+$0xCFE0] =	vst v3  }
0x181: {  	[tilespmem:s14+$0xCFF0] =	vst v20  }
0x182: {  	[tilespmem:s14+$0xD000] =	vst v2  }
0x183: {  	[tilespmem:s14+$0x125B0] =	vst v11  }
0x184: {  	[tilespmem:s14+$0x125C0] =	vst v11  }
0x185: {  	[tilespmem:s14+$0x125D0] =	vst v10  }
0x186: {  	[tilespmem:s14+$0x125E0] =	vst v10  }
0x187: {  	[tilespmem:s14+$0x125F0] =	vst v8  }
0x188: {  	[tilespmem:s14+$0x12600] =	vst v8  }
0x189: {  	[tilespmem:s14+$0x12610] =	vst v17  }
0x18a: {  	[tilespmem:s14+$0x12620] =	vst v17  }
0x18b: {  	[tilespmem:s14+$0x12630] =	vst v23  }
0x18c: {  	[tilespmem:s14+$0x12640] =	vst v23  }
0x18d: {  	[tilespmem:s14+$0x12650] =	vst v14  }
0x18e: {  	[tilespmem:s14+$0x12660] =	vst v14  }
0x18f: {  	[tilespmem:s14+$0x12670] =	vst v25  }
0x190: {  	[tilespmem:s14+$0x12680] =	vst v25  }
0x191: {  	[tilespmem:s14+$0x12690] =	vst v16  }
0x192: {  	[tilespmem:s14+$0x126A0] =	vst v16  }
0x193: {  	[tilespmem:s14+$0x126B0] =	vst v27  }
0x194: {  	[tilespmem:s14+$0x126C0] =	vst v27  }
0x195: {  	[tilespmem:s14+$0x126D0] =	vst v19  }
0x196: {  	[tilespmem:s14+$0x126E0] =	vst v19  }
0x197: {  	s16 =	sshra.s32 s7, $0x2;
	[tilespmem:s14+$0x126F0] =	vst v29  }
0x198: {  	v2 =	vld [tilespmem:s16+$0xD000];
	[tilespmem:s14+$0x12700] =	vst v29  }
0x199: {  	v3 =	vld [tilespmem:s16+$0xCFE0];
	[tilespmem:s14+$0x12710] =	vst v12  }
0x19a: {  	v4 =	vld [tilespmem:s16+$0xCF80];
	[tilespmem:s14+$0x12720] =	vst v12  }
0x19b: {  	v6 =	vld [tilespmem:s16+$0xCF60];
	[tilespmem:s14+$0x12730] =	vst v31  }
0x19c: {  	v7 =	vld [tilespmem:s16+$0xCF00];
	[tilespmem:s14+$0x12740] =	vst v31  }
.Ltmp3:
0x19d: {  	v9 =	vld [tilespmem:s16+$0xCEE0];
	[tilespmem:s14+$0x12750] =	vst v33;
	(pc) =	sbr.rel @p0 .LBB2_4-.Ltmp3, $4  }
0x19e: {  	v12 =	vld [tilespmem:s16+$0xCE80];
	[tilespmem:s14+$0x12760] =	vst v33  }
0x19f: {  	v13 =	vld [tilespmem:s16+$0xCE60];
	[tilespmem:s14+$0x12770] =	vst v5  }
0x1a0: {  	s15 =	sadd.s32 $0x10, s15;
	v14 =	vld [tilespmem:s16+$0xCE40];
	[tilespmem:s14+$0x12780] =	vst v5;
	s14 =	smov.u32 s16  }
0x1a1: {  	s7 =	sadd.s32 $0x800, s7;
	v5 =	vld [tilespmem:s15+$0x0]  }
0x1a2: {  	_ =	sdelay $0x3  }
0x1a3: {  	v16 =	vbroadcast v5, $0x0;
	_ =	sdelay $0x1  }
0x1a4: {  	v21 =	vbroadcast v5, $0x1;
	[tilespmem:s14+$0x12590] =	vst v16  }
0x1a5: {  	[tilespmem:s14+$0x125A0] =	vst v16  }
0x1a6: {  	v40 =	vbroadcast v5, $0x2;
	[tilespmem:s14+$0x125B0] =	vst v21  }
0x1a7: {  	[tilespmem:s14+$0x125C0] =	vst v21  }
0x1a8: {  	v22 =	vbroadcast v5, $0x3;
	[tilespmem:s14+$0x125D0] =	vst v40  }
0x1a9: {  	[tilespmem:s14+$0x125E0] =	vst v40  }
0x1aa: {  	v23 =	vbroadcast v5, $0x4;
	[tilespmem:s14+$0x125F0] =	vst v22  }
0x1ab: {  	[tilespmem:s14+$0x12600] =	vst v22  }
0x1ac: {  	v24 =	vbroadcast v5, $0x5;
	[tilespmem:s14+$0x12610] =	vst v23  }
0x1ad: {  	[tilespmem:s14+$0x12620] =	vst v23  }
0x1ae: {  	v25 =	vbroadcast v5, $0x6;
	[tilespmem:s14+$0x12630] =	vst v24  }
0x1af: {  	[tilespmem:s14+$0x12640] =	vst v24  }
0x1b0: {  	v26 =	vbroadcast v5, $0x7;
	[tilespmem:s14+$0x12650] =	vst v25  }
0x1b1: {  	[tilespmem:s14+$0x12660] =	vst v25  }
0x1b2: {  	v52 =	vbroadcast v5, $0x8;
	[tilespmem:s14+$0x12670] =	vst v26  }
0x1b3: {  	[tilespmem:s14+$0x12680] =	vst v26  }
0x1b4: {  	v53 =	vbroadcast v5, $0x9;
	[tilespmem:s14+$0x12690] =	vst v52  }
0x1b5: {  	[tilespmem:s14+$0x126A0] =	vst v52  }
0x1b6: {  	v54 =	vbroadcast v5, $0xA;
	[tilespmem:s14+$0x126B0] =	vst v53  }
0x1b7: {  	[tilespmem:s14+$0x126C0] =	vst v53  }
0x1b8: {  	v56 =	vbroadcast v5, $0xB;
	[tilespmem:s14+$0x126D0] =	vst v54  }
0x1b9: {  	v10 =	vld [tilespmem:s14+$0xCE10];
	[tilespmem:s14+$0x126E0] =	vst v54  }
0x1ba: {  	v8 =	vld [tilespmem:s14+$0xCE20];
	v58 =	vbroadcast v5, $0xC;
	[tilespmem:s14+$0x126F0] =	vst v56  }
0x1bb: {  	v11 =	vld [tilespmem:s14+$0xCE30];
	[tilespmem:s14+$0x12700] =	vst v56  }
0x1bc: {  	v59 =	vbroadcast v5, $0xD;
	[tilespmem:s14+$0x12710] =	vst v58  }
0x1bd: {  	v15 =	vld [tilespmem:s14+$0xCE50];
	[tilespmem:s14+$0x12720] =	vst v58  }
0x1be: {  	v10 =	vmul.f32 v16, v10;
	[tilespmem:s14+$0x12730] =	vst v59  }
0x1bf: {  	v17 =	vld [tilespmem:s14+$0xCE70];
	v8 =	vmul.f32 v8, v16;
	[tilespmem:s14+$0x12740] =	vst v59  }
0x1c0: {  	v11 =	vmul.f32 v11, v21;
	[tilespmem:s14+$0xCE10] =	vst v10  }
0x1c1: {  	v20 =	vld [tilespmem:s14+$0xCE90];
	v14 =	vmul.f32 v14, v21;
	[tilespmem:s14+$0xCE20] =	vst v8  }
0x1c2: {  	v19 =	vld [tilespmem:s14+$0xCEA0];
	v15 =	vmul.f32 v15, v40;
	[tilespmem:s14+$0xCE30] =	vst v11  }
0x1c3: {  	v18 =	vld [tilespmem:s14+$0xCEC0];
	v13 =	vmul.f32 v13, v40;
	[tilespmem:s14+$0xCE40] =	vst v14  }
0x1c4: {  	v17 =	vmul.f32 v17, v22;
	[tilespmem:s14+$0xCE50] =	vst v15  }
0x1c5: {  	v12 =	vmul.f32 v12, v22;
	[tilespmem:s14+$0xCE60] =	vst v13  }
0x1c6: {  	v42 =	vld [tilespmem:s14+$0xCF40];
	v20 =	vmul.f32 v20, v23;
	[tilespmem:s14+$0xCE70] =	vst v17  }
0x1c7: {  	v19 =	vmul.f32 v19, v23;
	[tilespmem:s14+$0xCE80] =	vst v12  }
0x1c8: {  	v47 =	vld [tilespmem:s14+$0xCF70];
	v18 =	vmul.f32 v18, v24;
	[tilespmem:s14+$0xCE90] =	vst v20  }
0x1c9: {  	v9 =	vmul.f32 v9, v25;
	[tilespmem:s14+$0xCEA0] =	vst v19  }
0x1ca: {  	v50 =	vld [tilespmem:s14+$0xCF90];
	v7 =	vmul.f32 v7, v26;
	[tilespmem:s14+$0xCEC0] =	vst v18  }
0x1cb: {  	v48 =	vld [tilespmem:s14+$0xCFC0];
	v55 =	vmul.f32 v42, v53;
	[tilespmem:s14+$0xCEE0] =	vst v9  }
0x1cc: {  	v38 =	vld [tilespmem:s14+$0xCEB0];
	v6 =	vmul.f32 v6, v54;
	[tilespmem:s14+$0xCF00] =	vst v7  }
0x1cd: {  	v39 =	vld [tilespmem:s14+$0xCED0];
	v57 =	vmul.f32 v47, v56;
	[tilespmem:s14+$0xCF40] =	vst v55  }
0x1ce: {  	v41 =	vld [tilespmem:s14+$0xCEF0];
	v4 =	vmul.f32 v4, v56;
	[tilespmem:s14+$0xCF60] =	vst v6  }
0x1cf: {  	v44 =	vld [tilespmem:s14+$0xCF10];
	v60 =	vmul.f32 v50, v58;
	[tilespmem:s14+$0xCF70] =	vst v57  }
0x1d0: {  	v43 =	vld [tilespmem:s14+$0xCF20];
	v61 =	vmul.f32 v48, v59;
	[tilespmem:s14+$0xCF80] =	vst v4  }
0x1d1: {  	v45 =	vld [tilespmem:s14+$0xCF30];
	v10 =	vmul.f32 v38, v24;
	[tilespmem:s14+$0xCF90] =	vst v60  }
0x1d2: {  	v46 =	vld [tilespmem:s14+$0xCF50];
	v8 =	vmul.f32 v39, v25;
	[tilespmem:s14+$0xCFC0] =	vst v61  }
0x1d3: {  	v11 =	vmul.f32 v41, v26;
	[tilespmem:s14+$0xCEB0] =	vst v10  }
0x1d4: {  	v13 =	vmul.f32 v44, v52;
	[tilespmem:s14+$0xCED0] =	vst v8  }
0x1d5: {  	v15 =	vmul.f32 v43, v52;
	[tilespmem:s14+$0xCEF0] =	vst v11  }
0x1d6: {  	v17 =	vmul.f32 v45, v53;
	[tilespmem:s14+$0xCF10] =	vst v13  }
0x1d7: {  	v49 =	vld [tilespmem:s14+$0xCFA0];
	v12 =	vmul.f32 v46, v54;
	[tilespmem:s14+$0xCF20] =	vst v15  }
0x1d8: {  	v4 =	vbroadcast v5, $0xE;
	[tilespmem:s14+$0xCF30] =	vst v17  }
0x1d9: {  	v51 =	vld [tilespmem:s14+$0xCFB0];
	[tilespmem:s14+$0xCF50] =	vst v12  }
0x1da: {  	v27 =	vld [tilespmem:s14+$0xCFD0];
	v5 =	vbroadcast v5, $0xF;
	[tilespmem:s14+$0x12750] =	vst v4  }
0x1db: {  	[tilespmem:s14+$0x12760] =	vst v4  }
0x1dc: {  	v28 =	vld [tilespmem:s14+$0xCFF0];
	v10 =	vmul.f32 v49, v58;
	[tilespmem:s14+$0x12770] =	vst v5  }
0x1dd: {  	v2 =	vmul.f32 v2, v5;
	[tilespmem:s14+$0x12780] =	vst v5  }
0x1de: {  	s7 =	simm.s32 $0x0;
	v8 =	vmul.f32 v51, v59;
	[tilespmem:s14+$0xCFA0] =	vst v10  }
0x1df: {  	v62 =	vmul.f32 v27, v4;
	[tilespmem:s14+$0xD000] =	vst v2;
	v2 =	vor.u32 s7, v1  }
0x1e0: {  	v3 =	vmul.f32 v3, v4;
	[tilespmem:s14+$0xCFB0] =	vst v8  }
0x1e1: {  	v63 =	vmul.f32 v28, v5;
	[tilespmem:s14+$0xCFD0] =	vst v62  }
0x1e2: {  	[tilespmem:s14+$0xCFE0] =	vst v3  }
0x1e3: {  	[tilespmem:s14+$0xCFF0] =	vst v63  }
0x1e4: {  	s15 =	simm.s32 $0x2;
	v2 =	vld.idx.msk [tilespmem:v2+s21+$0x0], $0xffff  }
0x1e5: {  	v3 =	vor.u32 s15, v1;
	_ =	sdelay $0x2  }
0x1e6: {  	s7 =	simm.s32 $0x17780  }
0x1e7: {  	[tilespmem:s7+$0x0] =	vst v2  }
0x1e8: {  	s16 =	simm.s32 $0x4;
	v2 =	vld.idx.msk [tilespmem:v3+s21+$0x0], $0xffff  }
0x1e9: {  	s14 =	simm.s32 $0x6;
	v3 =	vor.u32 s16, v1  }
.LBB2_6:
0x1ea: {  	p0 =	sne.s32 s14, $0x27E;
	_ =	sdelay $0x1  }
.Ltmp4:
0x1eb: {  	s7 =	sadd.s32 $0x10, s7;
	(pc) =	sbr.rel @p0 .LBB2_6-.Ltmp4, $3  }
0x1ec: {  	[tilespmem:s7+$0x0] =	vst v2  }
0x1ed: {  	v2 =	vld.idx.msk [tilespmem:v3+s21+$0x0], $0xffff;
	_ =	sdelay $0x1  }
0x1ee: {  	v3 =	vor.u32 s14, v1;
	s14 =	sadd.s32 $0x2, s14  }
0x1ef: {  	_ =	sdelay $0x1  }
0x1f0: {  	s7 =	sadd.s32 $0x10, s7  }
0x1f1: {  	[tilespmem:s7+$0x0] =	vst v2  }
0x1f2: {  	v2 =	vld.idx.msk [tilespmem:v3+s21+$0x0], $0xffff;
	_ =	sdelay $0x3  }
0x1f3: {  	s7 =	sadd.s32 $0x10, s7  }
0x1f4: {  	s3 =	rddreg [dreg:$0xa];
	s5 =	simm.s32 $0x12780;
	[tilespmem:s7+$0x0] =	vst v2;
	s7 =	simm.s32 $0x0  }
0x1f5: {  	[hbm4b:s3+s7] =	stream.linear.scatter [tilespmem:s5], [sflag:$0x11], $0x5000, $0x38;
	[tilespmem:$0x1DB80] =	vst v63  }
0x1f6: {  	_ =	swait.ge [sflag:s17], $0x5000  }
0x1f7: {  	[sflag:s17] =	ssyncset.done $0x0  }
0x1f8: {  	s16 =	simm.s32 $0x17780;
	s15 =	rddreg [dreg:$0xb];
	[sflag:s17] =	ssyncadd.s32 $0xFFFFB000  }
0x1f9: {  	[hbm4b:s15+s7] =	stream.linear.scatter [tilespmem:s16], [sflag:$0x11], $0x1400, $0x38;
	[tilespmem:$0x1DB80] =	vst v63  }
0x1fa: {  	_ =	swait.ge [sflag:s17], $0x1400  }
0x1fb: {  	[sflag:s17] =	ssyncset.done $0x0  }
0x1fc: {  	s5 =	rddreg [dreg:$0xc];
	[sflag:s17] =	ssyncadd.s32 $0xFFFFEC00  }
0x1fd: {  	[hbm4b:s5+s7] =	stream.linear.scatter [tilespmem:s11], [sflag:$0x11], $0x5000, $0x38;
	[tilespmem:$0x1DB80] =	vst v63  }
0x1fe: {  	_ =	swait.ge [sflag:s17], $0x5000  }
0x1ff: {  	[sflag:s17] =	ssyncset.done $0x0  }
0x200: {  	[sflag:s17] =	ssyncadd.s32 $0xFFFFB000  }
0x201: {  	[bflag:$0x0] =	sbarrier.arrive $0xFFFF  }
0x202: {  	[tilespmem:s25], [sflag:$0x1] =	stream.indirect.gather [hbm4b:s4+s24], $0x20, s7, s24, $0xb8;
	[tilespmem:$0x1DB80] =	vst v63  }
0x203: {  	_ = 	snop  }
0x204: {  	[tilespmem:s26], [sflag:$0x2] =	stream.indirect.gather [hbm4b:s4+s24], $0x20, s24, s24, $0xb8;
	[tilespmem:$0x1DB80] =	vst v63  }
0x205: {  	s12 =	simm.s32 $0x100  }
0x206: {  	[tilespmem:s29], [sflag:$0x3] =	stream.indirect.gather [hbm4b:s4+s24], $0x20, s12, s24, $0xb8;
	[tilespmem:$0x1DB80] =	vst v63  }
0x207: {  	s13 =	simm.s32 $0x180;
	s14 =	simm.s32 $0x8000  }
0x208: {  	[tilespmem:s14], [sflag:$0x4] =	stream.indirect.gather [hbm4b:s4+s24], $0x20, s13, s24, $0xb8;
	[tilespmem:$0x1DB80] =	vst v63  }
0x209: {  	s15 =	simm.s32 $0x200  }
0x20a: {  	[tilespmem:s18], [sflag:$0x5] =	stream.indirect.gather [hbm4b:s4+s24], $0x20, s15, s24, $0xb8;
	[tilespmem:$0x1DB80] =	vst v63  }
0x20b: {  	s16 =	simm.s32 $0x280  }
0x20c: {  	[tilespmem:s20], [sflag:$0x6] =	stream.indirect.gather [hbm4b:s4+s24], $0x20, s16, s24, $0xb8;
	[tilespmem:$0x1DB80] =	vst v63  }
.LBB2_8:
0x20d: {  	_ =	swait.ge [sflag:s22], $0x1000  }
0x20e: {  	s14 =	sshra.s32 s7, $0x2;
	[sflag:s22] =	ssyncset.done $0x0  }
0x20f: {  	p0 =	seq.s32 s7, $0x0;
	s15 =	sadd.s32 $0x2800, s14;
	[sflag:s22] =	ssyncadd.s32 $0xFFFFF000  }
0x210: {  	[spmem:s2] =	stream.indirect.scatter.add.f32 [tilespmem:s25], [sflag:$0x9], $0x20, s15, s24, $0xb8;
	[tilespmem:$0x1DB80] =	vst v63  }
0x211: {  	s15 =	simm.s32 @!p0 $0xF  }
0x212: {  	_ =	swait.ge @!p0 [sflag:s15], $0x1000  }
0x213: {  	[sflag:s15] =	ssyncset.done @!p0 $0x0  }
0x214: {  	s3 =	sadd.s32 $0x300, s14;
	[sflag:s15] =	ssyncadd.s32 @!p0 $0xFFFFF000  }
0x215: {  	[tilespmem:s23], [sflag:$0x7] =	stream.indirect.gather [hbm4b:s4+s24], $0x20, s3, s24, $0xb8;
	[tilespmem:$0x1DB80] =	vst v63  }
0x216: {  	_ =	swait.ge [sflag:s28], $0x1000  }
0x217: {  	[sflag:s28] =	ssyncset.done $0x0  }
0x218: {  	s5 =	sadd.s32 $0x2880, s14;
	s15 =	simm.s32 @!p0 $0x10;
	[sflag:s28] =	ssyncadd.s32 $0xFFFFF000  }
0x219: {  	[spmem:s2] =	stream.indirect.scatter.add.f32 [tilespmem:s26], [sflag:$0xA], $0x20, s5, s24, $0xb8;
	[tilespmem:$0x1DB80] =	vst v63  }
0x21a: {  	_ =	swait.ge @!p0 [sflag:s15], $0x1000  }
0x21b: {  	[sflag:s15] =	ssyncset.done @!p0 $0x0  }
0x21c: {  	s11 =	sadd.s32 $0x380, s14;
	[sflag:s15] =	ssyncadd.s32 @!p0 $0xFFFFF000  }
0x21d: {  	[tilespmem:s30], [sflag:$0x8] =	stream.indirect.gather [hbm4b:s4+s24], $0x20, s11, s24, $0xb8;
	[tilespmem:$0x1DB80] =	vst v63  }
0x21e: {  	_ =	swait.ge [sflag:s31], $0x1000  }
0x21f: {  	[sflag:s31] =	ssyncset.done $0x0  }
0x220: {  	s12 =	sadd.s32 $0x2900, s14;
	[sflag:s31] =	ssyncadd.s32 $0xFFFFF000  }
0x221: {  	[spmem:s2] =	stream.indirect.scatter.add.f32 [tilespmem:s29], [sflag:$0xB], $0x20, s12, s24, $0xb8;
	[tilespmem:$0x1DB80] =	vst v63  }
0x222: {  	_ =	swait.ge [sflag:s1], $0x1000  }
0x223: {  	p0 =	seq.s32 s7, $0x9000;
	[sflag:s1] =	ssyncset.done $0x0  }
0x224: {  	s15 =	simm.s32 @p0 $0x4;
	[sflag:s1] =	ssyncadd.s32 $0xFFFFF000  }
0x225: {  	_ =	swait.ge @p0 [sflag:s15], $0x1000  }
0x226: {  	[sflag:s15] =	ssyncset.done @p0 $0x0  }
0x227: {  	[sflag:s15] =	ssyncadd.s32 @p0 $0xFFFFF000;
	s15 =	sshra.s32 @p0 s7, $0x2  }
0x228: {  	s11 =	simm.s32 @p0 $0x80;
	s12 =	simm.s32 @p0 $0x8000;
	s16 =	sadd.s32 @p0 $0x2980, s15  }
0x229: {  	[spmem:s2] =	stream.indirect.scatter.add.f32 @p0 [tilespmem:s12], [sflag:$0xC], $0x20, s16, s11, $0xb8;
	[tilespmem:$0x1DB80] =	vst v63  }
0x22a: {  	s12 =	simm.s32 @p0 $0xA  }
0x22b: {  	_ =	swait.ge @p0 [sflag:s12], $0x1000  }
0x22c: {  	[sflag:s12] =	ssyncset.done @p0 $0x0  }
0x22d: {  	[sflag:s12] =	ssyncadd.s32 @p0 $0xFFFFF000;
	s12 =	sshra.s32 @!p0 s7, $0x2  }
0x22e: {  	s5 =	simm.s32 @!p0 $0x80;
	s3 =	simm.s32 @!p0 $0x5000;
	s16 =	sadd.s32 @!p0 $0x400, s12  }
0x22f: {  	[tilespmem:s3], [sflag:$0x1] =	stream.indirect.gather @!p0 [hbm4b:s4+s5], $0x20, s16, s5, $0xb8;
	[tilespmem:$0x1DB80] =	vst v63  }
0x230: {  	s3 =	simm.s32 @!p0 $0x4  }
0x231: {  	_ =	swait.ge @!p0 [sflag:s3], $0x1000  }
0x232: {  	[sflag:s3] =	ssyncset.done @!p0 $0x0  }
0x233: {  	s16 =	simm.s32 @!p0 $0x8000;
	[sflag:s3] =	ssyncadd.s32 @!p0 $0xFFFFF000;
	s3 =	sadd.s32 @!p0 $0x2980, s12  }
0x234: {  	[spmem:s2] =	stream.indirect.scatter.add.f32 @!p0 [tilespmem:s16], [sflag:$0xC], $0x20, s3, s5, $0xb8;
	[tilespmem:$0x1DB80] =	vst v63  }
0x235: {  	s3 =	simm.s32 @!p0 $0xA  }
0x236: {  	_ =	swait.ge @!p0 [sflag:s3], $0x1000  }
0x237: {  	[sflag:s3] =	ssyncset.done @!p0 $0x0  }
0x238: {  	s13 =	simm.s32 @!p0 $0x6000;
	[sflag:s3] =	ssyncadd.s32 @!p0 $0xFFFFF000;
	s3 =	sadd.s32 @!p0 $0x480, s12  }
0x239: {  	[tilespmem:s13], [sflag:$0x2] =	stream.indirect.gather @!p0 [hbm4b:s4+s5], $0x20, s3, s5, $0xb8;
	[tilespmem:$0x1DB80] =	vst v63  }
0x23a: {  	_ =	swait.ge [sflag:s19], $0x1000  }
0x23b: {  	[sflag:s19] =	ssyncset.done $0x0  }
0x23c: {  	s13 =	sadd.s32 $0x2A00, s14;
	[sflag:s19] =	ssyncadd.s32 $0xFFFFF000  }
0x23d: {  	[spmem:s2] =	stream.indirect.scatter.add.f32 [tilespmem:s18], [sflag:$0xD], $0x20, s13, s24, $0xb8;
	[tilespmem:$0x1DB80] =	vst v63  }
0x23e: {  	_ =	swait.ge [sflag:s0], $0x1000  }
0x23f: {  	[sflag:s0] =	ssyncset.done $0x0  }
0x240: {  	s3 =	simm.s32 @p0 $0x6;
	[sflag:s0] =	ssyncadd.s32 $0xFFFFF000  }
0x241: {  	_ =	swait.ge @p0 [sflag:s3], $0x1000  }
0x242: {  	[sflag:s3] =	ssyncset.done @p0 $0x0  }
0x243: {  	s13 =	simm.s32 @p0 $0xA000;
	[sflag:s3] =	ssyncadd.s32 @p0 $0xFFFFF000;
	s3 =	sadd.s32 @p0 $0x2A80, s15  }
0x244: {  	[spmem:s2] =	stream.indirect.scatter.add.f32 @p0 [tilespmem:s13], [sflag:$0xE], $0x20, s3, s11, $0xb8;
	[tilespmem:$0x1DB80] =	vst v63  }
0x245: {  	s3 =	simm.s32 @p0 $0xC  }
0x246: {  	_ =	swait.ge @p0 [sflag:s3], $0x1000  }
0x247: {  	[sflag:s3] =	ssyncset.done @p0 $0x0  }
0x248: {  	s11 =	simm.s32 @!p0 $0x7000;
	[sflag:s3] =	ssyncadd.s32 @p0 $0xFFFFF000;
	s3 =	sadd.s32 @!p0 $0x500, s12  }
0x249: {  	[tilespmem:s11], [sflag:$0x3] =	stream.indirect.gather @!p0 [hbm4b:s4+s5], $0x20, s3, s5, $0xb8;
	[tilespmem:$0x1DB80] =	vst v63  }
0x24a: {  	s3 =	simm.s32 @!p0 $0x6  }
0x24b: {  	_ =	swait.ge @!p0 [sflag:s3], $0x1000  }
0x24c: {  	[sflag:s3] =	ssyncset.done @!p0 $0x0  }
0x24d: {  	s11 =	simm.s32 @!p0 $0xA000;
	[sflag:s3] =	ssyncadd.s32 @!p0 $0xFFFFF000;
	s3 =	sadd.s32 @!p0 $0x2A80, s12  }
0x24e: {  	[spmem:s2] =	stream.indirect.scatter.add.f32 @!p0 [tilespmem:s11], [sflag:$0xE], $0x20, s3, s5, $0xb8;
	[tilespmem:$0x1DB80] =	vst v63  }
0x24f: {  	s3 =	simm.s32 @!p0 $0xC  }
0x250: {  	_ =	swait.ge @!p0 [sflag:s3], $0x1000  }
0x251: {  	[sflag:s3] =	ssyncset.done @!p0 $0x0  }
0x252: {  	[sflag:s3] =	ssyncadd.s32 @!p0 $0xFFFFF000;
	s3 =	sadd.s32 @!p0 $0x580, s12  }
0x253: {  	[tilespmem:s16], [sflag:$0x4] =	stream.indirect.gather @!p0 [hbm4b:s4+s5], $0x20, s3, s5, $0xb8;
	[tilespmem:$0x1DB80] =	vst v63  }
0x254: {  	_ =	swait.ge [sflag:s6], $0x1000  }
0x255: {  	[sflag:s6] =	ssyncset.done $0x0  }
.Ltmp5:
0x256: {  	s16 =	sadd.s32 $0x2B00, s14;
	[sflag:s6] =	ssyncadd.s32 $0xFFFFF000;
	(pc) =	sbr.rel @p0 .LBB2_10-.Ltmp5, $4  }
0x257: {  	[spmem:s2] =	stream.indirect.scatter.add.f32 [tilespmem:s23], [sflag:$0xF], $0x20, s16, s24, $0xb8;
	[tilespmem:$0x1DB80] =	vst v63  }
0x258: {  	_ =	swait.ge [sflag:s8], $0x1000  }
0x259: {  	[sflag:s8] =	ssyncset.done $0x0  }
0x25a: {  	s15 =	sadd.s32 $0x2B80, s14;
	[sflag:s8] =	ssyncadd.s32 $0xFFFFF000  }
0x25b: {  	s3 =	sadd.s32 $0x600, s14  }
0x25c: {  	[tilespmem:s18], [sflag:$0x5] =	stream.indirect.gather [hbm4b:s4+s24], $0x20, s3, s24, $0xb8;
	[tilespmem:$0x1DB80] =	vst v63  }
0x25d: {  	_ =	swait.ge [sflag:s9], $0x1000  }
0x25e: {  	[sflag:s9] =	ssyncset.done $0x0  }
0x25f: {  	[sflag:s9] =	ssyncadd.s32 $0xFFFFF000  }
0x260: {  	[spmem:s2] =	stream.indirect.scatter.add.f32 [tilespmem:s30], [sflag:$0x10], $0x20, s15, s24, $0xb8;
	[tilespmem:$0x1DB80] =	vst v63  }
.Ltmp6:
0x261: {  	_ = 	snop;
	(pc) =	sbr.rel .LBB2_8-.Ltmp6, $4  }
0x262: {  	_ =	swait.ge [sflag:s10], $0x1000  }
0x263: {  	[sflag:s10] =	ssyncset.done $0x0  }
0x264: {  	s16 =	sadd.s32 $0x680, s14;
	s7 =	sadd.s32 $0x1000, s7;
	[sflag:s10] =	ssyncadd.s32 $0xFFFFF000  }
0x265: {  	[tilespmem:s20], [sflag:$0x6] =	stream.indirect.gather [hbm4b:s4+s24], $0x20, s16, s24, $0xb8;
	[tilespmem:$0x1DB80] =	vst v63  }
.LBB2_11:
0x266: {  	_ =	sfence.sel $0x180000  }
0x267: {  	[bflag:$0x0] =	sbarrier.arrive $0xFFFF  }
0x268: {  	_ =	strace $0x9000004A  }
0x269: {  	s0 =	stileid.u32;
	[bflag:$0x2] =	sbarrier.arrive $0xFFFF  }
0x26a: {  	p0 =	sne.s32 s0, $0x0;
	s0 =	rddreg [dreg:$0x3]  }
0x26b: {  	s0 =	sadd.s32 @!p0 $0x100000, s0  }
0x26c: {  	[sflag:s0] =	ssyncadd.tile.s32 @!p0 $0x1;
	_ =	shalt  }
.Lfunc_end2:
_tile_overlayer_lowered:
.L_overlay_start_2:
0x26d: {  	(tag) =	ssettag $0x2  }
0x26e: {  	s0 =	rddreg [dreg:$0x0];
	s2 =	stileid.u32  }
0x26f: {  	s1 =	rddreg [dreg:$0x1];
	p0 =	sne.s32 s2, $0x0  }
0x270: {  	s3 =	rddreg [dreg:$0x2];
	[bflag:$0x3] =	sbarrier.arrive $0xFFFF;
	s2 =	simm.s32 @!p0 $0x1C11  }
0x271: {  	[timem:s3], [sflag:s2] =	dma.local @!p0 [hbm:s0], s1  }
0x272: {  	s0 =	simm.s32 @!p0 $0x11  }
0x273: {  	_ =	swait.ge @!p0 [sflag:s0], s1  }
0x274: {  	s1 =	ssub.s32 @!p0 $0x0, s1;
	[sflag:s0] =	ssyncset.done @!p0 $0x0  }
0x275: {  	[sflag:s0] =	ssyncadd.s32 @!p0 s1  }
0x276: {  	[bflag:$0x3] =	sbarrier.arrive $0xFFFF  }
0x277: {  	_ =	shalt  }

// kernel: kernel.14.cloned.1.call-start
scs
__scs_entry_jumppad:
0x0: {  	(pc) =	sbr.rel $0x88, $3  }
0x1: {  	(tag) =	ssettag $0x0;
	lr =	simm.s32 $0x1  }
0x2: {  	[smem:$0x3F9B] =	sst lr;
	_ =	strace $0xD0000000  }
0x3: {  	_ = 	snop  }
0x4: {  	_ = 	snop  }
0x5: {  	_ = 	snop  }
0x6: {  	_ = 	snop  }
0x7: {  	_ = 	snop  }
__scs_overlays_trampoline_lowered:
0x8: {  	[smem:$0x3FAA] =	sst s0  }
0x9: {  	[smem:$0x3FAB] =	sst s1  }
0xa: {  	[smem:$0x3FAC] =	sst s2  }
0xb: {  	[smem:$0x3FAD] =	sst s3  }
0xc: {  	[smem:$0x3FAE] =	sst s4  }
0xd: {  	[smem:$0x3FAF] =	sst s5  }
0xe: {  	[smem:$0x3FB0] =	sst s6  }
0xf: {  	[smem:$0x3FB1] =	sst s7  }
0x10: {  	[smem:$0x3FB2] =	sst s8  }
0x11: {  	[smem:$0x3FB3] =	sst s9;
	s0 =	simm.s32 @!p0 $0x0  }
0x12: {  	s1 =	sld [smem:$0x3F99];
	s0 =	simm.s32 @p0 $0x1  }
0x13: {  	[smem:$0x3FB4] =	sst s0;
	s0 =	simm.s32 @!p1 $0x0  }
0x14: {  	s2 =	sld [smem:$0x3F98];
	s0 =	simm.s32 @p1 $0x1  }
0x15: {  	[smem:$0x3FB5] =	sst s0;
	s0 =	simm.s32 @!p2 $0x0  }
0x16: {  	s3 =	sld [smem:$0x3FDB];
	s0 =	simm.s32 @p2 $0x1  }
0x17: {  	s4 =	simm.s32 $0x1BF5;
	[smem:$0x3FB7] =	sst s0  }
0x18: {  	s0 =	sld [smem:$0x3F9A];
	_ =	swait.ge [sflag:s4], $0x0  }
0x19: {  	s7 =	sld [smem:$0x3F9B]  }
0x1a: {  	s8 =	sadd.s32 $0xFFFFE003, lr  }
0x1b: {  	s9 =	sadd.s32 $0xFFFFFEF7, lr;
	s5 =	simm.s32 $0xFFFFFFFF;
	p2 =	slt.u32 s8, $0xFFFFF086  }
0x1c: {  	p1 =	slt.u32 s9, $0xF7A;
	s5 =	simm.s32 @!p2 $0x0  }
0x1d: {  	s5 =	simm.s32 @p1 $0x1;
	p0 =	seq.s32 s7, s2  }
0x1e: {  	s7 =	smul.u32 @!p0 $0xF7A, s2;
	p2 =	seq.s32 @!p0 s5, $0x0  }
0x1f: {  	s9 =	smul.u32 $0xF7A, s1;
	s8 =	simm.s32 @!p0 $0x1BF5;
	p2 =	por !p2, p0  }
0x20: {  	[sflag:s8] =	ssyncset.s32 @!p0 $0xFFFFF086;
	s6 =	sadd.s32 @!p0 s3, s7;
	s7 =	simm.s32 @!p0 $0x108  }
0x21: {  	s3 =	sadd.s32 s3, s9;
	s6 =	sadd.s32 @!p0 $0x88, s6;
	s7 =	simm.s32 @p2 $0x1082  }
0x22: {  	[simem:s7], [sflag:s8] =	dma.local @!p0 [hbm:s6], $0xF7A  }
0x23: {  	s9 =	sor.u32 $0xD0000000, s2;
	s6 =	simm.s32 $0x108;
	_ =	swait.ge @!p0 [sflag:s8], $0x0  }
0x24: {  	s3 =	sadd.s32 $0x88, s3;
	s6 =	simm.s32 @!p1 $0x1082;
	[sflag:s4] =	ssyncset.s32 $0xFFFFF086  }
0x25: {  	[simem:s6], [sflag:s4] =	dma.local [hbm:s3], $0xF7A  }
0x26: {  	[smem:$0x3F9B] =	sst s1;
	(tag) =	ssettag s2;
	_ =	strace s9  }
0x27: {  	s1 =	sld [smem:$0x3FAB]  }
0x28: {  	s2 =	sld [smem:$0x3FAC]  }
0x29: {  	s4 =	sld [smem:$0x3FAE]  }
0x2a: {  	p0 =	seq.s32 s5, $0x0;
	s5 =	sld [smem:$0x3FAF]  }
0x2b: {  	s6 =	sld [smem:$0x3FB0]  }
0x2c: {  	s7 =	sld [smem:$0x3FB1]  }
0x2d: {  	s3 =	simm.s32 $0x108;
	s8 =	sld [smem:$0x3FB2]  }
0x2e: {  	s3 =	simm.s32 @!p0 $0x1082;
	s9 =	sld [smem:$0x3FB3]  }
0x2f: {  	lr =	sadd.s32 s0, s3;
	s0 =	sld [smem:$0x3FAA]  }
0x30: {  	s3 =	sld [smem:$0x3FAD]  }
0x31: {  	[smem:$0x3FB6] =	sst s10  }
0x32: {  	s10 =	sld [smem:$0x3FB4];
	_ =	sdelay $0x3  }
0x33: {  	p0 =	seq.s32 s10, $0x1;
	s10 =	sld [smem:$0x3FB6];
	_ =	sdelay $0x3  }
0x34: {  	[smem:$0x3FB6] =	sst s10  }
0x35: {  	s10 =	sld [smem:$0x3FB5];
	_ =	sdelay $0x3  }
0x36: {  	p1 =	seq.s32 s10, $0x1;
	s10 =	sld [smem:$0x3FB6];
	_ =	sdelay $0x3  }
0x37: {  	[smem:$0x3FB6] =	sst s10  }
0x38: {  	s10 =	sld [smem:$0x3FB7]  }
0x39: {  	_ = 	snop;
	(pc) =	sbr.ind lr, $3  }
0x3a: {  	_ = 	snop  }
0x3b: {  	_ = 	snop  }
0x3c: {  	p2 =	seq.s32 s10, $0x1;
	s10 =	sld [smem:$0x3FB6]  }
0x3d: {  	_ =	shalt  }
0x3e: {  	_ =	shalt  }
0x3f: {  	_ =	shalt  }
0x40: {  	_ =	shalt  }
0x41: {  	_ =	shalt  }
0x42: {  	_ =	shalt  }
0x43: {  	_ =	shalt  }
0x44: {  	_ =	shalt  }
0x45: {  	_ =	shalt  }
0x46: {  	_ =	shalt  }
0x47: {  	_ =	shalt  }
0x48: {  	_ =	shalt  }
0x49: {  	_ =	shalt  }
0x4a: {  	_ =	shalt  }
0x4b: {  	_ =	shalt  }
0x4c: {  	_ =	shalt  }
0x4d: {  	_ =	shalt  }
0x4e: {  	_ =	shalt  }
0x4f: {  	_ =	shalt  }
0x50: {  	_ =	shalt  }
0x51: {  	_ =	shalt  }
0x52: {  	_ =	shalt  }
0x53: {  	_ =	shalt  }
0x54: {  	_ =	shalt  }
0x55: {  	_ =	shalt  }
0x56: {  	_ =	shalt  }
0x57: {  	_ =	shalt  }
0x58: {  	_ =	shalt  }
0x59: {  	_ =	shalt  }
0x5a: {  	_ =	shalt  }
0x5b: {  	_ =	shalt  }
0x5c: {  	_ =	shalt  }
0x5d: {  	_ =	shalt  }
0x5e: {  	_ =	shalt  }
0x5f: {  	_ =	shalt  }
0x60: {  	_ =	shalt  }
0x61: {  	_ =	shalt  }
0x62: {  	_ =	shalt  }
0x63: {  	_ =	shalt  }
0x64: {  	_ =	shalt  }
0x65: {  	_ =	shalt  }
0x66: {  	_ =	shalt  }
0x67: {  	_ =	shalt  }
0x68: {  	_ =	shalt  }
0x69: {  	_ =	shalt  }
0x6a: {  	_ =	shalt  }
0x6b: {  	_ =	shalt  }
0x6c: {  	_ =	shalt  }
0x6d: {  	_ =	shalt  }
0x6e: {  	_ =	shalt  }
0x6f: {  	_ =	shalt  }
0x70: {  	_ =	shalt  }
0x71: {  	_ =	shalt  }
0x72: {  	_ =	shalt  }
0x73: {  	_ =	shalt  }
0x74: {  	_ =	shalt  }
0x75: {  	_ =	shalt  }
0x76: {  	_ =	shalt  }
0x77: {  	_ =	shalt  }
0x78: {  	_ =	shalt  }
0x79: {  	_ =	shalt  }
0x7a: {  	_ =	shalt  }
0x7b: {  	_ =	shalt  }
0x7c: {  	_ =	shalt  }
0x7d: {  	_ =	shalt  }
0x7e: {  	_ =	shalt  }
0x7f: {  	_ =	shalt  }
0x80: {  	_ =	shalt  }
0x81: {  	_ =	shalt  }
0x82: {  	_ =	shalt  }
0x83: {  	_ =	shalt  }
0x84: {  	_ =	shalt  }
0x85: {  	_ =	shalt  }
0x86: {  	_ =	shalt  }
0x87: {  	_ =	shalt  }
.Lfunc_end0:
.L_simem_size_0:
called_computation.2_lowered:
.L_overlay_start_0:
0x88: {  	s2 =	sld [smem:$0x3FD9]  }
0x89: {  	s3 =	sld [smem:$0x3FFE];
	_ =	sdelay $0x1  }
0x8a: {  	s1 =	srdreg.scid  }
0x8b: {  	s0 =	sand.u32 $0x1, s1  }
0x8c: {  	s16 =	sshll.u32 s0, $0xA;
	s2 =	sadd.s32 s3, s2  }
0x8d: {  	s2 =	sadd.s32 s2, s16  }
0x8e: {  	[smem:$0x3FC2] =	sst s2  }
0x8f: {  	_ = 	snop  }
0x90: {  	(tm) =	ssettm $0x1  }
0x91: {  	s17 =	sld [smem:$0x3FFB];
	_ =	sdelay $0x3  }
0x92: {  	_ =	strace s17  }
0x93: {  	s2 =	sld [smem:$0x3FFC];
	_ =	sdelay $0x3  }
0x94: {  	_ =	strace s2  }
0x95: {  	s2 =	sld [smem:$0x3FFD];
	_ =	sdelay $0x3  }
0x96: {  	_ =	strace s2  }
0x97: {  	_ =	strace $0x8FFFFFFF  }
0x98: {  	s18 =	sld [smem:$0x3FDB];
	_ =	sdelay $0x1  }
0x99: {  	s19 =	simm.s32 $_scs_section_size  }
0x9a: {  	s4 =	simm.s32 $_size__tile_overlayer_lowered;
	s5 =	simm.s32 $_tile_overlayer_lowered  }
0x9b: {  	s22 =	simm.s32 $0x1BFF;
	s21 =	sshll.u32 s5, $0x1;
	s2 =	sadd.s32 s19, s18  }
0x9c: {  	s6 =	simm.s32 $0x0;
	s20 =	sshll.u32 s4, $0x1;
	s4 =	sadd.s32 s21, s2  }
0x9d: {  	[timem:s6], [sflag:s22] =	dma.local [hbm:s4], s20  }
0x9e: {  	_ =	swait.ge [sflag:s22], s20  }
0x9f: {  	s3 =	ssub.s32 $0x0, s20;
	[sflag:s22] =	ssyncset.done $0x0  }
0xa0: {  	[sflag:s22] =	ssyncadd.s32 s3;
	_ =	sdelay $0x1  }
0xa1: {  	s23 =	simm.s32 $0x1B8B  }
0xa2: {  	_ =	swait.ge [sflag:s23], $0x1  }
0xa3: {  	[sflag:s23] =	ssyncset.done $0x0  }
0xa4: {  	s25 =	simm.s32 $0x1B8E;
	s24 =	sld [smem:$0x3FFE];
	[sflag:s23] =	ssyncadd.s32 $0xFFFFFFFF  }
0xa5: {  	s26 =	simm.s32 $execute0_lowered;
	[smem:$0x3FD2] =	sst s25  }
0xa6: {  	s4 =	sshll.u32 s26, $0x1;
	_ =	strace $0x8000004C;
	[dreg:$0x1] =	wrdreg $0xFFFFFFFF  }
0xa7: {  	s28 =	simm.s32 $_size_execute0_lowered;
	s2 =	sadd.s32 s2, s4;
	[dreg:$0x0] =	wrdreg $0x0  }
0xa8: {  	s4 =	sshll.u32 s28, $0x1;
	[dreg:$0x2] =	wrdreg s2  }
0xa9: {  	[dreg:$0x3] =	wrdreg s4  }
0xaa: {  	[dreg:$0x4] =	wrdreg $0xC0  }
0xab: {  	_ =	task [dreg:s6], $0x5FFFF  }
0xac: {  	[dreg:$0x1] =	wrdreg $0xFFFFFFFF  }
0xad: {  	[dreg:$0x0] =	wrdreg $0x60  }
0xae: {  	[dreg:$0x2] =	wrdreg s24  }
0xaf: {  	[dreg:$0x3] =	wrdreg $0x70000  }
0xb0: {  	[dreg:$0x4] =	wrdreg $0x9  }
0xb1: {  	_ =	task.clear_ibuf [dreg:s6], $0x5FFFF;
	_ =	strace $0x9000004C  }
0xb2: {  	s29 =	simm.s32 $0x9;
	_ =	strace $0x8000004E  }
0xb3: {  	_ =	swait.ge [sflag:s29], $0x1  }
0xb4: {  	[sflag:s29] =	ssyncadd.s32 $0xFFFFFFFF  }
0xb5: {  	_ =	strace $0x9000004E  }
0xb6: {  	_ =	sfence  }
0xb7: {  	s30 =	sld [smem:$0x0];
	_ =	sdelay $0x2  }
0xb8: {  	s31 =	sshll.u32 s1, $0xD;
	s1 =	sshrl.u32 s1, $0x2  }
0xb9: {  	s3 =	sand.u32 $0x4000, s31;
	s1 =	sadd.s32 s1, s30  }
0xba: {  	s0 =	sor.u32 s3, s0;
	s1 =	sshll.u32 s1, $0x11  }
0xbb: {  	s0 =	sor.u32 s1, s0  }
0xbc: {  	s0 =	sadd.s32 $0x8F2B, s0  }
0xbd: {  	[sflag:s0] =	ssyncadd.remote.s32 $0x1  }
0xbe: {  	_ =	sfence.sel $0xFFFF  }
0xbf: {  	[dreg:$0x0] =	wrdreg $0xFFFFFFFF;
	(pc) =	sbr.abs _section_cstart, $3  }
0xc0: {  	[dreg:$0x1] =	wrdreg $0xFFFFFFFF  }
0xc1: {  	_ =	task.clear_ibuf [dreg:s6], $0x2FFFF;
	_ =	strace $0x9FFFFFFF  }
0xc2: {  	(tm) =	ssettm $0x7FFFFFFF  }
0xc3: {  	_ =	shalt  }
tec
execute0_lowered:
.L_overlay_start_1:
0x0: {  	(tag) =	ssettag $0x1  }
0x1: {  	s0 =	srdreg.scid;
	s5 =	rddreg [dreg:$0x0]  }
0x2: {  	s3 =	stileid.u32;
	s2 =	rddreg [dreg:$0x1]  }
0x3: {  	s4 =	simm.s32 $0x0;
	s12 =	simm.s32 $0x11;
	s14 =	simm.s32 $0x80  }
0x4: {  	s15 =	simm.s32 $0x5000;
	s16 =	simm.s32 $0x5400;
	s18 =	simm.s32 $0x5800  }
0x5: {  	s28 =	simm.s32 $0x2;
	s29 =	simm.s32 $0x6C00;
	s30 =	simm.s32 $0x3  }
0x6: {  	s31 =	simm.s32 $0x9;
	s13 =	simm.s32 $0x7;
	s17 =	simm.s32 $0xD  }
0x7: {  	s19 =	simm.s32 $0x8;
	s20 =	simm.s32 $0xE;
	s0 =	sand.u32 $0x1, s0  }
0x8: {  	s1 =	sshll.u32 s3, $0x1;
	s6 =	smul.u32 $0x1400, s3;
	[smem:$0x7FF] =	sst s4  }
0x9: {  	s4 =	sadd.s32 $0x16A00, s5;
	s22 =	sshll.u32 s3, $0x6;
	s1 =	sor.u32 s0, s1  }
0xa: {  	s7 =	smul.u32 $0x14000, s0;
	_ =	strace $0x8000004D;
	s0 =	ssub.s32 $0x2, s0  }
0xb: {  	s1 =	smul.u32 $0x2800, s1;
	s8 =	sshrl.u32 s6, $0x3;
	s9 =	sshrl.u32 s0, $0x1  }
0xc: {  	s23 =	sadd.s32 s6, s2;
	s7 =	sadd.s32 s6, s7;
	s8 =	sadd.s32 s8, s5  }
0xd: {  	s0 =	ssub.s32 s0, s9;
	s6 =	sor.u32 $0x1C11, s22;
	s1 =	sshrl.u32 s1, $0x3  }
0xe: {  	s7 =	sshrl.u32 s7, $0x3;
	s24 =	sadd.s32 $0x19200, s8;
	[dreg:$0x4] =	wrdreg s6  }
0xf: {  	s0 =	smax.u32 s0, $0x1;
	s1 =	sadd.s32 s1, s5;
	[dreg:$0x3] =	wrdreg s24  }
0x10: {  	s5 =	sadd.s32 s7, s5;
	[dreg:$0x8] =	wrdreg s0;
	s7 =	sshrl.u32 s23, $0x3  }
.Ltmp0:
0x11: {  	s25 =	sadd.s32 $0x2A00, s1;
	[dreg:$0x9] =	wrdreg s7;
	(pc) =	sbr.rel .LBB2_1-.Ltmp0, $4  }
0x12: {  	s22 =	simm.s32 $0x6000;
	s1 =	sadd.s32 $0xCA00, s1;
	[dreg:$0x5] =	wrdreg s25  }
0x13: {  	s24 =	simm.s32 $0x6400;
	s26 =	sadd.s32 $0x1BA00, s5;
	[dreg:$0x6] =	wrdreg s1  }
0x14: {  	s0 =	simm.s32 $0xB;
	s5 =	simm.s32 $0x0;
	[dreg:$0x7] =	wrdreg s26  }
0x15: {  	s25 =	simm.s32 $0x1;
	s26 =	simm.s32 $0x6800;
	s1 =	simm.s32 $0x5  }
.LBB2_4:
0x16: {  	_ =	swait.ge [sflag:s19], $0x400  }
0x17: {  	[sflag:s19] =	ssyncset.done $0x0  }
0x18: {  	[sflag:s19] =	ssyncadd.s32 $0xFFFFFC00  }
0x19: {  	[spmem:s2] =	stream.indirect.scatter.add.f32 [tilespmem:s29], [sflag:$0x10], $0x8, s9, s14, $0xb8;
	[tilespmem:$0x8400] =	vst v63  }
0x1a: {  	_ =	swait.ge [sflag:s20], $0x400  }
0x1b: {  	[sflag:s20] =	ssyncset.done $0x0  }
0x1c: {  	s3 =	simm.s32 $0xF;
	[sflag:s20] =	ssyncadd.s32 $0xFFFFFC00  }
0x1d: {  	_ =	swait.ge [sflag:s3], $0x400  }
0x1e: {  	[sflag:s3] =	ssyncset.done $0x0  }
0x1f: {  	s11 =	simm.s32 $0x10;
	[sflag:s3] =	ssyncadd.s32 $0xFFFFFC00  }
0x20: {  	_ =	swait.ge [sflag:s11], $0x400  }
0x21: {  	[sflag:s11] =	ssyncset.done $0x0  }
0x22: {  	[sflag:s11] =	ssyncadd.s32 $0xFFFFFC00  }
0x23: {  	[bflag:$0x0] =	sbarrier.arrive $0xFFFF  }
0x24: {  	s6 =	rddreg [dreg:$0x4]  }
0x25: {  	s21 =	rddreg [dreg:$0x7]  }
0x26: {  	s7 =	rddreg [dreg:$0x9]  }
0x27: {  	[hbm:s21], [sflag:s6] =	dma.local [spmem:s7], $0x280  }
0x28: {  	_ =	swait.ge [sflag:s12], $0x280  }
0x29: {  	s5 =	sadd.s32 $0x1, s5;
	s23 =	rddreg [dreg:$0x8]  }
0x2a: {  	p0 =	sne.s32 s5, s23  }
.Ltmp1:
0x2b: {  	_ = 	snop;
	(pc) =	sbr.rel @!p0 .LBB2_5-.Ltmp1, $3  }
0x2c: {  	_ =	sdelay $0x1  }
0x2d: {  	[sflag:s12] =	ssyncset.done $0x0  }
0x2e: {  	[sflag:s12] =	ssyncadd.s32 $0xFFFFFD80  }
.LBB2_1:
0x2f: {  	s3 =	rddreg [dreg:$0x3]  }
0x30: {  	[spmem:s7], [sflag:s6] =	dma.local [hbm:s3], $0x280  }
0x31: {  	_ =	swait.ge [sflag:s12], $0x280  }
0x32: {  	[sflag:s12] =	ssyncset.done $0x0  }
0x33: {  	s21 =	simm.s32 $0x0;
	s23 =	rddreg [dreg:$0x5];
	[sflag:s12] =	ssyncadd.s32 $0xFFFFFD80  }
0x34: {  	[tilespmem:s21], [sflag:$0x11] =	stream.linear.gather [hbm4b:s23+s21], $0x2800, $0x38;
	[tilespmem:$0x8400] =	vst v63  }
0x35: {  	_ =	swait.ge [sflag:s12], $0x2800  }
0x36: {  	[sflag:s12] =	ssyncset.done $0x0  }
0x37: {  	s8 =	simm.s32 $0x2800;
	s7 =	rddreg [dreg:$0x6];
	[sflag:s12] =	ssyncadd.s32 $0xFFFFD800  }
0x38: {  	[tilespmem:s8], [sflag:$0x11] =	stream.linear.gather [hbm4b:s7+s21], $0x2800, $0x38;
	[tilespmem:$0x8400] =	vst v63  }
0x39: {  	_ =	swait.ge [sflag:s12], $0x2800  }
0x3a: {  	[sflag:s12] =	ssyncset.done $0x0  }
0x3b: {  	[sflag:s12] =	ssyncadd.s32 $0xFFFFD800  }
0x3c: {  	[bflag:$0x0] =	sbarrier.arrive $0xFFFF  }
0x3d: {  	[tilespmem:s15], [sflag:$0x1] =	stream.indirect.gather [hbm4b:s4+s14], $0x8, s21, s14, $0xb8;
	[tilespmem:$0x8400] =	vst v63  }
0x3e: {  	_ = 	snop  }
0x3f: {  	[tilespmem:s16], [sflag:$0x2] =	stream.indirect.gather [hbm4b:s4+s14], $0x8, s14, s14, $0xb8;
	[tilespmem:$0x8400] =	vst v63  }
0x40: {  	s9 =	simm.s32 $0x100  }
0x41: {  	[tilespmem:s18], [sflag:$0x3] =	stream.indirect.gather [hbm4b:s4+s14], $0x8, s9, s14, $0xb8;
	[tilespmem:$0x8400] =	vst v63  }
0x42: {  	s10 =	simm.s32 $0x180;
	s11 =	simm.s32 $0x5C00  }
0x43: {  	[tilespmem:s11], [sflag:$0x4] =	stream.indirect.gather [hbm4b:s4+s14], $0x8, s10, s14, $0xb8;
	[tilespmem:$0x8400] =	vst v63  }
0x44: {  	s21 =	simm.s32 $0x200  }
0x45: {  	[tilespmem:s22], [sflag:$0x5] =	stream.indirect.gather [hbm4b:s4+s14], $0x8, s21, s14, $0xb8;
	[tilespmem:$0x8400] =	vst v63  }
0x46: {  	s23 =	simm.s32 $0x280;
	s7 =	simm.s32 $0x0  }
0x47: {  	[tilespmem:s24], [sflag:$0x6] =	stream.indirect.gather [hbm4b:s4+s14], $0x8, s23, s14, $0xb8;
	[tilespmem:$0x8400] =	vst v63  }
.LBB2_2:
0x48: {  	_ =	swait.ge [sflag:s25], $0x400  }
0x49: {  	s8 =	sshra.s32 s7, $0x2;
	[sflag:s25] =	ssyncset.done $0x0  }
0x4a: {  	p0 =	seq.s32 s7, $0x0;
	s9 =	sadd.s32 $0x2800, s8;
	[sflag:s25] =	ssyncadd.s32 $0xFFFFFC00  }
0x4b: {  	[spmem:s2] =	stream.indirect.scatter.add.f32 [tilespmem:s15], [sflag:$0x9], $0x8, s9, s14, $0xb8;
	[tilespmem:$0x8400] =	vst v63  }
0x4c: {  	s9 =	simm.s32 @!p0 $0xF  }
0x4d: {  	_ =	swait.ge @!p0 [sflag:s9], $0x400  }
0x4e: {  	[sflag:s9] =	ssyncset.done @!p0 $0x0  }
0x4f: {  	s23 =	sadd.s32 $0x300, s8;
	[sflag:s9] =	ssyncadd.s32 @!p0 $0xFFFFFC00  }
0x50: {  	[tilespmem:s26], [sflag:$0x7] =	stream.indirect.gather [hbm4b:s4+s14], $0x8, s23, s14, $0xb8;
	[tilespmem:$0x8400] =	vst v63  }
0x51: {  	_ =	swait.ge [sflag:s28], $0x400  }
0x52: {  	[sflag:s28] =	ssyncset.done $0x0  }
0x53: {  	s3 =	sadd.s32 $0x2880, s8;
	s9 =	simm.s32 @!p0 $0x10;
	[sflag:s28] =	ssyncadd.s32 $0xFFFFFC00  }
0x54: {  	[spmem:s2] =	stream.indirect.scatter.add.f32 [tilespmem:s16], [sflag:$0xA], $0x8, s3, s14, $0xb8;
	[tilespmem:$0x8400] =	vst v63  }
0x55: {  	_ =	swait.ge @!p0 [sflag:s9], $0x400  }
0x56: {  	[sflag:s9] =	ssyncset.done @!p0 $0x0  }
0x57: {  	s6 =	sadd.s32 $0x380, s8;
	[sflag:s9] =	ssyncadd.s32 @!p0 $0xFFFFFC00  }
0x58: {  	[tilespmem:s29], [sflag:$0x8] =	stream.indirect.gather [hbm4b:s4+s14], $0x8, s6, s14, $0xb8;
	[tilespmem:$0x8400] =	vst v63  }
0x59: {  	_ =	swait.ge [sflag:s30], $0x400  }
0x5a: {  	[sflag:s30] =	ssyncset.done $0x0  }
0x5b: {  	s10 =	sadd.s32 $0x2900, s8;
	[sflag:s30] =	ssyncadd.s32 $0xFFFFFC00  }
0x5c: {  	[spmem:s2] =	stream.indirect.scatter.add.f32 [tilespmem:s18], [sflag:$0xB], $0x8, s10, s14, $0xb8;
	[tilespmem:$0x8400] =	vst v63  }
0x5d: {  	_ =	swait.ge [sflag:s31], $0x400  }
0x5e: {  	p0 =	seq.s32 s7, $0x9000;
	[sflag:s31] =	ssyncset.done $0x0  }
0x5f: {  	s9 =	simm.s32 @p0 $0x4;
	[sflag:s31] =	ssyncadd.s32 $0xFFFFFC00  }
0x60: {  	_ =	swait.ge @p0 [sflag:s9], $0x400  }
0x61: {  	[sflag:s9] =	ssyncset.done @p0 $0x0  }
0x62: {  	[sflag:s9] =	ssyncadd.s32 @p0 $0xFFFFFC00;
	s9 =	sshra.s32 @p0 s7, $0x2  }
0x63: {  	s3 =	simm.s32 @p0 $0x80;
	s21 =	simm.s32 @p0 $0x5C00;
	s10 =	sadd.s32 @p0 $0x2980, s9  }
0x64: {  	[spmem:s2] =	stream.indirect.scatter.add.f32 @p0 [tilespmem:s21], [sflag:$0xC], $0x8, s10, s3, $0xb8;
	[tilespmem:$0x8400] =	vst v63  }
0x65: {  	s10 =	simm.s32 @p0 $0xA  }
0x66: {  	_ =	swait.ge @p0 [sflag:s10], $0x400  }
0x67: {  	[sflag:s10] =	ssyncset.done @p0 $0x0  }
0x68: {  	[sflag:s10] =	ssyncadd.s32 @p0 $0xFFFFFC00;
	s10 =	sshra.s32 @!p0 s7, $0x2  }
0x69: {  	s23 =	simm.s32 @!p0 $0x80;
	s6 =	simm.s32 @!p0 $0x5000;
	s21 =	sadd.s32 @!p0 $0x400, s10  }
0x6a: {  	[tilespmem:s6], [sflag:$0x1] =	stream.indirect.gather @!p0 [hbm4b:s4+s23], $0x8, s21, s23, $0xb8;
	[tilespmem:$0x8400] =	vst v63  }
0x6b: {  	s6 =	simm.s32 @!p0 $0x4  }
0x6c: {  	_ =	swait.ge @!p0 [sflag:s6], $0x400  }
0x6d: {  	[sflag:s6] =	ssyncset.done @!p0 $0x0  }
0x6e: {  	s21 =	simm.s32 @!p0 $0x5C00;
	[sflag:s6] =	ssyncadd.s32 @!p0 $0xFFFFFC00;
	s6 =	sadd.s32 @!p0 $0x2980, s10  }
0x6f: {  	[spmem:s2] =	stream.indirect.scatter.add.f32 @!p0 [tilespmem:s21], [sflag:$0xC], $0x8, s6, s23, $0xb8;
	[tilespmem:$0x8400] =	vst v63  }
0x70: {  	s6 =	simm.s32 @!p0 $0xA  }
0x71: {  	_ =	swait.ge @!p0 [sflag:s6], $0x400  }
0x72: {  	[sflag:s6] =	ssyncset.done @!p0 $0x0  }
0x73: {  	s11 =	simm.s32 @!p0 $0x5400;
	[sflag:s6] =	ssyncadd.s32 @!p0 $0xFFFFFC00;
	s6 =	sadd.s32 @!p0 $0x480, s10  }
0x74: {  	[tilespmem:s11], [sflag:$0x2] =	stream.indirect.gather @!p0 [hbm4b:s4+s23], $0x8, s6, s23, $0xb8;
	[tilespmem:$0x8400] =	vst v63  }
0x75: {  	_ =	swait.ge [sflag:s1], $0x400  }
0x76: {  	[sflag:s1] =	ssyncset.done $0x0  }
0x77: {  	s11 =	sadd.s32 $0x2A00, s8;
	[sflag:s1] =	ssyncadd.s32 $0xFFFFFC00  }
0x78: {  	[spmem:s2] =	stream.indirect.scatter.add.f32 [tilespmem:s22], [sflag:$0xD], $0x8, s11, s14, $0xb8;
	[tilespmem:$0x8400] =	vst v63  }
0x79: {  	_ =	swait.ge [sflag:s0], $0x400  }
0x7a: {  	[sflag:s0] =	ssyncset.done $0x0  }
0x7b: {  	s6 =	simm.s32 @p0 $0x6;
	[sflag:s0] =	ssyncadd.s32 $0xFFFFFC00  }
0x7c: {  	_ =	swait.ge @p0 [sflag:s6], $0x400  }
0x7d: {  	[sflag:s6] =	ssyncset.done @p0 $0x0  }
0x7e: {  	[sflag:s6] =	ssyncadd.s32 @p0 $0xFFFFFC00;
	s6 =	sadd.s32 @p0 $0x2A80, s9;
	s9 =	simm.s32 @p0 $0x6400  }
0x7f: {  	[spmem:s2] =	stream.indirect.scatter.add.f32 @p0 [tilespmem:s9], [sflag:$0xE], $0x8, s6, s3, $0xb8;
	[tilespmem:$0x8400] =	vst v63  }
0x80: {  	s3 =	simm.s32 @p0 $0xC  }
0x81: {  	_ =	swait.ge @p0 [sflag:s3], $0x400  }
0x82: {  	[sflag:s3] =	ssyncset.done @p0 $0x0  }
0x83: {  	s6 =	simm.s32 @!p0 $0x5800;
	[sflag:s3] =	ssyncadd.s32 @p0 $0xFFFFFC00;
	s3 =	sadd.s32 @!p0 $0x500, s10  }
0x84: {  	[tilespmem:s6], [sflag:$0x3] =	stream.indirect.gather @!p0 [hbm4b:s4+s23], $0x8, s3, s23, $0xb8;
	[tilespmem:$0x8400] =	vst v63  }
0x85: {  	s3 =	simm.s32 @!p0 $0x6  }
0x86: {  	_ =	swait.ge @!p0 [sflag:s3], $0x400  }
0x87: {  	[sflag:s3] =	ssyncset.done @!p0 $0x0  }
0x88: {  	s6 =	simm.s32 @!p0 $0x6400;
	[sflag:s3] =	ssyncadd.s32 @!p0 $0xFFFFFC00;
	s3 =	sadd.s32 @!p0 $0x2A80, s10  }
0x89: {  	[spmem:s2] =	stream.indirect.scatter.add.f32 @!p0 [tilespmem:s6], [sflag:$0xE], $0x8, s3, s23, $0xb8;
	[tilespmem:$0x8400] =	vst v63  }
0x8a: {  	s3 =	simm.s32 @!p0 $0xC  }
0x8b: {  	_ =	swait.ge @!p0 [sflag:s3], $0x400  }
0x8c: {  	[sflag:s3] =	ssyncset.done @!p0 $0x0  }
0x8d: {  	[sflag:s3] =	ssyncadd.s32 @!p0 $0xFFFFFC00;
	s3 =	sadd.s32 @!p0 $0x580, s10  }
0x8e: {  	[tilespmem:s21], [sflag:$0x4] =	stream.indirect.gather @!p0 [hbm4b:s4+s23], $0x8, s3, s23, $0xb8;
	[tilespmem:$0x8400] =	vst v63  }
0x8f: {  	_ =	swait.ge [sflag:s13], $0x400  }
0x90: {  	[sflag:s13] =	ssyncset.done $0x0  }
.Ltmp2:
0x91: {  	s23 =	sadd.s32 $0x2B00, s8;
	[sflag:s13] =	ssyncadd.s32 $0xFFFFFC00;
	(pc) =	sbr.rel @p0 .LBB2_4-.Ltmp2, $4  }
0x92: {  	[spmem:s2] =	stream.indirect.scatter.add.f32 [tilespmem:s26], [sflag:$0xF], $0x8, s23, s14, $0xb8;
	[tilespmem:$0x8400] =	vst v63  }
0x93: {  	_ =	swait.ge [sflag:s17], $0x400  }
0x94: {  	[sflag:s17] =	ssyncset.done $0x0  }
0x95: {  	s9 =	sadd.s32 $0x2B80, s8;
	[sflag:s17] =	ssyncadd.s32 $0xFFFFFC00  }
0x96: {  	s3 =	sadd.s32 $0x600, s8  }
0x97: {  	[tilespmem:s22], [sflag:$0x5] =	stream.indirect.gather [hbm4b:s4+s14], $0x8, s3, s14, $0xb8;
	[tilespmem:$0x8400] =	vst v63  }
0x98: {  	_ =	swait.ge [sflag:s19], $0x400  }
0x99: {  	[sflag:s19] =	ssyncset.done $0x0  }
0x9a: {  	[sflag:s19] =	ssyncadd.s32 $0xFFFFFC00  }
0x9b: {  	[spmem:s2] =	stream.indirect.scatter.add.f32 [tilespmem:s29], [sflag:$0x10], $0x8, s9, s14, $0xb8;
	[tilespmem:$0x8400] =	vst v63  }
.Ltmp3:
0x9c: {  	_ = 	snop;
	(pc) =	sbr.rel .LBB2_2-.Ltmp3, $4  }
0x9d: {  	_ =	swait.ge [sflag:s20], $0x400  }
0x9e: {  	[sflag:s20] =	ssyncset.done $0x0  }
0x9f: {  	s23 =	sadd.s32 $0x680, s8;
	s7 =	sadd.s32 $0x1000, s7;
	[sflag:s20] =	ssyncadd.s32 $0xFFFFFC00  }
0xa0: {  	[tilespmem:s24], [sflag:$0x6] =	stream.indirect.gather [hbm4b:s4+s14], $0x8, s23, s14, $0xb8;
	[tilespmem:$0x8400] =	vst v63  }
.LBB2_5:
0xa1: {  	_ =	sfence.sel $0x180000  }
0xa2: {  	[bflag:$0x0] =	sbarrier.arrive $0xFFFF  }
0xa3: {  	_ =	strace $0x9000004D  }
0xa4: {  	s0 =	stileid.u32;
	[bflag:$0x2] =	sbarrier.arrive $0xFFFF  }
0xa5: {  	p0 =	sne.s32 s0, $0x0;
	s0 =	rddreg [dreg:$0x2]  }
0xa6: {  	s0 =	sadd.s32 @!p0 $0x100000, s0  }
0xa7: {  	[sflag:s0] =	ssyncadd.tile.s32 @!p0 $0x1;
	_ =	shalt  }
.Lfunc_end2:
_tile_overlayer_lowered:
.L_overlay_start_2:
0xa8: {  	(tag) =	ssettag $0x2  }
0xa9: {  	s0 =	rddreg [dreg:$0x0];
	s2 =	stileid.u32  }
0xaa: {  	s1 =	rddreg [dreg:$0x1];
	p0 =	sne.s32 s2, $0x0  }
0xab: {  	s3 =	rddreg [dreg:$0x2];
	[bflag:$0x3] =	sbarrier.arrive $0xFFFF;
	s2 =	simm.s32 @!p0 $0x1C11  }
0xac: {  	[timem:s3], [sflag:s2] =	dma.local @!p0 [hbm:s0], s1  }
0xad: {  	s0 =	simm.s32 @!p0 $0x11  }
0xae: {  	_ =	swait.ge @!p0 [sflag:s0], s1  }
0xaf: {  	s1 =	ssub.s32 @!p0 $0x0, s1;
	[sflag:s0] =	ssyncset.done @!p0 $0x0  }
0xb0: {  	[sflag:s0] =	ssyncadd.s32 @!p0 s1  }
0xb1: {  	[bflag:$0x3] =	sbarrier.arrive $0xFFFF  }
0xb2: {  	_ =	shalt  }

// kernel: kernel.8.cloned.1.call-start
scs
__scs_entry_jumppad:
0x0: {  	(pc) =	sbr.rel $0x88, $3  }
0x1: {  	(tag) =	ssettag $0x0;
	lr =	simm.s32 $0x1  }
0x2: {  	[smem:$0x3F9B] =	sst lr;
	_ =	strace $0xD0000000  }
0x3: {  	_ = 	snop  }
0x4: {  	_ = 	snop  }
0x5: {  	_ = 	snop  }
0x6: {  	_ = 	snop  }
0x7: {  	_ = 	snop  }
__scs_overlays_trampoline_lowered:
0x8: {  	[smem:$0x3FAA] =	sst s0  }
0x9: {  	[smem:$0x3FAB] =	sst s1  }
0xa: {  	[smem:$0x3FAC] =	sst s2  }
0xb: {  	[smem:$0x3FAD] =	sst s3  }
0xc: {  	[smem:$0x3FAE] =	sst s4  }
0xd: {  	[smem:$0x3FAF] =	sst s5  }
0xe: {  	[smem:$0x3FB0] =	sst s6  }
0xf: {  	[smem:$0x3FB1] =	sst s7  }
0x10: {  	[smem:$0x3FB2] =	sst s8  }
0x11: {  	[smem:$0x3FB3] =	sst s9;
	s0 =	simm.s32 @!p0 $0x0  }
0x12: {  	s1 =	sld [smem:$0x3F99];
	s0 =	simm.s32 @p0 $0x1  }
0x13: {  	[smem:$0x3FB4] =	sst s0;
	s0 =	simm.s32 @!p1 $0x0  }
0x14: {  	s2 =	sld [smem:$0x3F98];
	s0 =	simm.s32 @p1 $0x1  }
0x15: {  	[smem:$0x3FB5] =	sst s0;
	s0 =	simm.s32 @!p2 $0x0  }
0x16: {  	s3 =	sld [smem:$0x3FDB];
	s0 =	simm.s32 @p2 $0x1  }
0x17: {  	s4 =	simm.s32 $0x1BF5;
	[smem:$0x3FB7] =	sst s0  }
0x18: {  	s0 =	sld [smem:$0x3F9A];
	_ =	swait.ge [sflag:s4], $0x0  }
0x19: {  	s7 =	sld [smem:$0x3F9B]  }
0x1a: {  	s8 =	sadd.s32 $0xFFFFE003, lr  }
0x1b: {  	s9 =	sadd.s32 $0xFFFFFEF7, lr;
	s5 =	simm.s32 $0xFFFFFFFF;
	p2 =	slt.u32 s8, $0xFFFFF086  }
0x1c: {  	p1 =	slt.u32 s9, $0xF7A;
	s5 =	simm.s32 @!p2 $0x0  }
0x1d: {  	s5 =	simm.s32 @p1 $0x1;
	p0 =	seq.s32 s7, s2  }
0x1e: {  	s7 =	smul.u32 @!p0 $0xF7A, s2;
	p2 =	seq.s32 @!p0 s5, $0x0  }
0x1f: {  	s9 =	smul.u32 $0xF7A, s1;
	s8 =	simm.s32 @!p0 $0x1BF5;
	p2 =	por !p2, p0  }
0x20: {  	[sflag:s8] =	ssyncset.s32 @!p0 $0xFFFFF086;
	s6 =	sadd.s32 @!p0 s3, s7;
	s7 =	simm.s32 @!p0 $0x108  }
0x21: {  	s3 =	sadd.s32 s3, s9;
	s6 =	sadd.s32 @!p0 $0x88, s6;
	s7 =	simm.s32 @p2 $0x1082  }
0x22: {  	[simem:s7], [sflag:s8] =	dma.local @!p0 [hbm:s6], $0xF7A  }
0x23: {  	s9 =	sor.u32 $0xD0000000, s2;
	s6 =	simm.s32 $0x108;
	_ =	swait.ge @!p0 [sflag:s8], $0x0  }
0x24: {  	s3 =	sadd.s32 $0x88, s3;
	s6 =	simm.s32 @!p1 $0x1082;
	[sflag:s4] =	ssyncset.s32 $0xFFFFF086  }
0x25: {  	[simem:s6], [sflag:s4] =	dma.local [hbm:s3], $0xF7A  }
0x26: {  	[smem:$0x3F9B] =	sst s1;
	(tag) =	ssettag s2;
	_ =	strace s9  }
0x27: {  	s1 =	sld [smem:$0x3FAB]  }
0x28: {  	s2 =	sld [smem:$0x3FAC]  }
0x29: {  	s4 =	sld [smem:$0x3FAE]  }
0x2a: {  	p0 =	seq.s32 s5, $0x0;
	s5 =	sld [smem:$0x3FAF]  }
0x2b: {  	s6 =	sld [smem:$0x3FB0]  }
0x2c: {  	s7 =	sld [smem:$0x3FB1]  }
0x2d: {  	s3 =	simm.s32 $0x108;
	s8 =	sld [smem:$0x3FB2]  }
0x2e: {  	s3 =	simm.s32 @!p0 $0x1082;
	s9 =	sld [smem:$0x3FB3]  }
0x2f: {  	lr =	sadd.s32 s0, s3;
	s0 =	sld [smem:$0x3FAA]  }
0x30: {  	s3 =	sld [smem:$0x3FAD]  }
0x31: {  	[smem:$0x3FB6] =	sst s10  }
0x32: {  	s10 =	sld [smem:$0x3FB4];
	_ =	sdelay $0x3  }
0x33: {  	p0 =	seq.s32 s10, $0x1;
	s10 =	sld [smem:$0x3FB6];
	_ =	sdelay $0x3  }
0x34: {  	[smem:$0x3FB6] =	sst s10  }
0x35: {  	s10 =	sld [smem:$0x3FB5];
	_ =	sdelay $0x3  }
0x36: {  	p1 =	seq.s32 s10, $0x1;
	s10 =	sld [smem:$0x3FB6];
	_ =	sdelay $0x3  }
0x37: {  	[smem:$0x3FB6] =	sst s10  }
0x38: {  	s10 =	sld [smem:$0x3FB7]  }
0x39: {  	_ = 	snop;
	(pc) =	sbr.ind lr, $3  }
0x3a: {  	_ = 	snop  }
0x3b: {  	_ = 	snop  }
0x3c: {  	p2 =	seq.s32 s10, $0x1;
	s10 =	sld [smem:$0x3FB6]  }
0x3d: {  	_ =	shalt  }
0x3e: {  	_ =	shalt  }
0x3f: {  	_ =	shalt  }
0x40: {  	_ =	shalt  }
0x41: {  	_ =	shalt  }
0x42: {  	_ =	shalt  }
0x43: {  	_ =	shalt  }
0x44: {  	_ =	shalt  }
0x45: {  	_ =	shalt  }
0x46: {  	_ =	shalt  }
0x47: {  	_ =	shalt  }
0x48: {  	_ =	shalt  }
0x49: {  	_ =	shalt  }
0x4a: {  	_ =	shalt  }
0x4b: {  	_ =	shalt  }
0x4c: {  	_ =	shalt  }
0x4d: {  	_ =	shalt  }
0x4e: {  	_ =	shalt  }
0x4f: {  	_ =	shalt  }
0x50: {  	_ =	shalt  }
0x51: {  	_ =	shalt  }
0x52: {  	_ =	shalt  }
0x53: {  	_ =	shalt  }
0x54: {  	_ =	shalt  }
0x55: {  	_ =	shalt  }
0x56: {  	_ =	shalt  }
0x57: {  	_ =	shalt  }
0x58: {  	_ =	shalt  }
0x59: {  	_ =	shalt  }
0x5a: {  	_ =	shalt  }
0x5b: {  	_ =	shalt  }
0x5c: {  	_ =	shalt  }
0x5d: {  	_ =	shalt  }
0x5e: {  	_ =	shalt  }
0x5f: {  	_ =	shalt  }
0x60: {  	_ =	shalt  }
0x61: {  	_ =	shalt  }
0x62: {  	_ =	shalt  }
0x63: {  	_ =	shalt  }
0x64: {  	_ =	shalt  }
0x65: {  	_ =	shalt  }
0x66: {  	_ =	shalt  }
0x67: {  	_ =	shalt  }
0x68: {  	_ =	shalt  }
0x69: {  	_ =	shalt  }
0x6a: {  	_ =	shalt  }
0x6b: {  	_ =	shalt  }
0x6c: {  	_ =	shalt  }
0x6d: {  	_ =	shalt  }
0x6e: {  	_ =	shalt  }
0x6f: {  	_ =	shalt  }
0x70: {  	_ =	shalt  }
0x71: {  	_ =	shalt  }
0x72: {  	_ =	shalt  }
0x73: {  	_ =	shalt  }
0x74: {  	_ =	shalt  }
0x75: {  	_ =	shalt  }
0x76: {  	_ =	shalt  }
0x77: {  	_ =	shalt  }
0x78: {  	_ =	shalt  }
0x79: {  	_ =	shalt  }
0x7a: {  	_ =	shalt  }
0x7b: {  	_ =	shalt  }
0x7c: {  	_ =	shalt  }
0x7d: {  	_ =	shalt  }
0x7e: {  	_ =	shalt  }
0x7f: {  	_ =	shalt  }
0x80: {  	_ =	shalt  }
0x81: {  	_ =	shalt  }
0x82: {  	_ =	shalt  }
0x83: {  	_ =	shalt  }
0x84: {  	_ =	shalt  }
0x85: {  	_ =	shalt  }
0x86: {  	_ =	shalt  }
0x87: {  	_ =	shalt  }
.Lfunc_end0:
.L_simem_size_0:
called_computation_lowered:
.L_overlay_start_0:
0x88: {  	s2 =	sld [smem:$0x3FD9]  }
0x89: {  	s3 =	sld [smem:$0x3FFE];
	_ =	sdelay $0x1  }
0x8a: {  	s1 =	srdreg.scid  }
0x8b: {  	s0 =	sand.u32 $0x1, s1  }
0x8c: {  	s17 =	sshll.u32 s0, $0xA;
	s2 =	sadd.s32 s3, s2  }
0x8d: {  	s2 =	sadd.s32 s2, s17  }
0x8e: {  	[smem:$0x3FC2] =	sst s2  }
0x8f: {  	_ = 	snop  }
0x90: {  	s2 =	sld [smem:$0x3FD0];
	(tm) =	ssettm $0x1  }
0x91: {  	s18 =	sld [smem:$0x3FFB];
	_ =	sdelay $0x3  }
0x92: {  	_ =	strace s18  }
0x93: {  	s3 =	sld [smem:$0x3FFC];
	_ =	sdelay $0x3  }
0x94: {  	_ =	strace s3  }
0x95: {  	s3 =	sld [smem:$0x3FFD];
	_ =	sdelay $0x3  }
0x96: {  	_ =	strace s3  }
0x97: {  	_ =	strace $0x8FFFFFFF  }
0x98: {  	s19 =	sld [smem:$0x3FDB];
	_ =	sdelay $0x1  }
0x99: {  	s4 =	simm.s32 $_scs_section_size  }
0x9a: {  	s5 =	simm.s32 $_size__tile_overlayer_lowered;
	s6 =	simm.s32 $_tile_overlayer_lowered  }
0x9b: {  	s22 =	simm.s32 $0x1BFF;
	s21 =	sshll.u32 s6, $0x1;
	s3 =	sadd.s32 s4, s19  }
0x9c: {  	s7 =	simm.s32 $0x0;
	s20 =	sshll.u32 s5, $0x1;
	s5 =	sadd.s32 s21, s3  }
0x9d: {  	[timem:s7], [sflag:s22] =	dma.local [hbm:s5], s20  }
0x9e: {  	_ =	swait.ge [sflag:s22], s20  }
0x9f: {  	s4 =	ssub.s32 $0x0, s20;
	[sflag:s22] =	ssyncset.done $0x0  }
0xa0: {  	[sflag:s22] =	ssyncadd.s32 s4;
	_ =	sdelay $0x1  }
0xa1: {  	s23 =	simm.s32 $0x1B8B  }
0xa2: {  	_ =	swait.ge [sflag:s23], $0x1  }
0xa3: {  	[sflag:s23] =	ssyncset.done $0x0  }
0xa4: {  	s25 =	simm.s32 $0x1B8E;
	s24 =	sld [smem:$0x3FFE];
	[sflag:s23] =	ssyncadd.s32 $0xFFFFFFFF  }
0xa5: {  	s26 =	simm.s32 $execute0_lowered;
	[smem:$0x3FD2] =	sst s25  }
0xa6: {  	s5 =	sshll.u32 s26, $0x1;
	_ =	strace $0x80000046;
	[dreg:$0x1] =	wrdreg $0xFFFFFFFF  }
0xa7: {  	s28 =	simm.s32 $_size_execute0_lowered;
	s3 =	sadd.s32 s3, s5;
	[dreg:$0x0] =	wrdreg $0x0  }
0xa8: {  	s5 =	sshll.u32 s28, $0x1;
	[dreg:$0x2] =	wrdreg s3  }
0xa9: {  	[dreg:$0x3] =	wrdreg s5  }
0xaa: {  	[dreg:$0x4] =	wrdreg $0xC0  }
0xab: {  	_ =	task [dreg:s7], $0x5FFFF  }
0xac: {  	[dreg:$0x1] =	wrdreg $0xFFFFFFFF  }
0xad: {  	[dreg:$0x0] =	wrdreg $0x60  }
0xae: {  	[dreg:$0x2] =	wrdreg s24  }
0xaf: {  	[dreg:$0x3] =	wrdreg s2  }
0xb0: {  	[dreg:$0x4] =	wrdreg $0x2B000  }
0xb1: {  	[dreg:$0x5] =	wrdreg $0x9  }
0xb2: {  	_ =	task.clear_ibuf [dreg:s7], $0x6FFFF;
	_ =	strace $0x90000046  }
0xb3: {  	s29 =	simm.s32 $0x9;
	_ =	strace $0x80000048  }
0xb4: {  	_ =	swait.ge [sflag:s29], $0x1  }
0xb5: {  	[sflag:s29] =	ssyncadd.s32 $0xFFFFFFFF  }
0xb6: {  	_ =	strace $0x90000048  }
0xb7: {  	_ =	sfence  }
0xb8: {  	s30 =	sld [smem:$0x0];
	_ =	sdelay $0x2  }
0xb9: {  	s31 =	sshll.u32 s1, $0xD;
	s1 =	sshrl.u32 s1, $0x2  }
0xba: {  	s3 =	sand.u32 $0x4000, s31;
	s1 =	sadd.s32 s1, s30  }
0xbb: {  	s0 =	sor.u32 s3, s0;
	s1 =	sshll.u32 s1, $0x11  }
0xbc: {  	s0 =	sor.u32 s1, s0  }
0xbd: {  	s0 =	sadd.s32 $0x8F2B, s0  }
0xbe: {  	[sflag:s0] =	ssyncadd.remote.s32 $0x1  }
0xbf: {  	_ =	sfence.sel $0xFFFF  }
0xc0: {  	[dreg:$0x0] =	wrdreg $0xFFFFFFFF;
	(pc) =	sbr.abs _section_cstart, $3  }
0xc1: {  	[dreg:$0x1] =	wrdreg $0xFFFFFFFF  }
0xc2: {  	_ =	task.clear_ibuf [dreg:s7], $0x2FFFF;
	_ =	strace $0x9FFFFFFF  }
0xc3: {  	(tm) =	ssettm $0x7FFFFFFF  }
tec
execute0_lowered:
.L_overlay_start_1:
0x0: {  	(tag) =	ssettag $0x1  }
0x1: {  	s5 =	rddreg [dreg:$0x0]  }
0x2: {  	s1 =	srdreg.scid;
	s6 =	rddreg [dreg:$0x1]  }
0x3: {  	s0 =	stileid.u32;
	s2 =	rddreg [dreg:$0x2]  }
0x4: {  	s3 =	simm.s32 $0x0;
	s11 =	simm.s32 $0x2800;
	s12 =	simm.s32 $0x1  }
0x5: {  	s15 =	simm.s32 $0x0;
	s4 =	sand.u32 $0x1, s1;
	s1 =	rddreg [dreg:$0x3]  }
0x6: {  	s29 =	sshll.u32 s0, $0x1;
	s7 =	smul.u32 $0x280, s0;
	[smem:$0x7FF] =	sst s3  }
0x7: {  	s13 =	sshll.u32 s0, $0x6;
	s8 =	sor.u32 s4, s29;
	s9 =	ssub.s32 $0x2, s4  }
0x8: {  	s4 =	smul.u32 $0x2800, s4;
	_ =	strace $0x80000047;
	s10 =	sshrl.u32 s9, $0x1  }
0x9: {  	s13 =	sor.u32 $0x1C02, s13;
	s8 =	smul.u32 $0x2800, s8;
	s9 =	ssub.s32 s9, s10  }
0xa: {  	s30 =	sadd.s32 s7, s4;
	s4 =	sadd.s32 s7, s2;
	s10 =	simm.s32 $0x80  }
0xb: {  	s8 =	sshrl.u32 s8, $0x3;
	s31 =	sshrl.u32 s30, $0x3;
	s7 =	smax.u32 s9, $0x1  }
0xc: {  	s9 =	simm.s32 $0x2;
	s14 =	sshrl.u32 s4, $0x3;
	s5 =	sadd.s32 s5, s8  }
0xd: {  	v0 =	vimm.f32 $1.000000000e+00;
	v1 =	vimm.f32 $0.0e+00;
	s6 =	sadd.s32 s6, s31;
	s8 =	simm.s32 $0x2880;
	s5 =	sadd.s32 $0xCA00, s5  }
.LBB2_1:
0xe: {  	[tilespmem:$0x2800] =	vst v0  }
0xf: {  	[tilespmem:$0x2810] =	vst v0  }
0x10: {  	[tilespmem:$0x2820] =	vst v0  }
0x11: {  	[tilespmem:$0x2830] =	vst v0  }
0x12: {  	[tilespmem:$0x2840] =	vst v0  }
0x13: {  	[tilespmem:$0x2850] =	vst v0  }
0x14: {  	[tilespmem:$0x2860] =	vst v0  }
0x15: {  	[tilespmem:$0x2870] =	vst v0  }
0x16: {  	[tilespmem:$0x2880] =	vst v1  }
0x17: {  	[tilespmem:$0x2890] =	vst v1  }
0x18: {  	[tilespmem:$0x28A0] =	vst v1  }
0x19: {  	[tilespmem:$0x28B0] =	vst v1  }
0x1a: {  	[tilespmem:$0x28C0] =	vst v1  }
0x1b: {  	[tilespmem:$0x28D0] =	vst v1  }
0x1c: {  	[tilespmem:$0x28E0] =	vst v1  }
0x1d: {  	[tilespmem:$0x28F0] =	vst v1  }
0x1e: {  	[tilespmem:$0x2900] =	vst v1  }
0x1f: {  	[tilespmem:$0x2910] =	vst v1  }
0x20: {  	[tilespmem:$0x2920] =	vst v1  }
0x21: {  	[tilespmem:$0x2930] =	vst v1  }
0x22: {  	[tilespmem:$0x2940] =	vst v1  }
0x23: {  	[tilespmem:$0x2950] =	vst v1  }
0x24: {  	[tilespmem:$0x2960] =	vst v1  }
0x25: {  	[tilespmem:$0x2970] =	vst v1  }
0x26: {  	[tilespmem:$0x2980] =	vst v1  }
0x27: {  	[tilespmem:$0x2990] =	vst v1  }
0x28: {  	[tilespmem:$0x29A0] =	vst v1  }
0x29: {  	[tilespmem:$0x29B0] =	vst v1  }
0x2a: {  	[tilespmem:$0x29C0] =	vst v1  }
0x2b: {  	[tilespmem:$0x29D0] =	vst v1  }
0x2c: {  	[tilespmem:$0x29E0] =	vst v1  }
0x2d: {  	[tilespmem:$0x29F0] =	vst v1  }
0x2e: {  	[tilespmem:$0x2A00] =	vst v1  }
0x2f: {  	[tilespmem:$0x2A10] =	vst v1  }
0x30: {  	[tilespmem:$0x2A20] =	vst v1  }
0x31: {  	[tilespmem:$0x2A30] =	vst v1  }
0x32: {  	[tilespmem:$0x2A40] =	vst v1  }
0x33: {  	[tilespmem:$0x2A50] =	vst v1  }
0x34: {  	[tilespmem:$0x2A60] =	vst v1  }
0x35: {  	[tilespmem:$0x2A70] =	vst v1  }
0x36: {  	[tilespmem:$0x2A80] =	vst v1  }
0x37: {  	[tilespmem:$0x2A90] =	vst v1  }
0x38: {  	[tilespmem:$0x2AA0] =	vst v1  }
0x39: {  	[tilespmem:$0x2AB0] =	vst v1  }
0x3a: {  	[tilespmem:$0x2AC0] =	vst v1  }
0x3b: {  	[tilespmem:$0x2AD0] =	vst v1  }
0x3c: {  	[tilespmem:$0x2AE0] =	vst v1  }
0x3d: {  	[tilespmem:$0x2AF0] =	vst v1  }
0x3e: {  	[spmem:s4] =	stream.linear.scatter [tilespmem:s8], [sflag:$0x2], $0x280, $0x38;
	[tilespmem:$0x2D80] =	vst v63  }
0x3f: {  	_ =	swait.ge [sflag:s9], $0x280  }
0x40: {  	[sflag:s9] =	ssyncset.done $0x0  }
0x41: {  	[sflag:s9] =	ssyncadd.s32 $0xFFFFFD80  }
0x42: {  	[tilespmem:s3], [sflag:$0x2] =	stream.linear.gather [hbm4b:s5+s3], $0x2800, $0x38;
	[tilespmem:$0x2D80] =	vst v63  }
0x43: {  	_ =	swait.ge [sflag:s9], $0x2800  }
0x44: {  	[sflag:s9] =	ssyncset.done $0x0  }
0x45: {  	[sflag:s9] =	ssyncadd.s32 $0xFFFFD800  }
0x46: {  	s16 =	simm.s32 $0x0;
	[bflag:$0x0] =	sbarrier.arrive $0xFFFF  }
.LBB2_2:
0x47: {  	p0 =	sne.s32 s16, $0x9E00  }
.Ltmp0:
0x48: {  	_ = 	snop;
	(pc) =	sbr.rel @p0 .LBB2_2-.Ltmp0, $3  }
0x49: {  	_ =	sdelay $0x1  }
0x4a: {  	s17 =	sshra.s32 s16, $0x2;
	s16 =	sadd.s32 $0x200, s16  }
0x4b: {  	[spmem:s2] =	stream.indirect.scatter.add.f32 [tilespmem:s11], [sflag:$0x1], $0x1, s17, s10, $0xb8;
	[tilespmem:$0x2D80] =	vst v63  }
0x4c: {  	_ =	swait.ge [sflag:s12], $0x80  }
0x4d: {  	s16 =	simm.s32 $0x4F;
	[sflag:s12] =	ssyncset.done $0x0  }
.LBB2_4:
0x4e: {  	p0 =	sne.s32 s16, $0x1;
	s16 =	sadd.s32 $0xFFFFFFFF, s16;
	[sflag:s12] =	ssyncadd.s32 $0xFFFFFF80  }
.Ltmp1:
0x4f: {  	(pc) =	sbr.rel @p0 .LBB2_4-.Ltmp1, $3  }
0x50: {  	_ =	sdelay $0x1  }
0x51: {  	_ =	swait.ge [sflag:s12], $0x80  }
0x52: {  	[sflag:s12] =	ssyncset.done $0x0  }
0x53: {  	s15 =	sadd.s32 $0x1, s15  }
0x54: {  	[sflag:s12] =	ssyncadd.s32 $0xFFFFFF80;
	p0 =	sne.s32 s15, s7  }
.Ltmp2:
0x55: {  	[bflag:$0x0] =	sbarrier.arrive $0xFFFF;
	(pc) =	sbr.rel @p0 .LBB2_1-.Ltmp2, $4  }
0x56: {  	[hbm:s6], [sflag:s13] =	dma.local [spmem:s14], $0x50  }
0x57: {  	_ =	swait.ge [sflag:s9], $0x50  }
0x58: {  	[sflag:s9] =	ssyncset.done $0x0  }
0x59: {  	[sflag:s9] =	ssyncadd.s32 $0xFFFFFFB0  }
0x5a: {  	_ =	sfence.sel $0x180000  }
0x5b: {  	[bflag:$0x0] =	sbarrier.arrive $0xFFFF  }
0x5c: {  	p0 =	sne.s32 s0, $0x0;
	_ =	strace $0x90000047  }
0x5d: {  	s0 =	sadd.s32 @!p0 $0x100000, s1;
	[bflag:$0x2] =	sbarrier.arrive $0xFFFF  }
0x5e: {  	[sflag:s0] =	ssyncadd.tile.s32 @!p0 $0x1;
	_ =	shalt  }
.Lfunc_end2:
_tile_overlayer_lowered:
.L_overlay_start_2:
0x5f: {  	(tag) =	ssettag $0x2  }
0x60: {  	s0 =	rddreg [dreg:$0x0];
	s2 =	stileid.u32  }
0x61: {  	s1 =	rddreg [dreg:$0x1];
	p0 =	sne.s32 s2, $0x0  }
0x62: {  	s3 =	rddreg [dreg:$0x2];
	[bflag:$0x3] =	sbarrier.arrive $0xFFFF;
	s2 =	simm.s32 @!p0 $0x1C02  }
0x63: {  	[timem:s3], [sflag:s2] =	dma.local @!p0 [hbm:s0], s1  }
0x64: {  	s0 =	simm.s32 @!p0 $0x2  }
0x65: {  	_ =	swait.ge @!p0 [sflag:s0], s1  }
0x66: {  	s1 =	ssub.s32 @!p0 $0x0, s1;
	[sflag:s0] =	ssyncset.done @!p0 $0x0  }
0x67: {  	[sflag:s0] =	ssyncadd.s32 @!p0 s1  }
0x68: {  	[bflag:$0x3] =	sbarrier.arrive $0xFFFF  }
0x69: {  	_ =	shalt  }

</sc_bundles>
